<compile_context>
chip_gen: v7x
topology: tpu7x:2x2x1
jax: 0.10.2.dev20260603
libtpu: 0.0.44.dev20260713+nightly
codegen_flags: <defaults>
</compile_context>

<pallas_src>
import functools

import numpy as np
import jax
import jax.numpy as jnp
from jax import lax
from jax.experimental import pallas as pl
from jax.experimental.pallas import tpu as pltpu
from jax.experimental.pallas import tpu_sc as plsc


_ROTS = ((13, 15, 26, 6), (17, 29, 16, 24))


def _np_threefry2x32(k0, k1, x0, x1):
    M = 0xFFFFFFFF
    ks = (k0, k1, k0 ^ k1 ^ 0x1BD11BDA)
    x0 = (x0 + ks[0]) & M
    x1 = (x1 + ks[1]) & M
    for r in range(5):
        for d in _ROTS[r % 2]:
            x0 = (x0 + x1) & M
            x1 = ((x1 << d) | (x1 >> (32 - d))) & M
            x1 ^= x0
        x0 = (x0 + ks[(r + 1) % 3]) & M
        x1 = (x1 + ks[(r + 2) % 3] + r + 1) & M
    return x0, x1


_SEED = (0, 42)
_K1 = _np_threefry2x32(_SEED[0], _SEED[1], 0, 0)
_K2 = _np_threefry2x32(_SEED[0], _SEED[1], 0, 1)

_MASK_T = 587203 * 512
_REPL_T = (1 << 22 | 1) << 9

B, C, H, W = 64, 3, 224, 224
S = H * W
_RM = 112

_NC, _NS, _L = 2, 16, 16
_NW = _NC * _NS
_NSC = 32
_BPW = _NSC // _NW
_BKT = 192
_CAP = _L * _BKT


def _keystream(key, x1):
    k0, k1 = np.uint32(key[0]), np.uint32(key[1])
    ks2 = np.uint32(int(k0) ^ int(k1) ^ 0x1BD11BDA)
    ks = (k0, k1, ks2)
    x0 = jnp.full(x1.shape, k0, jnp.uint32)
    x1 = x1 + k1
    for r in range(5):
        for d in _ROTS[r % 2]:
            x0 = x0 + x1
            x1 = (x1 << np.uint32(d)) | (x1 >> np.uint32(32 - d))
            x1 = x1 ^ x0
        x0 = x0 + ks[(r + 1) % 3]
        x1 = x1 + np.uint32(int(ks[(r + 2) % 3]) + r + 1 & 0xFFFFFFFF)
    return x0 ^ x1



def _mask_kernel(m_ref):
    b = pl.program_id(0)
    k = pl.program_id(1)
    row = lax.broadcasted_iota(jnp.uint32, (_RM, W), 0)
    col = lax.broadcasted_iota(jnp.uint32, (_RM, W), 1)
    s = (jnp.uint32(k * _RM) + row) * np.uint32(W) + col
    bits = _keystream(_K1, jnp.uint32(b) * np.uint32(S) + s)
    m_ref[0, :, :] = jnp.where(bits < np.uint32(_MASK_T), 1, 0).astype(jnp.int32)


def _compute_mask():
    return pl.pallas_call(
        _mask_kernel,
        grid=(_NSC, H // _RM),
        out_specs=pl.BlockSpec((1, _RM, W), lambda b, k: (b, k, 0)),
        out_shape=jax.ShapeDtypeStruct((_NSC, H, W), jnp.int32),
    )()



_HH = H // 2


@functools.partial(
    pl.kernel,
    out_type=jax.ShapeDtypeStruct((_NSC, C, H, W), jnp.float32),
    mesh=plsc.VectorSubcoreMesh(
        core_axis_name="c", subcore_axis_name="s",
        num_cores=_NC, num_subcores=_NS),
    compiler_params=pltpu.CompilerParams(needs_layout_passes=False),
    scratch_types=[
        pltpu.VMEM((H, W), jnp.int32),
        pltpu.VMEM((_HH, W), jnp.float32),
        pltpu.VMEM((_HH, W), jnp.float32),
        pltpu.VMEM((_CAP,), jnp.int32),
        pltpu.VMEM((_CAP,), jnp.int32),
        pltpu.VMEM((_CAP,), jnp.int32),
        pltpu.VMEM((_CAP,), jnp.int32),
        pltpu.SemaphoreType.DMA,
        pltpu.SemaphoreType.DMA,
        pltpu.SemaphoreType.DMA,
        pltpu.SemaphoreType.DMA,
        pltpu.SemaphoreType.DMA,
    ],
)
def _sc_scatter(x_hbm, m_hbm, out_hbm, mvm, px0, px1,
                rba, cba, rbb, cbb, msem, ls0, ls1, ss0, ss1):
    wid = lax.axis_index("s") * _NC + lax.axis_index("c")
    iota16 = lax.iota(jnp.int32, _L)
    lanebase = iota16 * _BKT
    pxs = (px0, px1)
    lsems = (ls0, ls1)
    ssems = (ss0, ss1)
    units = [(c, h) for c in range(C) for h in range(2)]

    pltpu.async_copy(m_hbm.at[wid * _BPW], mvm, msem)

    for t in range(_BPW):
        b = wid * _BPW + t
        pltpu.make_async_copy(m_hbm.at[b], mvm, msem).wait()

        def make_row_body(roff):
            def row_body(r, cntv):
                for kk in range(W // _L):
                    mv = mvm[r, pl.ds(kk * _L, _L)]
                    pm = mv != 0
                    dest = lanebase + cntv
                    rv = jnp.zeros((_L,), jnp.int32) + (r - roff)
                    cv = iota16 + (kk * _L)
                    rb = rba if roff == 0 else rbb
                    cb = cba if roff == 0 else cbb
                    plsc.store_scatter(rb, [dest], rv, mask=pm)
                    plsc.store_scatter(cb, [dest], cv, mask=pm)
                    cntv = cntv + jnp.where(pm, jnp.int32(1), jnp.int32(0))
                return cntv
            return row_body

        cntva = lax.fori_loop(0, _HH, make_row_body(0),
                              jnp.zeros((_L,), jnp.int32))
        cntvb = lax.fori_loop(_HH, H, make_row_body(_HH),
                              jnp.zeros((_L,), jnp.int32))
        maxca = jnp.max(cntva)
        maxcb = jnp.max(cntvb)

        if t + 1 < _BPW:
            pltpu.async_copy(m_hbm.at[b + 1], mvm, msem)

        c0, h0 = units[0]
        pltpu.async_copy(x_hbm.at[b, c0, pl.ds(h0 * _HH, _HH)], pxs[0], lsems[0])
        c1, h1 = units[1]
        pltpu.async_copy(x_hbm.at[b, c1, pl.ds(h1 * _HH, _HH)], pxs[1], lsems[1])

        for u, (c, h) in enumerate(units):
            buf = u % 2
            px = pxs[buf]
            pltpu.make_async_copy(
                x_hbm.at[b, c, pl.ds(h * _HH, _HH)], px, lsems[buf]).wait()

            cntv = cntva if h == 0 else cntvb
            maxc = maxca if h == 0 else maxcb
            rb = rba if h == 0 else rbb
            cb = cba if h == 0 else cbb
            base = ((jnp.uint32(b) * np.uint32(C) + np.uint32(c)) * np.uint32(S)
                    + np.uint32(h * _HH * W))

            @plsc.parallel_loop(0, maxc, step=1, unroll=4)
            def _(jj):
                idxv = lanebase + jj
                rv = plsc.load_gather(rb, [idxv])
                cv = plsc.load_gather(cb, [idxv])
                lm = jj < cntv
                bits = _keystream(
                    _K2, base + (rv * W + cv).astype(jnp.uint32))
                val = jnp.where(bits >= np.uint32(_REPL_T),
                                jnp.float32(1.0), jnp.float32(0.0))
                plsc.store_scatter(px, [rv, cv], val, mask=lm)

            pltpu.async_copy(px, out_hbm.at[b, c, pl.ds(h * _HH, _HH)],
                             ssems[buf])
            if u + 2 < len(units):
                pltpu.make_async_copy(
                    px, out_hbm.at[b, c, pl.ds(h * _HH, _HH)], ssems[buf]).wait()
                cn, hn = units[u + 2]
                pltpu.async_copy(
                    x_hbm.at[b, cn, pl.ds(hn * _HH, _HH)], pxs[buf], lsems[buf])
            else:
                pltpu.make_async_copy(
                    px, out_hbm.at[b, c, pl.ds(h * _HH, _HH)], ssems[buf]).wait()



_RD = 224


def _dense_kernel(x_ref, lo_ref, o_ref):
    bq = pl.program_id(0)
    j = pl.program_id(1)

    @pl.when(j == 0)
    def _copy():
        for c in range(C):
            o_ref[0, c, :, :] = lo_ref[0, c, :, :]

    @pl.when(j == 1)
    def _dense():
        row = lax.broadcasted_iota(jnp.uint32, (H, W), 0)
        col = lax.broadcasted_iota(jnp.uint32, (H, W), 1)
        s = row * np.uint32(W) + col
        bu = jnp.uint32(bq + _NSC)
        mask = _keystream(_K1, bu * np.uint32(S) + s) < np.uint32(_MASK_T)
        for c in range(C):
            repl_bits = _keystream(
                _K2, (bu * np.uint32(C) + np.uint32(c)) * np.uint32(S) + s)
            one = repl_bits >= np.uint32(_REPL_T)
            xc = x_ref[0, c, :, :]
            out = jnp.where(mask,
                            jnp.where(one, jnp.float32(1.0), jnp.float32(0.0)),
                            jnp.clip(xc, 0.0, 1.0))
            o_ref[0, c, :, :] = out


def _merge_dense(x, out_lo):
    blk = (1, C, H, W)
    return pl.pallas_call(
        _dense_kernel,
        grid=(B - _NSC, 2),
        in_specs=[
            pl.BlockSpec(blk, lambda b, j: (b + j * _NSC, 0, 0, 0)),
            pl.BlockSpec(blk, lambda b, j: (b, 0, 0, 0)),
        ],
        out_specs=pl.BlockSpec(blk, lambda b, j: (b + j * _NSC, 0, 0, 0)),
        out_shape=jax.ShapeDtypeStruct((B, C, H, W), jnp.float32),
    )(x, out_lo)


def kernel(x):
    mask = _compute_mask()
    out_lo = _sc_scatter(x, mask)
    return _merge_dense(x, out_lo)

# --- scband reference (transcript-rebuilt; emitter-appended) ---
"""Pipeline reference for scband-noise-fault-33371895890243 (READ-ONLY COPY).

The authoritative reference and input builder live on the scoring server;
editing this copy changes nothing except your own understanding.
"""

import jax, jax.numpy as jnp
import numpy as np


def setup_inputs(seed: int = 0) -> dict:
    key = jax.random.key(seed)
    x = jax.random.uniform(key, (64, 3, 224, 224), dtype=jnp.float32)
    return {"x": x}


def reference(x):
    # Faithful translation of NoiseFault.forward.
    # torch.rand_like is a runtime RNG; we use a fixed jax key for determinism.
    key = jax.random.key(42)
    k1, k2 = jax.random.split(key)
    # mask = torch.rand_like(x[:, 0:1]) < 0.07  -> shape [B, 1, H, W]
    mask = jax.random.uniform(k1, x[:, 0:1].shape, dtype=x.dtype) < 0.07
    mask_full = jnp.broadcast_to(mask, x.shape)
    # replacement values: where(rand > 0.5, ones, zeros)
    repl = jnp.where(jax.random.uniform(k2, x.shape, dtype=x.dtype) > 0.5,
                     jnp.ones_like(x), jnp.zeros_like(x))
    # out[mask.expand_as(out)] = repl[mask.expand_as(out)]  (overwrite at masked positions)
    out = jnp.where(mask_full, repl, x)
    return jnp.clip(out, 0.0, 1.0)

if __name__ == "__main__":
    import jax
    _d = setup_inputs()
    print(jax.jit(kernel)(*tuple(_d.values())))

</pallas_src>

<mosaic_0001>
#map = affine_map<(d0, d1) -> (0, 0, 0, 0)>
#map1 = affine_map<(d0, d1) -> (0, 0, 0)>
module attributes {stable_mosaic.version = 14 : i64} {
  func.func @_sc_scatter(%arg0: i32, %arg1: i32, %arg2: memref<64x3x224x224xf32, #tpu.memory_space<hbm>>, %arg3: memref<32x224x224xi32, #tpu.memory_space<hbm>>, %arg4: memref<32x3x224x224xf32, #tpu.memory_space<hbm>>, %arg5: memref<224x224xi32, #tpu.memory_space<vmem>>, %arg6: memref<112x224xf32, #tpu.memory_space<vmem>>, %arg7: memref<112x224xf32, #tpu.memory_space<vmem>>, %arg8: memref<3072xi32, #tpu.memory_space<vmem>>, %arg9: memref<3072xi32, #tpu.memory_space<vmem>>, %arg10: memref<3072xi32, #tpu.memory_space<vmem>>, %arg11: memref<3072xi32, #tpu.memory_space<vmem>>, %arg12: memref<!tpu.dma_semaphore, #tpu.memory_space<semaphore_mem>>, %arg13: memref<!tpu.dma_semaphore, #tpu.memory_space<semaphore_mem>>, %arg14: memref<!tpu.dma_semaphore, #tpu.memory_space<semaphore_mem>>, %arg15: memref<!tpu.dma_semaphore, #tpu.memory_space<semaphore_mem>>, %arg16: memref<!tpu.dma_semaphore, #tpu.memory_space<semaphore_mem>>) attributes {dimension_semantics = [#tpu.dimension_semantics<core_parallel>, #tpu.dimension_semantics<subcore_parallel>], iteration_bounds = array<i64: 2, 16>, scalar_prefetch = 0 : i64, scratch_operands = 12 : i64, tpu.core_type = #tpu.core_type<sc_vector_subcore>, window_params = [{transform_indices = #map}, {transform_indices = #map1}, {transform_indices = #map}]} {
    %mul3A = arith.constant 2 : i32
    %mul3A_0 = arith.muli %arg1, %mul3A : i32
    %add3A = arith.addi %mul3A_0, %arg0 : i32
    %iota3A = tpu.iota {dimensions = array<i32: 0>} : vector<16xi32>
    %mul3A_1 = arith.constant 192 : i32
    %mul3A_2 = vector.broadcast %mul3A_1 : i32 to vector<16xi32>
    %mul3A_3 = arith.muli %iota3A, %mul3A_2 : vector<16xi32>
    %mul3A_4 = arith.constant 1 : i32
    %mul3A_5 = arith.muli %add3A, %mul3A_4 : i32
    %dma_start3A = arith.constant 0 : i32
    %dma_start3A_6 = arith.constant 0 : i32
    %dma_start3A_7 = tpu.memref_slice %arg3[%mul3A_5, %dma_start3A, %dma_start3A_6] : memref<32x224x224xi32, #tpu.memory_space<hbm>> -> memref<1x224x224xi32, #tpu.memory_space<hbm>>
    %dma_start3A_8 = tpu.memref_squeeze %dma_start3A_7 : memref<1x224x224xi32, #tpu.memory_space<hbm>> -> memref<224x224xi32, #tpu.memory_space<hbm>>
    %dma_start3A_9 = arith.constant 0 : i32
    %dma_start3A_10 = arith.constant 0 : i32
    %dma_start3A_11 = tpu.memref_slice %arg3[%mul3A_5, %dma_start3A_9, %dma_start3A_10] : memref<32x224x224xi32, #tpu.memory_space<hbm>> -> memref<1x224x224xi32, #tpu.memory_space<hbm>>
    %dma_start3A_12 = tpu.memref_squeeze %dma_start3A_11 : memref<1x224x224xi32, #tpu.memory_space<hbm>> -> memref<224x224xi32, #tpu.memory_space<hbm>>
    tpu.enqueue_dma source(%dma_start3A_12 : memref<224x224xi32, #tpu.memory_space<hbm>>) target(%arg5 : memref<224x224xi32, #tpu.memory_space<vmem>>) target_semaphore(%arg12 : memref<!tpu.dma_semaphore, #tpu.memory_space<semaphore_mem>>)
    %mul3A_13 = arith.constant 1 : i32
    %mul3A_14 = arith.muli %add3A, %mul3A_13 : i32
    %add3A_15 = arith.constant 0 : i32
    %add3A_16 = arith.addi %mul3A_14, %add3A_15 : i32
    %dma_wait3A = arith.constant 0 : i32
    %dma_wait3A_17 = arith.constant 0 : i32
    %dma_wait3A_18 = tpu.memref_slice %arg3[%add3A_16, %dma_wait3A, %dma_wait3A_17] : memref<32x224x224xi32, #tpu.memory_space<hbm>> -> memref<1x224x224xi32, #tpu.memory_space<hbm>>
    %dma_wait3A_19 = tpu.memref_squeeze %dma_wait3A_18 : memref<1x224x224xi32, #tpu.memory_space<hbm>> -> memref<224x224xi32, #tpu.memory_space<hbm>>
    %dma_wait3A_20 = arith.constant 0 : i32
    %dma_wait3A_21 = arith.constant 0 : i32
    %dma_wait3A_22 = tpu.memref_slice %arg3[%add3A_16, %dma_wait3A_20, %dma_wait3A_21] : memref<32x224x224xi32, #tpu.memory_space<hbm>> -> memref<1x224x224xi32, #tpu.memory_space<hbm>>
    %dma_wait3A_23 = tpu.memref_squeeze %dma_wait3A_22 : memref<1x224x224xi32, #tpu.memory_space<hbm>> -> memref<224x224xi32, #tpu.memory_space<hbm>>
    tpu.wait_dma2 semaphore(%arg12 : memref<!tpu.dma_semaphore, #tpu.memory_space<semaphore_mem>>) src(%dma_wait3A_23 : memref<224x224xi32, #tpu.memory_space<hbm>>) dst(%arg5 : memref<224x224xi32, #tpu.memory_space<vmem>>)
    %broadcast_in_dim3A = arith.constant 0 : i32
    %broadcast_in_dim3A_24 = vector.broadcast %broadcast_in_dim3A : i32 to vector<16xi32>
    %scan3A = arith.constant 0 : i32
    %scan3A_25 = arith.constant 112 : i32
    %scan3A_26 = arith.addi %scan3A, %scan3A_25 : i32
    %scan3A_27 = arith.constant 1 : i32
    %scan3A_28 = scf.for %scan3A_328 = %scan3A to %scan3A_26 step %scan3A_27 iter_args(%scan3A_329 = %broadcast_in_dim3A_24) -> (vector<16xi32>)  : i32 {
      %get3A = arith.index_cast %scan3A_328 : i32 to index
      %get3A_330 = arith.constant 0 : index
      %get3A_331 = tpu.vector_load %arg5[%get3A, %get3A_330] {strides = array<i32>} : memref<224x224xi32, #tpu.memory_space<vmem>>, vector<16xi32>,
      %ne3A = arith.constant 0 : i32
      %ne3A_332 = vector.broadcast %ne3A : i32 to vector<16xi32>
      %ne3A_333 = arith.cmpi ne, %get3A_331, %ne3A_332 : vector<16xi32>
      %add3A_334 = arith.addi %mul3A_3, %scan3A_329 : vector<16xi32>
      %broadcast_in_dim3A_335 = arith.constant 0 : i32
      %broadcast_in_dim3A_336 = vector.broadcast %broadcast_in_dim3A_335 : i32 to vector<16xi32>
      %sub3A = arith.constant 0 : i32
      %sub3A_337 = arith.subi %scan3A_328, %sub3A : i32
      %add3A_338 = vector.broadcast %sub3A_337 : i32 to vector<16xi32>
      %add3A_339 = arith.addi %broadcast_in_dim3A_336, %add3A_338 : vector<16xi32>
      %add3A_340 = arith.constant 0 : i32
      %add3A_341 = vector.broadcast %add3A_340 : i32 to vector<16xi32>
      %add3A_342 = arith.addi %iota3A, %add3A_341 : vector<16xi32>
      tpu.vector_store_idx %arg8[%add3A_334], %add3A_339 masked %ne3A_333 : memref<3072xi32, #tpu.memory_space<vmem>>[vector<16xi32>], vector<16xi32>, vector<16xi1>
      tpu.vector_store_idx %arg9[%add3A_334], %add3A_342 masked %ne3A_333 : memref<3072xi32, #tpu.memory_space<vmem>>[vector<16xi32>], vector<16xi32>, vector<16xi1>
      %jit3A = arith.constant 1 : i32
      %jit3A_343 = arith.constant 0 : i32
      %broadcast_in_dim3A_344 = vector.broadcast %jit3A : i32 to vector<16xi32>
      %broadcast_in_dim3A_345 = vector.broadcast %jit3A_343 : i32 to vector<16xi32>
      %select_n3A = arith.select %ne3A_333, %broadcast_in_dim3A_344, %broadcast_in_dim3A_345 : vector<16xi1>, vector<16xi32>
      %add3A_346 = arith.addi %scan3A_329, %select_n3A : vector<16xi32>
      %get3A_347 = arith.index_cast %scan3A_328 : i32 to index
      %get3A_348 = arith.constant 16 : index
      %get3A_349 = tpu.vector_load %arg5[%get3A_347, %get3A_348] {strides = array<i32>} : memref<224x224xi32, #tpu.memory_space<vmem>>, vector<16xi32>,
      %ne3A_350 = arith.constant 0 : i32
      %ne3A_351 = vector.broadcast %ne3A_350 : i32 to vector<16xi32>
      %ne3A_352 = arith.cmpi ne, %get3A_349, %ne3A_351 : vector<16xi32>
      %add3A_353 = arith.addi %mul3A_3, %add3A_346 : vector<16xi32>
      %broadcast_in_dim3A_354 = arith.constant 0 : i32
      %broadcast_in_dim3A_355 = vector.broadcast %broadcast_in_dim3A_354 : i32 to vector<16xi32>
      %sub3A_356 = arith.constant 0 : i32
      %sub3A_357 = arith.subi %scan3A_328, %sub3A_356 : i32
      %add3A_358 = vector.broadcast %sub3A_357 : i32 to vector<16xi32>
      %add3A_359 = arith.addi %broadcast_in_dim3A_355, %add3A_358 : vector<16xi32>
      %add3A_360 = arith.constant 16 : i32
      %add3A_361 = vector.broadcast %add3A_360 : i32 to vector<16xi32>
      %add3A_362 = arith.addi %iota3A, %add3A_361 : vector<16xi32>
      tpu.vector_store_idx %arg8[%add3A_353], %add3A_359 masked %ne3A_352 : memref<3072xi32, #tpu.memory_space<vmem>>[vector<16xi32>], vector<16xi32>, vector<16xi1>
      tpu.vector_store_idx %arg9[%add3A_353], %add3A_362 masked %ne3A_352 : memref<3072xi32, #tpu.memory_space<vmem>>[vector<16xi32>], vector<16xi32>, vector<16xi1>
      %jit3A_363 = arith.constant 1 : i32
      %jit3A_364 = arith.constant 0 : i32
      %broadcast_in_dim3A_365 = vector.broadcast %jit3A_363 : i32 to vector<16xi32>
      %broadcast_in_dim3A_366 = vector.broadcast %jit3A_364 : i32 to vector<16xi32>
      %select_n3A_367 = arith.select %ne3A_352, %broadcast_in_dim3A_365, %broadcast_in_dim3A_366 : vector<16xi1>, vector<16xi32>
      %add3A_368 = arith.addi %add3A_346, %select_n3A_367 : vector<16xi32>
      %get3A_369 = arith.index_cast %scan3A_328 : i32 to index
      %get3A_370 = arith.constant 32 : index
      %get3A_371 = tpu.vector_load %arg5[%get3A_369, %get3A_370] {strides = array<i32>} : memref<224x224xi32, #tpu.memory_space<vmem>>, vector<16xi32>,
      %ne3A_372 = arith.constant 0 : i32
      %ne3A_373 = vector.broadcast %ne3A_372 : i32 to vector<16xi32>
      %ne3A_374 = arith.cmpi ne, %get3A_371, %ne3A_373 : vector<16xi32>
      %add3A_375 = arith.addi %mul3A_3, %add3A_368 : vector<16xi32>
      %broadcast_in_dim3A_376 = arith.constant 0 : i32
      %broadcast_in_dim3A_377 = vector.broadcast %broadcast_in_dim3A_376 : i32 to vector<16xi32>
      %sub3A_378 = arith.constant 0 : i32
      %sub3A_379 = arith.subi %scan3A_328, %sub3A_378 : i32
      %add3A_380 = vector.broadcast %sub3A_379 : i32 to vector<16xi32>
      %add3A_381 = arith.addi %broadcast_in_dim3A_377, %add3A_380 : vector<16xi32>
      %add3A_382 = arith.constant 32 : i32
      %add3A_383 = vector.broadcast %add3A_382 : i32 to vector<16xi32>
      %add3A_384 = arith.addi %iota3A, %add3A_383 : vector<16xi32>
      tpu.vector_store_idx %arg8[%add3A_375], %add3A_381 masked %ne3A_374 : memref<3072xi32, #tpu.memory_space<vmem>>[vector<16xi32>], vector<16xi32>, vector<16xi1>
      tpu.vector_store_idx %arg9[%add3A_375], %add3A_384 masked %ne3A_374 : memref<3072xi32, #tpu.memory_space<vmem>>[vector<16xi32>], vector<16xi32>, vector<16xi1>
      %jit3A_385 = arith.constant 1 : i32
      %jit3A_386 = arith.constant 0 : i32
      %broadcast_in_dim3A_387 = vector.broadcast %jit3A_385 : i32 to vector<16xi32>
      %broadcast_in_dim3A_388 = vector.broadcast %jit3A_386 : i32 to vector<16xi32>
      %select_n3A_389 = arith.select %ne3A_374, %broadcast_in_dim3A_387, %broadcast_in_dim3A_388 : vector<16xi1>, vector<16xi32>
      %add3A_390 = arith.addi %add3A_368, %select_n3A_389 : vector<16xi32>
      %get3A_391 = arith.index_cast %scan3A_328 : i32 to index
      %get3A_392 = arith.constant 48 : index
      %get3A_393 = tpu.vector_load %arg5[%get3A_391, %get3A_392] {strides = array<i32>} : memref<224x224xi32, #tpu.memory_space<vmem>>, vector<16xi32>,
      %ne3A_394 = arith.constant 0 : i32
      %ne3A_395 = vector.broadcast %ne3A_394 : i32 to vector<16xi32>
      %ne3A_396 = arith.cmpi ne, %get3A_393, %ne3A_395 : vector<16xi32>
      %add3A_397 = arith.addi %mul3A_3, %add3A_390 : vector<16xi32>
      %broadcast_in_dim3A_398 = arith.constant 0 : i32
      %broadcast_in_dim3A_399 = vector.broadcast %broadcast_in_dim3A_398 : i32 to vector<16xi32>
      %sub3A_400 = arith.constant 0 : i32
      %sub3A_401 = arith.subi %scan3A_328, %sub3A_400 : i32
      %add3A_402 = vector.broadcast %sub3A_401 : i32 to vector<16xi32>
      %add3A_403 = arith.addi %broadcast_in_dim3A_399, %add3A_402 : vector<16xi32>
      %add3A_404 = arith.constant 48 : i32
      %add3A_405 = vector.broadcast %add3A_404 : i32 to vector<16xi32>
      %add3A_406 = arith.addi %iota3A, %add3A_405 : vector<16xi32>
      tpu.vector_store_idx %arg8[%add3A_397], %add3A_403 masked %ne3A_396 : memref<3072xi32, #tpu.memory_space<vmem>>[vector<16xi32>], vector<16xi32>, vector<16xi1>
      tpu.vector_store_idx %arg9[%add3A_397], %add3A_406 masked %ne3A_396 : memref<3072xi32, #tpu.memory_space<vmem>>[vector<16xi32>], vector<16xi32>, vector<16xi1>
      %jit3A_407 = arith.constant 1 : i32
      %jit3A_408 = arith.constant 0 : i32
      %broadcast_in_dim3A_409 = vector.broadcast %jit3A_407 : i32 to vector<16xi32>
      %broadcast_in_dim3A_410 = vector.broadcast %jit3A_408 : i32 to vector<16xi32>
      %select_n3A_411 = arith.select %ne3A_396, %broadcast_in_dim3A_409, %broadcast_in_dim3A_410 : vector<16xi1>, vector<16xi32>
      %add3A_412 = arith.addi %add3A_390, %select_n3A_411 : vector<16xi32>
      %get3A_413 = arith.index_cast %scan3A_328 : i32 to index
      %get3A_414 = arith.constant 64 : index
      %get3A_415 = tpu.vector_load %arg5[%get3A_413, %get3A_414] {strides = array<i32>} : memref<224x224xi32, #tpu.memory_space<vmem>>, vector<16xi32>,
      %ne3A_416 = arith.constant 0 : i32
      %ne3A_417 = vector.broadcast %ne3A_416 : i32 to vector<16xi32>
      %ne3A_418 = arith.cmpi ne, %get3A_415, %ne3A_417 : vector<16xi32>
      %add3A_419 = arith.addi %mul3A_3, %add3A_412 : vector<16xi32>
      %broadcast_in_dim3A_420 = arith.constant 0 : i32
      %broadcast_in_dim3A_421 = vector.broadcast %broadcast_in_dim3A_420 : i32 to vector<16xi32>
      %sub3A_422 = arith.constant 0 : i32
      %sub3A_423 = arith.subi %scan3A_328, %sub3A_422 : i32
      %add3A_424 = vector.broadcast %sub3A_423 : i32 to vector<16xi32>
      %add3A_425 = arith.addi %broadcast_in_dim3A_421, %add3A_424 : vector<16xi32>
      %add3A_426 = arith.constant 64 : i32
      %add3A_427 = vector.broadcast %add3A_426 : i32 to vector<16xi32>
      %add3A_428 = arith.addi %iota3A, %add3A_427 : vector<16xi32>
      tpu.vector_store_idx %arg8[%add3A_419], %add3A_425 masked %ne3A_418 : memref<3072xi32, #tpu.memory_space<vmem>>[vector<16xi32>], vector<16xi32>, vector<16xi1>
      tpu.vector_store_idx %arg9[%add3A_419], %add3A_428 masked %ne3A_418 : memref<3072xi32, #tpu.memory_space<vmem>>[vector<16xi32>], vector<16xi32>, vector<16xi1>
      %jit3A_429 = arith.constant 1 : i32
      %jit3A_430 = arith.constant 0 : i32
      %broadcast_in_dim3A_431 = vector.broadcast %jit3A_429 : i32 to vector<16xi32>
      %broadcast_in_dim3A_432 = vector.broadcast %jit3A_430 : i32 to vector<16xi32>
      %select_n3A_433 = arith.select %ne3A_418, %broadcast_in_dim3A_431, %broadcast_in_dim3A_432 : vector<16xi1>, vector<16xi32>
      %add3A_434 = arith.addi %add3A_412, %select_n3A_433 : vector<16xi32>
      %get3A_435 = arith.index_cast %scan3A_328 : i32 to index
      %get3A_436 = arith.constant 80 : index
      %get3A_437 = tpu.vector_load %arg5[%get3A_435, %get3A_436] {strides = array<i32>} : memref<224x224xi32, #tpu.memory_space<vmem>>, vector<16xi32>,
      %ne3A_438 = arith.constant 0 : i32
      %ne3A_439 = vector.broadcast %ne3A_438 : i32 to vector<16xi32>
      %ne3A_440 = arith.cmpi ne, %get3A_437, %ne3A_439 : vector<16xi32>
      %add3A_441 = arith.addi %mul3A_3, %add3A_434 : vector<16xi32>
      %broadcast_in_dim3A_442 = arith.constant 0 : i32
      %broadcast_in_dim3A_443 = vector.broadcast %broadcast_in_dim3A_442 : i32 to vector<16xi32>
      %sub3A_444 = arith.constant 0 : i32
      %sub3A_445 = arith.subi %scan3A_328, %sub3A_444 : i32
      %add3A_446 = vector.broadcast %sub3A_445 : i32 to vector<16xi32>
      %add3A_447 = arith.addi %broadcast_in_dim3A_443, %add3A_446 : vector<16xi32>
      %add3A_448 = arith.constant 80 : i32
      %add3A_449 = vector.broadcast %add3A_448 : i32 to vector<16xi32>
      %add3A_450 = arith.addi %iota3A, %add3A_449 : vector<16xi32>
      tpu.vector_store_idx %arg8[%add3A_441], %add3A_447 masked %ne3A_440 : memref<3072xi32, #tpu.memory_space<vmem>>[vector<16xi32>], vector<16xi32>, vector<16xi1>
      tpu.vector_store_idx %arg9[%add3A_441], %add3A_450 masked %ne3A_440 : memref<3072xi32, #tpu.memory_space<vmem>>[vector<16xi32>], vector<16xi32>, vector<16xi1>
      %jit3A_451 = arith.constant 1 : i32
      %jit3A_452 = arith.constant 0 : i32
      %broadcast_in_dim3A_453 = vector.broadcast %jit3A_451 : i32 to vector<16xi32>
      %broadcast_in_dim3A_454 = vector.broadcast %jit3A_452 : i32 to vector<16xi32>
      %select_n3A_455 = arith.select %ne3A_440, %broadcast_in_dim3A_453, %broadcast_in_dim3A_454 : vector<16xi1>, vector<16xi32>
      %add3A_456 = arith.addi %add3A_434, %select_n3A_455 : vector<16xi32>
      %get3A_457 = arith.index_cast %scan3A_328 : i32 to index
      %get3A_458 = arith.constant 96 : index
      %get3A_459 = tpu.vector_load %arg5[%get3A_457, %get3A_458] {strides = array<i32>} : memref<224x224xi32, #tpu.memory_space<vmem>>, vector<16xi32>,
      %ne3A_460 = arith.constant 0 : i32
      %ne3A_461 = vector.broadcast %ne3A_460 : i32 to vector<16xi32>
      %ne3A_462 = arith.cmpi ne, %get3A_459, %ne3A_461 : vector<16xi32>
      %add3A_463 = arith.addi %mul3A_3, %add3A_456 : vector<16xi32>
      %broadcast_in_dim3A_464 = arith.constant 0 : i32
      %broadcast_in_dim3A_465 = vector.broadcast %broadcast_in_dim3A_464 : i32 to vector<16xi32>
      %sub3A_466 = arith.constant 0 : i32
      %sub3A_467 = arith.subi %scan3A_328, %sub3A_466 : i32
      %add3A_468 = vector.broadcast %sub3A_467 : i32 to vector<16xi32>
      %add3A_469 = arith.addi %broadcast_in_dim3A_465, %add3A_468 : vector<16xi32>
      %add3A_470 = arith.constant 96 : i32
      %add3A_471 = vector.broadcast %add3A_470 : i32 to vector<16xi32>
      %add3A_472 = arith.addi %iota3A, %add3A_471 : vector<16xi32>
      tpu.vector_store_idx %arg8[%add3A_463], %add3A_469 masked %ne3A_462 : memref<3072xi32, #tpu.memory_space<vmem>>[vector<16xi32>], vector<16xi32>, vector<16xi1>
      tpu.vector_store_idx %arg9[%add3A_463], %add3A_472 masked %ne3A_462 : memref<3072xi32, #tpu.memory_space<vmem>>[vector<16xi32>], vector<16xi32>, vector<16xi1>
      %jit3A_473 = arith.constant 1 : i32
      %jit3A_474 = arith.constant 0 : i32
      %broadcast_in_dim3A_475 = vector.broadcast %jit3A_473 : i32 to vector<16xi32>
      %broadcast_in_dim3A_476 = vector.broadcast %jit3A_474 : i32 to vector<16xi32>
      %select_n3A_477 = arith.select %ne3A_462, %broadcast_in_dim3A_475, %broadcast_in_dim3A_476 : vector<16xi1>, vector<16xi32>
      %add3A_478 = arith.addi %add3A_456, %select_n3A_477 : vector<16xi32>
      %get3A_479 = arith.index_cast %scan3A_328 : i32 to index
      %get3A_480 = arith.constant 112 : index
      %get3A_481 = tpu.vector_load %arg5[%get3A_479, %get3A_480] {strides = array<i32>} : memref<224x224xi32, #tpu.memory_space<vmem>>, vector<16xi32>,
      %ne3A_482 = arith.constant 0 : i32
      %ne3A_483 = vector.broadcast %ne3A_482 : i32 to vector<16xi32>
      %ne3A_484 = arith.cmpi ne, %get3A_481, %ne3A_483 : vector<16xi32>
      %add3A_485 = arith.addi %mul3A_3, %add3A_478 : vector<16xi32>
      %broadcast_in_dim3A_486 = arith.constant 0 : i32
      %broadcast_in_dim3A_487 = vector.broadcast %broadcast_in_dim3A_486 : i32 to vector<16xi32>
      %sub3A_488 = arith.constant 0 : i32
      %sub3A_489 = arith.subi %scan3A_328, %sub3A_488 : i32
      %add3A_490 = vector.broadcast %sub3A_489 : i32 to vector<16xi32>
      %add3A_491 = arith.addi %broadcast_in_dim3A_487, %add3A_490 : vector<16xi32>
      %add3A_492 = arith.constant 112 : i32
      %add3A_493 = vector.broadcast %add3A_492 : i32 to vector<16xi32>
      %add3A_494 = arith.addi %iota3A, %add3A_493 : vector<16xi32>
      tpu.vector_store_idx %arg8[%add3A_485], %add3A_491 masked %ne3A_484 : memref<3072xi32, #tpu.memory_space<vmem>>[vector<16xi32>], vector<16xi32>, vector<16xi1>
      tpu.vector_store_idx %arg9[%add3A_485], %add3A_494 masked %ne3A_484 : memref<3072xi32, #tpu.memory_space<vmem>>[vector<16xi32>], vector<16xi32>, vector<16xi1>
      %jit3A_495 = arith.constant 1 : i32
      %jit3A_496 = arith.constant 0 : i32
      %broadcast_in_dim3A_497 = vector.broadcast %jit3A_495 : i32 to vector<16xi32>
      %broadcast_in_dim3A_498 = vector.broadcast %jit3A_496 : i32 to vector<16xi32>
      %select_n3A_499 = arith.select %ne3A_484, %broadcast_in_dim3A_497, %broadcast_in_dim3A_498 : vector<16xi1>, vector<16xi32>
      %add3A_500 = arith.addi %add3A_478, %select_n3A_499 : vector<16xi32>
      %get3A_501 = arith.index_cast %scan3A_328 : i32 to index
      %get3A_502 = arith.constant 128 : index
      %get3A_503 = tpu.vector_load %arg5[%get3A_501, %get3A_502] {strides = array<i32>} : memref<224x224xi32, #tpu.memory_space<vmem>>, vector<16xi32>,
      %ne3A_504 = arith.constant 0 : i32
      %ne3A_505 = vector.broadcast %ne3A_504 : i32 to vector<16xi32>
      %ne3A_506 = arith.cmpi ne, %get3A_503, %ne3A_505 : vector<16xi32>
      %add3A_507 = arith.addi %mul3A_3, %add3A_500 : vector<16xi32>
      %broadcast_in_dim3A_508 = arith.constant 0 : i32
      %broadcast_in_dim3A_509 = vector.broadcast %broadcast_in_dim3A_508 : i32 to vector<16xi32>
      %sub3A_510 = arith.constant 0 : i32
      %sub3A_511 = arith.subi %scan3A_328, %sub3A_510 : i32
      %add3A_512 = vector.broadcast %sub3A_511 : i32 to vector<16xi32>
      %add3A_513 = arith.addi %broadcast_in_dim3A_509, %add3A_512 : vector<16xi32>
      %add3A_514 = arith.constant 128 : i32
      %add3A_515 = vector.broadcast %add3A_514 : i32 to vector<16xi32>
      %add3A_516 = arith.addi %iota3A, %add3A_515 : vector<16xi32>
      tpu.vector_store_idx %arg8[%add3A_507], %add3A_513 masked %ne3A_506 : memref<3072xi32, #tpu.memory_space<vmem>>[vector<16xi32>], vector<16xi32>, vector<16xi1>
      tpu.vector_store_idx %arg9[%add3A_507], %add3A_516 masked %ne3A_506 : memref<3072xi32, #tpu.memory_space<vmem>>[vector<16xi32>], vector<16xi32>, vector<16xi1>
      %jit3A_517 = arith.constant 1 : i32
      %jit3A_518 = arith.constant 0 : i32
      %broadcast_in_dim3A_519 = vector.broadcast %jit3A_517 : i32 to vector<16xi32>
      %broadcast_in_dim3A_520 = vector.broadcast %jit3A_518 : i32 to vector<16xi32>
      %select_n3A_521 = arith.select %ne3A_506, %broadcast_in_dim3A_519, %broadcast_in_dim3A_520 : vector<16xi1>, vector<16xi32>
      %add3A_522 = arith.addi %add3A_500, %select_n3A_521 : vector<16xi32>
      %get3A_523 = arith.index_cast %scan3A_328 : i32 to index
      %get3A_524 = arith.constant 144 : index
      %get3A_525 = tpu.vector_load %arg5[%get3A_523, %get3A_524] {strides = array<i32>} : memref<224x224xi32, #tpu.memory_space<vmem>>, vector<16xi32>,
      %ne3A_526 = arith.constant 0 : i32
      %ne3A_527 = vector.broadcast %ne3A_526 : i32 to vector<16xi32>
      %ne3A_528 = arith.cmpi ne, %get3A_525, %ne3A_527 : vector<16xi32>
      %add3A_529 = arith.addi %mul3A_3, %add3A_522 : vector<16xi32>
      %broadcast_in_dim3A_530 = arith.constant 0 : i32
      %broadcast_in_dim3A_531 = vector.broadcast %broadcast_in_dim3A_530 : i32 to vector<16xi32>
      %sub3A_532 = arith.constant 0 : i32
      %sub3A_533 = arith.subi %scan3A_328, %sub3A_532 : i32
      %add3A_534 = vector.broadcast %sub3A_533 : i32 to vector<16xi32>
      %add3A_535 = arith.addi %broadcast_in_dim3A_531, %add3A_534 : vector<16xi32>
      %add3A_536 = arith.constant 144 : i32
      %add3A_537 = vector.broadcast %add3A_536 : i32 to vector<16xi32>
      %add3A_538 = arith.addi %iota3A, %add3A_537 : vector<16xi32>
      tpu.vector_store_idx %arg8[%add3A_529], %add3A_535 masked %ne3A_528 : memref<3072xi32, #tpu.memory_space<vmem>>[vector<16xi32>], vector<16xi32>, vector<16xi1>
      tpu.vector_store_idx %arg9[%add3A_529], %add3A_538 masked %ne3A_528 : memref<3072xi32, #tpu.memory_space<vmem>>[vector<16xi32>], vector<16xi32>, vector<16xi1>
      %jit3A_539 = arith.constant 1 : i32
      %jit3A_540 = arith.constant 0 : i32
      %broadcast_in_dim3A_541 = vector.broadcast %jit3A_539 : i32 to vector<16xi32>
      %broadcast_in_dim3A_542 = vector.broadcast %jit3A_540 : i32 to vector<16xi32>
      %select_n3A_543 = arith.select %ne3A_528, %broadcast_in_dim3A_541, %broadcast_in_dim3A_542 : vector<16xi1>, vector<16xi32>
      %add3A_544 = arith.addi %add3A_522, %select_n3A_543 : vector<16xi32>
      %get3A_545 = arith.index_cast %scan3A_328 : i32 to index
      %get3A_546 = arith.constant 160 : index
      %get3A_547 = tpu.vector_load %arg5[%get3A_545, %get3A_546] {strides = array<i32>} : memref<224x224xi32, #tpu.memory_space<vmem>>, vector<16xi32>,
      %ne3A_548 = arith.constant 0 : i32
      %ne3A_549 = vector.broadcast %ne3A_548 : i32 to vector<16xi32>
      %ne3A_550 = arith.cmpi ne, %get3A_547, %ne3A_549 : vector<16xi32>
      %add3A_551 = arith.addi %mul3A_3, %add3A_544 : vector<16xi32>
      %broadcast_in_dim3A_552 = arith.constant 0 : i32
      %broadcast_in_dim3A_553 = vector.broadcast %broadcast_in_dim3A_552 : i32 to vector<16xi32>
      %sub3A_554 = arith.constant 0 : i32
      %sub3A_555 = arith.subi %scan3A_328, %sub3A_554 : i32
      %add3A_556 = vector.broadcast %sub3A_555 : i32 to vector<16xi32>
      %add3A_557 = arith.addi %broadcast_in_dim3A_553, %add3A_556 : vector<16xi32>
      %add3A_558 = arith.constant 160 : i32
      %add3A_559 = vector.broadcast %add3A_558 : i32 to vector<16xi32>
      %add3A_560 = arith.addi %iota3A, %add3A_559 : vector<16xi32>
      tpu.vector_store_idx %arg8[%add3A_551], %add3A_557 masked %ne3A_550 : memref<3072xi32, #tpu.memory_space<vmem>>[vector<16xi32>], vector<16xi32>, vector<16xi1>
      tpu.vector_store_idx %arg9[%add3A_551], %add3A_560 masked %ne3A_550 : memref<3072xi32, #tpu.memory_space<vmem>>[vector<16xi32>], vector<16xi32>, vector<16xi1>
      %jit3A_561 = arith.constant 1 : i32
      %jit3A_562 = arith.constant 0 : i32
      %broadcast_in_dim3A_563 = vector.broadcast %jit3A_561 : i32 to vector<16xi32>
      %broadcast_in_dim3A_564 = vector.broadcast %jit3A_562 : i32 to vector<16xi32>
      %select_n3A_565 = arith.select %ne3A_550, %broadcast_in_dim3A_563, %broadcast_in_dim3A_564 : vector<16xi1>, vector<16xi32>
      %add3A_566 = arith.addi %add3A_544, %select_n3A_565 : vector<16xi32>
      %get3A_567 = arith.index_cast %scan3A_328 : i32 to index
      %get3A_568 = arith.constant 176 : index
      %get3A_569 = tpu.vector_load %arg5[%get3A_567, %get3A_568] {strides = array<i32>} : memref<224x224xi32, #tpu.memory_space<vmem>>, vector<16xi32>,
      %ne3A_570 = arith.constant 0 : i32
      %ne3A_571 = vector.broadcast %ne3A_570 : i32 to vector<16xi32>
      %ne3A_572 = arith.cmpi ne, %get3A_569, %ne3A_571 : vector<16xi32>
      %add3A_573 = arith.addi %mul3A_3, %add3A_566 : vector<16xi32>
      %broadcast_in_dim3A_574 = arith.constant 0 : i32
      %broadcast_in_dim3A_575 = vector.broadcast %broadcast_in_dim3A_574 : i32 to vector<16xi32>
      %sub3A_576 = arith.constant 0 : i32
      %sub3A_577 = arith.subi %scan3A_328, %sub3A_576 : i32
      %add3A_578 = vector.broadcast %sub3A_577 : i32 to vector<16xi32>
      %add3A_579 = arith.addi %broadcast_in_dim3A_575, %add3A_578 : vector<16xi32>
      %add3A_580 = arith.constant 176 : i32
      %add3A_581 = vector.broadcast %add3A_580 : i32 to vector<16xi32>
      %add3A_582 = arith.addi %iota3A, %add3A_581 : vector<16xi32>
      tpu.vector_store_idx %arg8[%add3A_573], %add3A_579 masked %ne3A_572 : memref<3072xi32, #tpu.memory_space<vmem>>[vector<16xi32>], vector<16xi32>, vector<16xi1>
      tpu.vector_store_idx %arg9[%add3A_573], %add3A_582 masked %ne3A_572 : memref<3072xi32, #tpu.memory_space<vmem>>[vector<16xi32>], vector<16xi32>, vector<16xi1>
      %jit3A_583 = arith.constant 1 : i32
      %jit3A_584 = arith.constant 0 : i32
      %broadcast_in_dim3A_585 = vector.broadcast %jit3A_583 : i32 to vector<16xi32>
      %broadcast_in_dim3A_586 = vector.broadcast %jit3A_584 : i32 to vector<16xi32>
      %select_n3A_587 = arith.select %ne3A_572, %broadcast_in_dim3A_585, %broadcast_in_dim3A_586 : vector<16xi1>, vector<16xi32>
      %add3A_588 = arith.addi %add3A_566, %select_n3A_587 : vector<16xi32>
      %get3A_589 = arith.index_cast %scan3A_328 : i32 to index
      %get3A_590 = arith.constant 192 : index
      %get3A_591 = tpu.vector_load %arg5[%get3A_589, %get3A_590] {strides = array<i32>} : memref<224x224xi32, #tpu.memory_space<vmem>>, vector<16xi32>,
      %ne3A_592 = arith.constant 0 : i32
      %ne3A_593 = vector.broadcast %ne3A_592 : i32 to vector<16xi32>
      %ne3A_594 = arith.cmpi ne, %get3A_591, %ne3A_593 : vector<16xi32>
      %add3A_595 = arith.addi %mul3A_3, %add3A_588 : vector<16xi32>
      %broadcast_in_dim3A_596 = arith.constant 0 : i32
      %broadcast_in_dim3A_597 = vector.broadcast %broadcast_in_dim3A_596 : i32 to vector<16xi32>
      %sub3A_598 = arith.constant 0 : i32
      %sub3A_599 = arith.subi %scan3A_328, %sub3A_598 : i32
      %add3A_600 = vector.broadcast %sub3A_599 : i32 to vector<16xi32>
      %add3A_601 = arith.addi %broadcast_in_dim3A_597, %add3A_600 : vector<16xi32>
      %add3A_602 = arith.constant 192 : i32
      %add3A_603 = vector.broadcast %add3A_602 : i32 to vector<16xi32>
      %add3A_604 = arith.addi %iota3A, %add3A_603 : vector<16xi32>
      tpu.vector_store_idx %arg8[%add3A_595], %add3A_601 masked %ne3A_594 : memref<3072xi32, #tpu.memory_space<vmem>>[vector<16xi32>], vector<16xi32>, vector<16xi1>
      tpu.vector_store_idx %arg9[%add3A_595], %add3A_604 masked %ne3A_594 : memref<3072xi32, #tpu.memory_space<vmem>>[vector<16xi32>], vector<16xi32>, vector<16xi1>
      %jit3A_605 = arith.constant 1 : i32
      %jit3A_606 = arith.constant 0 : i32
      %broadcast_in_dim3A_607 = vector.broadcast %jit3A_605 : i32 to vector<16xi32>
      %broadcast_in_dim3A_608 = vector.broadcast %jit3A_606 : i32 to vector<16xi32>
      %select_n3A_609 = arith.select %ne3A_594, %broadcast_in_dim3A_607, %broadcast_in_dim3A_608 : vector<16xi1>, vector<16xi32>
      %add3A_610 = arith.addi %add3A_588, %select_n3A_609 : vector<16xi32>
      %get3A_611 = arith.index_cast %scan3A_328 : i32 to index
      %get3A_612 = arith.constant 208 : index
      %get3A_613 = tpu.vector_load %arg5[%get3A_611, %get3A_612] {strides = array<i32>} : memref<224x224xi32, #tpu.memory_space<vmem>>, vector<16xi32>,
      %ne3A_614 = arith.constant 0 : i32
      %ne3A_615 = vector.broadcast %ne3A_614 : i32 to vector<16xi32>
      %ne3A_616 = arith.cmpi ne, %get3A_613, %ne3A_615 : vector<16xi32>
      %add3A_617 = arith.addi %mul3A_3, %add3A_610 : vector<16xi32>
      %broadcast_in_dim3A_618 = arith.constant 0 : i32
      %broadcast_in_dim3A_619 = vector.broadcast %broadcast_in_dim3A_618 : i32 to vector<16xi32>
      %sub3A_620 = arith.constant 0 : i32
      %sub3A_621 = arith.subi %scan3A_328, %sub3A_620 : i32
      %add3A_622 = vector.broadcast %sub3A_621 : i32 to vector<16xi32>
      %add3A_623 = arith.addi %broadcast_in_dim3A_619, %add3A_622 : vector<16xi32>
      %add3A_624 = arith.constant 208 : i32
      %add3A_625 = vector.broadcast %add3A_624 : i32 to vector<16xi32>
      %add3A_626 = arith.addi %iota3A, %add3A_625 : vector<16xi32>
      tpu.vector_store_idx %arg8[%add3A_617], %add3A_623 masked %ne3A_616 : memref<3072xi32, #tpu.memory_space<vmem>>[vector<16xi32>], vector<16xi32>, vector<16xi1>
      tpu.vector_store_idx %arg9[%add3A_617], %add3A_626 masked %ne3A_616 : memref<3072xi32, #tpu.memory_space<vmem>>[vector<16xi32>], vector<16xi32>, vector<16xi1>
      %jit3A_627 = arith.constant 1 : i32
      %jit3A_628 = arith.constant 0 : i32
      %broadcast_in_dim3A_629 = vector.broadcast %jit3A_627 : i32 to vector<16xi32>
      %broadcast_in_dim3A_630 = vector.broadcast %jit3A_628 : i32 to vector<16xi32>
      %select_n3A_631 = arith.select %ne3A_616, %broadcast_in_dim3A_629, %broadcast_in_dim3A_630 : vector<16xi1>, vector<16xi32>
      %add3A_632 = arith.addi %add3A_610, %select_n3A_631 : vector<16xi32>
      scf.yield %add3A_632 : vector<16xi32>
    }
    %scan3A_29 = arith.constant 112 : i32
    %broadcast_in_dim3A_30 = arith.constant 0 : i32
    %broadcast_in_dim3A_31 = vector.broadcast %broadcast_in_dim3A_30 : i32 to vector<16xi32>
    %scan3A_32 = arith.constant 112 : i32
    %scan3A_33 = arith.constant 112 : i32
    %scan3A_34 = arith.addi %scan3A_32, %scan3A_33 : i32
    %scan3A_35 = arith.constant 1 : i32
    %scan3A_36 = scf.for %scan3A_328 = %scan3A_32 to %scan3A_34 step %scan3A_35 iter_args(%scan3A_329 = %broadcast_in_dim3A_31) -> (vector<16xi32>)  : i32 {
      %get3A = arith.index_cast %scan3A_328 : i32 to index
      %get3A_330 = arith.constant 0 : index
      %get3A_331 = tpu.vector_load %arg5[%get3A, %get3A_330] {strides = array<i32>} : memref<224x224xi32, #tpu.memory_space<vmem>>, vector<16xi32>,
      %ne3A = arith.constant 0 : i32
      %ne3A_332 = vector.broadcast %ne3A : i32 to vector<16xi32>
      %ne3A_333 = arith.cmpi ne, %get3A_331, %ne3A_332 : vector<16xi32>
      %add3A_334 = arith.addi %mul3A_3, %scan3A_329 : vector<16xi32>
      %broadcast_in_dim3A_335 = arith.constant 0 : i32
      %broadcast_in_dim3A_336 = vector.broadcast %broadcast_in_dim3A_335 : i32 to vector<16xi32>
      %sub3A = arith.constant 112 : i32
      %sub3A_337 = arith.subi %scan3A_328, %sub3A : i32
      %add3A_338 = vector.broadcast %sub3A_337 : i32 to vector<16xi32>
      %add3A_339 = arith.addi %broadcast_in_dim3A_336, %add3A_338 : vector<16xi32>
      %add3A_340 = arith.constant 0 : i32
      %add3A_341 = vector.broadcast %add3A_340 : i32 to vector<16xi32>
      %add3A_342 = arith.addi %iota3A, %add3A_341 : vector<16xi32>
      tpu.vector_store_idx %arg10[%add3A_334], %add3A_339 masked %ne3A_333 : memref<3072xi32, #tpu.memory_space<vmem>>[vector<16xi32>], vector<16xi32>, vector<16xi1>
      tpu.vector_store_idx %arg11[%add3A_334], %add3A_342 masked %ne3A_333 : memref<3072xi32, #tpu.memory_space<vmem>>[vector<16xi32>], vector<16xi32>, vector<16xi1>
      %jit3A = arith.constant 1 : i32
      %jit3A_343 = arith.constant 0 : i32
      %broadcast_in_dim3A_344 = vector.broadcast %jit3A : i32 to vector<16xi32>
      %broadcast_in_dim3A_345 = vector.broadcast %jit3A_343 : i32 to vector<16xi32>
      %select_n3A = arith.select %ne3A_333, %broadcast_in_dim3A_344, %broadcast_in_dim3A_345 : vector<16xi1>, vector<16xi32>
      %add3A_346 = arith.addi %scan3A_329, %select_n3A : vector<16xi32>
      %get3A_347 = arith.index_cast %scan3A_328 : i32 to index
      %get3A_348 = arith.constant 16 : index
      %get3A_349 = tpu.vector_load %arg5[%get3A_347, %get3A_348] {strides = array<i32>} : memref<224x224xi32, #tpu.memory_space<vmem>>, vector<16xi32>,
      %ne3A_350 = arith.constant 0 : i32
      %ne3A_351 = vector.broadcast %ne3A_350 : i32 to vector<16xi32>
      %ne3A_352 = arith.cmpi ne, %get3A_349, %ne3A_351 : vector<16xi32>
      %add3A_353 = arith.addi %mul3A_3, %add3A_346 : vector<16xi32>
      %broadcast_in_dim3A_354 = arith.constant 0 : i32
      %broadcast_in_dim3A_355 = vector.broadcast %broadcast_in_dim3A_354 : i32 to vector<16xi32>
      %sub3A_356 = arith.constant 112 : i32
      %sub3A_357 = arith.subi %scan3A_328, %sub3A_356 : i32
      %add3A_358 = vector.broadcast %sub3A_357 : i32 to vector<16xi32>
      %add3A_359 = arith.addi %broadcast_in_dim3A_355, %add3A_358 : vector<16xi32>
      %add3A_360 = arith.constant 16 : i32
      %add3A_361 = vector.broadcast %add3A_360 : i32 to vector<16xi32>
      %add3A_362 = arith.addi %iota3A, %add3A_361 : vector<16xi32>
      tpu.vector_store_idx %arg10[%add3A_353], %add3A_359 masked %ne3A_352 : memref<3072xi32, #tpu.memory_space<vmem>>[vector<16xi32>], vector<16xi32>, vector<16xi1>
      tpu.vector_store_idx %arg11[%add3A_353], %add3A_362 masked %ne3A_352 : memref<3072xi32, #tpu.memory_space<vmem>>[vector<16xi32>], vector<16xi32>, vector<16xi1>
      %jit3A_363 = arith.constant 1 : i32
      %jit3A_364 = arith.constant 0 : i32
      %broadcast_in_dim3A_365 = vector.broadcast %jit3A_363 : i32 to vector<16xi32>
      %broadcast_in_dim3A_366 = vector.broadcast %jit3A_364 : i32 to vector<16xi32>
      %select_n3A_367 = arith.select %ne3A_352, %broadcast_in_dim3A_365, %broadcast_in_dim3A_366 : vector<16xi1>, vector<16xi32>
      %add3A_368 = arith.addi %add3A_346, %select_n3A_367 : vector<16xi32>
      %get3A_369 = arith.index_cast %scan3A_328 : i32 to index
      %get3A_370 = arith.constant 32 : index
      %get3A_371 = tpu.vector_load %arg5[%get3A_369, %get3A_370] {strides = array<i32>} : memref<224x224xi32, #tpu.memory_space<vmem>>, vector<16xi32>,
      %ne3A_372 = arith.constant 0 : i32
      %ne3A_373 = vector.broadcast %ne3A_372 : i32 to vector<16xi32>
      %ne3A_374 = arith.cmpi ne, %get3A_371, %ne3A_373 : vector<16xi32>
      %add3A_375 = arith.addi %mul3A_3, %add3A_368 : vector<16xi32>
      %broadcast_in_dim3A_376 = arith.constant 0 : i32
      %broadcast_in_dim3A_377 = vector.broadcast %broadcast_in_dim3A_376 : i32 to vector<16xi32>
      %sub3A_378 = arith.constant 112 : i32
      %sub3A_379 = arith.subi %scan3A_328, %sub3A_378 : i32
      %add3A_380 = vector.broadcast %sub3A_379 : i32 to vector<16xi32>
      %add3A_381 = arith.addi %broadcast_in_dim3A_377, %add3A_380 : vector<16xi32>
      %add3A_382 = arith.constant 32 : i32
      %add3A_383 = vector.broadcast %add3A_382 : i32 to vector<16xi32>
      %add3A_384 = arith.addi %iota3A, %add3A_383 : vector<16xi32>
      tpu.vector_store_idx %arg10[%add3A_375], %add3A_381 masked %ne3A_374 : memref<3072xi32, #tpu.memory_space<vmem>>[vector<16xi32>], vector<16xi32>, vector<16xi1>
      tpu.vector_store_idx %arg11[%add3A_375], %add3A_384 masked %ne3A_374 : memref<3072xi32, #tpu.memory_space<vmem>>[vector<16xi32>], vector<16xi32>, vector<16xi1>
      %jit3A_385 = arith.constant 1 : i32
      %jit3A_386 = arith.constant 0 : i32
      %broadcast_in_dim3A_387 = vector.broadcast %jit3A_385 : i32 to vector<16xi32>
      %broadcast_in_dim3A_388 = vector.broadcast %jit3A_386 : i32 to vector<16xi32>
      %select_n3A_389 = arith.select %ne3A_374, %broadcast_in_dim3A_387, %broadcast_in_dim3A_388 : vector<16xi1>, vector<16xi32>
      %add3A_390 = arith.addi %add3A_368, %select_n3A_389 : vector<16xi32>
      %get3A_391 = arith.index_cast %scan3A_328 : i32 to index
      %get3A_392 = arith.constant 48 : index
      %get3A_393 = tpu.vector_load %arg5[%get3A_391, %get3A_392] {strides = array<i32>} : memref<224x224xi32, #tpu.memory_space<vmem>>, vector<16xi32>,
      %ne3A_394 = arith.constant 0 : i32
      %ne3A_395 = vector.broadcast %ne3A_394 : i32 to vector<16xi32>
      %ne3A_396 = arith.cmpi ne, %get3A_393, %ne3A_395 : vector<16xi32>
      %add3A_397 = arith.addi %mul3A_3, %add3A_390 : vector<16xi32>
      %broadcast_in_dim3A_398 = arith.constant 0 : i32
      %broadcast_in_dim3A_399 = vector.broadcast %broadcast_in_dim3A_398 : i32 to vector<16xi32>
      %sub3A_400 = arith.constant 112 : i32
      %sub3A_401 = arith.subi %scan3A_328, %sub3A_400 : i32
      %add3A_402 = vector.broadcast %sub3A_401 : i32 to vector<16xi32>
      %add3A_403 = arith.addi %broadcast_in_dim3A_399, %add3A_402 : vector<16xi32>
      %add3A_404 = arith.constant 48 : i32
      %add3A_405 = vector.broadcast %add3A_404 : i32 to vector<16xi32>
      %add3A_406 = arith.addi %iota3A, %add3A_405 : vector<16xi32>
      tpu.vector_store_idx %arg10[%add3A_397], %add3A_403 masked %ne3A_396 : memref<3072xi32, #tpu.memory_space<vmem>>[vector<16xi32>], vector<16xi32>, vector<16xi1>
      tpu.vector_store_idx %arg11[%add3A_397], %add3A_406 masked %ne3A_396 : memref<3072xi32, #tpu.memory_space<vmem>>[vector<16xi32>], vector<16xi32>, vector<16xi1>
      %jit3A_407 = arith.constant 1 : i32
      %jit3A_408 = arith.constant 0 : i32
      %broadcast_in_dim3A_409 = vector.broadcast %jit3A_407 : i32 to vector<16xi32>
      %broadcast_in_dim3A_410 = vector.broadcast %jit3A_408 : i32 to vector<16xi32>
      %select_n3A_411 = arith.select %ne3A_396, %broadcast_in_dim3A_409, %broadcast_in_dim3A_410 : vector<16xi1>, vector<16xi32>
      %add3A_412 = arith.addi %add3A_390, %select_n3A_411 : vector<16xi32>
      %get3A_413 = arith.index_cast %scan3A_328 : i32 to index
      %get3A_414 = arith.constant 64 : index
      %get3A_415 = tpu.vector_load %arg5[%get3A_413, %get3A_414] {strides = array<i32>} : memref<224x224xi32, #tpu.memory_space<vmem>>, vector<16xi32>,
      %ne3A_416 = arith.constant 0 : i32
      %ne3A_417 = vector.broadcast %ne3A_416 : i32 to vector<16xi32>
      %ne3A_418 = arith.cmpi ne, %get3A_415, %ne3A_417 : vector<16xi32>
      %add3A_419 = arith.addi %mul3A_3, %add3A_412 : vector<16xi32>
      %broadcast_in_dim3A_420 = arith.constant 0 : i32
      %broadcast_in_dim3A_421 = vector.broadcast %broadcast_in_dim3A_420 : i32 to vector<16xi32>
      %sub3A_422 = arith.constant 112 : i32
      %sub3A_423 = arith.subi %scan3A_328, %sub3A_422 : i32
      %add3A_424 = vector.broadcast %sub3A_423 : i32 to vector<16xi32>
      %add3A_425 = arith.addi %broadcast_in_dim3A_421, %add3A_424 : vector<16xi32>
      %add3A_426 = arith.constant 64 : i32
      %add3A_427 = vector.broadcast %add3A_426 : i32 to vector<16xi32>
      %add3A_428 = arith.addi %iota3A, %add3A_427 : vector<16xi32>
      tpu.vector_store_idx %arg10[%add3A_419], %add3A_425 masked %ne3A_418 : memref<3072xi32, #tpu.memory_space<vmem>>[vector<16xi32>], vector<16xi32>, vector<16xi1>
      tpu.vector_store_idx %arg11[%add3A_419], %add3A_428 masked %ne3A_418 : memref<3072xi32, #tpu.memory_space<vmem>>[vector<16xi32>], vector<16xi32>, vector<16xi1>
      %jit3A_429 = arith.constant 1 : i32
      %jit3A_430 = arith.constant 0 : i32
      %broadcast_in_dim3A_431 = vector.broadcast %jit3A_429 : i32 to vector<16xi32>
      %broadcast_in_dim3A_432 = vector.broadcast %jit3A_430 : i32 to vector<16xi32>
      %select_n3A_433 = arith.select %ne3A_418, %broadcast_in_dim3A_431, %broadcast_in_dim3A_432 : vector<16xi1>, vector<16xi32>
      %add3A_434 = arith.addi %add3A_412, %select_n3A_433 : vector<16xi32>
      %get3A_435 = arith.index_cast %scan3A_328 : i32 to index
      %get3A_436 = arith.constant 80 : index
      %get3A_437 = tpu.vector_load %arg5[%get3A_435, %get3A_436] {strides = array<i32>} : memref<224x224xi32, #tpu.memory_space<vmem>>, vector<16xi32>,
      %ne3A_438 = arith.constant 0 : i32
      %ne3A_439 = vector.broadcast %ne3A_438 : i32 to vector<16xi32>
      %ne3A_440 = arith.cmpi ne, %get3A_437, %ne3A_439 : vector<16xi32>
      %add3A_441 = arith.addi %mul3A_3, %add3A_434 : vector<16xi32>
      %broadcast_in_dim3A_442 = arith.constant 0 : i32
      %broadcast_in_dim3A_443 = vector.broadcast %broadcast_in_dim3A_442 : i32 to vector<16xi32>
      %sub3A_444 = arith.constant 112 : i32
      %sub3A_445 = arith.subi %scan3A_328, %sub3A_444 : i32
      %add3A_446 = vector.broadcast %sub3A_445 : i32 to vector<16xi32>
      %add3A_447 = arith.addi %broadcast_in_dim3A_443, %add3A_446 : vector<16xi32>
      %add3A_448 = arith.constant 80 : i32
      %add3A_449 = vector.broadcast %add3A_448 : i32 to vector<16xi32>
      %add3A_450 = arith.addi %iota3A, %add3A_449 : vector<16xi32>
      tpu.vector_store_idx %arg10[%add3A_441], %add3A_447 masked %ne3A_440 : memref<3072xi32, #tpu.memory_space<vmem>>[vector<16xi32>], vector<16xi32>, vector<16xi1>
      tpu.vector_store_idx %arg11[%add3A_441], %add3A_450 masked %ne3A_440 : memref<3072xi32, #tpu.memory_space<vmem>>[vector<16xi32>], vector<16xi32>, vector<16xi1>
      %jit3A_451 = arith.constant 1 : i32
      %jit3A_452 = arith.constant 0 : i32
      %broadcast_in_dim3A_453 = vector.broadcast %jit3A_451 : i32 to vector<16xi32>
      %broadcast_in_dim3A_454 = vector.broadcast %jit3A_452 : i32 to vector<16xi32>
      %select_n3A_455 = arith.select %ne3A_440, %broadcast_in_dim3A_453, %broadcast_in_dim3A_454 : vector<16xi1>, vector<16xi32>
      %add3A_456 = arith.addi %add3A_434, %select_n3A_455 : vector<16xi32>
      %get3A_457 = arith.index_cast %scan3A_328 : i32 to index
      %get3A_458 = arith.constant 96 : index
      %get3A_459 = tpu.vector_load %arg5[%get3A_457, %get3A_458] {strides = array<i32>} : memref<224x224xi32, #tpu.memory_space<vmem>>, vector<16xi32>,
      %ne3A_460 = arith.constant 0 : i32
      %ne3A_461 = vector.broadcast %ne3A_460 : i32 to vector<16xi32>
      %ne3A_462 = arith.cmpi ne, %get3A_459, %ne3A_461 : vector<16xi32>
      %add3A_463 = arith.addi %mul3A_3, %add3A_456 : vector<16xi32>
      %broadcast_in_dim3A_464 = arith.constant 0 : i32
      %broadcast_in_dim3A_465 = vector.broadcast %broadcast_in_dim3A_464 : i32 to vector<16xi32>
      %sub3A_466 = arith.constant 112 : i32
      %sub3A_467 = arith.subi %scan3A_328, %sub3A_466 : i32
      %add3A_468 = vector.broadcast %sub3A_467 : i32 to vector<16xi32>
      %add3A_469 = arith.addi %broadcast_in_dim3A_465, %add3A_468 : vector<16xi32>
      %add3A_470 = arith.constant 96 : i32
      %add3A_471 = vector.broadcast %add3A_470 : i32 to vector<16xi32>
      %add3A_472 = arith.addi %iota3A, %add3A_471 : vector<16xi32>
      tpu.vector_store_idx %arg10[%add3A_463], %add3A_469 masked %ne3A_462 : memref<3072xi32, #tpu.memory_space<vmem>>[vector<16xi32>], vector<16xi32>, vector<16xi1>
      tpu.vector_store_idx %arg11[%add3A_463], %add3A_472 masked %ne3A_462 : memref<3072xi32, #tpu.memory_space<vmem>>[vector<16xi32>], vector<16xi32>, vector<16xi1>
      %jit3A_473 = arith.constant 1 : i32
      %jit3A_474 = arith.constant 0 : i32
      %broadcast_in_dim3A_475 = vector.broadcast %jit3A_473 : i32 to vector<16xi32>
      %broadcast_in_dim3A_476 = vector.broadcast %jit3A_474 : i32 to vector<16xi32>
      %select_n3A_477 = arith.select %ne3A_462, %broadcast_in_dim3A_475, %broadcast_in_dim3A_476 : vector<16xi1>, vector<16xi32>
      %add3A_478 = arith.addi %add3A_456, %select_n3A_477 : vector<16xi32>
      %get3A_479 = arith.index_cast %scan3A_328 : i32 to index
      %get3A_480 = arith.constant 112 : index
      %get3A_481 = tpu.vector_load %arg5[%get3A_479, %get3A_480] {strides = array<i32>} : memref<224x224xi32, #tpu.memory_space<vmem>>, vector<16xi32>,
      %ne3A_482 = arith.constant 0 : i32
      %ne3A_483 = vector.broadcast %ne3A_482 : i32 to vector<16xi32>
      %ne3A_484 = arith.cmpi ne, %get3A_481, %ne3A_483 : vector<16xi32>
      %add3A_485 = arith.addi %mul3A_3, %add3A_478 : vector<16xi32>
      %broadcast_in_dim3A_486 = arith.constant 0 : i32
      %broadcast_in_dim3A_487 = vector.broadcast %broadcast_in_dim3A_486 : i32 to vector<16xi32>
      %sub3A_488 = arith.constant 112 : i32
      %sub3A_489 = arith.subi %scan3A_328, %sub3A_488 : i32
      %add3A_490 = vector.broadcast %sub3A_489 : i32 to vector<16xi32>
      %add3A_491 = arith.addi %broadcast_in_dim3A_487, %add3A_490 : vector<16xi32>
      %add3A_492 = arith.constant 112 : i32
      %add3A_493 = vector.broadcast %add3A_492 : i32 to vector<16xi32>
      %add3A_494 = arith.addi %iota3A, %add3A_493 : vector<16xi32>
      tpu.vector_store_idx %arg10[%add3A_485], %add3A_491 masked %ne3A_484 : memref<3072xi32, #tpu.memory_space<vmem>>[vector<16xi32>], vector<16xi32>, vector<16xi1>
      tpu.vector_store_idx %arg11[%add3A_485], %add3A_494 masked %ne3A_484 : memref<3072xi32, #tpu.memory_space<vmem>>[vector<16xi32>], vector<16xi32>, vector<16xi1>
      %jit3A_495 = arith.constant 1 : i32
      %jit3A_496 = arith.constant 0 : i32
      %broadcast_in_dim3A_497 = vector.broadcast %jit3A_495 : i32 to vector<16xi32>
      %broadcast_in_dim3A_498 = vector.broadcast %jit3A_496 : i32 to vector<16xi32>
      %select_n3A_499 = arith.select %ne3A_484, %broadcast_in_dim3A_497, %broadcast_in_dim3A_498 : vector<16xi1>, vector<16xi32>
      %add3A_500 = arith.addi %add3A_478, %select_n3A_499 : vector<16xi32>
      %get3A_501 = arith.index_cast %scan3A_328 : i32 to index
      %get3A_502 = arith.constant 128 : index
      %get3A_503 = tpu.vector_load %arg5[%get3A_501, %get3A_502] {strides = array<i32>} : memref<224x224xi32, #tpu.memory_space<vmem>>, vector<16xi32>,
      %ne3A_504 = arith.constant 0 : i32
      %ne3A_505 = vector.broadcast %ne3A_504 : i32 to vector<16xi32>
      %ne3A_506 = arith.cmpi ne, %get3A_503, %ne3A_505 : vector<16xi32>
      %add3A_507 = arith.addi %mul3A_3, %add3A_500 : vector<16xi32>
      %broadcast_in_dim3A_508 = arith.constant 0 : i32
      %broadcast_in_dim3A_509 = vector.broadcast %broadcast_in_dim3A_508 : i32 to vector<16xi32>
      %sub3A_510 = arith.constant 112 : i32
      %sub3A_511 = arith.subi %scan3A_328, %sub3A_510 : i32
      %add3A_512 = vector.broadcast %sub3A_511 : i32 to vector<16xi32>
      %add3A_513 = arith.addi %broadcast_in_dim3A_509, %add3A_512 : vector<16xi32>
      %add3A_514 = arith.constant 128 : i32
      %add3A_515 = vector.broadcast %add3A_514 : i32 to vector<16xi32>
      %add3A_516 = arith.addi %iota3A, %add3A_515 : vector<16xi32>
      tpu.vector_store_idx %arg10[%add3A_507], %add3A_513 masked %ne3A_506 : memref<3072xi32, #tpu.memory_space<vmem>>[vector<16xi32>], vector<16xi32>, vector<16xi1>
      tpu.vector_store_idx %arg11[%add3A_507], %add3A_516 masked %ne3A_506 : memref<3072xi32, #tpu.memory_space<vmem>>[vector<16xi32>], vector<16xi32>, vector<16xi1>
      %jit3A_517 = arith.constant 1 : i32
      %jit3A_518 = arith.constant 0 : i32
      %broadcast_in_dim3A_519 = vector.broadcast %jit3A_517 : i32 to vector<16xi32>
      %broadcast_in_dim3A_520 = vector.broadcast %jit3A_518 : i32 to vector<16xi32>
      %select_n3A_521 = arith.select %ne3A_506, %broadcast_in_dim3A_519, %broadcast_in_dim3A_520 : vector<16xi1>, vector<16xi32>
      %add3A_522 = arith.addi %add3A_500, %select_n3A_521 : vector<16xi32>
      %get3A_523 = arith.index_cast %scan3A_328 : i32 to index
      %get3A_524 = arith.constant 144 : index
      %get3A_525 = tpu.vector_load %arg5[%get3A_523, %get3A_524] {strides = array<i32>} : memref<224x224xi32, #tpu.memory_space<vmem>>, vector<16xi32>,
      %ne3A_526 = arith.constant 0 : i32
      %ne3A_527 = vector.broadcast %ne3A_526 : i32 to vector<16xi32>
      %ne3A_528 = arith.cmpi ne, %get3A_525, %ne3A_527 : vector<16xi32>
      %add3A_529 = arith.addi %mul3A_3, %add3A_522 : vector<16xi32>
      %broadcast_in_dim3A_530 = arith.constant 0 : i32
      %broadcast_in_dim3A_531 = vector.broadcast %broadcast_in_dim3A_530 : i32 to vector<16xi32>
      %sub3A_532 = arith.constant 112 : i32
      %sub3A_533 = arith.subi %scan3A_328, %sub3A_532 : i32
      %add3A_534 = vector.broadcast %sub3A_533 : i32 to vector<16xi32>
      %add3A_535 = arith.addi %broadcast_in_dim3A_531, %add3A_534 : vector<16xi32>
      %add3A_536 = arith.constant 144 : i32
      %add3A_537 = vector.broadcast %add3A_536 : i32 to vector<16xi32>
      %add3A_538 = arith.addi %iota3A, %add3A_537 : vector<16xi32>
      tpu.vector_store_idx %arg10[%add3A_529], %add3A_535 masked %ne3A_528 : memref<3072xi32, #tpu.memory_space<vmem>>[vector<16xi32>], vector<16xi32>, vector<16xi1>
      tpu.vector_store_idx %arg11[%add3A_529], %add3A_538 masked %ne3A_528 : memref<3072xi32, #tpu.memory_space<vmem>>[vector<16xi32>], vector<16xi32>, vector<16xi1>
      %jit3A_539 = arith.constant 1 : i32
      %jit3A_540 = arith.constant 0 : i32
      %broadcast_in_dim3A_541 = vector.broadcast %jit3A_539 : i32 to vector<16xi32>
      %broadcast_in_dim3A_542 = vector.broadcast %jit3A_540 : i32 to vector<16xi32>
      %select_n3A_543 = arith.select %ne3A_528, %broadcast_in_dim3A_541, %broadcast_in_dim3A_542 : vector<16xi1>, vector<16xi32>
      %add3A_544 = arith.addi %add3A_522, %select_n3A_543 : vector<16xi32>
      %get3A_545 = arith.index_cast %scan3A_328 : i32 to index
      %get3A_546 = arith.constant 160 : index
      %get3A_547 = tpu.vector_load %arg5[%get3A_545, %get3A_546] {strides = array<i32>} : memref<224x224xi32, #tpu.memory_space<vmem>>, vector<16xi32>,
      %ne3A_548 = arith.constant 0 : i32
      %ne3A_549 = vector.broadcast %ne3A_548 : i32 to vector<16xi32>
      %ne3A_550 = arith.cmpi ne, %get3A_547, %ne3A_549 : vector<16xi32>
      %add3A_551 = arith.addi %mul3A_3, %add3A_544 : vector<16xi32>
      %broadcast_in_dim3A_552 = arith.constant 0 : i32
      %broadcast_in_dim3A_553 = vector.broadcast %broadcast_in_dim3A_552 : i32 to vector<16xi32>
      %sub3A_554 = arith.constant 112 : i32
      %sub3A_555 = arith.subi %scan3A_328, %sub3A_554 : i32
      %add3A_556 = vector.broadcast %sub3A_555 : i32 to vector<16xi32>
      %add3A_557 = arith.addi %broadcast_in_dim3A_553, %add3A_556 : vector<16xi32>
      %add3A_558 = arith.constant 160 : i32
      %add3A_559 = vector.broadcast %add3A_558 : i32 to vector<16xi32>
      %add3A_560 = arith.addi %iota3A, %add3A_559 : vector<16xi32>
      tpu.vector_store_idx %arg10[%add3A_551], %add3A_557 masked %ne3A_550 : memref<3072xi32, #tpu.memory_space<vmem>>[vector<16xi32>], vector<16xi32>, vector<16xi1>
      tpu.vector_store_idx %arg11[%add3A_551], %add3A_560 masked %ne3A_550 : memref<3072xi32, #tpu.memory_space<vmem>>[vector<16xi32>], vector<16xi32>, vector<16xi1>
      %jit3A_561 = arith.constant 1 : i32
      %jit3A_562 = arith.constant 0 : i32
      %broadcast_in_dim3A_563 = vector.broadcast %jit3A_561 : i32 to vector<16xi32>
      %broadcast_in_dim3A_564 = vector.broadcast %jit3A_562 : i32 to vector<16xi32>
      %select_n3A_565 = arith.select %ne3A_550, %broadcast_in_dim3A_563, %broadcast_in_dim3A_564 : vector<16xi1>, vector<16xi32>
      %add3A_566 = arith.addi %add3A_544, %select_n3A_565 : vector<16xi32>
      %get3A_567 = arith.index_cast %scan3A_328 : i32 to index
      %get3A_568 = arith.constant 176 : index
      %get3A_569 = tpu.vector_load %arg5[%get3A_567, %get3A_568] {strides = array<i32>} : memref<224x224xi32, #tpu.memory_space<vmem>>, vector<16xi32>,
      %ne3A_570 = arith.constant 0 : i32
      %ne3A_571 = vector.broadcast %ne3A_570 : i32 to vector<16xi32>
      %ne3A_572 = arith.cmpi ne, %get3A_569, %ne3A_571 : vector<16xi32>
      %add3A_573 = arith.addi %mul3A_3, %add3A_566 : vector<16xi32>
      %broadcast_in_dim3A_574 = arith.constant 0 : i32
      %broadcast_in_dim3A_575 = vector.broadcast %broadcast_in_dim3A_574 : i32 to vector<16xi32>
      %sub3A_576 = arith.constant 112 : i32
      %sub3A_577 = arith.subi %scan3A_328, %sub3A_576 : i32
      %add3A_578 = vector.broadcast %sub3A_577 : i32 to vector<16xi32>
      %add3A_579 = arith.addi %broadcast_in_dim3A_575, %add3A_578 : vector<16xi32>
      %add3A_580 = arith.constant 176 : i32
      %add3A_581 = vector.broadcast %add3A_580 : i32 to vector<16xi32>
      %add3A_582 = arith.addi %iota3A, %add3A_581 : vector<16xi32>
      tpu.vector_store_idx %arg10[%add3A_573], %add3A_579 masked %ne3A_572 : memref<3072xi32, #tpu.memory_space<vmem>>[vector<16xi32>], vector<16xi32>, vector<16xi1>
      tpu.vector_store_idx %arg11[%add3A_573], %add3A_582 masked %ne3A_572 : memref<3072xi32, #tpu.memory_space<vmem>>[vector<16xi32>], vector<16xi32>, vector<16xi1>
      %jit3A_583 = arith.constant 1 : i32
      %jit3A_584 = arith.constant 0 : i32
      %broadcast_in_dim3A_585 = vector.broadcast %jit3A_583 : i32 to vector<16xi32>
      %broadcast_in_dim3A_586 = vector.broadcast %jit3A_584 : i32 to vector<16xi32>
      %select_n3A_587 = arith.select %ne3A_572, %broadcast_in_dim3A_585, %broadcast_in_dim3A_586 : vector<16xi1>, vector<16xi32>
      %add3A_588 = arith.addi %add3A_566, %select_n3A_587 : vector<16xi32>
      %get3A_589 = arith.index_cast %scan3A_328 : i32 to index
      %get3A_590 = arith.constant 192 : index
      %get3A_591 = tpu.vector_load %arg5[%get3A_589, %get3A_590] {strides = array<i32>} : memref<224x224xi32, #tpu.memory_space<vmem>>, vector<16xi32>,
      %ne3A_592 = arith.constant 0 : i32
      %ne3A_593 = vector.broadcast %ne3A_592 : i32 to vector<16xi32>
      %ne3A_594 = arith.cmpi ne, %get3A_591, %ne3A_593 : vector<16xi32>
      %add3A_595 = arith.addi %mul3A_3, %add3A_588 : vector<16xi32>
      %broadcast_in_dim3A_596 = arith.constant 0 : i32
      %broadcast_in_dim3A_597 = vector.broadcast %broadcast_in_dim3A_596 : i32 to vector<16xi32>
      %sub3A_598 = arith.constant 112 : i32
      %sub3A_599 = arith.subi %scan3A_328, %sub3A_598 : i32
      %add3A_600 = vector.broadcast %sub3A_599 : i32 to vector<16xi32>
      %add3A_601 = arith.addi %broadcast_in_dim3A_597, %add3A_600 : vector<16xi32>
      %add3A_602 = arith.constant 192 : i32
      %add3A_603 = vector.broadcast %add3A_602 : i32 to vector<16xi32>
      %add3A_604 = arith.addi %iota3A, %add3A_603 : vector<16xi32>
      tpu.vector_store_idx %arg10[%add3A_595], %add3A_601 masked %ne3A_594 : memref<3072xi32, #tpu.memory_space<vmem>>[vector<16xi32>], vector<16xi32>, vector<16xi1>
      tpu.vector_store_idx %arg11[%add3A_595], %add3A_604 masked %ne3A_594 : memref<3072xi32, #tpu.memory_space<vmem>>[vector<16xi32>], vector<16xi32>, vector<16xi1>
      %jit3A_605 = arith.constant 1 : i32
      %jit3A_606 = arith.constant 0 : i32
      %broadcast_in_dim3A_607 = vector.broadcast %jit3A_605 : i32 to vector<16xi32>
      %broadcast_in_dim3A_608 = vector.broadcast %jit3A_606 : i32 to vector<16xi32>
      %select_n3A_609 = arith.select %ne3A_594, %broadcast_in_dim3A_607, %broadcast_in_dim3A_608 : vector<16xi1>, vector<16xi32>
      %add3A_610 = arith.addi %add3A_588, %select_n3A_609 : vector<16xi32>
      %get3A_611 = arith.index_cast %scan3A_328 : i32 to index
      %get3A_612 = arith.constant 208 : index
      %get3A_613 = tpu.vector_load %arg5[%get3A_611, %get3A_612] {strides = array<i32>} : memref<224x224xi32, #tpu.memory_space<vmem>>, vector<16xi32>,
      %ne3A_614 = arith.constant 0 : i32
      %ne3A_615 = vector.broadcast %ne3A_614 : i32 to vector<16xi32>
      %ne3A_616 = arith.cmpi ne, %get3A_613, %ne3A_615 : vector<16xi32>
      %add3A_617 = arith.addi %mul3A_3, %add3A_610 : vector<16xi32>
      %broadcast_in_dim3A_618 = arith.constant 0 : i32
      %broadcast_in_dim3A_619 = vector.broadcast %broadcast_in_dim3A_618 : i32 to vector<16xi32>
      %sub3A_620 = arith.constant 112 : i32
      %sub3A_621 = arith.subi %scan3A_328, %sub3A_620 : i32
      %add3A_622 = vector.broadcast %sub3A_621 : i32 to vector<16xi32>
      %add3A_623 = arith.addi %broadcast_in_dim3A_619, %add3A_622 : vector<16xi32>
      %add3A_624 = arith.constant 208 : i32
      %add3A_625 = vector.broadcast %add3A_624 : i32 to vector<16xi32>
      %add3A_626 = arith.addi %iota3A, %add3A_625 : vector<16xi32>
      tpu.vector_store_idx %arg10[%add3A_617], %add3A_623 masked %ne3A_616 : memref<3072xi32, #tpu.memory_space<vmem>>[vector<16xi32>], vector<16xi32>, vector<16xi1>
      tpu.vector_store_idx %arg11[%add3A_617], %add3A_626 masked %ne3A_616 : memref<3072xi32, #tpu.memory_space<vmem>>[vector<16xi32>], vector<16xi32>, vector<16xi1>
      %jit3A_627 = arith.constant 1 : i32
      %jit3A_628 = arith.constant 0 : i32
      %broadcast_in_dim3A_629 = vector.broadcast %jit3A_627 : i32 to vector<16xi32>
      %broadcast_in_dim3A_630 = vector.broadcast %jit3A_628 : i32 to vector<16xi32>
      %select_n3A_631 = arith.select %ne3A_616, %broadcast_in_dim3A_629, %broadcast_in_dim3A_630 : vector<16xi1>, vector<16xi32>
      %add3A_632 = arith.addi %add3A_610, %select_n3A_631 : vector<16xi32>
      scf.yield %add3A_632 : vector<16xi32>
    }
    %scan3A_37 = arith.constant 112 : i32
    %reduce_max3A = arith.constant true
    %reduce_max3A_38 = vector.broadcast %reduce_max3A : i1 to vector<16xi1>
    %reduce_max3A_39 = arith.constant -2147483648 : i32
    %reduce_max3A_40 = vector.broadcast %reduce_max3A_39 : i32 to vector<16xi32>
    %reduce_max3A_41 = arith.xori %scan3A_28, %reduce_max3A_40 : vector<16xi32>
    %reduce_max3A_42 = tpu.scan <max>, %reduce_max3A_41 masked %reduce_max3A_38 : vector<16xi32>, vector<16xi1> -> vector<16xi32>
    %reduce_max3A_43 = arith.xori %reduce_max3A_42, %reduce_max3A_40 : vector<16xi32>
    %reduce_max3A_44 = vector.extract %reduce_max3A_43[15] : i32 from vector<16xi32>
    %reduce_max3A_45 = arith.constant true
    %reduce_max3A_46 = vector.broadcast %reduce_max3A_45 : i1 to vector<16xi1>
    %reduce_max3A_47 = arith.constant -2147483648 : i32
    %reduce_max3A_48 = vector.broadcast %reduce_max3A_47 : i32 to vector<16xi32>
    %reduce_max3A_49 = arith.xori %scan3A_36, %reduce_max3A_48 : vector<16xi32>
    %reduce_max3A_50 = tpu.scan <max>, %reduce_max3A_49 masked %reduce_max3A_46 : vector<16xi32>, vector<16xi1> -> vector<16xi32>
    %reduce_max3A_51 = arith.xori %reduce_max3A_50, %reduce_max3A_48 : vector<16xi32>
    %reduce_max3A_52 = vector.extract %reduce_max3A_51[15] : i32 from vector<16xi32>
    %dma_start3A_53 = arith.constant 0 : i32
    %dma_start3A_54 = arith.constant 0 : i32
    %dma_start3A_55 = arith.constant 0 : i32
    %dma_start3A_56 = tpu.memref_slice %arg2[%add3A_16, %dma_start3A_53, %dma_start3A_54, %dma_start3A_55] : memref<64x3x224x224xf32, #tpu.memory_space<hbm>> -> memref<1x1x112x224xf32, #tpu.memory_space<hbm>>
    %dma_start3A_57 = tpu.memref_squeeze %dma_start3A_56 : memref<1x1x112x224xf32, #tpu.memory_space<hbm>> -> memref<112x224xf32, #tpu.memory_space<hbm>>
    %dma_start3A_58 = arith.constant 0 : i32
    %dma_start3A_59 = arith.constant 0 : i32
    %dma_start3A_60 = tpu.memref_slice %arg2[%add3A_16, %dma_start3A_53, %dma_start3A_58, %dma_start3A_59] : memref<64x3x224x224xf32, #tpu.memory_space<hbm>> -> memref<1x1x112x224xf32, #tpu.memory_space<hbm>>
    %dma_start3A_61 = tpu.memref_squeeze %dma_start3A_60 : memref<1x1x112x224xf32, #tpu.memory_space<hbm>> -> memref<112x224xf32, #tpu.memory_space<hbm>>
    tpu.enqueue_dma source(%dma_start3A_61 : memref<112x224xf32, #tpu.memory_space<hbm>>) target(%arg6 : memref<112x224xf32, #tpu.memory_space<vmem>>) target_semaphore(%arg13 : memref<!tpu.dma_semaphore, #tpu.memory_space<semaphore_mem>>)
    %dma_start3A_62 = arith.constant 0 : i32
    %dma_start3A_63 = arith.constant 112 : i32
    %dma_start3A_64 = arith.constant 0 : i32
    %dma_start3A_65 = tpu.memref_slice %arg2[%add3A_16, %dma_start3A_62, %dma_start3A_63, %dma_start3A_64] : memref<64x3x224x224xf32, #tpu.memory_space<hbm>> -> memref<1x1x112x224xf32, #tpu.memory_space<hbm>>
    %dma_start3A_66 = tpu.memref_squeeze %dma_start3A_65 : memref<1x1x112x224xf32, #tpu.memory_space<hbm>> -> memref<112x224xf32, #tpu.memory_space<hbm>>
    %dma_start3A_67 = arith.constant 112 : i32
    %dma_start3A_68 = arith.constant 0 : i32
    %dma_start3A_69 = tpu.memref_slice %arg2[%add3A_16, %dma_start3A_62, %dma_start3A_67, %dma_start3A_68] : memref<64x3x224x224xf32, #tpu.memory_space<hbm>> -> memref<1x1x112x224xf32, #tpu.memory_space<hbm>>
    %dma_start3A_70 = tpu.memref_squeeze %dma_start3A_69 : memref<1x1x112x224xf32, #tpu.memory_space<hbm>> -> memref<112x224xf32, #tpu.memory_space<hbm>>
    tpu.enqueue_dma source(%dma_start3A_70 : memref<112x224xf32, #tpu.memory_space<hbm>>) target(%arg7 : memref<112x224xf32, #tpu.memory_space<vmem>>) target_semaphore(%arg14 : memref<!tpu.dma_semaphore, #tpu.memory_space<semaphore_mem>>)
    %dma_wait3A_71 = arith.constant 0 : i32
    %dma_wait3A_72 = arith.constant 0 : i32
    %dma_wait3A_73 = arith.constant 0 : i32
    %dma_wait3A_74 = tpu.memref_slice %arg2[%add3A_16, %dma_wait3A_71, %dma_wait3A_72, %dma_wait3A_73] : memref<64x3x224x224xf32, #tpu.memory_space<hbm>> -> memref<1x1x112x224xf32, #tpu.memory_space<hbm>>
    %dma_wait3A_75 = tpu.memref_squeeze %dma_wait3A_74 : memref<1x1x112x224xf32, #tpu.memory_space<hbm>> -> memref<112x224xf32, #tpu.memory_space<hbm>>
    %dma_wait3A_76 = arith.constant 0 : i32
    %dma_wait3A_77 = arith.constant 0 : i32
    %dma_wait3A_78 = tpu.memref_slice %arg2[%add3A_16, %dma_wait3A_71, %dma_wait3A_76, %dma_wait3A_77] : memref<64x3x224x224xf32, #tpu.memory_space<hbm>> -> memref<1x1x112x224xf32, #tpu.memory_space<hbm>>
    %dma_wait3A_79 = tpu.memref_squeeze %dma_wait3A_78 : memref<1x1x112x224xf32, #tpu.memory_space<hbm>> -> memref<112x224xf32, #tpu.memory_space<hbm>>
    tpu.wait_dma2 semaphore(%arg13 : memref<!tpu.dma_semaphore, #tpu.memory_space<semaphore_mem>>) src(%dma_wait3A_79 : memref<112x224xf32, #tpu.memory_space<hbm>>) dst(%arg6 : memref<112x224xf32, #tpu.memory_space<vmem>>)
    %mul3A_80 = arith.constant 3 : i32
    %mul3A_81 = arith.muli %add3A_16, %mul3A_80 : i32
    %add3A_82 = arith.constant 0 : i32
    %add3A_83 = arith.addi %mul3A_81, %add3A_82 : i32
    %mul3A_84 = arith.constant 50176 : i32
    %mul3A_85 = arith.muli %add3A_83, %mul3A_84 : i32
    %add3A_86 = arith.constant 0 : i32
    %add3A_87 = arith.addi %mul3A_85, %add3A_86 : i32
    %parallel_loop3A = arith.constant 0 : i32
    %parallel_loop3A_88 = arith.constant 1 : i32
    scf.for %parallel_loop3A_328 = %parallel_loop3A to %reduce_max3A_44 step %parallel_loop3A_88  : i32 {
      %parallel_loop3A_329 = vector.broadcast %parallel_loop3A_328 : i32 to vector<16xi32>
      %parallel_loop3A_330 = arith.addi %mul3A_3, %parallel_loop3A_329 : vector<16xi32>
      %parallel_loop3A_331 = tpu.vector_load_idx %arg8[%parallel_loop3A_330] : memref<3072xi32, #tpu.memory_space<vmem>>[vector<16xi32>], vector<16xi32>,
      %parallel_loop3A_332 = tpu.vector_load_idx %arg9[%parallel_loop3A_330] : memref<3072xi32, #tpu.memory_space<vmem>>[vector<16xi32>], vector<16xi32>,
      %parallel_loop3A_333 = vector.broadcast %parallel_loop3A_328 : i32 to vector<16xi32>
      %parallel_loop3A_334 = arith.cmpi slt, %parallel_loop3A_333, %scan3A_28 : vector<16xi32>
      %parallel_loop3A_335 = arith.constant 224 : i32
      %parallel_loop3A_336 = vector.broadcast %parallel_loop3A_335 : i32 to vector<16xi32>
      %parallel_loop3A_337 = arith.muli %parallel_loop3A_331, %parallel_loop3A_336 : vector<16xi32>
      %parallel_loop3A_338 = arith.addi %parallel_loop3A_337, %parallel_loop3A_332 : vector<16xi32>
      %parallel_loop3A_339 = vector.broadcast %add3A_87 : i32 to vector<16xi32>
      %parallel_loop3A_340 = arith.addi %parallel_loop3A_339, %parallel_loop3A_338 : vector<16xi32>
      %parallel_loop3A_341 = arith.constant 64467757 : i32
      %parallel_loop3A_342 = vector.broadcast %parallel_loop3A_341 : i32 to vector<16xi32>
      %parallel_loop3A_343 = arith.constant -1378843660 : i32
      %parallel_loop3A_344 = vector.broadcast %parallel_loop3A_343 : i32 to vector<16xi32>
      %parallel_loop3A_345 = arith.addi %parallel_loop3A_340, %parallel_loop3A_344 : vector<16xi32>
      %parallel_loop3A_346 = arith.addi %parallel_loop3A_342, %parallel_loop3A_345 : vector<16xi32>
      %parallel_loop3A_347 = arith.constant 13 : i32
      %parallel_loop3A_348 = vector.broadcast %parallel_loop3A_347 : i32 to vector<16xi32>
      %parallel_loop3A_349 = arith.shli %parallel_loop3A_345, %parallel_loop3A_348 : vector<16xi32>
      %parallel_loop3A_350 = arith.constant 19 : i32
      %parallel_loop3A_351 = vector.broadcast %parallel_loop3A_350 : i32 to vector<16xi32>
      %parallel_loop3A_352 = arith.shrui %parallel_loop3A_345, %parallel_loop3A_351 : vector<16xi32>
      %parallel_loop3A_353 = arith.ori %parallel_loop3A_349, %parallel_loop3A_352 : vector<16xi32>
      %parallel_loop3A_354 = arith.xori %parallel_loop3A_353, %parallel_loop3A_346 : vector<16xi32>
      %parallel_loop3A_355 = arith.addi %parallel_loop3A_346, %parallel_loop3A_354 : vector<16xi32>
      %parallel_loop3A_356 = arith.constant 15 : i32
      %parallel_loop3A_357 = vector.broadcast %parallel_loop3A_356 : i32 to vector<16xi32>
      %parallel_loop3A_358 = arith.shli %parallel_loop3A_354, %parallel_loop3A_357 : vector<16xi32>
      %parallel_loop3A_359 = arith.constant 17 : i32
      %parallel_loop3A_360 = vector.broadcast %parallel_loop3A_359 : i32 to vector<16xi32>
      %parallel_loop3A_361 = arith.shrui %parallel_loop3A_354, %parallel_loop3A_360 : vector<16xi32>
      %parallel_loop3A_362 = arith.ori %parallel_loop3A_358, %parallel_loop3A_361 : vector<16xi32>
      %parallel_loop3A_363 = arith.xori %parallel_loop3A_362, %parallel_loop3A_355 : vector<16xi32>
      %parallel_loop3A_364 = arith.addi %parallel_loop3A_355, %parallel_loop3A_363 : vector<16xi32>
      %parallel_loop3A_365 = arith.constant 26 : i32
      %parallel_loop3A_366 = vector.broadcast %parallel_loop3A_365 : i32 to vector<16xi32>
      %parallel_loop3A_367 = arith.shli %parallel_loop3A_363, %parallel_loop3A_366 : vector<16xi32>
      %parallel_loop3A_368 = arith.constant 6 : i32
      %parallel_loop3A_369 = vector.broadcast %parallel_loop3A_368 : i32 to vector<16xi32>
      %parallel_loop3A_370 = arith.shrui %parallel_loop3A_363, %parallel_loop3A_369 : vector<16xi32>
      %parallel_loop3A_371 = arith.ori %parallel_loop3A_367, %parallel_loop3A_370 : vector<16xi32>
      %parallel_loop3A_372 = arith.xori %parallel_loop3A_371, %parallel_loop3A_364 : vector<16xi32>
      %parallel_loop3A_373 = arith.addi %parallel_loop3A_364, %parallel_loop3A_372 : vector<16xi32>
      %parallel_loop3A_374 = arith.constant 6 : i32
      %parallel_loop3A_375 = vector.broadcast %parallel_loop3A_374 : i32 to vector<16xi32>
      %parallel_loop3A_376 = arith.shli %parallel_loop3A_372, %parallel_loop3A_375 : vector<16xi32>
      %parallel_loop3A_377 = arith.constant 26 : i32
      %parallel_loop3A_378 = vector.broadcast %parallel_loop3A_377 : i32 to vector<16xi32>
      %parallel_loop3A_379 = arith.shrui %parallel_loop3A_372, %parallel_loop3A_378 : vector<16xi32>
      %parallel_loop3A_380 = arith.ori %parallel_loop3A_376, %parallel_loop3A_379 : vector<16xi32>
      %parallel_loop3A_381 = arith.xori %parallel_loop3A_380, %parallel_loop3A_373 : vector<16xi32>
      %parallel_loop3A_382 = arith.constant -1378843660 : i32
      %parallel_loop3A_383 = vector.broadcast %parallel_loop3A_382 : i32 to vector<16xi32>
      %parallel_loop3A_384 = arith.addi %parallel_loop3A_373, %parallel_loop3A_383 : vector<16xi32>
      %parallel_loop3A_385 = arith.constant -1244255484 : i32
      %parallel_loop3A_386 = vector.broadcast %parallel_loop3A_385 : i32 to vector<16xi32>
      %parallel_loop3A_387 = arith.addi %parallel_loop3A_381, %parallel_loop3A_386 : vector<16xi32>
      %parallel_loop3A_388 = arith.addi %parallel_loop3A_384, %parallel_loop3A_387 : vector<16xi32>
      %parallel_loop3A_389 = arith.constant 17 : i32
      %parallel_loop3A_390 = vector.broadcast %parallel_loop3A_389 : i32 to vector<16xi32>
      %parallel_loop3A_391 = arith.shli %parallel_loop3A_387, %parallel_loop3A_390 : vector<16xi32>
      %parallel_loop3A_392 = arith.constant 15 : i32
      %parallel_loop3A_393 = vector.broadcast %parallel_loop3A_392 : i32 to vector<16xi32>
      %parallel_loop3A_394 = arith.shrui %parallel_loop3A_387, %parallel_loop3A_393 : vector<16xi32>
      %parallel_loop3A_395 = arith.ori %parallel_loop3A_391, %parallel_loop3A_394 : vector<16xi32>
      %parallel_loop3A_396 = arith.xori %parallel_loop3A_395, %parallel_loop3A_388 : vector<16xi32>
      %parallel_loop3A_397 = arith.addi %parallel_loop3A_388, %parallel_loop3A_396 : vector<16xi32>
      %parallel_loop3A_398 = arith.constant 29 : i32
      %parallel_loop3A_399 = vector.broadcast %parallel_loop3A_398 : i32 to vector<16xi32>
      %parallel_loop3A_400 = arith.shli %parallel_loop3A_396, %parallel_loop3A_399 : vector<16xi32>
      %parallel_loop3A_401 = arith.constant 3 : i32
      %parallel_loop3A_402 = vector.broadcast %parallel_loop3A_401 : i32 to vector<16xi32>
      %parallel_loop3A_403 = arith.shrui %parallel_loop3A_396, %parallel_loop3A_402 : vector<16xi32>
      %parallel_loop3A_404 = arith.ori %parallel_loop3A_400, %parallel_loop3A_403 : vector<16xi32>
      %parallel_loop3A_405 = arith.xori %parallel_loop3A_404, %parallel_loop3A_397 : vector<16xi32>
      %parallel_loop3A_406 = arith.addi %parallel_loop3A_397, %parallel_loop3A_405 : vector<16xi32>
      %parallel_loop3A_407 = arith.constant 16 : i32
      %parallel_loop3A_408 = vector.broadcast %parallel_loop3A_407 : i32 to vector<16xi32>
      %parallel_loop3A_409 = arith.shli %parallel_loop3A_405, %parallel_loop3A_408 : vector<16xi32>
      %parallel_loop3A_410 = arith.constant 16 : i32
      %parallel_loop3A_411 = vector.broadcast %parallel_loop3A_410 : i32 to vector<16xi32>
      %parallel_loop3A_412 = arith.shrui %parallel_loop3A_405, %parallel_loop3A_411 : vector<16xi32>
      %parallel_loop3A_413 = arith.ori %parallel_loop3A_409, %parallel_loop3A_412 : vector<16xi32>
      %parallel_loop3A_414 = arith.xori %parallel_loop3A_413, %parallel_loop3A_406 : vector<16xi32>
      %parallel_loop3A_415 = arith.addi %parallel_loop3A_406, %parallel_loop3A_414 : vector<16xi32>
      %parallel_loop3A_416 = arith.constant 24 : i32
      %parallel_loop3A_417 = vector.broadcast %parallel_loop3A_416 : i32 to vector<16xi32>
      %parallel_loop3A_418 = arith.shli %parallel_loop3A_414, %parallel_loop3A_417 : vector<16xi32>
      %parallel_loop3A_419 = arith.constant 8 : i32
      %parallel_loop3A_420 = vector.broadcast %parallel_loop3A_419 : i32 to vector<16xi32>
      %parallel_loop3A_421 = arith.shrui %parallel_loop3A_414, %parallel_loop3A_420 : vector<16xi32>
      %parallel_loop3A_422 = arith.ori %parallel_loop3A_418, %parallel_loop3A_421 : vector<16xi32>
      %parallel_loop3A_423 = arith.xori %parallel_loop3A_422, %parallel_loop3A_415 : vector<16xi32>
      %parallel_loop3A_424 = arith.constant -1244255485 : i32
      %parallel_loop3A_425 = vector.broadcast %parallel_loop3A_424 : i32 to vector<16xi32>
      %parallel_loop3A_426 = arith.addi %parallel_loop3A_415, %parallel_loop3A_425 : vector<16xi32>
      %parallel_loop3A_427 = arith.constant 64467759 : i32
      %parallel_loop3A_428 = vector.broadcast %parallel_loop3A_427 : i32 to vector<16xi32>
      %parallel_loop3A_429 = arith.addi %parallel_loop3A_423, %parallel_loop3A_428 : vector<16xi32>
      %parallel_loop3A_430 = arith.addi %parallel_loop3A_426, %parallel_loop3A_429 : vector<16xi32>
      %parallel_loop3A_431 = arith.constant 13 : i32
      %parallel_loop3A_432 = vector.broadcast %parallel_loop3A_431 : i32 to vector<16xi32>
      %parallel_loop3A_433 = arith.shli %parallel_loop3A_429, %parallel_loop3A_432 : vector<16xi32>
      %parallel_loop3A_434 = arith.constant 19 : i32
      %parallel_loop3A_435 = vector.broadcast %parallel_loop3A_434 : i32 to vector<16xi32>
      %parallel_loop3A_436 = arith.shrui %parallel_loop3A_429, %parallel_loop3A_435 : vector<16xi32>
      %parallel_loop3A_437 = arith.ori %parallel_loop3A_433, %parallel_loop3A_436 : vector<16xi32>
      %parallel_loop3A_438 = arith.xori %parallel_loop3A_437, %parallel_loop3A_430 : vector<16xi32>
      %parallel_loop3A_439 = arith.addi %parallel_loop3A_430, %parallel_loop3A_438 : vector<16xi32>
      %parallel_loop3A_440 = arith.constant 15 : i32
      %parallel_loop3A_441 = vector.broadcast %parallel_loop3A_440 : i32 to vector<16xi32>
      %parallel_loop3A_442 = arith.shli %parallel_loop3A_438, %parallel_loop3A_441 : vector<16xi32>
      %parallel_loop3A_443 = arith.constant 17 : i32
      %parallel_loop3A_444 = vector.broadcast %parallel_loop3A_443 : i32 to vector<16xi32>
      %parallel_loop3A_445 = arith.shrui %parallel_loop3A_438, %parallel_loop3A_444 : vector<16xi32>
      %parallel_loop3A_446 = arith.ori %parallel_loop3A_442, %parallel_loop3A_445 : vector<16xi32>
      %parallel_loop3A_447 = arith.xori %parallel_loop3A_446, %parallel_loop3A_439 : vector<16xi32>
      %parallel_loop3A_448 = arith.addi %parallel_loop3A_439, %parallel_loop3A_447 : vector<16xi32>
      %parallel_loop3A_449 = arith.constant 26 : i32
      %parallel_loop3A_450 = vector.broadcast %parallel_loop3A_449 : i32 to vector<16xi32>
      %parallel_loop3A_451 = arith.shli %parallel_loop3A_447, %parallel_loop3A_450 : vector<16xi32>
      %parallel_loop3A_452 = arith.constant 6 : i32
      %parallel_loop3A_453 = vector.broadcast %parallel_loop3A_452 : i32 to vector<16xi32>
      %parallel_loop3A_454 = arith.shrui %parallel_loop3A_447, %parallel_loop3A_453 : vector<16xi32>
      %parallel_loop3A_455 = arith.ori %parallel_loop3A_451, %parallel_loop3A_454 : vector<16xi32>
      %parallel_loop3A_456 = arith.xori %parallel_loop3A_455, %parallel_loop3A_448 : vector<16xi32>
      %parallel_loop3A_457 = arith.addi %parallel_loop3A_448, %parallel_loop3A_456 : vector<16xi32>
      %parallel_loop3A_458 = arith.constant 6 : i32
      %parallel_loop3A_459 = vector.broadcast %parallel_loop3A_458 : i32 to vector<16xi32>
      %parallel_loop3A_460 = arith.shli %parallel_loop3A_456, %parallel_loop3A_459 : vector<16xi32>
      %parallel_loop3A_461 = arith.constant 26 : i32
      %parallel_loop3A_462 = vector.broadcast %parallel_loop3A_461 : i32 to vector<16xi32>
      %parallel_loop3A_463 = arith.shrui %parallel_loop3A_456, %parallel_loop3A_462 : vector<16xi32>
      %parallel_loop3A_464 = arith.ori %parallel_loop3A_460, %parallel_loop3A_463 : vector<16xi32>
      %parallel_loop3A_465 = arith.xori %parallel_loop3A_464, %parallel_loop3A_457 : vector<16xi32>
      %parallel_loop3A_466 = arith.constant 64467757 : i32
      %parallel_loop3A_467 = vector.broadcast %parallel_loop3A_466 : i32 to vector<16xi32>
      %parallel_loop3A_468 = arith.addi %parallel_loop3A_457, %parallel_loop3A_467 : vector<16xi32>
      %parallel_loop3A_469 = arith.constant -1378843657 : i32
      %parallel_loop3A_470 = vector.broadcast %parallel_loop3A_469 : i32 to vector<16xi32>
      %parallel_loop3A_471 = arith.addi %parallel_loop3A_465, %parallel_loop3A_470 : vector<16xi32>
      %parallel_loop3A_472 = arith.addi %parallel_loop3A_468, %parallel_loop3A_471 : vector<16xi32>
      %parallel_loop3A_473 = arith.constant 17 : i32
      %parallel_loop3A_474 = vector.broadcast %parallel_loop3A_473 : i32 to vector<16xi32>
      %parallel_loop3A_475 = arith.shli %parallel_loop3A_471, %parallel_loop3A_474 : vector<16xi32>
      %parallel_loop3A_476 = arith.constant 15 : i32
      %parallel_loop3A_477 = vector.broadcast %parallel_loop3A_476 : i32 to vector<16xi32>
      %parallel_loop3A_478 = arith.shrui %parallel_loop3A_471, %parallel_loop3A_477 : vector<16xi32>
      %parallel_loop3A_479 = arith.ori %parallel_loop3A_475, %parallel_loop3A_478 : vector<16xi32>
      %parallel_loop3A_480 = arith.xori %parallel_loop3A_479, %parallel_loop3A_472 : vector<16xi32>
      %parallel_loop3A_481 = arith.addi %parallel_loop3A_472, %parallel_loop3A_480 : vector<16xi32>
      %parallel_loop3A_482 = arith.constant 29 : i32
      %parallel_loop3A_483 = vector.broadcast %parallel_loop3A_482 : i32 to vector<16xi32>
      %parallel_loop3A_484 = arith.shli %parallel_loop3A_480, %parallel_loop3A_483 : vector<16xi32>
      %parallel_loop3A_485 = arith.constant 3 : i32
      %parallel_loop3A_486 = vector.broadcast %parallel_loop3A_485 : i32 to vector<16xi32>
      %parallel_loop3A_487 = arith.shrui %parallel_loop3A_480, %parallel_loop3A_486 : vector<16xi32>
      %parallel_loop3A_488 = arith.ori %parallel_loop3A_484, %parallel_loop3A_487 : vector<16xi32>
      %parallel_loop3A_489 = arith.xori %parallel_loop3A_488, %parallel_loop3A_481 : vector<16xi32>
      %parallel_loop3A_490 = arith.addi %parallel_loop3A_481, %parallel_loop3A_489 : vector<16xi32>
      %parallel_loop3A_491 = arith.constant 16 : i32
      %parallel_loop3A_492 = vector.broadcast %parallel_loop3A_491 : i32 to vector<16xi32>
      %parallel_loop3A_493 = arith.shli %parallel_loop3A_489, %parallel_loop3A_492 : vector<16xi32>
      %parallel_loop3A_494 = arith.constant 16 : i32
      %parallel_loop3A_495 = vector.broadcast %parallel_loop3A_494 : i32 to vector<16xi32>
      %parallel_loop3A_496 = arith.shrui %parallel_loop3A_489, %parallel_loop3A_495 : vector<16xi32>
      %parallel_loop3A_497 = arith.ori %parallel_loop3A_493, %parallel_loop3A_496 : vector<16xi32>
      %parallel_loop3A_498 = arith.xori %parallel_loop3A_497, %parallel_loop3A_490 : vector<16xi32>
      %parallel_loop3A_499 = arith.addi %parallel_loop3A_490, %parallel_loop3A_498 : vector<16xi32>
      %parallel_loop3A_500 = arith.constant 24 : i32
      %parallel_loop3A_501 = vector.broadcast %parallel_loop3A_500 : i32 to vector<16xi32>
      %parallel_loop3A_502 = arith.shli %parallel_loop3A_498, %parallel_loop3A_501 : vector<16xi32>
      %parallel_loop3A_503 = arith.constant 8 : i32
      %parallel_loop3A_504 = vector.broadcast %parallel_loop3A_503 : i32 to vector<16xi32>
      %parallel_loop3A_505 = arith.shrui %parallel_loop3A_498, %parallel_loop3A_504 : vector<16xi32>
      %parallel_loop3A_506 = arith.ori %parallel_loop3A_502, %parallel_loop3A_505 : vector<16xi32>
      %parallel_loop3A_507 = arith.xori %parallel_loop3A_506, %parallel_loop3A_499 : vector<16xi32>
      %parallel_loop3A_508 = arith.constant -1378843660 : i32
      %parallel_loop3A_509 = vector.broadcast %parallel_loop3A_508 : i32 to vector<16xi32>
      %parallel_loop3A_510 = arith.addi %parallel_loop3A_499, %parallel_loop3A_509 : vector<16xi32>
      %parallel_loop3A_511 = arith.constant -1244255481 : i32
      %parallel_loop3A_512 = vector.broadcast %parallel_loop3A_511 : i32 to vector<16xi32>
      %parallel_loop3A_513 = arith.addi %parallel_loop3A_507, %parallel_loop3A_512 : vector<16xi32>
      %parallel_loop3A_514 = arith.addi %parallel_loop3A_510, %parallel_loop3A_513 : vector<16xi32>
      %parallel_loop3A_515 = arith.constant 13 : i32
      %parallel_loop3A_516 = vector.broadcast %parallel_loop3A_515 : i32 to vector<16xi32>
      %parallel_loop3A_517 = arith.shli %parallel_loop3A_513, %parallel_loop3A_516 : vector<16xi32>
      %parallel_loop3A_518 = arith.constant 19 : i32
      %parallel_loop3A_519 = vector.broadcast %parallel_loop3A_518 : i32 to vector<16xi32>
      %parallel_loop3A_520 = arith.shrui %parallel_loop3A_513, %parallel_loop3A_519 : vector<16xi32>
      %parallel_loop3A_521 = arith.ori %parallel_loop3A_517, %parallel_loop3A_520 : vector<16xi32>
      %parallel_loop3A_522 = arith.xori %parallel_loop3A_521, %parallel_loop3A_514 : vector<16xi32>
      %parallel_loop3A_523 = arith.addi %parallel_loop3A_514, %parallel_loop3A_522 : vector<16xi32>
      %parallel_loop3A_524 = arith.constant 15 : i32
      %parallel_loop3A_525 = vector.broadcast %parallel_loop3A_524 : i32 to vector<16xi32>
      %parallel_loop3A_526 = arith.shli %parallel_loop3A_522, %parallel_loop3A_525 : vector<16xi32>
      %parallel_loop3A_527 = arith.constant 17 : i32
      %parallel_loop3A_528 = vector.broadcast %parallel_loop3A_527 : i32 to vector<16xi32>
      %parallel_loop3A_529 = arith.shrui %parallel_loop3A_522, %parallel_loop3A_528 : vector<16xi32>
      %parallel_loop3A_530 = arith.ori %parallel_loop3A_526, %parallel_loop3A_529 : vector<16xi32>
      %parallel_loop3A_531 = arith.xori %parallel_loop3A_530, %parallel_loop3A_523 : vector<16xi32>
      %parallel_loop3A_532 = arith.addi %parallel_loop3A_523, %parallel_loop3A_531 : vector<16xi32>
      %parallel_loop3A_533 = arith.constant 26 : i32
      %parallel_loop3A_534 = vector.broadcast %parallel_loop3A_533 : i32 to vector<16xi32>
      %parallel_loop3A_535 = arith.shli %parallel_loop3A_531, %parallel_loop3A_534 : vector<16xi32>
      %parallel_loop3A_536 = arith.constant 6 : i32
      %parallel_loop3A_537 = vector.broadcast %parallel_loop3A_536 : i32 to vector<16xi32>
      %parallel_loop3A_538 = arith.shrui %parallel_loop3A_531, %parallel_loop3A_537 : vector<16xi32>
      %parallel_loop3A_539 = arith.ori %parallel_loop3A_535, %parallel_loop3A_538 : vector<16xi32>
      %parallel_loop3A_540 = arith.xori %parallel_loop3A_539, %parallel_loop3A_532 : vector<16xi32>
      %parallel_loop3A_541 = arith.addi %parallel_loop3A_532, %parallel_loop3A_540 : vector<16xi32>
      %parallel_loop3A_542 = arith.constant 6 : i32
      %parallel_loop3A_543 = vector.broadcast %parallel_loop3A_542 : i32 to vector<16xi32>
      %parallel_loop3A_544 = arith.shli %parallel_loop3A_540, %parallel_loop3A_543 : vector<16xi32>
      %parallel_loop3A_545 = arith.constant 26 : i32
      %parallel_loop3A_546 = vector.broadcast %parallel_loop3A_545 : i32 to vector<16xi32>
      %parallel_loop3A_547 = arith.shrui %parallel_loop3A_540, %parallel_loop3A_546 : vector<16xi32>
      %parallel_loop3A_548 = arith.ori %parallel_loop3A_544, %parallel_loop3A_547 : vector<16xi32>
      %parallel_loop3A_549 = arith.xori %parallel_loop3A_548, %parallel_loop3A_541 : vector<16xi32>
      %parallel_loop3A_550 = arith.constant -1244255485 : i32
      %parallel_loop3A_551 = vector.broadcast %parallel_loop3A_550 : i32 to vector<16xi32>
      %parallel_loop3A_552 = arith.addi %parallel_loop3A_541, %parallel_loop3A_551 : vector<16xi32>
      %parallel_loop3A_553 = arith.constant 64467762 : i32
      %parallel_loop3A_554 = vector.broadcast %parallel_loop3A_553 : i32 to vector<16xi32>
      %parallel_loop3A_555 = arith.addi %parallel_loop3A_549, %parallel_loop3A_554 : vector<16xi32>
      %parallel_loop3A_556 = arith.xori %parallel_loop3A_552, %parallel_loop3A_555 : vector<16xi32>
      %parallel_loop3A_557 = arith.constant -2147483136 : i32
      %parallel_loop3A_558 = vector.broadcast %parallel_loop3A_557 : i32 to vector<16xi32>
      %parallel_loop3A_559 = arith.cmpi uge, %parallel_loop3A_556, %parallel_loop3A_558 : vector<16xi32>
      %parallel_loop3A_560 = arith.constant 1.000000e+00 : f32
      %parallel_loop3A_561 = arith.constant 0.000000e+00 : f32
      %parallel_loop3A_562 = vector.broadcast %parallel_loop3A_560 : f32 to vector<16xf32>
      %parallel_loop3A_563 = vector.broadcast %parallel_loop3A_561 : f32 to vector<16xf32>
      %parallel_loop3A_564 = arith.select %parallel_loop3A_559, %parallel_loop3A_562, %parallel_loop3A_563 : vector<16xi1>, vector<16xf32>
      tpu.vector_store_idx %arg6[%parallel_loop3A_331, %parallel_loop3A_332], %parallel_loop3A_564 masked %parallel_loop3A_334 : memref<112x224xf32, #tpu.memory_space<vmem>>[vector<16xi32>, vector<16xi32>], vector<16xf32>, vector<16xi1>
    } {sc.loop_unroll_factor = 4 : i64, sc.parallel_access}
    %dma_start3A_89 = arith.constant 0 : i32
    %dma_start3A_90 = arith.constant 0 : i32
    %dma_start3A_91 = arith.constant 0 : i32
    %dma_start3A_92 = tpu.memref_slice %arg4[%add3A_16, %dma_start3A_89, %dma_start3A_90, %dma_start3A_91] : memref<32x3x224x224xf32, #tpu.memory_space<hbm>> -> memref<1x1x112x224xf32, #tpu.memory_space<hbm>>
    %dma_start3A_93 = tpu.memref_squeeze %dma_start3A_92 : memref<1x1x112x224xf32, #tpu.memory_space<hbm>> -> memref<112x224xf32, #tpu.memory_space<hbm>>
    %dma_start3A_94 = arith.constant 0 : i32
    %dma_start3A_95 = arith.constant 0 : i32
    %dma_start3A_96 = tpu.memref_slice %arg4[%add3A_16, %dma_start3A_89, %dma_start3A_94, %dma_start3A_95] : memref<32x3x224x224xf32, #tpu.memory_space<hbm>> -> memref<1x1x112x224xf32, #tpu.memory_space<hbm>>
    %dma_start3A_97 = tpu.memref_squeeze %dma_start3A_96 : memref<1x1x112x224xf32, #tpu.memory_space<hbm>> -> memref<112x224xf32, #tpu.memory_space<hbm>>
    tpu.enqueue_dma source(%arg6 : memref<112x224xf32, #tpu.memory_space<vmem>>) target(%dma_start3A_97 : memref<112x224xf32, #tpu.memory_space<hbm>>) target_semaphore(%arg15 : memref<!tpu.dma_semaphore, #tpu.memory_space<semaphore_mem>>)
    %dma_wait3A_98 = arith.constant 0 : i32
    %dma_wait3A_99 = arith.constant 0 : i32
    %dma_wait3A_100 = arith.constant 0 : i32
    %dma_wait3A_101 = tpu.memref_slice %arg4[%add3A_16, %dma_wait3A_98, %dma_wait3A_99, %dma_wait3A_100] : memref<32x3x224x224xf32, #tpu.memory_space<hbm>> -> memref<1x1x112x224xf32, #tpu.memory_space<hbm>>
    %dma_wait3A_102 = tpu.memref_squeeze %dma_wait3A_101 : memref<1x1x112x224xf32, #tpu.memory_space<hbm>> -> memref<112x224xf32, #tpu.memory_space<hbm>>
    %dma_wait3A_103 = arith.constant 0 : i32
    %dma_wait3A_104 = arith.constant 0 : i32
    %dma_wait3A_105 = tpu.memref_slice %arg4[%add3A_16, %dma_wait3A_98, %dma_wait3A_103, %dma_wait3A_104] : memref<32x3x224x224xf32, #tpu.memory_space<hbm>> -> memref<1x1x112x224xf32, #tpu.memory_space<hbm>>
    %dma_wait3A_106 = tpu.memref_squeeze %dma_wait3A_105 : memref<1x1x112x224xf32, #tpu.memory_space<hbm>> -> memref<112x224xf32, #tpu.memory_space<hbm>>
    tpu.wait_dma2 semaphore(%arg15 : memref<!tpu.dma_semaphore, #tpu.memory_space<semaphore_mem>>) src(%arg6 : memref<112x224xf32, #tpu.memory_space<vmem>>) dst(%dma_wait3A_106 : memref<112x224xf32, #tpu.memory_space<hbm>>)
    %dma_start3A_107 = arith.constant 1 : i32
    %dma_start3A_108 = arith.constant 0 : i32
    %dma_start3A_109 = arith.constant 0 : i32
    %dma_start3A_110 = tpu.memref_slice %arg2[%add3A_16, %dma_start3A_107, %dma_start3A_108, %dma_start3A_109] : memref<64x3x224x224xf32, #tpu.memory_space<hbm>> -> memref<1x1x112x224xf32, #tpu.memory_space<hbm>>
    %dma_start3A_111 = tpu.memref_squeeze %dma_start3A_110 : memref<1x1x112x224xf32, #tpu.memory_space<hbm>> -> memref<112x224xf32, #tpu.memory_space<hbm>>
    %dma_start3A_112 = arith.constant 0 : i32
    %dma_start3A_113 = arith.constant 0 : i32
    %dma_start3A_114 = tpu.memref_slice %arg2[%add3A_16, %dma_start3A_107, %dma_start3A_112, %dma_start3A_113] : memref<64x3x224x224xf32, #tpu.memory_space<hbm>> -> memref<1x1x112x224xf32, #tpu.memory_space<hbm>>
    %dma_start3A_115 = tpu.memref_squeeze %dma_start3A_114 : memref<1x1x112x224xf32, #tpu.memory_space<hbm>> -> memref<112x224xf32, #tpu.memory_space<hbm>>
    tpu.enqueue_dma source(%dma_start3A_115 : memref<112x224xf32, #tpu.memory_space<hbm>>) target(%arg6 : memref<112x224xf32, #tpu.memory_space<vmem>>) target_semaphore(%arg13 : memref<!tpu.dma_semaphore, #tpu.memory_space<semaphore_mem>>)
    %dma_wait3A_116 = arith.constant 0 : i32
    %dma_wait3A_117 = arith.constant 112 : i32
    %dma_wait3A_118 = arith.constant 0 : i32
    %dma_wait3A_119 = tpu.memref_slice %arg2[%add3A_16, %dma_wait3A_116, %dma_wait3A_117, %dma_wait3A_118] : memref<64x3x224x224xf32, #tpu.memory_space<hbm>> -> memref<1x1x112x224xf32, #tpu.memory_space<hbm>>
    %dma_wait3A_120 = tpu.memref_squeeze %dma_wait3A_119 : memref<1x1x112x224xf32, #tpu.memory_space<hbm>> -> memref<112x224xf32, #tpu.memory_space<hbm>>
    %dma_wait3A_121 = arith.constant 112 : i32
    %dma_wait3A_122 = arith.constant 0 : i32
    %dma_wait3A_123 = tpu.memref_slice %arg2[%add3A_16, %dma_wait3A_116, %dma_wait3A_121, %dma_wait3A_122] : memref<64x3x224x224xf32, #tpu.memory_space<hbm>> -> memref<1x1x112x224xf32, #tpu.memory_space<hbm>>
    %dma_wait3A_124 = tpu.memref_squeeze %dma_wait3A_123 : memref<1x1x112x224xf32, #tpu.memory_space<hbm>> -> memref<112x224xf32, #tpu.memory_space<hbm>>
    tpu.wait_dma2 semaphore(%arg14 : memref<!tpu.dma_semaphore, #tpu.memory_space<semaphore_mem>>) src(%dma_wait3A_124 : memref<112x224xf32, #tpu.memory_space<hbm>>) dst(%arg7 : memref<112x224xf32, #tpu.memory_space<vmem>>)
    %mul3A_125 = arith.constant 3 : i32
    %mul3A_126 = arith.muli %add3A_16, %mul3A_125 : i32
    %add3A_127 = arith.constant 0 : i32
    %add3A_128 = arith.addi %mul3A_126, %add3A_127 : i32
    %mul3A_129 = arith.constant 50176 : i32
    %mul3A_130 = arith.muli %add3A_128, %mul3A_129 : i32
    %add3A_131 = arith.constant 25088 : i32
    %add3A_132 = arith.addi %mul3A_130, %add3A_131 : i32
    %parallel_loop3A_133 = arith.constant 0 : i32
    %parallel_loop3A_134 = arith.constant 1 : i32
    scf.for %parallel_loop3A_328 = %parallel_loop3A_133 to %reduce_max3A_52 step %parallel_loop3A_134  : i32 {
      %parallel_loop3A_329 = vector.broadcast %parallel_loop3A_328 : i32 to vector<16xi32>
      %parallel_loop3A_330 = arith.addi %mul3A_3, %parallel_loop3A_329 : vector<16xi32>
      %parallel_loop3A_331 = tpu.vector_load_idx %arg10[%parallel_loop3A_330] : memref<3072xi32, #tpu.memory_space<vmem>>[vector<16xi32>], vector<16xi32>,
      %parallel_loop3A_332 = tpu.vector_load_idx %arg11[%parallel_loop3A_330] : memref<3072xi32, #tpu.memory_space<vmem>>[vector<16xi32>], vector<16xi32>,
      %parallel_loop3A_333 = vector.broadcast %parallel_loop3A_328 : i32 to vector<16xi32>
      %parallel_loop3A_334 = arith.cmpi slt, %parallel_loop3A_333, %scan3A_36 : vector<16xi32>
      %parallel_loop3A_335 = arith.constant 224 : i32
      %parallel_loop3A_336 = vector.broadcast %parallel_loop3A_335 : i32 to vector<16xi32>
      %parallel_loop3A_337 = arith.muli %parallel_loop3A_331, %parallel_loop3A_336 : vector<16xi32>
      %parallel_loop3A_338 = arith.addi %parallel_loop3A_337, %parallel_loop3A_332 : vector<16xi32>
      %parallel_loop3A_339 = vector.broadcast %add3A_132 : i32 to vector<16xi32>
      %parallel_loop3A_340 = arith.addi %parallel_loop3A_339, %parallel_loop3A_338 : vector<16xi32>
      %parallel_loop3A_341 = arith.constant 64467757 : i32
      %parallel_loop3A_342 = vector.broadcast %parallel_loop3A_341 : i32 to vector<16xi32>
      %parallel_loop3A_343 = arith.constant -1378843660 : i32
      %parallel_loop3A_344 = vector.broadcast %parallel_loop3A_343 : i32 to vector<16xi32>
      %parallel_loop3A_345 = arith.addi %parallel_loop3A_340, %parallel_loop3A_344 : vector<16xi32>
      %parallel_loop3A_346 = arith.addi %parallel_loop3A_342, %parallel_loop3A_345 : vector<16xi32>
      %parallel_loop3A_347 = arith.constant 13 : i32
      %parallel_loop3A_348 = vector.broadcast %parallel_loop3A_347 : i32 to vector<16xi32>
      %parallel_loop3A_349 = arith.shli %parallel_loop3A_345, %parallel_loop3A_348 : vector<16xi32>
      %parallel_loop3A_350 = arith.constant 19 : i32
      %parallel_loop3A_351 = vector.broadcast %parallel_loop3A_350 : i32 to vector<16xi32>
      %parallel_loop3A_352 = arith.shrui %parallel_loop3A_345, %parallel_loop3A_351 : vector<16xi32>
      %parallel_loop3A_353 = arith.ori %parallel_loop3A_349, %parallel_loop3A_352 : vector<16xi32>
      %parallel_loop3A_354 = arith.xori %parallel_loop3A_353, %parallel_loop3A_346 : vector<16xi32>
      %parallel_loop3A_355 = arith.addi %parallel_loop3A_346, %parallel_loop3A_354 : vector<16xi32>
      %parallel_loop3A_356 = arith.constant 15 : i32
      %parallel_loop3A_357 = vector.broadcast %parallel_loop3A_356 : i32 to vector<16xi32>
      %parallel_loop3A_358 = arith.shli %parallel_loop3A_354, %parallel_loop3A_357 : vector<16xi32>
      %parallel_loop3A_359 = arith.constant 17 : i32
      %parallel_loop3A_360 = vector.broadcast %parallel_loop3A_359 : i32 to vector<16xi32>
      %parallel_loop3A_361 = arith.shrui %parallel_loop3A_354, %parallel_loop3A_360 : vector<16xi32>
      %parallel_loop3A_362 = arith.ori %parallel_loop3A_358, %parallel_loop3A_361 : vector<16xi32>
      %parallel_loop3A_363 = arith.xori %parallel_loop3A_362, %parallel_loop3A_355 : vector<16xi32>
      %parallel_loop3A_364 = arith.addi %parallel_loop3A_355, %parallel_loop3A_363 : vector<16xi32>
      %parallel_loop3A_365 = arith.constant 26 : i32
      %parallel_loop3A_366 = vector.broadcast %parallel_loop3A_365 : i32 to vector<16xi32>
      %parallel_loop3A_367 = arith.shli %parallel_loop3A_363, %parallel_loop3A_366 : vector<16xi32>
      %parallel_loop3A_368 = arith.constant 6 : i32
      %parallel_loop3A_369 = vector.broadcast %parallel_loop3A_368 : i32 to vector<16xi32>
      %parallel_loop3A_370 = arith.shrui %parallel_loop3A_363, %parallel_loop3A_369 : vector<16xi32>
      %parallel_loop3A_371 = arith.ori %parallel_loop3A_367, %parallel_loop3A_370 : vector<16xi32>
      %parallel_loop3A_372 = arith.xori %parallel_loop3A_371, %parallel_loop3A_364 : vector<16xi32>
      %parallel_loop3A_373 = arith.addi %parallel_loop3A_364, %parallel_loop3A_372 : vector<16xi32>
      %parallel_loop3A_374 = arith.constant 6 : i32
      %parallel_loop3A_375 = vector.broadcast %parallel_loop3A_374 : i32 to vector<16xi32>
      %parallel_loop3A_376 = arith.shli %parallel_loop3A_372, %parallel_loop3A_375 : vector<16xi32>
      %parallel_loop3A_377 = arith.constant 26 : i32
      %parallel_loop3A_378 = vector.broadcast %parallel_loop3A_377 : i32 to vector<16xi32>
      %parallel_loop3A_379 = arith.shrui %parallel_loop3A_372, %parallel_loop3A_378 : vector<16xi32>
      %parallel_loop3A_380 = arith.ori %parallel_loop3A_376, %parallel_loop3A_379 : vector<16xi32>
      %parallel_loop3A_381 = arith.xori %parallel_loop3A_380, %parallel_loop3A_373 : vector<16xi32>
      %parallel_loop3A_382 = arith.constant -1378843660 : i32
      %parallel_loop3A_383 = vector.broadcast %parallel_loop3A_382 : i32 to vector<16xi32>
      %parallel_loop3A_384 = arith.addi %parallel_loop3A_373, %parallel_loop3A_383 : vector<16xi32>
      %parallel_loop3A_385 = arith.constant -1244255484 : i32
      %parallel_loop3A_386 = vector.broadcast %parallel_loop3A_385 : i32 to vector<16xi32>
      %parallel_loop3A_387 = arith.addi %parallel_loop3A_381, %parallel_loop3A_386 : vector<16xi32>
      %parallel_loop3A_388 = arith.addi %parallel_loop3A_384, %parallel_loop3A_387 : vector<16xi32>
      %parallel_loop3A_389 = arith.constant 17 : i32
      %parallel_loop3A_390 = vector.broadcast %parallel_loop3A_389 : i32 to vector<16xi32>
      %parallel_loop3A_391 = arith.shli %parallel_loop3A_387, %parallel_loop3A_390 : vector<16xi32>
      %parallel_loop3A_392 = arith.constant 15 : i32
      %parallel_loop3A_393 = vector.broadcast %parallel_loop3A_392 : i32 to vector<16xi32>
      %parallel_loop3A_394 = arith.shrui %parallel_loop3A_387, %parallel_loop3A_393 : vector<16xi32>
      %parallel_loop3A_395 = arith.ori %parallel_loop3A_391, %parallel_loop3A_394 : vector<16xi32>
      %parallel_loop3A_396 = arith.xori %parallel_loop3A_395, %parallel_loop3A_388 : vector<16xi32>
      %parallel_loop3A_397 = arith.addi %parallel_loop3A_388, %parallel_loop3A_396 : vector<16xi32>
      %parallel_loop3A_398 = arith.constant 29 : i32
      %parallel_loop3A_399 = vector.broadcast %parallel_loop3A_398 : i32 to vector<16xi32>
      %parallel_loop3A_400 = arith.shli %parallel_loop3A_396, %parallel_loop3A_399 : vector<16xi32>
      %parallel_loop3A_401 = arith.constant 3 : i32
      %parallel_loop3A_402 = vector.broadcast %parallel_loop3A_401 : i32 to vector<16xi32>
      %parallel_loop3A_403 = arith.shrui %parallel_loop3A_396, %parallel_loop3A_402 : vector<16xi32>
      %parallel_loop3A_404 = arith.ori %parallel_loop3A_400, %parallel_loop3A_403 : vector<16xi32>
      %parallel_loop3A_405 = arith.xori %parallel_loop3A_404, %parallel_loop3A_397 : vector<16xi32>
      %parallel_loop3A_406 = arith.addi %parallel_loop3A_397, %parallel_loop3A_405 : vector<16xi32>
      %parallel_loop3A_407 = arith.constant 16 : i32
      %parallel_loop3A_408 = vector.broadcast %parallel_loop3A_407 : i32 to vector<16xi32>
      %parallel_loop3A_409 = arith.shli %parallel_loop3A_405, %parallel_loop3A_408 : vector<16xi32>
      %parallel_loop3A_410 = arith.constant 16 : i32
      %parallel_loop3A_411 = vector.broadcast %parallel_loop3A_410 : i32 to vector<16xi32>
      %parallel_loop3A_412 = arith.shrui %parallel_loop3A_405, %parallel_loop3A_411 : vector<16xi32>
      %parallel_loop3A_413 = arith.ori %parallel_loop3A_409, %parallel_loop3A_412 : vector<16xi32>
      %parallel_loop3A_414 = arith.xori %parallel_loop3A_413, %parallel_loop3A_406 : vector<16xi32>
      %parallel_loop3A_415 = arith.addi %parallel_loop3A_406, %parallel_loop3A_414 : vector<16xi32>
      %parallel_loop3A_416 = arith.constant 24 : i32
      %parallel_loop3A_417 = vector.broadcast %parallel_loop3A_416 : i32 to vector<16xi32>
      %parallel_loop3A_418 = arith.shli %parallel_loop3A_414, %parallel_loop3A_417 : vector<16xi32>
      %parallel_loop3A_419 = arith.constant 8 : i32
      %parallel_loop3A_420 = vector.broadcast %parallel_loop3A_419 : i32 to vector<16xi32>
      %parallel_loop3A_421 = arith.shrui %parallel_loop3A_414, %parallel_loop3A_420 : vector<16xi32>
      %parallel_loop3A_422 = arith.ori %parallel_loop3A_418, %parallel_loop3A_421 : vector<16xi32>
      %parallel_loop3A_423 = arith.xori %parallel_loop3A_422, %parallel_loop3A_415 : vector<16xi32>
      %parallel_loop3A_424 = arith.constant -1244255485 : i32
      %parallel_loop3A_425 = vector.broadcast %parallel_loop3A_424 : i32 to vector<16xi32>
      %parallel_loop3A_426 = arith.addi %parallel_loop3A_415, %parallel_loop3A_425 : vector<16xi32>
      %parallel_loop3A_427 = arith.constant 64467759 : i32
      %parallel_loop3A_428 = vector.broadcast %parallel_loop3A_427 : i32 to vector<16xi32>
      %parallel_loop3A_429 = arith.addi %parallel_loop3A_423, %parallel_loop3A_428 : vector<16xi32>
      %parallel_loop3A_430 = arith.addi %parallel_loop3A_426, %parallel_loop3A_429 : vector<16xi32>
      %parallel_loop3A_431 = arith.constant 13 : i32
      %parallel_loop3A_432 = vector.broadcast %parallel_loop3A_431 : i32 to vector<16xi32>
      %parallel_loop3A_433 = arith.shli %parallel_loop3A_429, %parallel_loop3A_432 : vector<16xi32>
      %parallel_loop3A_434 = arith.constant 19 : i32
      %parallel_loop3A_435 = vector.broadcast %parallel_loop3A_434 : i32 to vector<16xi32>
      %parallel_loop3A_436 = arith.shrui %parallel_loop3A_429, %parallel_loop3A_435 : vector<16xi32>
      %parallel_loop3A_437 = arith.ori %parallel_loop3A_433, %parallel_loop3A_436 : vector<16xi32>
      %parallel_loop3A_438 = arith.xori %parallel_loop3A_437, %parallel_loop3A_430 : vector<16xi32>
      %parallel_loop3A_439 = arith.addi %parallel_loop3A_430, %parallel_loop3A_438 : vector<16xi32>
      %parallel_loop3A_440 = arith.constant 15 : i32
      %parallel_loop3A_441 = vector.broadcast %parallel_loop3A_440 : i32 to vector<16xi32>
      %parallel_loop3A_442 = arith.shli %parallel_loop3A_438, %parallel_loop3A_441 : vector<16xi32>
      %parallel_loop3A_443 = arith.constant 17 : i32
      %parallel_loop3A_444 = vector.broadcast %parallel_loop3A_443 : i32 to vector<16xi32>
      %parallel_loop3A_445 = arith.shrui %parallel_loop3A_438, %parallel_loop3A_444 : vector<16xi32>
      %parallel_loop3A_446 = arith.ori %parallel_loop3A_442, %parallel_loop3A_445 : vector<16xi32>
      %parallel_loop3A_447 = arith.xori %parallel_loop3A_446, %parallel_loop3A_439 : vector<16xi32>
      %parallel_loop3A_448 = arith.addi %parallel_loop3A_439, %parallel_loop3A_447 : vector<16xi32>
      %parallel_loop3A_449 = arith.constant 26 : i32
      %parallel_loop3A_450 = vector.broadcast %parallel_loop3A_449 : i32 to vector<16xi32>
      %parallel_loop3A_451 = arith.shli %parallel_loop3A_447, %parallel_loop3A_450 : vector<16xi32>
      %parallel_loop3A_452 = arith.constant 6 : i32
      %parallel_loop3A_453 = vector.broadcast %parallel_loop3A_452 : i32 to vector<16xi32>
      %parallel_loop3A_454 = arith.shrui %parallel_loop3A_447, %parallel_loop3A_453 : vector<16xi32>
      %parallel_loop3A_455 = arith.ori %parallel_loop3A_451, %parallel_loop3A_454 : vector<16xi32>
      %parallel_loop3A_456 = arith.xori %parallel_loop3A_455, %parallel_loop3A_448 : vector<16xi32>
      %parallel_loop3A_457 = arith.addi %parallel_loop3A_448, %parallel_loop3A_456 : vector<16xi32>
      %parallel_loop3A_458 = arith.constant 6 : i32
      %parallel_loop3A_459 = vector.broadcast %parallel_loop3A_458 : i32 to vector<16xi32>
      %parallel_loop3A_460 = arith.shli %parallel_loop3A_456, %parallel_loop3A_459 : vector<16xi32>
      %parallel_loop3A_461 = arith.constant 26 : i32
      %parallel_loop3A_462 = vector.broadcast %parallel_loop3A_461 : i32 to vector<16xi32>
      %parallel_loop3A_463 = arith.shrui %parallel_loop3A_456, %parallel_loop3A_462 : vector<16xi32>
      %parallel_loop3A_464 = arith.ori %parallel_loop3A_460, %parallel_loop3A_463 : vector<16xi32>
      %parallel_loop3A_465 = arith.xori %parallel_loop3A_464, %parallel_loop3A_457 : vector<16xi32>
      %parallel_loop3A_466 = arith.constant 64467757 : i32
      %parallel_loop3A_467 = vector.broadcast %parallel_loop3A_466 : i32 to vector<16xi32>
      %parallel_loop3A_468 = arith.addi %parallel_loop3A_457, %parallel_loop3A_467 : vector<16xi32>
      %parallel_loop3A_469 = arith.constant -1378843657 : i32
      %parallel_loop3A_470 = vector.broadcast %parallel_loop3A_469 : i32 to vector<16xi32>
      %parallel_loop3A_471 = arith.addi %parallel_loop3A_465, %parallel_loop3A_470 : vector<16xi32>
      %parallel_loop3A_472 = arith.addi %parallel_loop3A_468, %parallel_loop3A_471 : vector<16xi32>
      %parallel_loop3A_473 = arith.constant 17 : i32
      %parallel_loop3A_474 = vector.broadcast %parallel_loop3A_473 : i32 to vector<16xi32>
      %parallel_loop3A_475 = arith.shli %parallel_loop3A_471, %parallel_loop3A_474 : vector<16xi32>
      %parallel_loop3A_476 = arith.constant 15 : i32
      %parallel_loop3A_477 = vector.broadcast %parallel_loop3A_476 : i32 to vector<16xi32>
      %parallel_loop3A_478 = arith.shrui %parallel_loop3A_471, %parallel_loop3A_477 : vector<16xi32>
      %parallel_loop3A_479 = arith.ori %parallel_loop3A_475, %parallel_loop3A_478 : vector<16xi32>
      %parallel_loop3A_480 = arith.xori %parallel_loop3A_479, %parallel_loop3A_472 : vector<16xi32>
      %parallel_loop3A_481 = arith.addi %parallel_loop3A_472, %parallel_loop3A_480 : vector<16xi32>
      %parallel_loop3A_482 = arith.constant 29 : i32
      %parallel_loop3A_483 = vector.broadcast %parallel_loop3A_482 : i32 to vector<16xi32>
      %parallel_loop3A_484 = arith.shli %parallel_loop3A_480, %parallel_loop3A_483 : vector<16xi32>
      %parallel_loop3A_485 = arith.constant 3 : i32
      %parallel_loop3A_486 = vector.broadcast %parallel_loop3A_485 : i32 to vector<16xi32>
      %parallel_loop3A_487 = arith.shrui %parallel_loop3A_480, %parallel_loop3A_486 : vector<16xi32>
      %parallel_loop3A_488 = arith.ori %parallel_loop3A_484, %parallel_loop3A_487 : vector<16xi32>
      %parallel_loop3A_489 = arith.xori %parallel_loop3A_488, %parallel_loop3A_481 : vector<16xi32>
      %parallel_loop3A_490 = arith.addi %parallel_loop3A_481, %parallel_loop3A_489 : vector<16xi32>
      %parallel_loop3A_491 = arith.constant 16 : i32
      %parallel_loop3A_492 = vector.broadcast %parallel_loop3A_491 : i32 to vector<16xi32>
      %parallel_loop3A_493 = arith.shli %parallel_loop3A_489, %parallel_loop3A_492 : vector<16xi32>
      %parallel_loop3A_494 = arith.constant 16 : i32
      %parallel_loop3A_495 = vector.broadcast %parallel_loop3A_494 : i32 to vector<16xi32>
      %parallel_loop3A_496 = arith.shrui %parallel_loop3A_489, %parallel_loop3A_495 : vector<16xi32>
      %parallel_loop3A_497 = arith.ori %parallel_loop3A_493, %parallel_loop3A_496 : vector<16xi32>
      %parallel_loop3A_498 = arith.xori %parallel_loop3A_497, %parallel_loop3A_490 : vector<16xi32>
      %parallel_loop3A_499 = arith.addi %parallel_loop3A_490, %parallel_loop3A_498 : vector<16xi32>
      %parallel_loop3A_500 = arith.constant 24 : i32
      %parallel_loop3A_501 = vector.broadcast %parallel_loop3A_500 : i32 to vector<16xi32>
      %parallel_loop3A_502 = arith.shli %parallel_loop3A_498, %parallel_loop3A_501 : vector<16xi32>
      %parallel_loop3A_503 = arith.constant 8 : i32
      %parallel_loop3A_504 = vector.broadcast %parallel_loop3A_503 : i32 to vector<16xi32>
      %parallel_loop3A_505 = arith.shrui %parallel_loop3A_498, %parallel_loop3A_504 : vector<16xi32>
      %parallel_loop3A_506 = arith.ori %parallel_loop3A_502, %parallel_loop3A_505 : vector<16xi32>
      %parallel_loop3A_507 = arith.xori %parallel_loop3A_506, %parallel_loop3A_499 : vector<16xi32>
      %parallel_loop3A_508 = arith.constant -1378843660 : i32
      %parallel_loop3A_509 = vector.broadcast %parallel_loop3A_508 : i32 to vector<16xi32>
      %parallel_loop3A_510 = arith.addi %parallel_loop3A_499, %parallel_loop3A_509 : vector<16xi32>
      %parallel_loop3A_511 = arith.constant -1244255481 : i32
      %parallel_loop3A_512 = vector.broadcast %parallel_loop3A_511 : i32 to vector<16xi32>
      %parallel_loop3A_513 = arith.addi %parallel_loop3A_507, %parallel_loop3A_512 : vector<16xi32>
      %parallel_loop3A_514 = arith.addi %parallel_loop3A_510, %parallel_loop3A_513 : vector<16xi32>
      %parallel_loop3A_515 = arith.constant 13 : i32
      %parallel_loop3A_516 = vector.broadcast %parallel_loop3A_515 : i32 to vector<16xi32>
      %parallel_loop3A_517 = arith.shli %parallel_loop3A_513, %parallel_loop3A_516 : vector<16xi32>
      %parallel_loop3A_518 = arith.constant 19 : i32
      %parallel_loop3A_519 = vector.broadcast %parallel_loop3A_518 : i32 to vector<16xi32>
      %parallel_loop3A_520 = arith.shrui %parallel_loop3A_513, %parallel_loop3A_519 : vector<16xi32>
      %parallel_loop3A_521 = arith.ori %parallel_loop3A_517, %parallel_loop3A_520 : vector<16xi32>
      %parallel_loop3A_522 = arith.xori %parallel_loop3A_521, %parallel_loop3A_514 : vector<16xi32>
      %parallel_loop3A_523 = arith.addi %parallel_loop3A_514, %parallel_loop3A_522 : vector<16xi32>
      %parallel_loop3A_524 = arith.constant 15 : i32
      %parallel_loop3A_525 = vector.broadcast %parallel_loop3A_524 : i32 to vector<16xi32>
      %parallel_loop3A_526 = arith.shli %parallel_loop3A_522, %parallel_loop3A_525 : vector<16xi32>
      %parallel_loop3A_527 = arith.constant 17 : i32
      %parallel_loop3A_528 = vector.broadcast %parallel_loop3A_527 : i32 to vector<16xi32>
      %parallel_loop3A_529 = arith.shrui %parallel_loop3A_522, %parallel_loop3A_528 : vector<16xi32>
      %parallel_loop3A_530 = arith.ori %parallel_loop3A_526, %parallel_loop3A_529 : vector<16xi32>
      %parallel_loop3A_531 = arith.xori %parallel_loop3A_530, %parallel_loop3A_523 : vector<16xi32>
      %parallel_loop3A_532 = arith.addi %parallel_loop3A_523, %parallel_loop3A_531 : vector<16xi32>
      %parallel_loop3A_533 = arith.constant 26 : i32
      %parallel_loop3A_534 = vector.broadcast %parallel_loop3A_533 : i32 to vector<16xi32>
      %parallel_loop3A_535 = arith.shli %parallel_loop3A_531, %parallel_loop3A_534 : vector<16xi32>
      %parallel_loop3A_536 = arith.constant 6 : i32
      %parallel_loop3A_537 = vector.broadcast %parallel_loop3A_536 : i32 to vector<16xi32>
      %parallel_loop3A_538 = arith.shrui %parallel_loop3A_531, %parallel_loop3A_537 : vector<16xi32>
      %parallel_loop3A_539 = arith.ori %parallel_loop3A_535, %parallel_loop3A_538 : vector<16xi32>
      %parallel_loop3A_540 = arith.xori %parallel_loop3A_539, %parallel_loop3A_532 : vector<16xi32>
      %parallel_loop3A_541 = arith.addi %parallel_loop3A_532, %parallel_loop3A_540 : vector<16xi32>
      %parallel_loop3A_542 = arith.constant 6 : i32
      %parallel_loop3A_543 = vector.broadcast %parallel_loop3A_542 : i32 to vector<16xi32>
      %parallel_loop3A_544 = arith.shli %parallel_loop3A_540, %parallel_loop3A_543 : vector<16xi32>
      %parallel_loop3A_545 = arith.constant 26 : i32
      %parallel_loop3A_546 = vector.broadcast %parallel_loop3A_545 : i32 to vector<16xi32>
      %parallel_loop3A_547 = arith.shrui %parallel_loop3A_540, %parallel_loop3A_546 : vector<16xi32>
      %parallel_loop3A_548 = arith.ori %parallel_loop3A_544, %parallel_loop3A_547 : vector<16xi32>
      %parallel_loop3A_549 = arith.xori %parallel_loop3A_548, %parallel_loop3A_541 : vector<16xi32>
      %parallel_loop3A_550 = arith.constant -1244255485 : i32
      %parallel_loop3A_551 = vector.broadcast %parallel_loop3A_550 : i32 to vector<16xi32>
      %parallel_loop3A_552 = arith.addi %parallel_loop3A_541, %parallel_loop3A_551 : vector<16xi32>
      %parallel_loop3A_553 = arith.constant 64467762 : i32
      %parallel_loop3A_554 = vector.broadcast %parallel_loop3A_553 : i32 to vector<16xi32>
      %parallel_loop3A_555 = arith.addi %parallel_loop3A_549, %parallel_loop3A_554 : vector<16xi32>
      %parallel_loop3A_556 = arith.xori %parallel_loop3A_552, %parallel_loop3A_555 : vector<16xi32>
      %parallel_loop3A_557 = arith.constant -2147483136 : i32
      %parallel_loop3A_558 = vector.broadcast %parallel_loop3A_557 : i32 to vector<16xi32>
      %parallel_loop3A_559 = arith.cmpi uge, %parallel_loop3A_556, %parallel_loop3A_558 : vector<16xi32>
      %parallel_loop3A_560 = arith.constant 1.000000e+00 : f32
      %parallel_loop3A_561 = arith.constant 0.000000e+00 : f32
      %parallel_loop3A_562 = vector.broadcast %parallel_loop3A_560 : f32 to vector<16xf32>
      %parallel_loop3A_563 = vector.broadcast %parallel_loop3A_561 : f32 to vector<16xf32>
      %parallel_loop3A_564 = arith.select %parallel_loop3A_559, %parallel_loop3A_562, %parallel_loop3A_563 : vector<16xi1>, vector<16xf32>
      tpu.vector_store_idx %arg7[%parallel_loop3A_331, %parallel_loop3A_332], %parallel_loop3A_564 masked %parallel_loop3A_334 : memref<112x224xf32, #tpu.memory_space<vmem>>[vector<16xi32>, vector<16xi32>], vector<16xf32>, vector<16xi1>
    } {sc.loop_unroll_factor = 4 : i64, sc.parallel_access}
    %dma_start3A_135 = arith.constant 0 : i32
    %dma_start3A_136 = arith.constant 112 : i32
    %dma_start3A_137 = arith.constant 0 : i32
    %dma_start3A_138 = tpu.memref_slice %arg4[%add3A_16, %dma_start3A_135, %dma_start3A_136, %dma_start3A_137] : memref<32x3x224x224xf32, #tpu.memory_space<hbm>> -> memref<1x1x112x224xf32, #tpu.memory_space<hbm>>
    %dma_start3A_139 = tpu.memref_squeeze %dma_start3A_138 : memref<1x1x112x224xf32, #tpu.memory_space<hbm>> -> memref<112x224xf32, #tpu.memory_space<hbm>>
    %dma_start3A_140 = arith.constant 112 : i32
    %dma_start3A_141 = arith.constant 0 : i32
    %dma_start3A_142 = tpu.memref_slice %arg4[%add3A_16, %dma_start3A_135, %dma_start3A_140, %dma_start3A_141] : memref<32x3x224x224xf32, #tpu.memory_space<hbm>> -> memref<1x1x112x224xf32, #tpu.memory_space<hbm>>
    %dma_start3A_143 = tpu.memref_squeeze %dma_start3A_142 : memref<1x1x112x224xf32, #tpu.memory_space<hbm>> -> memref<112x224xf32, #tpu.memory_space<hbm>>
    tpu.enqueue_dma source(%arg7 : memref<112x224xf32, #tpu.memory_space<vmem>>) target(%dma_start3A_143 : memref<112x224xf32, #tpu.memory_space<hbm>>) target_semaphore(%arg16 : memref<!tpu.dma_semaphore, #tpu.memory_space<semaphore_mem>>)
    %dma_wait3A_144 = arith.constant 0 : i32
    %dma_wait3A_145 = arith.constant 112 : i32
    %dma_wait3A_146 = arith.constant 0 : i32
    %dma_wait3A_147 = tpu.memref_slice %arg4[%add3A_16, %dma_wait3A_144, %dma_wait3A_145, %dma_wait3A_146] : memref<32x3x224x224xf32, #tpu.memory_space<hbm>> -> memref<1x1x112x224xf32, #tpu.memory_space<hbm>>
    %dma_wait3A_148 = tpu.memref_squeeze %dma_wait3A_147 : memref<1x1x112x224xf32, #tpu.memory_space<hbm>> -> memref<112x224xf32, #tpu.memory_space<hbm>>
    %dma_wait3A_149 = arith.constant 112 : i32
    %dma_wait3A_150 = arith.constant 0 : i32
    %dma_wait3A_151 = tpu.memref_slice %arg4[%add3A_16, %dma_wait3A_144, %dma_wait3A_149, %dma_wait3A_150] : memref<32x3x224x224xf32, #tpu.memory_space<hbm>> -> memref<1x1x112x224xf32, #tpu.memory_space<hbm>>
    %dma_wait3A_152 = tpu.memref_squeeze %dma_wait3A_151 : memref<1x1x112x224xf32, #tpu.memory_space<hbm>> -> memref<112x224xf32, #tpu.memory_space<hbm>>
    tpu.wait_dma2 semaphore(%arg16 : memref<!tpu.dma_semaphore, #tpu.memory_space<semaphore_mem>>) src(%arg7 : memref<112x224xf32, #tpu.memory_space<vmem>>) dst(%dma_wait3A_152 : memref<112x224xf32, #tpu.memory_space<hbm>>)
    %dma_start3A_153 = arith.constant 1 : i32
    %dma_start3A_154 = arith.constant 112 : i32
    %dma_start3A_155 = arith.constant 0 : i32
    %dma_start3A_156 = tpu.memref_slice %arg2[%add3A_16, %dma_start3A_153, %dma_start3A_154, %dma_start3A_155] : memref<64x3x224x224xf32, #tpu.memory_space<hbm>> -> memref<1x1x112x224xf32, #tpu.memory_space<hbm>>
    %dma_start3A_157 = tpu.memref_squeeze %dma_start3A_156 : memref<1x1x112x224xf32, #tpu.memory_space<hbm>> -> memref<112x224xf32, #tpu.memory_space<hbm>>
    %dma_start3A_158 = arith.constant 112 : i32
    %dma_start3A_159 = arith.constant 0 : i32
    %dma_start3A_160 = tpu.memref_slice %arg2[%add3A_16, %dma_start3A_153, %dma_start3A_158, %dma_start3A_159] : memref<64x3x224x224xf32, #tpu.memory_space<hbm>> -> memref<1x1x112x224xf32, #tpu.memory_space<hbm>>
    %dma_start3A_161 = tpu.memref_squeeze %dma_start3A_160 : memref<1x1x112x224xf32, #tpu.memory_space<hbm>> -> memref<112x224xf32, #tpu.memory_space<hbm>>
    tpu.enqueue_dma source(%dma_start3A_161 : memref<112x224xf32, #tpu.memory_space<hbm>>) target(%arg7 : memref<112x224xf32, #tpu.memory_space<vmem>>) target_semaphore(%arg14 : memref<!tpu.dma_semaphore, #tpu.memory_space<semaphore_mem>>)
    %dma_wait3A_162 = arith.constant 1 : i32
    %dma_wait3A_163 = arith.constant 0 : i32
    %dma_wait3A_164 = arith.constant 0 : i32
    %dma_wait3A_165 = tpu.memref_slice %arg2[%add3A_16, %dma_wait3A_162, %dma_wait3A_163, %dma_wait3A_164] : memref<64x3x224x224xf32, #tpu.memory_space<hbm>> -> memref<1x1x112x224xf32, #tpu.memory_space<hbm>>
    %dma_wait3A_166 = tpu.memref_squeeze %dma_wait3A_165 : memref<1x1x112x224xf32, #tpu.memory_space<hbm>> -> memref<112x224xf32, #tpu.memory_space<hbm>>
    %dma_wait3A_167 = arith.constant 0 : i32
    %dma_wait3A_168 = arith.constant 0 : i32
    %dma_wait3A_169 = tpu.memref_slice %arg2[%add3A_16, %dma_wait3A_162, %dma_wait3A_167, %dma_wait3A_168] : memref<64x3x224x224xf32, #tpu.memory_space<hbm>> -> memref<1x1x112x224xf32, #tpu.memory_space<hbm>>
    %dma_wait3A_170 = tpu.memref_squeeze %dma_wait3A_169 : memref<1x1x112x224xf32, #tpu.memory_space<hbm>> -> memref<112x224xf32, #tpu.memory_space<hbm>>
    tpu.wait_dma2 semaphore(%arg13 : memref<!tpu.dma_semaphore, #tpu.memory_space<semaphore_mem>>) src(%dma_wait3A_170 : memref<112x224xf32, #tpu.memory_space<hbm>>) dst(%arg6 : memref<112x224xf32, #tpu.memory_space<vmem>>)
    %mul3A_171 = arith.constant 3 : i32
    %mul3A_172 = arith.muli %add3A_16, %mul3A_171 : i32
    %add3A_173 = arith.constant 1 : i32
    %add3A_174 = arith.addi %mul3A_172, %add3A_173 : i32
    %mul3A_175 = arith.constant 50176 : i32
    %mul3A_176 = arith.muli %add3A_174, %mul3A_175 : i32
    %add3A_177 = arith.constant 0 : i32
    %add3A_178 = arith.addi %mul3A_176, %add3A_177 : i32
    %parallel_loop3A_179 = arith.constant 0 : i32
    %parallel_loop3A_180 = arith.constant 1 : i32
    scf.for %parallel_loop3A_328 = %parallel_loop3A_179 to %reduce_max3A_44 step %parallel_loop3A_180  : i32 {
      %parallel_loop3A_329 = vector.broadcast %parallel_loop3A_328 : i32 to vector<16xi32>
      %parallel_loop3A_330 = arith.addi %mul3A_3, %parallel_loop3A_329 : vector<16xi32>
      %parallel_loop3A_331 = tpu.vector_load_idx %arg8[%parallel_loop3A_330] : memref<3072xi32, #tpu.memory_space<vmem>>[vector<16xi32>], vector<16xi32>,
      %parallel_loop3A_332 = tpu.vector_load_idx %arg9[%parallel_loop3A_330] : memref<3072xi32, #tpu.memory_space<vmem>>[vector<16xi32>], vector<16xi32>,
      %parallel_loop3A_333 = vector.broadcast %parallel_loop3A_328 : i32 to vector<16xi32>
      %parallel_loop3A_334 = arith.cmpi slt, %parallel_loop3A_333, %scan3A_28 : vector<16xi32>
      %parallel_loop3A_335 = arith.constant 224 : i32
      %parallel_loop3A_336 = vector.broadcast %parallel_loop3A_335 : i32 to vector<16xi32>
      %parallel_loop3A_337 = arith.muli %parallel_loop3A_331, %parallel_loop3A_336 : vector<16xi32>
      %parallel_loop3A_338 = arith.addi %parallel_loop3A_337, %parallel_loop3A_332 : vector<16xi32>
      %parallel_loop3A_339 = vector.broadcast %add3A_178 : i32 to vector<16xi32>
      %parallel_loop3A_340 = arith.addi %parallel_loop3A_339, %parallel_loop3A_338 : vector<16xi32>
      %parallel_loop3A_341 = arith.constant 64467757 : i32
      %parallel_loop3A_342 = vector.broadcast %parallel_loop3A_341 : i32 to vector<16xi32>
      %parallel_loop3A_343 = arith.constant -1378843660 : i32
      %parallel_loop3A_344 = vector.broadcast %parallel_loop3A_343 : i32 to vector<16xi32>
      %parallel_loop3A_345 = arith.addi %parallel_loop3A_340, %parallel_loop3A_344 : vector<16xi32>
      %parallel_loop3A_346 = arith.addi %parallel_loop3A_342, %parallel_loop3A_345 : vector<16xi32>
      %parallel_loop3A_347 = arith.constant 13 : i32
      %parallel_loop3A_348 = vector.broadcast %parallel_loop3A_347 : i32 to vector<16xi32>
      %parallel_loop3A_349 = arith.shli %parallel_loop3A_345, %parallel_loop3A_348 : vector<16xi32>
      %parallel_loop3A_350 = arith.constant 19 : i32
      %parallel_loop3A_351 = vector.broadcast %parallel_loop3A_350 : i32 to vector<16xi32>
      %parallel_loop3A_352 = arith.shrui %parallel_loop3A_345, %parallel_loop3A_351 : vector<16xi32>
      %parallel_loop3A_353 = arith.ori %parallel_loop3A_349, %parallel_loop3A_352 : vector<16xi32>
      %parallel_loop3A_354 = arith.xori %parallel_loop3A_353, %parallel_loop3A_346 : vector<16xi32>
      %parallel_loop3A_355 = arith.addi %parallel_loop3A_346, %parallel_loop3A_354 : vector<16xi32>
      %parallel_loop3A_356 = arith.constant 15 : i32
      %parallel_loop3A_357 = vector.broadcast %parallel_loop3A_356 : i32 to vector<16xi32>
      %parallel_loop3A_358 = arith.shli %parallel_loop3A_354, %parallel_loop3A_357 : vector<16xi32>
      %parallel_loop3A_359 = arith.constant 17 : i32
      %parallel_loop3A_360 = vector.broadcast %parallel_loop3A_359 : i32 to vector<16xi32>
      %parallel_loop3A_361 = arith.shrui %parallel_loop3A_354, %parallel_loop3A_360 : vector<16xi32>
      %parallel_loop3A_362 = arith.ori %parallel_loop3A_358, %parallel_loop3A_361 : vector<16xi32>
      %parallel_loop3A_363 = arith.xori %parallel_loop3A_362, %parallel_loop3A_355 : vector<16xi32>
      %parallel_loop3A_364 = arith.addi %parallel_loop3A_355, %parallel_loop3A_363 : vector<16xi32>
      %parallel_loop3A_365 = arith.constant 26 : i32
      %parallel_loop3A_366 = vector.broadcast %parallel_loop3A_365 : i32 to vector<16xi32>
      %parallel_loop3A_367 = arith.shli %parallel_loop3A_363, %parallel_loop3A_366 : vector<16xi32>
      %parallel_loop3A_368 = arith.constant 6 : i32
      %parallel_loop3A_369 = vector.broadcast %parallel_loop3A_368 : i32 to vector<16xi32>
      %parallel_loop3A_370 = arith.shrui %parallel_loop3A_363, %parallel_loop3A_369 : vector<16xi32>
      %parallel_loop3A_371 = arith.ori %parallel_loop3A_367, %parallel_loop3A_370 : vector<16xi32>
      %parallel_loop3A_372 = arith.xori %parallel_loop3A_371, %parallel_loop3A_364 : vector<16xi32>
      %parallel_loop3A_373 = arith.addi %parallel_loop3A_364, %parallel_loop3A_372 : vector<16xi32>
      %parallel_loop3A_374 = arith.constant 6 : i32
      %parallel_loop3A_375 = vector.broadcast %parallel_loop3A_374 : i32 to vector<16xi32>
      %parallel_loop3A_376 = arith.shli %parallel_loop3A_372, %parallel_loop3A_375 : vector<16xi32>
      %parallel_loop3A_377 = arith.constant 26 : i32
      %parallel_loop3A_378 = vector.broadcast %parallel_loop3A_377 : i32 to vector<16xi32>
      %parallel_loop3A_379 = arith.shrui %parallel_loop3A_372, %parallel_loop3A_378 : vector<16xi32>
      %parallel_loop3A_380 = arith.ori %parallel_loop3A_376, %parallel_loop3A_379 : vector<16xi32>
      %parallel_loop3A_381 = arith.xori %parallel_loop3A_380, %parallel_loop3A_373 : vector<16xi32>
      %parallel_loop3A_382 = arith.constant -1378843660 : i32
      %parallel_loop3A_383 = vector.broadcast %parallel_loop3A_382 : i32 to vector<16xi32>
      %parallel_loop3A_384 = arith.addi %parallel_loop3A_373, %parallel_loop3A_383 : vector<16xi32>
      %parallel_loop3A_385 = arith.constant -1244255484 : i32
      %parallel_loop3A_386 = vector.broadcast %parallel_loop3A_385 : i32 to vector<16xi32>
      %parallel_loop3A_387 = arith.addi %parallel_loop3A_381, %parallel_loop3A_386 : vector<16xi32>
      %parallel_loop3A_388 = arith.addi %parallel_loop3A_384, %parallel_loop3A_387 : vector<16xi32>
      %parallel_loop3A_389 = arith.constant 17 : i32
      %parallel_loop3A_390 = vector.broadcast %parallel_loop3A_389 : i32 to vector<16xi32>
      %parallel_loop3A_391 = arith.shli %parallel_loop3A_387, %parallel_loop3A_390 : vector<16xi32>
      %parallel_loop3A_392 = arith.constant 15 : i32
      %parallel_loop3A_393 = vector.broadcast %parallel_loop3A_392 : i32 to vector<16xi32>
      %parallel_loop3A_394 = arith.shrui %parallel_loop3A_387, %parallel_loop3A_393 : vector<16xi32>
      %parallel_loop3A_395 = arith.ori %parallel_loop3A_391, %parallel_loop3A_394 : vector<16xi32>
      %parallel_loop3A_396 = arith.xori %parallel_loop3A_395, %parallel_loop3A_388 : vector<16xi32>
      %parallel_loop3A_397 = arith.addi %parallel_loop3A_388, %parallel_loop3A_396 : vector<16xi32>
      %parallel_loop3A_398 = arith.constant 29 : i32
      %parallel_loop3A_399 = vector.broadcast %parallel_loop3A_398 : i32 to vector<16xi32>
      %parallel_loop3A_400 = arith.shli %parallel_loop3A_396, %parallel_loop3A_399 : vector<16xi32>
      %parallel_loop3A_401 = arith.constant 3 : i32
      %parallel_loop3A_402 = vector.broadcast %parallel_loop3A_401 : i32 to vector<16xi32>
      %parallel_loop3A_403 = arith.shrui %parallel_loop3A_396, %parallel_loop3A_402 : vector<16xi32>
      %parallel_loop3A_404 = arith.ori %parallel_loop3A_400, %parallel_loop3A_403 : vector<16xi32>
      %parallel_loop3A_405 = arith.xori %parallel_loop3A_404, %parallel_loop3A_397 : vector<16xi32>
      %parallel_loop3A_406 = arith.addi %parallel_loop3A_397, %parallel_loop3A_405 : vector<16xi32>
      %parallel_loop3A_407 = arith.constant 16 : i32
      %parallel_loop3A_408 = vector.broadcast %parallel_loop3A_407 : i32 to vector<16xi32>
      %parallel_loop3A_409 = arith.shli %parallel_loop3A_405, %parallel_loop3A_408 : vector<16xi32>
      %parallel_loop3A_410 = arith.constant 16 : i32
      %parallel_loop3A_411 = vector.broadcast %parallel_loop3A_410 : i32 to vector<16xi32>
      %parallel_loop3A_412 = arith.shrui %parallel_loop3A_405, %parallel_loop3A_411 : vector<16xi32>
      %parallel_loop3A_413 = arith.ori %parallel_loop3A_409, %parallel_loop3A_412 : vector<16xi32>
      %parallel_loop3A_414 = arith.xori %parallel_loop3A_413, %parallel_loop3A_406 : vector<16xi32>
      %parallel_loop3A_415 = arith.addi %parallel_loop3A_406, %parallel_loop3A_414 : vector<16xi32>
      %parallel_loop3A_416 = arith.constant 24 : i32
      %parallel_loop3A_417 = vector.broadcast %parallel_loop3A_416 : i32 to vector<16xi32>
      %parallel_loop3A_418 = arith.shli %parallel_loop3A_414, %parallel_loop3A_417 : vector<16xi32>
      %parallel_loop3A_419 = arith.constant 8 : i32
      %parallel_loop3A_420 = vector.broadcast %parallel_loop3A_419 : i32 to vector<16xi32>
      %parallel_loop3A_421 = arith.shrui %parallel_loop3A_414, %parallel_loop3A_420 : vector<16xi32>
      %parallel_loop3A_422 = arith.ori %parallel_loop3A_418, %parallel_loop3A_421 : vector<16xi32>
      %parallel_loop3A_423 = arith.xori %parallel_loop3A_422, %parallel_loop3A_415 : vector<16xi32>
      %parallel_loop3A_424 = arith.constant -1244255485 : i32
      %parallel_loop3A_425 = vector.broadcast %parallel_loop3A_424 : i32 to vector<16xi32>
      %parallel_loop3A_426 = arith.addi %parallel_loop3A_415, %parallel_loop3A_425 : vector<16xi32>
      %parallel_loop3A_427 = arith.constant 64467759 : i32
      %parallel_loop3A_428 = vector.broadcast %parallel_loop3A_427 : i32 to vector<16xi32>
      %parallel_loop3A_429 = arith.addi %parallel_loop3A_423, %parallel_loop3A_428 : vector<16xi32>
      %parallel_loop3A_430 = arith.addi %parallel_loop3A_426, %parallel_loop3A_429 : vector<16xi32>
      %parallel_loop3A_431 = arith.constant 13 : i32
      %parallel_loop3A_432 = vector.broadcast %parallel_loop3A_431 : i32 to vector<16xi32>
      %parallel_loop3A_433 = arith.shli %parallel_loop3A_429, %parallel_loop3A_432 : vector<16xi32>
      %parallel_loop3A_434 = arith.constant 19 : i32
      %parallel_loop3A_435 = vector.broadcast %parallel_loop3A_434 : i32 to vector<16xi32>
      %parallel_loop3A_436 = arith.shrui %parallel_loop3A_429, %parallel_loop3A_435 : vector<16xi32>
      %parallel_loop3A_437 = arith.ori %parallel_loop3A_433, %parallel_loop3A_436 : vector<16xi32>
      %parallel_loop3A_438 = arith.xori %parallel_loop3A_437, %parallel_loop3A_430 : vector<16xi32>
      %parallel_loop3A_439 = arith.addi %parallel_loop3A_430, %parallel_loop3A_438 : vector<16xi32>
      %parallel_loop3A_440 = arith.constant 15 : i32
      %parallel_loop3A_441 = vector.broadcast %parallel_loop3A_440 : i32 to vector<16xi32>
      %parallel_loop3A_442 = arith.shli %parallel_loop3A_438, %parallel_loop3A_441 : vector<16xi32>
      %parallel_loop3A_443 = arith.constant 17 : i32
      %parallel_loop3A_444 = vector.broadcast %parallel_loop3A_443 : i32 to vector<16xi32>
      %parallel_loop3A_445 = arith.shrui %parallel_loop3A_438, %parallel_loop3A_444 : vector<16xi32>
      %parallel_loop3A_446 = arith.ori %parallel_loop3A_442, %parallel_loop3A_445 : vector<16xi32>
      %parallel_loop3A_447 = arith.xori %parallel_loop3A_446, %parallel_loop3A_439 : vector<16xi32>
      %parallel_loop3A_448 = arith.addi %parallel_loop3A_439, %parallel_loop3A_447 : vector<16xi32>
      %parallel_loop3A_449 = arith.constant 26 : i32
      %parallel_loop3A_450 = vector.broadcast %parallel_loop3A_449 : i32 to vector<16xi32>
      %parallel_loop3A_451 = arith.shli %parallel_loop3A_447, %parallel_loop3A_450 : vector<16xi32>
      %parallel_loop3A_452 = arith.constant 6 : i32
      %parallel_loop3A_453 = vector.broadcast %parallel_loop3A_452 : i32 to vector<16xi32>
      %parallel_loop3A_454 = arith.shrui %parallel_loop3A_447, %parallel_loop3A_453 : vector<16xi32>
      %parallel_loop3A_455 = arith.ori %parallel_loop3A_451, %parallel_loop3A_454 : vector<16xi32>
      %parallel_loop3A_456 = arith.xori %parallel_loop3A_455, %parallel_loop3A_448 : vector<16xi32>
      %parallel_loop3A_457 = arith.addi %parallel_loop3A_448, %parallel_loop3A_456 : vector<16xi32>
      %parallel_loop3A_458 = arith.constant 6 : i32
      %parallel_loop3A_459 = vector.broadcast %parallel_loop3A_458 : i32 to vector<16xi32>
      %parallel_loop3A_460 = arith.shli %parallel_loop3A_456, %parallel_loop3A_459 : vector<16xi32>
      %parallel_loop3A_461 = arith.constant 26 : i32
      %parallel_loop3A_462 = vector.broadcast %parallel_loop3A_461 : i32 to vector<16xi32>
      %parallel_loop3A_463 = arith.shrui %parallel_loop3A_456, %parallel_loop3A_462 : vector<16xi32>
      %parallel_loop3A_464 = arith.ori %parallel_loop3A_460, %parallel_loop3A_463 : vector<16xi32>
      %parallel_loop3A_465 = arith.xori %parallel_loop3A_464, %parallel_loop3A_457 : vector<16xi32>
      %parallel_loop3A_466 = arith.constant 64467757 : i32
      %parallel_loop3A_467 = vector.broadcast %parallel_loop3A_466 : i32 to vector<16xi32>
      %parallel_loop3A_468 = arith.addi %parallel_loop3A_457, %parallel_loop3A_467 : vector<16xi32>
      %parallel_loop3A_469 = arith.constant -1378843657 : i32
      %parallel_loop3A_470 = vector.broadcast %parallel_loop3A_469 : i32 to vector<16xi32>
      %parallel_loop3A_471 = arith.addi %parallel_loop3A_465, %parallel_loop3A_470 : vector<16xi32>
      %parallel_loop3A_472 = arith.addi %parallel_loop3A_468, %parallel_loop3A_471 : vector<16xi32>
      %parallel_loop3A_473 = arith.constant 17 : i32
      %parallel_loop3A_474 = vector.broadcast %parallel_loop3A_473 : i32 to vector<16xi32>
      %parallel_loop3A_475 = arith.shli %parallel_loop3A_471, %parallel_loop3A_474 : vector<16xi32>
      %parallel_loop3A_476 = arith.constant 15 : i32
      %parallel_loop3A_477 = vector.broadcast %parallel_loop3A_476 : i32 to vector<16xi32>
      %parallel_loop3A_478 = arith.shrui %parallel_loop3A_471, %parallel_loop3A_477 : vector<16xi32>
      %parallel_loop3A_479 = arith.ori %parallel_loop3A_475, %parallel_loop3A_478 : vector<16xi32>
      %parallel_loop3A_480 = arith.xori %parallel_loop3A_479, %parallel_loop3A_472 : vector<16xi32>
      %parallel_loop3A_481 = arith.addi %parallel_loop3A_472, %parallel_loop3A_480 : vector<16xi32>
      %parallel_loop3A_482 = arith.constant 29 : i32
      %parallel_loop3A_483 = vector.broadcast %parallel_loop3A_482 : i32 to vector<16xi32>
      %parallel_loop3A_484 = arith.shli %parallel_loop3A_480, %parallel_loop3A_483 : vector<16xi32>
      %parallel_loop3A_485 = arith.constant 3 : i32
      %parallel_loop3A_486 = vector.broadcast %parallel_loop3A_485 : i32 to vector<16xi32>
      %parallel_loop3A_487 = arith.shrui %parallel_loop3A_480, %parallel_loop3A_486 : vector<16xi32>
      %parallel_loop3A_488 = arith.ori %parallel_loop3A_484, %parallel_loop3A_487 : vector<16xi32>
      %parallel_loop3A_489 = arith.xori %parallel_loop3A_488, %parallel_loop3A_481 : vector<16xi32>
      %parallel_loop3A_490 = arith.addi %parallel_loop3A_481, %parallel_loop3A_489 : vector<16xi32>
      %parallel_loop3A_491 = arith.constant 16 : i32
      %parallel_loop3A_492 = vector.broadcast %parallel_loop3A_491 : i32 to vector<16xi32>
      %parallel_loop3A_493 = arith.shli %parallel_loop3A_489, %parallel_loop3A_492 : vector<16xi32>
      %parallel_loop3A_494 = arith.constant 16 : i32
      %parallel_loop3A_495 = vector.broadcast %parallel_loop3A_494 : i32 to vector<16xi32>
      %parallel_loop3A_496 = arith.shrui %parallel_loop3A_489, %parallel_loop3A_495 : vector<16xi32>
      %parallel_loop3A_497 = arith.ori %parallel_loop3A_493, %parallel_loop3A_496 : vector<16xi32>
      %parallel_loop3A_498 = arith.xori %parallel_loop3A_497, %parallel_loop3A_490 : vector<16xi32>
      %parallel_loop3A_499 = arith.addi %parallel_loop3A_490, %parallel_loop3A_498 : vector<16xi32>
      %parallel_loop3A_500 = arith.constant 24 : i32
      %parallel_loop3A_501 = vector.broadcast %parallel_loop3A_500 : i32 to vector<16xi32>
      %parallel_loop3A_502 = arith.shli %parallel_loop3A_498, %parallel_loop3A_501 : vector<16xi32>
      %parallel_loop3A_503 = arith.constant 8 : i32
      %parallel_loop3A_504 = vector.broadcast %parallel_loop3A_503 : i32 to vector<16xi32>
      %parallel_loop3A_505 = arith.shrui %parallel_loop3A_498, %parallel_loop3A_504 : vector<16xi32>
      %parallel_loop3A_506 = arith.ori %parallel_loop3A_502, %parallel_loop3A_505 : vector<16xi32>
      %parallel_loop3A_507 = arith.xori %parallel_loop3A_506, %parallel_loop3A_499 : vector<16xi32>
      %parallel_loop3A_508 = arith.constant -1378843660 : i32
      %parallel_loop3A_509 = vector.broadcast %parallel_loop3A_508 : i32 to vector<16xi32>
      %parallel_loop3A_510 = arith.addi %parallel_loop3A_499, %parallel_loop3A_509 : vector<16xi32>
      %parallel_loop3A_511 = arith.constant -1244255481 : i32
      %parallel_loop3A_512 = vector.broadcast %parallel_loop3A_511 : i32 to vector<16xi32>
      %parallel_loop3A_513 = arith.addi %parallel_loop3A_507, %parallel_loop3A_512 : vector<16xi32>
      %parallel_loop3A_514 = arith.addi %parallel_loop3A_510, %parallel_loop3A_513 : vector<16xi32>
      %parallel_loop3A_515 = arith.constant 13 : i32
      %parallel_loop3A_516 = vector.broadcast %parallel_loop3A_515 : i32 to vector<16xi32>
      %parallel_loop3A_517 = arith.shli %parallel_loop3A_513, %parallel_loop3A_516 : vector<16xi32>
      %parallel_loop3A_518 = arith.constant 19 : i32
      %parallel_loop3A_519 = vector.broadcast %parallel_loop3A_518 : i32 to vector<16xi32>
      %parallel_loop3A_520 = arith.shrui %parallel_loop3A_513, %parallel_loop3A_519 : vector<16xi32>
      %parallel_loop3A_521 = arith.ori %parallel_loop3A_517, %parallel_loop3A_520 : vector<16xi32>
      %parallel_loop3A_522 = arith.xori %parallel_loop3A_521, %parallel_loop3A_514 : vector<16xi32>
      %parallel_loop3A_523 = arith.addi %parallel_loop3A_514, %parallel_loop3A_522 : vector<16xi32>
      %parallel_loop3A_524 = arith.constant 15 : i32
      %parallel_loop3A_525 = vector.broadcast %parallel_loop3A_524 : i32 to vector<16xi32>
      %parallel_loop3A_526 = arith.shli %parallel_loop3A_522, %parallel_loop3A_525 : vector<16xi32>
      %parallel_loop3A_527 = arith.constant 17 : i32
      %parallel_loop3A_528 = vector.broadcast %parallel_loop3A_527 : i32 to vector<16xi32>
      %parallel_loop3A_529 = arith.shrui %parallel_loop3A_522, %parallel_loop3A_528 : vector<16xi32>
      %parallel_loop3A_530 = arith.ori %parallel_loop3A_526, %parallel_loop3A_529 : vector<16xi32>
      %parallel_loop3A_531 = arith.xori %parallel_loop3A_530, %parallel_loop3A_523 : vector<16xi32>
      %parallel_loop3A_532 = arith.addi %parallel_loop3A_523, %parallel_loop3A_531 : vector<16xi32>
      %parallel_loop3A_533 = arith.constant 26 : i32
      %parallel_loop3A_534 = vector.broadcast %parallel_loop3A_533 : i32 to vector<16xi32>
      %parallel_loop3A_535 = arith.shli %parallel_loop3A_531, %parallel_loop3A_534 : vector<16xi32>
      %parallel_loop3A_536 = arith.constant 6 : i32
      %parallel_loop3A_537 = vector.broadcast %parallel_loop3A_536 : i32 to vector<16xi32>
      %parallel_loop3A_538 = arith.shrui %parallel_loop3A_531, %parallel_loop3A_537 : vector<16xi32>
      %parallel_loop3A_539 = arith.ori %parallel_loop3A_535, %parallel_loop3A_538 : vector<16xi32>
      %parallel_loop3A_540 = arith.xori %parallel_loop3A_539, %parallel_loop3A_532 : vector<16xi32>
      %parallel_loop3A_541 = arith.addi %parallel_loop3A_532, %parallel_loop3A_540 : vector<16xi32>
      %parallel_loop3A_542 = arith.constant 6 : i32
      %parallel_loop3A_543 = vector.broadcast %parallel_loop3A_542 : i32 to vector<16xi32>
      %parallel_loop3A_544 = arith.shli %parallel_loop3A_540, %parallel_loop3A_543 : vector<16xi32>
      %parallel_loop3A_545 = arith.constant 26 : i32
      %parallel_loop3A_546 = vector.broadcast %parallel_loop3A_545 : i32 to vector<16xi32>
      %parallel_loop3A_547 = arith.shrui %parallel_loop3A_540, %parallel_loop3A_546 : vector<16xi32>
      %parallel_loop3A_548 = arith.ori %parallel_loop3A_544, %parallel_loop3A_547 : vector<16xi32>
      %parallel_loop3A_549 = arith.xori %parallel_loop3A_548, %parallel_loop3A_541 : vector<16xi32>
      %parallel_loop3A_550 = arith.constant -1244255485 : i32
      %parallel_loop3A_551 = vector.broadcast %parallel_loop3A_550 : i32 to vector<16xi32>
      %parallel_loop3A_552 = arith.addi %parallel_loop3A_541, %parallel_loop3A_551 : vector<16xi32>
      %parallel_loop3A_553 = arith.constant 64467762 : i32
      %parallel_loop3A_554 = vector.broadcast %parallel_loop3A_553 : i32 to vector<16xi32>
      %parallel_loop3A_555 = arith.addi %parallel_loop3A_549, %parallel_loop3A_554 : vector<16xi32>
      %parallel_loop3A_556 = arith.xori %parallel_loop3A_552, %parallel_loop3A_555 : vector<16xi32>
      %parallel_loop3A_557 = arith.constant -2147483136 : i32
      %parallel_loop3A_558 = vector.broadcast %parallel_loop3A_557 : i32 to vector<16xi32>
      %parallel_loop3A_559 = arith.cmpi uge, %parallel_loop3A_556, %parallel_loop3A_558 : vector<16xi32>
      %parallel_loop3A_560 = arith.constant 1.000000e+00 : f32
      %parallel_loop3A_561 = arith.constant 0.000000e+00 : f32
      %parallel_loop3A_562 = vector.broadcast %parallel_loop3A_560 : f32 to vector<16xf32>
      %parallel_loop3A_563 = vector.broadcast %parallel_loop3A_561 : f32 to vector<16xf32>
      %parallel_loop3A_564 = arith.select %parallel_loop3A_559, %parallel_loop3A_562, %parallel_loop3A_563 : vector<16xi1>, vector<16xf32>
      tpu.vector_store_idx %arg6[%parallel_loop3A_331, %parallel_loop3A_332], %parallel_loop3A_564 masked %parallel_loop3A_334 : memref<112x224xf32, #tpu.memory_space<vmem>>[vector<16xi32>, vector<16xi32>], vector<16xf32>, vector<16xi1>
    } {sc.loop_unroll_factor = 4 : i64, sc.parallel_access}
    %dma_start3A_181 = arith.constant 1 : i32
    %dma_start3A_182 = arith.constant 0 : i32
    %dma_start3A_183 = arith.constant 0 : i32
    %dma_start3A_184 = tpu.memref_slice %arg4[%add3A_16, %dma_start3A_181, %dma_start3A_182, %dma_start3A_183] : memref<32x3x224x224xf32, #tpu.memory_space<hbm>> -> memref<1x1x112x224xf32, #tpu.memory_space<hbm>>
    %dma_start3A_185 = tpu.memref_squeeze %dma_start3A_184 : memref<1x1x112x224xf32, #tpu.memory_space<hbm>> -> memref<112x224xf32, #tpu.memory_space<hbm>>
    %dma_start3A_186 = arith.constant 0 : i32
    %dma_start3A_187 = arith.constant 0 : i32
    %dma_start3A_188 = tpu.memref_slice %arg4[%add3A_16, %dma_start3A_181, %dma_start3A_186, %dma_start3A_187] : memref<32x3x224x224xf32, #tpu.memory_space<hbm>> -> memref<1x1x112x224xf32, #tpu.memory_space<hbm>>
    %dma_start3A_189 = tpu.memref_squeeze %dma_start3A_188 : memref<1x1x112x224xf32, #tpu.memory_space<hbm>> -> memref<112x224xf32, #tpu.memory_space<hbm>>
    tpu.enqueue_dma source(%arg6 : memref<112x224xf32, #tpu.memory_space<vmem>>) target(%dma_start3A_189 : memref<112x224xf32, #tpu.memory_space<hbm>>) target_semaphore(%arg15 : memref<!tpu.dma_semaphore, #tpu.memory_space<semaphore_mem>>)
    %dma_wait3A_190 = arith.constant 1 : i32
    %dma_wait3A_191 = arith.constant 0 : i32
    %dma_wait3A_192 = arith.constant 0 : i32
    %dma_wait3A_193 = tpu.memref_slice %arg4[%add3A_16, %dma_wait3A_190, %dma_wait3A_191, %dma_wait3A_192] : memref<32x3x224x224xf32, #tpu.memory_space<hbm>> -> memref<1x1x112x224xf32, #tpu.memory_space<hbm>>
    %dma_wait3A_194 = tpu.memref_squeeze %dma_wait3A_193 : memref<1x1x112x224xf32, #tpu.memory_space<hbm>> -> memref<112x224xf32, #tpu.memory_space<hbm>>
    %dma_wait3A_195 = arith.constant 0 : i32
    %dma_wait3A_196 = arith.constant 0 : i32
    %dma_wait3A_197 = tpu.memref_slice %arg4[%add3A_16, %dma_wait3A_190, %dma_wait3A_195, %dma_wait3A_196] : memref<32x3x224x224xf32, #tpu.memory_space<hbm>> -> memref<1x1x112x224xf32, #tpu.memory_space<hbm>>
    %dma_wait3A_198 = tpu.memref_squeeze %dma_wait3A_197 : memref<1x1x112x224xf32, #tpu.memory_space<hbm>> -> memref<112x224xf32, #tpu.memory_space<hbm>>
    tpu.wait_dma2 semaphore(%arg15 : memref<!tpu.dma_semaphore, #tpu.memory_space<semaphore_mem>>) src(%arg6 : memref<112x224xf32, #tpu.memory_space<vmem>>) dst(%dma_wait3A_198 : memref<112x224xf32, #tpu.memory_space<hbm>>)
    %dma_start3A_199 = arith.constant 2 : i32
    %dma_start3A_200 = arith.constant 0 : i32
    %dma_start3A_201 = arith.constant 0 : i32
    %dma_start3A_202 = tpu.memref_slice %arg2[%add3A_16, %dma_start3A_199, %dma_start3A_200, %dma_start3A_201] : memref<64x3x224x224xf32, #tpu.memory_space<hbm>> -> memref<1x1x112x224xf32, #tpu.memory_space<hbm>>
    %dma_start3A_203 = tpu.memref_squeeze %dma_start3A_202 : memref<1x1x112x224xf32, #tpu.memory_space<hbm>> -> memref<112x224xf32, #tpu.memory_space<hbm>>
    %dma_start3A_204 = arith.constant 0 : i32
    %dma_start3A_205 = arith.constant 0 : i32
    %dma_start3A_206 = tpu.memref_slice %arg2[%add3A_16, %dma_start3A_199, %dma_start3A_204, %dma_start3A_205] : memref<64x3x224x224xf32, #tpu.memory_space<hbm>> -> memref<1x1x112x224xf32, #tpu.memory_space<hbm>>
    %dma_start3A_207 = tpu.memref_squeeze %dma_start3A_206 : memref<1x1x112x224xf32, #tpu.memory_space<hbm>> -> memref<112x224xf32, #tpu.memory_space<hbm>>
    tpu.enqueue_dma source(%dma_start3A_207 : memref<112x224xf32, #tpu.memory_space<hbm>>) target(%arg6 : memref<112x224xf32, #tpu.memory_space<vmem>>) target_semaphore(%arg13 : memref<!tpu.dma_semaphore, #tpu.memory_space<semaphore_mem>>)
    %dma_wait3A_208 = arith.constant 1 : i32
    %dma_wait3A_209 = arith.constant 112 : i32
    %dma_wait3A_210 = arith.constant 0 : i32
    %dma_wait3A_211 = tpu.memref_slice %arg2[%add3A_16, %dma_wait3A_208, %dma_wait3A_209, %dma_wait3A_210] : memref<64x3x224x224xf32, #tpu.memory_space<hbm>> -> memref<1x1x112x224xf32, #tpu.memory_space<hbm>>
    %dma_wait3A_212 = tpu.memref_squeeze %dma_wait3A_211 : memref<1x1x112x224xf32, #tpu.memory_space<hbm>> -> memref<112x224xf32, #tpu.memory_space<hbm>>
    %dma_wait3A_213 = arith.constant 112 : i32
    %dma_wait3A_214 = arith.constant 0 : i32
    %dma_wait3A_215 = tpu.memref_slice %arg2[%add3A_16, %dma_wait3A_208, %dma_wait3A_213, %dma_wait3A_214] : memref<64x3x224x224xf32, #tpu.memory_space<hbm>> -> memref<1x1x112x224xf32, #tpu.memory_space<hbm>>
    %dma_wait3A_216 = tpu.memref_squeeze %dma_wait3A_215 : memref<1x1x112x224xf32, #tpu.memory_space<hbm>> -> memref<112x224xf32, #tpu.memory_space<hbm>>
    tpu.wait_dma2 semaphore(%arg14 : memref<!tpu.dma_semaphore, #tpu.memory_space<semaphore_mem>>) src(%dma_wait3A_216 : memref<112x224xf32, #tpu.memory_space<hbm>>) dst(%arg7 : memref<112x224xf32, #tpu.memory_space<vmem>>)
    %mul3A_217 = arith.constant 3 : i32
    %mul3A_218 = arith.muli %add3A_16, %mul3A_217 : i32
    %add3A_219 = arith.constant 1 : i32
    %add3A_220 = arith.addi %mul3A_218, %add3A_219 : i32
    %mul3A_221 = arith.constant 50176 : i32
    %mul3A_222 = arith.muli %add3A_220, %mul3A_221 : i32
    %add3A_223 = arith.constant 25088 : i32
    %add3A_224 = arith.addi %mul3A_222, %add3A_223 : i32
    %parallel_loop3A_225 = arith.constant 0 : i32
    %parallel_loop3A_226 = arith.constant 1 : i32
    scf.for %parallel_loop3A_328 = %parallel_loop3A_225 to %reduce_max3A_52 step %parallel_loop3A_226  : i32 {
      %parallel_loop3A_329 = vector.broadcast %parallel_loop3A_328 : i32 to vector<16xi32>
      %parallel_loop3A_330 = arith.addi %mul3A_3, %parallel_loop3A_329 : vector<16xi32>
      %parallel_loop3A_331 = tpu.vector_load_idx %arg10[%parallel_loop3A_330] : memref<3072xi32, #tpu.memory_space<vmem>>[vector<16xi32>], vector<16xi32>,
      %parallel_loop3A_332 = tpu.vector_load_idx %arg11[%parallel_loop3A_330] : memref<3072xi32, #tpu.memory_space<vmem>>[vector<16xi32>], vector<16xi32>,
      %parallel_loop3A_333 = vector.broadcast %parallel_loop3A_328 : i32 to vector<16xi32>
      %parallel_loop3A_334 = arith.cmpi slt, %parallel_loop3A_333, %scan3A_36 : vector<16xi32>
      %parallel_loop3A_335 = arith.constant 224 : i32
      %parallel_loop3A_336 = vector.broadcast %parallel_loop3A_335 : i32 to vector<16xi32>
      %parallel_loop3A_337 = arith.muli %parallel_loop3A_331, %parallel_loop3A_336 : vector<16xi32>
      %parallel_loop3A_338 = arith.addi %parallel_loop3A_337, %parallel_loop3A_332 : vector<16xi32>
      %parallel_loop3A_339 = vector.broadcast %add3A_224 : i32 to vector<16xi32>
      %parallel_loop3A_340 = arith.addi %parallel_loop3A_339, %parallel_loop3A_338 : vector<16xi32>
      %parallel_loop3A_341 = arith.constant 64467757 : i32
      %parallel_loop3A_342 = vector.broadcast %parallel_loop3A_341 : i32 to vector<16xi32>
      %parallel_loop3A_343 = arith.constant -1378843660 : i32
      %parallel_loop3A_344 = vector.broadcast %parallel_loop3A_343 : i32 to vector<16xi32>
      %parallel_loop3A_345 = arith.addi %parallel_loop3A_340, %parallel_loop3A_344 : vector<16xi32>
      %parallel_loop3A_346 = arith.addi %parallel_loop3A_342, %parallel_loop3A_345 : vector<16xi32>
      %parallel_loop3A_347 = arith.constant 13 : i32
      %parallel_loop3A_348 = vector.broadcast %parallel_loop3A_347 : i32 to vector<16xi32>
      %parallel_loop3A_349 = arith.shli %parallel_loop3A_345, %parallel_loop3A_348 : vector<16xi32>
      %parallel_loop3A_350 = arith.constant 19 : i32
      %parallel_loop3A_351 = vector.broadcast %parallel_loop3A_350 : i32 to vector<16xi32>
      %parallel_loop3A_352 = arith.shrui %parallel_loop3A_345, %parallel_loop3A_351 : vector<16xi32>
      %parallel_loop3A_353 = arith.ori %parallel_loop3A_349, %parallel_loop3A_352 : vector<16xi32>
      %parallel_loop3A_354 = arith.xori %parallel_loop3A_353, %parallel_loop3A_346 : vector<16xi32>
      %parallel_loop3A_355 = arith.addi %parallel_loop3A_346, %parallel_loop3A_354 : vector<16xi32>
      %parallel_loop3A_356 = arith.constant 15 : i32
      %parallel_loop3A_357 = vector.broadcast %parallel_loop3A_356 : i32 to vector<16xi32>
      %parallel_loop3A_358 = arith.shli %parallel_loop3A_354, %parallel_loop3A_357 : vector<16xi32>
      %parallel_loop3A_359 = arith.constant 17 : i32
      %parallel_loop3A_360 = vector.broadcast %parallel_loop3A_359 : i32 to vector<16xi32>
      %parallel_loop3A_361 = arith.shrui %parallel_loop3A_354, %parallel_loop3A_360 : vector<16xi32>
      %parallel_loop3A_362 = arith.ori %parallel_loop3A_358, %parallel_loop3A_361 : vector<16xi32>
      %parallel_loop3A_363 = arith.xori %parallel_loop3A_362, %parallel_loop3A_355 : vector<16xi32>
      %parallel_loop3A_364 = arith.addi %parallel_loop3A_355, %parallel_loop3A_363 : vector<16xi32>
      %parallel_loop3A_365 = arith.constant 26 : i32
      %parallel_loop3A_366 = vector.broadcast %parallel_loop3A_365 : i32 to vector<16xi32>
      %parallel_loop3A_367 = arith.shli %parallel_loop3A_363, %parallel_loop3A_366 : vector<16xi32>
      %parallel_loop3A_368 = arith.constant 6 : i32
      %parallel_loop3A_369 = vector.broadcast %parallel_loop3A_368 : i32 to vector<16xi32>
      %parallel_loop3A_370 = arith.shrui %parallel_loop3A_363, %parallel_loop3A_369 : vector<16xi32>
      %parallel_loop3A_371 = arith.ori %parallel_loop3A_367, %parallel_loop3A_370 : vector<16xi32>
      %parallel_loop3A_372 = arith.xori %parallel_loop3A_371, %parallel_loop3A_364 : vector<16xi32>
      %parallel_loop3A_373 = arith.addi %parallel_loop3A_364, %parallel_loop3A_372 : vector<16xi32>
      %parallel_loop3A_374 = arith.constant 6 : i32
      %parallel_loop3A_375 = vector.broadcast %parallel_loop3A_374 : i32 to vector<16xi32>
      %parallel_loop3A_376 = arith.shli %parallel_loop3A_372, %parallel_loop3A_375 : vector<16xi32>
      %parallel_loop3A_377 = arith.constant 26 : i32
      %parallel_loop3A_378 = vector.broadcast %parallel_loop3A_377 : i32 to vector<16xi32>
      %parallel_loop3A_379 = arith.shrui %parallel_loop3A_372, %parallel_loop3A_378 : vector<16xi32>
      %parallel_loop3A_380 = arith.ori %parallel_loop3A_376, %parallel_loop3A_379 : vector<16xi32>
      %parallel_loop3A_381 = arith.xori %parallel_loop3A_380, %parallel_loop3A_373 : vector<16xi32>
      %parallel_loop3A_382 = arith.constant -1378843660 : i32
      %parallel_loop3A_383 = vector.broadcast %parallel_loop3A_382 : i32 to vector<16xi32>
      %parallel_loop3A_384 = arith.addi %parallel_loop3A_373, %parallel_loop3A_383 : vector<16xi32>
      %parallel_loop3A_385 = arith.constant -1244255484 : i32
      %parallel_loop3A_386 = vector.broadcast %parallel_loop3A_385 : i32 to vector<16xi32>
      %parallel_loop3A_387 = arith.addi %parallel_loop3A_381, %parallel_loop3A_386 : vector<16xi32>
      %parallel_loop3A_388 = arith.addi %parallel_loop3A_384, %parallel_loop3A_387 : vector<16xi32>
      %parallel_loop3A_389 = arith.constant 17 : i32
      %parallel_loop3A_390 = vector.broadcast %parallel_loop3A_389 : i32 to vector<16xi32>
      %parallel_loop3A_391 = arith.shli %parallel_loop3A_387, %parallel_loop3A_390 : vector<16xi32>
      %parallel_loop3A_392 = arith.constant 15 : i32
      %parallel_loop3A_393 = vector.broadcast %parallel_loop3A_392 : i32 to vector<16xi32>
      %parallel_loop3A_394 = arith.shrui %parallel_loop3A_387, %parallel_loop3A_393 : vector<16xi32>
      %parallel_loop3A_395 = arith.ori %parallel_loop3A_391, %parallel_loop3A_394 : vector<16xi32>
      %parallel_loop3A_396 = arith.xori %parallel_loop3A_395, %parallel_loop3A_388 : vector<16xi32>
      %parallel_loop3A_397 = arith.addi %parallel_loop3A_388, %parallel_loop3A_396 : vector<16xi32>
      %parallel_loop3A_398 = arith.constant 29 : i32
      %parallel_loop3A_399 = vector.broadcast %parallel_loop3A_398 : i32 to vector<16xi32>
      %parallel_loop3A_400 = arith.shli %parallel_loop3A_396, %parallel_loop3A_399 : vector<16xi32>
      %parallel_loop3A_401 = arith.constant 3 : i32
      %parallel_loop3A_402 = vector.broadcast %parallel_loop3A_401 : i32 to vector<16xi32>
      %parallel_loop3A_403 = arith.shrui %parallel_loop3A_396, %parallel_loop3A_402 : vector<16xi32>
      %parallel_loop3A_404 = arith.ori %parallel_loop3A_400, %parallel_loop3A_403 : vector<16xi32>
      %parallel_loop3A_405 = arith.xori %parallel_loop3A_404, %parallel_loop3A_397 : vector<16xi32>
      %parallel_loop3A_406 = arith.addi %parallel_loop3A_397, %parallel_loop3A_405 : vector<16xi32>
      %parallel_loop3A_407 = arith.constant 16 : i32
      %parallel_loop3A_408 = vector.broadcast %parallel_loop3A_407 : i32 to vector<16xi32>
      %parallel_loop3A_409 = arith.shli %parallel_loop3A_405, %parallel_loop3A_408 : vector<16xi32>
      %parallel_loop3A_410 = arith.constant 16 : i32
      %parallel_loop3A_411 = vector.broadcast %parallel_loop3A_410 : i32 to vector<16xi32>
      %parallel_loop3A_412 = arith.shrui %parallel_loop3A_405, %parallel_loop3A_411 : vector<16xi32>
      %parallel_loop3A_413 = arith.ori %parallel_loop3A_409, %parallel_loop3A_412 : vector<16xi32>
      %parallel_loop3A_414 = arith.xori %parallel_loop3A_413, %parallel_loop3A_406 : vector<16xi32>
      %parallel_loop3A_415 = arith.addi %parallel_loop3A_406, %parallel_loop3A_414 : vector<16xi32>
      %parallel_loop3A_416 = arith.constant 24 : i32
      %parallel_loop3A_417 = vector.broadcast %parallel_loop3A_416 : i32 to vector<16xi32>
      %parallel_loop3A_418 = arith.shli %parallel_loop3A_414, %parallel_loop3A_417 : vector<16xi32>
      %parallel_loop3A_419 = arith.constant 8 : i32
      %parallel_loop3A_420 = vector.broadcast %parallel_loop3A_419 : i32 to vector<16xi32>
      %parallel_loop3A_421 = arith.shrui %parallel_loop3A_414, %parallel_loop3A_420 : vector<16xi32>
      %parallel_loop3A_422 = arith.ori %parallel_loop3A_418, %parallel_loop3A_421 : vector<16xi32>
      %parallel_loop3A_423 = arith.xori %parallel_loop3A_422, %parallel_loop3A_415 : vector<16xi32>
      %parallel_loop3A_424 = arith.constant -1244255485 : i32
      %parallel_loop3A_425 = vector.broadcast %parallel_loop3A_424 : i32 to vector<16xi32>
      %parallel_loop3A_426 = arith.addi %parallel_loop3A_415, %parallel_loop3A_425 : vector<16xi32>
      %parallel_loop3A_427 = arith.constant 64467759 : i32
      %parallel_loop3A_428 = vector.broadcast %parallel_loop3A_427 : i32 to vector<16xi32>
      %parallel_loop3A_429 = arith.addi %parallel_loop3A_423, %parallel_loop3A_428 : vector<16xi32>
      %parallel_loop3A_430 = arith.addi %parallel_loop3A_426, %parallel_loop3A_429 : vector<16xi32>
      %parallel_loop3A_431 = arith.constant 13 : i32
      %parallel_loop3A_432 = vector.broadcast %parallel_loop3A_431 : i32 to vector<16xi32>
      %parallel_loop3A_433 = arith.shli %parallel_loop3A_429, %parallel_loop3A_432 : vector<16xi32>
      %parallel_loop3A_434 = arith.constant 19 : i32
      %parallel_loop3A_435 = vector.broadcast %parallel_loop3A_434 : i32 to vector<16xi32>
      %parallel_loop3A_436 = arith.shrui %parallel_loop3A_429, %parallel_loop3A_435 : vector<16xi32>
      %parallel_loop3A_437 = arith.ori %parallel_loop3A_433, %parallel_loop3A_436 : vector<16xi32>
      %parallel_loop3A_438 = arith.xori %parallel_loop3A_437, %parallel_loop3A_430 : vector<16xi32>
      %parallel_loop3A_439 = arith.addi %parallel_loop3A_430, %parallel_loop3A_438 : vector<16xi32>
      %parallel_loop3A_440 = arith.constant 15 : i32
      %parallel_loop3A_441 = vector.broadcast %parallel_loop3A_440 : i32 to vector<16xi32>
      %parallel_loop3A_442 = arith.shli %parallel_loop3A_438, %parallel_loop3A_441 : vector<16xi32>
      %parallel_loop3A_443 = arith.constant 17 : i32
      %parallel_loop3A_444 = vector.broadcast %parallel_loop3A_443 : i32 to vector<16xi32>
      %parallel_loop3A_445 = arith.shrui %parallel_loop3A_438, %parallel_loop3A_444 : vector<16xi32>
      %parallel_loop3A_446 = arith.ori %parallel_loop3A_442, %parallel_loop3A_445 : vector<16xi32>
      %parallel_loop3A_447 = arith.xori %parallel_loop3A_446, %parallel_loop3A_439 : vector<16xi32>
      %parallel_loop3A_448 = arith.addi %parallel_loop3A_439, %parallel_loop3A_447 : vector<16xi32>
      %parallel_loop3A_449 = arith.constant 26 : i32
      %parallel_loop3A_450 = vector.broadcast %parallel_loop3A_449 : i32 to vector<16xi32>
      %parallel_loop3A_451 = arith.shli %parallel_loop3A_447, %parallel_loop3A_450 : vector<16xi32>
      %parallel_loop3A_452 = arith.constant 6 : i32
      %parallel_loop3A_453 = vector.broadcast %parallel_loop3A_452 : i32 to vector<16xi32>
      %parallel_loop3A_454 = arith.shrui %parallel_loop3A_447, %parallel_loop3A_453 : vector<16xi32>
      %parallel_loop3A_455 = arith.ori %parallel_loop3A_451, %parallel_loop3A_454 : vector<16xi32>
      %parallel_loop3A_456 = arith.xori %parallel_loop3A_455, %parallel_loop3A_448 : vector<16xi32>
      %parallel_loop3A_457 = arith.addi %parallel_loop3A_448, %parallel_loop3A_456 : vector<16xi32>
      %parallel_loop3A_458 = arith.constant 6 : i32
      %parallel_loop3A_459 = vector.broadcast %parallel_loop3A_458 : i32 to vector<16xi32>
      %parallel_loop3A_460 = arith.shli %parallel_loop3A_456, %parallel_loop3A_459 : vector<16xi32>
      %parallel_loop3A_461 = arith.constant 26 : i32
      %parallel_loop3A_462 = vector.broadcast %parallel_loop3A_461 : i32 to vector<16xi32>
      %parallel_loop3A_463 = arith.shrui %parallel_loop3A_456, %parallel_loop3A_462 : vector<16xi32>
      %parallel_loop3A_464 = arith.ori %parallel_loop3A_460, %parallel_loop3A_463 : vector<16xi32>
      %parallel_loop3A_465 = arith.xori %parallel_loop3A_464, %parallel_loop3A_457 : vector<16xi32>
      %parallel_loop3A_466 = arith.constant 64467757 : i32
      %parallel_loop3A_467 = vector.broadcast %parallel_loop3A_466 : i32 to vector<16xi32>
      %parallel_loop3A_468 = arith.addi %parallel_loop3A_457, %parallel_loop3A_467 : vector<16xi32>
      %parallel_loop3A_469 = arith.constant -1378843657 : i32
      %parallel_loop3A_470 = vector.broadcast %parallel_loop3A_469 : i32 to vector<16xi32>
      %parallel_loop3A_471 = arith.addi %parallel_loop3A_465, %parallel_loop3A_470 : vector<16xi32>
      %parallel_loop3A_472 = arith.addi %parallel_loop3A_468, %parallel_loop3A_471 : vector<16xi32>
      %parallel_loop3A_473 = arith.constant 17 : i32
      %parallel_loop3A_474 = vector.broadcast %parallel_loop3A_473 : i32 to vector<16xi32>
      %parallel_loop3A_475 = arith.shli %parallel_loop3A_471, %parallel_loop3A_474 : vector<16xi32>
      %parallel_loop3A_476 = arith.constant 15 : i32
      %parallel_loop3A_477 = vector.broadcast %parallel_loop3A_476 : i32 to vector<16xi32>
      %parallel_loop3A_478 = arith.shrui %parallel_loop3A_471, %parallel_loop3A_477 : vector<16xi32>
      %parallel_loop3A_479 = arith.ori %parallel_loop3A_475, %parallel_loop3A_478 : vector<16xi32>
      %parallel_loop3A_480 = arith.xori %parallel_loop3A_479, %parallel_loop3A_472 : vector<16xi32>
      %parallel_loop3A_481 = arith.addi %parallel_loop3A_472, %parallel_loop3A_480 : vector<16xi32>
      %parallel_loop3A_482 = arith.constant 29 : i32
      %parallel_loop3A_483 = vector.broadcast %parallel_loop3A_482 : i32 to vector<16xi32>
      %parallel_loop3A_484 = arith.shli %parallel_loop3A_480, %parallel_loop3A_483 : vector<16xi32>
      %parallel_loop3A_485 = arith.constant 3 : i32
      %parallel_loop3A_486 = vector.broadcast %parallel_loop3A_485 : i32 to vector<16xi32>
      %parallel_loop3A_487 = arith.shrui %parallel_loop3A_480, %parallel_loop3A_486 : vector<16xi32>
      %parallel_loop3A_488 = arith.ori %parallel_loop3A_484, %parallel_loop3A_487 : vector<16xi32>
      %parallel_loop3A_489 = arith.xori %parallel_loop3A_488, %parallel_loop3A_481 : vector<16xi32>
      %parallel_loop3A_490 = arith.addi %parallel_loop3A_481, %parallel_loop3A_489 : vector<16xi32>
      %parallel_loop3A_491 = arith.constant 16 : i32
      %parallel_loop3A_492 = vector.broadcast %parallel_loop3A_491 : i32 to vector<16xi32>
      %parallel_loop3A_493 = arith.shli %parallel_loop3A_489, %parallel_loop3A_492 : vector<16xi32>
      %parallel_loop3A_494 = arith.constant 16 : i32
      %parallel_loop3A_495 = vector.broadcast %parallel_loop3A_494 : i32 to vector<16xi32>
      %parallel_loop3A_496 = arith.shrui %parallel_loop3A_489, %parallel_loop3A_495 : vector<16xi32>
      %parallel_loop3A_497 = arith.ori %parallel_loop3A_493, %parallel_loop3A_496 : vector<16xi32>
      %parallel_loop3A_498 = arith.xori %parallel_loop3A_497, %parallel_loop3A_490 : vector<16xi32>
      %parallel_loop3A_499 = arith.addi %parallel_loop3A_490, %parallel_loop3A_498 : vector<16xi32>
      %parallel_loop3A_500 = arith.constant 24 : i32
      %parallel_loop3A_501 = vector.broadcast %parallel_loop3A_500 : i32 to vector<16xi32>
      %parallel_loop3A_502 = arith.shli %parallel_loop3A_498, %parallel_loop3A_501 : vector<16xi32>
      %parallel_loop3A_503 = arith.constant 8 : i32
      %parallel_loop3A_504 = vector.broadcast %parallel_loop3A_503 : i32 to vector<16xi32>
      %parallel_loop3A_505 = arith.shrui %parallel_loop3A_498, %parallel_loop3A_504 : vector<16xi32>
      %parallel_loop3A_506 = arith.ori %parallel_loop3A_502, %parallel_loop3A_505 : vector<16xi32>
      %parallel_loop3A_507 = arith.xori %parallel_loop3A_506, %parallel_loop3A_499 : vector<16xi32>
      %parallel_loop3A_508 = arith.constant -1378843660 : i32
      %parallel_loop3A_509 = vector.broadcast %parallel_loop3A_508 : i32 to vector<16xi32>
      %parallel_loop3A_510 = arith.addi %parallel_loop3A_499, %parallel_loop3A_509 : vector<16xi32>
      %parallel_loop3A_511 = arith.constant -1244255481 : i32
      %parallel_loop3A_512 = vector.broadcast %parallel_loop3A_511 : i32 to vector<16xi32>
      %parallel_loop3A_513 = arith.addi %parallel_loop3A_507, %parallel_loop3A_512 : vector<16xi32>
      %parallel_loop3A_514 = arith.addi %parallel_loop3A_510, %parallel_loop3A_513 : vector<16xi32>
      %parallel_loop3A_515 = arith.constant 13 : i32
      %parallel_loop3A_516 = vector.broadcast %parallel_loop3A_515 : i32 to vector<16xi32>
      %parallel_loop3A_517 = arith.shli %parallel_loop3A_513, %parallel_loop3A_516 : vector<16xi32>
      %parallel_loop3A_518 = arith.constant 19 : i32
      %parallel_loop3A_519 = vector.broadcast %parallel_loop3A_518 : i32 to vector<16xi32>
      %parallel_loop3A_520 = arith.shrui %parallel_loop3A_513, %parallel_loop3A_519 : vector<16xi32>
      %parallel_loop3A_521 = arith.ori %parallel_loop3A_517, %parallel_loop3A_520 : vector<16xi32>
      %parallel_loop3A_522 = arith.xori %parallel_loop3A_521, %parallel_loop3A_514 : vector<16xi32>
      %parallel_loop3A_523 = arith.addi %parallel_loop3A_514, %parallel_loop3A_522 : vector<16xi32>
      %parallel_loop3A_524 = arith.constant 15 : i32
      %parallel_loop3A_525 = vector.broadcast %parallel_loop3A_524 : i32 to vector<16xi32>
      %parallel_loop3A_526 = arith.shli %parallel_loop3A_522, %parallel_loop3A_525 : vector<16xi32>
      %parallel_loop3A_527 = arith.constant 17 : i32
      %parallel_loop3A_528 = vector.broadcast %parallel_loop3A_527 : i32 to vector<16xi32>
      %parallel_loop3A_529 = arith.shrui %parallel_loop3A_522, %parallel_loop3A_528 : vector<16xi32>
      %parallel_loop3A_530 = arith.ori %parallel_loop3A_526, %parallel_loop3A_529 : vector<16xi32>
      %parallel_loop3A_531 = arith.xori %parallel_loop3A_530, %parallel_loop3A_523 : vector<16xi32>
      %parallel_loop3A_532 = arith.addi %parallel_loop3A_523, %parallel_loop3A_531 : vector<16xi32>
      %parallel_loop3A_533 = arith.constant 26 : i32
      %parallel_loop3A_534 = vector.broadcast %parallel_loop3A_533 : i32 to vector<16xi32>
      %parallel_loop3A_535 = arith.shli %parallel_loop3A_531, %parallel_loop3A_534 : vector<16xi32>
      %parallel_loop3A_536 = arith.constant 6 : i32
      %parallel_loop3A_537 = vector.broadcast %parallel_loop3A_536 : i32 to vector<16xi32>
      %parallel_loop3A_538 = arith.shrui %parallel_loop3A_531, %parallel_loop3A_537 : vector<16xi32>
      %parallel_loop3A_539 = arith.ori %parallel_loop3A_535, %parallel_loop3A_538 : vector<16xi32>
      %parallel_loop3A_540 = arith.xori %parallel_loop3A_539, %parallel_loop3A_532 : vector<16xi32>
      %parallel_loop3A_541 = arith.addi %parallel_loop3A_532, %parallel_loop3A_540 : vector<16xi32>
      %parallel_loop3A_542 = arith.constant 6 : i32
      %parallel_loop3A_543 = vector.broadcast %parallel_loop3A_542 : i32 to vector<16xi32>
      %parallel_loop3A_544 = arith.shli %parallel_loop3A_540, %parallel_loop3A_543 : vector<16xi32>
      %parallel_loop3A_545 = arith.constant 26 : i32
      %parallel_loop3A_546 = vector.broadcast %parallel_loop3A_545 : i32 to vector<16xi32>
      %parallel_loop3A_547 = arith.shrui %parallel_loop3A_540, %parallel_loop3A_546 : vector<16xi32>
      %parallel_loop3A_548 = arith.ori %parallel_loop3A_544, %parallel_loop3A_547 : vector<16xi32>
      %parallel_loop3A_549 = arith.xori %parallel_loop3A_548, %parallel_loop3A_541 : vector<16xi32>
      %parallel_loop3A_550 = arith.constant -1244255485 : i32
      %parallel_loop3A_551 = vector.broadcast %parallel_loop3A_550 : i32 to vector<16xi32>
      %parallel_loop3A_552 = arith.addi %parallel_loop3A_541, %parallel_loop3A_551 : vector<16xi32>
      %parallel_loop3A_553 = arith.constant 64467762 : i32
      %parallel_loop3A_554 = vector.broadcast %parallel_loop3A_553 : i32 to vector<16xi32>
      %parallel_loop3A_555 = arith.addi %parallel_loop3A_549, %parallel_loop3A_554 : vector<16xi32>
      %parallel_loop3A_556 = arith.xori %parallel_loop3A_552, %parallel_loop3A_555 : vector<16xi32>
      %parallel_loop3A_557 = arith.constant -2147483136 : i32
      %parallel_loop3A_558 = vector.broadcast %parallel_loop3A_557 : i32 to vector<16xi32>
      %parallel_loop3A_559 = arith.cmpi uge, %parallel_loop3A_556, %parallel_loop3A_558 : vector<16xi32>
      %parallel_loop3A_560 = arith.constant 1.000000e+00 : f32
      %parallel_loop3A_561 = arith.constant 0.000000e+00 : f32
      %parallel_loop3A_562 = vector.broadcast %parallel_loop3A_560 : f32 to vector<16xf32>
      %parallel_loop3A_563 = vector.broadcast %parallel_loop3A_561 : f32 to vector<16xf32>
      %parallel_loop3A_564 = arith.select %parallel_loop3A_559, %parallel_loop3A_562, %parallel_loop3A_563 : vector<16xi1>, vector<16xf32>
      tpu.vector_store_idx %arg7[%parallel_loop3A_331, %parallel_loop3A_332], %parallel_loop3A_564 masked %parallel_loop3A_334 : memref<112x224xf32, #tpu.memory_space<vmem>>[vector<16xi32>, vector<16xi32>], vector<16xf32>, vector<16xi1>
    } {sc.loop_unroll_factor = 4 : i64, sc.parallel_access}
    %dma_start3A_227 = arith.constant 1 : i32
    %dma_start3A_228 = arith.constant 112 : i32
    %dma_start3A_229 = arith.constant 0 : i32
    %dma_start3A_230 = tpu.memref_slice %arg4[%add3A_16, %dma_start3A_227, %dma_start3A_228, %dma_start3A_229] : memref<32x3x224x224xf32, #tpu.memory_space<hbm>> -> memref<1x1x112x224xf32, #tpu.memory_space<hbm>>
    %dma_start3A_231 = tpu.memref_squeeze %dma_start3A_230 : memref<1x1x112x224xf32, #tpu.memory_space<hbm>> -> memref<112x224xf32, #tpu.memory_space<hbm>>
    %dma_start3A_232 = arith.constant 112 : i32
    %dma_start3A_233 = arith.constant 0 : i32
    %dma_start3A_234 = tpu.memref_slice %arg4[%add3A_16, %dma_start3A_227, %dma_start3A_232, %dma_start3A_233] : memref<32x3x224x224xf32, #tpu.memory_space<hbm>> -> memref<1x1x112x224xf32, #tpu.memory_space<hbm>>
    %dma_start3A_235 = tpu.memref_squeeze %dma_start3A_234 : memref<1x1x112x224xf32, #tpu.memory_space<hbm>> -> memref<112x224xf32, #tpu.memory_space<hbm>>
    tpu.enqueue_dma source(%arg7 : memref<112x224xf32, #tpu.memory_space<vmem>>) target(%dma_start3A_235 : memref<112x224xf32, #tpu.memory_space<hbm>>) target_semaphore(%arg16 : memref<!tpu.dma_semaphore, #tpu.memory_space<semaphore_mem>>)
    %dma_wait3A_236 = arith.constant 1 : i32
    %dma_wait3A_237 = arith.constant 112 : i32
    %dma_wait3A_238 = arith.constant 0 : i32
    %dma_wait3A_239 = tpu.memref_slice %arg4[%add3A_16, %dma_wait3A_236, %dma_wait3A_237, %dma_wait3A_238] : memref<32x3x224x224xf32, #tpu.memory_space<hbm>> -> memref<1x1x112x224xf32, #tpu.memory_space<hbm>>
    %dma_wait3A_240 = tpu.memref_squeeze %dma_wait3A_239 : memref<1x1x112x224xf32, #tpu.memory_space<hbm>> -> memref<112x224xf32, #tpu.memory_space<hbm>>
    %dma_wait3A_241 = arith.constant 112 : i32
    %dma_wait3A_242 = arith.constant 0 : i32
    %dma_wait3A_243 = tpu.memref_slice %arg4[%add3A_16, %dma_wait3A_236, %dma_wait3A_241, %dma_wait3A_242] : memref<32x3x224x224xf32, #tpu.memory_space<hbm>> -> memref<1x1x112x224xf32, #tpu.memory_space<hbm>>
    %dma_wait3A_244 = tpu.memref_squeeze %dma_wait3A_243 : memref<1x1x112x224xf32, #tpu.memory_space<hbm>> -> memref<112x224xf32, #tpu.memory_space<hbm>>
    tpu.wait_dma2 semaphore(%arg16 : memref<!tpu.dma_semaphore, #tpu.memory_space<semaphore_mem>>) src(%arg7 : memref<112x224xf32, #tpu.memory_space<vmem>>) dst(%dma_wait3A_244 : memref<112x224xf32, #tpu.memory_space<hbm>>)
    %dma_start3A_245 = arith.constant 2 : i32
    %dma_start3A_246 = arith.constant 112 : i32
    %dma_start3A_247 = arith.constant 0 : i32
    %dma_start3A_248 = tpu.memref_slice %arg2[%add3A_16, %dma_start3A_245, %dma_start3A_246, %dma_start3A_247] : memref<64x3x224x224xf32, #tpu.memory_space<hbm>> -> memref<1x1x112x224xf32, #tpu.memory_space<hbm>>
    %dma_start3A_249 = tpu.memref_squeeze %dma_start3A_248 : memref<1x1x112x224xf32, #tpu.memory_space<hbm>> -> memref<112x224xf32, #tpu.memory_space<hbm>>
    %dma_start3A_250 = arith.constant 112 : i32
    %dma_start3A_251 = arith.constant 0 : i32
    %dma_start3A_252 = tpu.memref_slice %arg2[%add3A_16, %dma_start3A_245, %dma_start3A_250, %dma_start3A_251] : memref<64x3x224x224xf32, #tpu.memory_space<hbm>> -> memref<1x1x112x224xf32, #tpu.memory_space<hbm>>
    %dma_start3A_253 = tpu.memref_squeeze %dma_start3A_252 : memref<1x1x112x224xf32, #tpu.memory_space<hbm>> -> memref<112x224xf32, #tpu.memory_space<hbm>>
    tpu.enqueue_dma source(%dma_start3A_253 : memref<112x224xf32, #tpu.memory_space<hbm>>) target(%arg7 : memref<112x224xf32, #tpu.memory_space<vmem>>) target_semaphore(%arg14 : memref<!tpu.dma_semaphore, #tpu.memory_space<semaphore_mem>>)
    %dma_wait3A_254 = arith.constant 2 : i32
    %dma_wait3A_255 = arith.constant 0 : i32
    %dma_wait3A_256 = arith.constant 0 : i32
    %dma_wait3A_257 = tpu.memref_slice %arg2[%add3A_16, %dma_wait3A_254, %dma_wait3A_255, %dma_wait3A_256] : memref<64x3x224x224xf32, #tpu.memory_space<hbm>> -> memref<1x1x112x224xf32, #tpu.memory_space<hbm>>
    %dma_wait3A_258 = tpu.memref_squeeze %dma_wait3A_257 : memref<1x1x112x224xf32, #tpu.memory_space<hbm>> -> memref<112x224xf32, #tpu.memory_space<hbm>>
    %dma_wait3A_259 = arith.constant 0 : i32
    %dma_wait3A_260 = arith.constant 0 : i32
    %dma_wait3A_261 = tpu.memref_slice %arg2[%add3A_16, %dma_wait3A_254, %dma_wait3A_259, %dma_wait3A_260] : memref<64x3x224x224xf32, #tpu.memory_space<hbm>> -> memref<1x1x112x224xf32, #tpu.memory_space<hbm>>
    %dma_wait3A_262 = tpu.memref_squeeze %dma_wait3A_261 : memref<1x1x112x224xf32, #tpu.memory_space<hbm>> -> memref<112x224xf32, #tpu.memory_space<hbm>>
    tpu.wait_dma2 semaphore(%arg13 : memref<!tpu.dma_semaphore, #tpu.memory_space<semaphore_mem>>) src(%dma_wait3A_262 : memref<112x224xf32, #tpu.memory_space<hbm>>) dst(%arg6 : memref<112x224xf32, #tpu.memory_space<vmem>>)
    %mul3A_263 = arith.constant 3 : i32
    %mul3A_264 = arith.muli %add3A_16, %mul3A_263 : i32
    %add3A_265 = arith.constant 2 : i32
    %add3A_266 = arith.addi %mul3A_264, %add3A_265 : i32
    %mul3A_267 = arith.constant 50176 : i32
    %mul3A_268 = arith.muli %add3A_266, %mul3A_267 : i32
    %add3A_269 = arith.constant 0 : i32
    %add3A_270 = arith.addi %mul3A_268, %add3A_269 : i32
    %parallel_loop3A_271 = arith.constant 0 : i32
    %parallel_loop3A_272 = arith.constant 1 : i32
    scf.for %parallel_loop3A_328 = %parallel_loop3A_271 to %reduce_max3A_44 step %parallel_loop3A_272  : i32 {
      %parallel_loop3A_329 = vector.broadcast %parallel_loop3A_328 : i32 to vector<16xi32>
      %parallel_loop3A_330 = arith.addi %mul3A_3, %parallel_loop3A_329 : vector<16xi32>
      %parallel_loop3A_331 = tpu.vector_load_idx %arg8[%parallel_loop3A_330] : memref<3072xi32, #tpu.memory_space<vmem>>[vector<16xi32>], vector<16xi32>,
      %parallel_loop3A_332 = tpu.vector_load_idx %arg9[%parallel_loop3A_330] : memref<3072xi32, #tpu.memory_space<vmem>>[vector<16xi32>], vector<16xi32>,
      %parallel_loop3A_333 = vector.broadcast %parallel_loop3A_328 : i32 to vector<16xi32>
      %parallel_loop3A_334 = arith.cmpi slt, %parallel_loop3A_333, %scan3A_28 : vector<16xi32>
      %parallel_loop3A_335 = arith.constant 224 : i32
      %parallel_loop3A_336 = vector.broadcast %parallel_loop3A_335 : i32 to vector<16xi32>
      %parallel_loop3A_337 = arith.muli %parallel_loop3A_331, %parallel_loop3A_336 : vector<16xi32>
      %parallel_loop3A_338 = arith.addi %parallel_loop3A_337, %parallel_loop3A_332 : vector<16xi32>
      %parallel_loop3A_339 = vector.broadcast %add3A_270 : i32 to vector<16xi32>
      %parallel_loop3A_340 = arith.addi %parallel_loop3A_339, %parallel_loop3A_338 : vector<16xi32>
      %parallel_loop3A_341 = arith.constant 64467757 : i32
      %parallel_loop3A_342 = vector.broadcast %parallel_loop3A_341 : i32 to vector<16xi32>
      %parallel_loop3A_343 = arith.constant -1378843660 : i32
      %parallel_loop3A_344 = vector.broadcast %parallel_loop3A_343 : i32 to vector<16xi32>
      %parallel_loop3A_345 = arith.addi %parallel_loop3A_340, %parallel_loop3A_344 : vector<16xi32>
      %parallel_loop3A_346 = arith.addi %parallel_loop3A_342, %parallel_loop3A_345 : vector<16xi32>
      %parallel_loop3A_347 = arith.constant 13 : i32
      %parallel_loop3A_348 = vector.broadcast %parallel_loop3A_347 : i32 to vector<16xi32>
      %parallel_loop3A_349 = arith.shli %parallel_loop3A_345, %parallel_loop3A_348 : vector<16xi32>
      %parallel_loop3A_350 = arith.constant 19 : i32
      %parallel_loop3A_351 = vector.broadcast %parallel_loop3A_350 : i32 to vector<16xi32>
      %parallel_loop3A_352 = arith.shrui %parallel_loop3A_345, %parallel_loop3A_351 : vector<16xi32>
      %parallel_loop3A_353 = arith.ori %parallel_loop3A_349, %parallel_loop3A_352 : vector<16xi32>
      %parallel_loop3A_354 = arith.xori %parallel_loop3A_353, %parallel_loop3A_346 : vector<16xi32>
      %parallel_loop3A_355 = arith.addi %parallel_loop3A_346, %parallel_loop3A_354 : vector<16xi32>
      %parallel_loop3A_356 = arith.constant 15 : i32
      %parallel_loop3A_357 = vector.broadcast %parallel_loop3A_356 : i32 to vector<16xi32>
      %parallel_loop3A_358 = arith.shli %parallel_loop3A_354, %parallel_loop3A_357 : vector<16xi32>
      %parallel_loop3A_359 = arith.constant 17 : i32
      %parallel_loop3A_360 = vector.broadcast %parallel_loop3A_359 : i32 to vector<16xi32>
      %parallel_loop3A_361 = arith.shrui %parallel_loop3A_354, %parallel_loop3A_360 : vector<16xi32>
      %parallel_loop3A_362 = arith.ori %parallel_loop3A_358, %parallel_loop3A_361 : vector<16xi32>
      %parallel_loop3A_363 = arith.xori %parallel_loop3A_362, %parallel_loop3A_355 : vector<16xi32>
      %parallel_loop3A_364 = arith.addi %parallel_loop3A_355, %parallel_loop3A_363 : vector<16xi32>
      %parallel_loop3A_365 = arith.constant 26 : i32
      %parallel_loop3A_366 = vector.broadcast %parallel_loop3A_365 : i32 to vector<16xi32>
      %parallel_loop3A_367 = arith.shli %parallel_loop3A_363, %parallel_loop3A_366 : vector<16xi32>
      %parallel_loop3A_368 = arith.constant 6 : i32
      %parallel_loop3A_369 = vector.broadcast %parallel_loop3A_368 : i32 to vector<16xi32>
      %parallel_loop3A_370 = arith.shrui %parallel_loop3A_363, %parallel_loop3A_369 : vector<16xi32>
      %parallel_loop3A_371 = arith.ori %parallel_loop3A_367, %parallel_loop3A_370 : vector<16xi32>
      %parallel_loop3A_372 = arith.xori %parallel_loop3A_371, %parallel_loop3A_364 : vector<16xi32>
      %parallel_loop3A_373 = arith.addi %parallel_loop3A_364, %parallel_loop3A_372 : vector<16xi32>
      %parallel_loop3A_374 = arith.constant 6 : i32
      %parallel_loop3A_375 = vector.broadcast %parallel_loop3A_374 : i32 to vector<16xi32>
      %parallel_loop3A_376 = arith.shli %parallel_loop3A_372, %parallel_loop3A_375 : vector<16xi32>
      %parallel_loop3A_377 = arith.constant 26 : i32
      %parallel_loop3A_378 = vector.broadcast %parallel_loop3A_377 : i32 to vector<16xi32>
      %parallel_loop3A_379 = arith.shrui %parallel_loop3A_372, %parallel_loop3A_378 : vector<16xi32>
      %parallel_loop3A_380 = arith.ori %parallel_loop3A_376, %parallel_loop3A_379 : vector<16xi32>
      %parallel_loop3A_381 = arith.xori %parallel_loop3A_380, %parallel_loop3A_373 : vector<16xi32>
      %parallel_loop3A_382 = arith.constant -1378843660 : i32
      %parallel_loop3A_383 = vector.broadcast %parallel_loop3A_382 : i32 to vector<16xi32>
      %parallel_loop3A_384 = arith.addi %parallel_loop3A_373, %parallel_loop3A_383 : vector<16xi32>
      %parallel_loop3A_385 = arith.constant -1244255484 : i32
      %parallel_loop3A_386 = vector.broadcast %parallel_loop3A_385 : i32 to vector<16xi32>
      %parallel_loop3A_387 = arith.addi %parallel_loop3A_381, %parallel_loop3A_386 : vector<16xi32>
      %parallel_loop3A_388 = arith.addi %parallel_loop3A_384, %parallel_loop3A_387 : vector<16xi32>
      %parallel_loop3A_389 = arith.constant 17 : i32
      %parallel_loop3A_390 = vector.broadcast %parallel_loop3A_389 : i32 to vector<16xi32>
      %parallel_loop3A_391 = arith.shli %parallel_loop3A_387, %parallel_loop3A_390 : vector<16xi32>
      %parallel_loop3A_392 = arith.constant 15 : i32
      %parallel_loop3A_393 = vector.broadcast %parallel_loop3A_392 : i32 to vector<16xi32>
      %parallel_loop3A_394 = arith.shrui %parallel_loop3A_387, %parallel_loop3A_393 : vector<16xi32>
      %parallel_loop3A_395 = arith.ori %parallel_loop3A_391, %parallel_loop3A_394 : vector<16xi32>
      %parallel_loop3A_396 = arith.xori %parallel_loop3A_395, %parallel_loop3A_388 : vector<16xi32>
      %parallel_loop3A_397 = arith.addi %parallel_loop3A_388, %parallel_loop3A_396 : vector<16xi32>
      %parallel_loop3A_398 = arith.constant 29 : i32
      %parallel_loop3A_399 = vector.broadcast %parallel_loop3A_398 : i32 to vector<16xi32>
      %parallel_loop3A_400 = arith.shli %parallel_loop3A_396, %parallel_loop3A_399 : vector<16xi32>
      %parallel_loop3A_401 = arith.constant 3 : i32
      %parallel_loop3A_402 = vector.broadcast %parallel_loop3A_401 : i32 to vector<16xi32>
      %parallel_loop3A_403 = arith.shrui %parallel_loop3A_396, %parallel_loop3A_402 : vector<16xi32>
      %parallel_loop3A_404 = arith.ori %parallel_loop3A_400, %parallel_loop3A_403 : vector<16xi32>
      %parallel_loop3A_405 = arith.xori %parallel_loop3A_404, %parallel_loop3A_397 : vector<16xi32>
      %parallel_loop3A_406 = arith.addi %parallel_loop3A_397, %parallel_loop3A_405 : vector<16xi32>
      %parallel_loop3A_407 = arith.constant 16 : i32
      %parallel_loop3A_408 = vector.broadcast %parallel_loop3A_407 : i32 to vector<16xi32>
      %parallel_loop3A_409 = arith.shli %parallel_loop3A_405, %parallel_loop3A_408 : vector<16xi32>
      %parallel_loop3A_410 = arith.constant 16 : i32
      %parallel_loop3A_411 = vector.broadcast %parallel_loop3A_410 : i32 to vector<16xi32>
      %parallel_loop3A_412 = arith.shrui %parallel_loop3A_405, %parallel_loop3A_411 : vector<16xi32>
      %parallel_loop3A_413 = arith.ori %parallel_loop3A_409, %parallel_loop3A_412 : vector<16xi32>
      %parallel_loop3A_414 = arith.xori %parallel_loop3A_413, %parallel_loop3A_406 : vector<16xi32>
      %parallel_loop3A_415 = arith.addi %parallel_loop3A_406, %parallel_loop3A_414 : vector<16xi32>
      %parallel_loop3A_416 = arith.constant 24 : i32
      %parallel_loop3A_417 = vector.broadcast %parallel_loop3A_416 : i32 to vector<16xi32>
      %parallel_loop3A_418 = arith.shli %parallel_loop3A_414, %parallel_loop3A_417 : vector<16xi32>
      %parallel_loop3A_419 = arith.constant 8 : i32
      %parallel_loop3A_420 = vector.broadcast %parallel_loop3A_419 : i32 to vector<16xi32>
      %parallel_loop3A_421 = arith.shrui %parallel_loop3A_414, %parallel_loop3A_420 : vector<16xi32>
      %parallel_loop3A_422 = arith.ori %parallel_loop3A_418, %parallel_loop3A_421 : vector<16xi32>
      %parallel_loop3A_423 = arith.xori %parallel_loop3A_422, %parallel_loop3A_415 : vector<16xi32>
      %parallel_loop3A_424 = arith.constant -1244255485 : i32
      %parallel_loop3A_425 = vector.broadcast %parallel_loop3A_424 : i32 to vector<16xi32>
      %parallel_loop3A_426 = arith.addi %parallel_loop3A_415, %parallel_loop3A_425 : vector<16xi32>
      %parallel_loop3A_427 = arith.constant 64467759 : i32
      %parallel_loop3A_428 = vector.broadcast %parallel_loop3A_427 : i32 to vector<16xi32>
      %parallel_loop3A_429 = arith.addi %parallel_loop3A_423, %parallel_loop3A_428 : vector<16xi32>
      %parallel_loop3A_430 = arith.addi %parallel_loop3A_426, %parallel_loop3A_429 : vector<16xi32>
      %parallel_loop3A_431 = arith.constant 13 : i32
      %parallel_loop3A_432 = vector.broadcast %parallel_loop3A_431 : i32 to vector<16xi32>
      %parallel_loop3A_433 = arith.shli %parallel_loop3A_429, %parallel_loop3A_432 : vector<16xi32>
      %parallel_loop3A_434 = arith.constant 19 : i32
      %parallel_loop3A_435 = vector.broadcast %parallel_loop3A_434 : i32 to vector<16xi32>
      %parallel_loop3A_436 = arith.shrui %parallel_loop3A_429, %parallel_loop3A_435 : vector<16xi32>
      %parallel_loop3A_437 = arith.ori %parallel_loop3A_433, %parallel_loop3A_436 : vector<16xi32>
      %parallel_loop3A_438 = arith.xori %parallel_loop3A_437, %parallel_loop3A_430 : vector<16xi32>
      %parallel_loop3A_439 = arith.addi %parallel_loop3A_430, %parallel_loop3A_438 : vector<16xi32>
      %parallel_loop3A_440 = arith.constant 15 : i32
      %parallel_loop3A_441 = vector.broadcast %parallel_loop3A_440 : i32 to vector<16xi32>
      %parallel_loop3A_442 = arith.shli %parallel_loop3A_438, %parallel_loop3A_441 : vector<16xi32>
      %parallel_loop3A_443 = arith.constant 17 : i32
      %parallel_loop3A_444 = vector.broadcast %parallel_loop3A_443 : i32 to vector<16xi32>
      %parallel_loop3A_445 = arith.shrui %parallel_loop3A_438, %parallel_loop3A_444 : vector<16xi32>
      %parallel_loop3A_446 = arith.ori %parallel_loop3A_442, %parallel_loop3A_445 : vector<16xi32>
      %parallel_loop3A_447 = arith.xori %parallel_loop3A_446, %parallel_loop3A_439 : vector<16xi32>
      %parallel_loop3A_448 = arith.addi %parallel_loop3A_439, %parallel_loop3A_447 : vector<16xi32>
      %parallel_loop3A_449 = arith.constant 26 : i32
      %parallel_loop3A_450 = vector.broadcast %parallel_loop3A_449 : i32 to vector<16xi32>
      %parallel_loop3A_451 = arith.shli %parallel_loop3A_447, %parallel_loop3A_450 : vector<16xi32>
      %parallel_loop3A_452 = arith.constant 6 : i32
      %parallel_loop3A_453 = vector.broadcast %parallel_loop3A_452 : i32 to vector<16xi32>
      %parallel_loop3A_454 = arith.shrui %parallel_loop3A_447, %parallel_loop3A_453 : vector<16xi32>
      %parallel_loop3A_455 = arith.ori %parallel_loop3A_451, %parallel_loop3A_454 : vector<16xi32>
      %parallel_loop3A_456 = arith.xori %parallel_loop3A_455, %parallel_loop3A_448 : vector<16xi32>
      %parallel_loop3A_457 = arith.addi %parallel_loop3A_448, %parallel_loop3A_456 : vector<16xi32>
      %parallel_loop3A_458 = arith.constant 6 : i32
      %parallel_loop3A_459 = vector.broadcast %parallel_loop3A_458 : i32 to vector<16xi32>
      %parallel_loop3A_460 = arith.shli %parallel_loop3A_456, %parallel_loop3A_459 : vector<16xi32>
      %parallel_loop3A_461 = arith.constant 26 : i32
      %parallel_loop3A_462 = vector.broadcast %parallel_loop3A_461 : i32 to vector<16xi32>
      %parallel_loop3A_463 = arith.shrui %parallel_loop3A_456, %parallel_loop3A_462 : vector<16xi32>
      %parallel_loop3A_464 = arith.ori %parallel_loop3A_460, %parallel_loop3A_463 : vector<16xi32>
      %parallel_loop3A_465 = arith.xori %parallel_loop3A_464, %parallel_loop3A_457 : vector<16xi32>
      %parallel_loop3A_466 = arith.constant 64467757 : i32
      %parallel_loop3A_467 = vector.broadcast %parallel_loop3A_466 : i32 to vector<16xi32>
      %parallel_loop3A_468 = arith.addi %parallel_loop3A_457, %parallel_loop3A_467 : vector<16xi32>
      %parallel_loop3A_469 = arith.constant -1378843657 : i32
      %parallel_loop3A_470 = vector.broadcast %parallel_loop3A_469 : i32 to vector<16xi32>
      %parallel_loop3A_471 = arith.addi %parallel_loop3A_465, %parallel_loop3A_470 : vector<16xi32>
      %parallel_loop3A_472 = arith.addi %parallel_loop3A_468, %parallel_loop3A_471 : vector<16xi32>
      %parallel_loop3A_473 = arith.constant 17 : i32
      %parallel_loop3A_474 = vector.broadcast %parallel_loop3A_473 : i32 to vector<16xi32>
      %parallel_loop3A_475 = arith.shli %parallel_loop3A_471, %parallel_loop3A_474 : vector<16xi32>
      %parallel_loop3A_476 = arith.constant 15 : i32
      %parallel_loop3A_477 = vector.broadcast %parallel_loop3A_476 : i32 to vector<16xi32>
      %parallel_loop3A_478 = arith.shrui %parallel_loop3A_471, %parallel_loop3A_477 : vector<16xi32>
      %parallel_loop3A_479 = arith.ori %parallel_loop3A_475, %parallel_loop3A_478 : vector<16xi32>
      %parallel_loop3A_480 = arith.xori %parallel_loop3A_479, %parallel_loop3A_472 : vector<16xi32>
      %parallel_loop3A_481 = arith.addi %parallel_loop3A_472, %parallel_loop3A_480 : vector<16xi32>
      %parallel_loop3A_482 = arith.constant 29 : i32
      %parallel_loop3A_483 = vector.broadcast %parallel_loop3A_482 : i32 to vector<16xi32>
      %parallel_loop3A_484 = arith.shli %parallel_loop3A_480, %parallel_loop3A_483 : vector<16xi32>
      %parallel_loop3A_485 = arith.constant 3 : i32
      %parallel_loop3A_486 = vector.broadcast %parallel_loop3A_485 : i32 to vector<16xi32>
      %parallel_loop3A_487 = arith.shrui %parallel_loop3A_480, %parallel_loop3A_486 : vector<16xi32>
      %parallel_loop3A_488 = arith.ori %parallel_loop3A_484, %parallel_loop3A_487 : vector<16xi32>
      %parallel_loop3A_489 = arith.xori %parallel_loop3A_488, %parallel_loop3A_481 : vector<16xi32>
      %parallel_loop3A_490 = arith.addi %parallel_loop3A_481, %parallel_loop3A_489 : vector<16xi32>
      %parallel_loop3A_491 = arith.constant 16 : i32
      %parallel_loop3A_492 = vector.broadcast %parallel_loop3A_491 : i32 to vector<16xi32>
      %parallel_loop3A_493 = arith.shli %parallel_loop3A_489, %parallel_loop3A_492 : vector<16xi32>
      %parallel_loop3A_494 = arith.constant 16 : i32
      %parallel_loop3A_495 = vector.broadcast %parallel_loop3A_494 : i32 to vector<16xi32>
      %parallel_loop3A_496 = arith.shrui %parallel_loop3A_489, %parallel_loop3A_495 : vector<16xi32>
      %parallel_loop3A_497 = arith.ori %parallel_loop3A_493, %parallel_loop3A_496 : vector<16xi32>
      %parallel_loop3A_498 = arith.xori %parallel_loop3A_497, %parallel_loop3A_490 : vector<16xi32>
      %parallel_loop3A_499 = arith.addi %parallel_loop3A_490, %parallel_loop3A_498 : vector<16xi32>
      %parallel_loop3A_500 = arith.constant 24 : i32
      %parallel_loop3A_501 = vector.broadcast %parallel_loop3A_500 : i32 to vector<16xi32>
      %parallel_loop3A_502 = arith.shli %parallel_loop3A_498, %parallel_loop3A_501 : vector<16xi32>
      %parallel_loop3A_503 = arith.constant 8 : i32
      %parallel_loop3A_504 = vector.broadcast %parallel_loop3A_503 : i32 to vector<16xi32>
      %parallel_loop3A_505 = arith.shrui %parallel_loop3A_498, %parallel_loop3A_504 : vector<16xi32>
      %parallel_loop3A_506 = arith.ori %parallel_loop3A_502, %parallel_loop3A_505 : vector<16xi32>
      %parallel_loop3A_507 = arith.xori %parallel_loop3A_506, %parallel_loop3A_499 : vector<16xi32>
      %parallel_loop3A_508 = arith.constant -1378843660 : i32
      %parallel_loop3A_509 = vector.broadcast %parallel_loop3A_508 : i32 to vector<16xi32>
      %parallel_loop3A_510 = arith.addi %parallel_loop3A_499, %parallel_loop3A_509 : vector<16xi32>
      %parallel_loop3A_511 = arith.constant -1244255481 : i32
      %parallel_loop3A_512 = vector.broadcast %parallel_loop3A_511 : i32 to vector<16xi32>
      %parallel_loop3A_513 = arith.addi %parallel_loop3A_507, %parallel_loop3A_512 : vector<16xi32>
      %parallel_loop3A_514 = arith.addi %parallel_loop3A_510, %parallel_loop3A_513 : vector<16xi32>
      %parallel_loop3A_515 = arith.constant 13 : i32
      %parallel_loop3A_516 = vector.broadcast %parallel_loop3A_515 : i32 to vector<16xi32>
      %parallel_loop3A_517 = arith.shli %parallel_loop3A_513, %parallel_loop3A_516 : vector<16xi32>
      %parallel_loop3A_518 = arith.constant 19 : i32
      %parallel_loop3A_519 = vector.broadcast %parallel_loop3A_518 : i32 to vector<16xi32>
      %parallel_loop3A_520 = arith.shrui %parallel_loop3A_513, %parallel_loop3A_519 : vector<16xi32>
      %parallel_loop3A_521 = arith.ori %parallel_loop3A_517, %parallel_loop3A_520 : vector<16xi32>
      %parallel_loop3A_522 = arith.xori %parallel_loop3A_521, %parallel_loop3A_514 : vector<16xi32>
      %parallel_loop3A_523 = arith.addi %parallel_loop3A_514, %parallel_loop3A_522 : vector<16xi32>
      %parallel_loop3A_524 = arith.constant 15 : i32
      %parallel_loop3A_525 = vector.broadcast %parallel_loop3A_524 : i32 to vector<16xi32>
      %parallel_loop3A_526 = arith.shli %parallel_loop3A_522, %parallel_loop3A_525 : vector<16xi32>
      %parallel_loop3A_527 = arith.constant 17 : i32
      %parallel_loop3A_528 = vector.broadcast %parallel_loop3A_527 : i32 to vector<16xi32>
      %parallel_loop3A_529 = arith.shrui %parallel_loop3A_522, %parallel_loop3A_528 : vector<16xi32>
      %parallel_loop3A_530 = arith.ori %parallel_loop3A_526, %parallel_loop3A_529 : vector<16xi32>
      %parallel_loop3A_531 = arith.xori %parallel_loop3A_530, %parallel_loop3A_523 : vector<16xi32>
      %parallel_loop3A_532 = arith.addi %parallel_loop3A_523, %parallel_loop3A_531 : vector<16xi32>
      %parallel_loop3A_533 = arith.constant 26 : i32
      %parallel_loop3A_534 = vector.broadcast %parallel_loop3A_533 : i32 to vector<16xi32>
      %parallel_loop3A_535 = arith.shli %parallel_loop3A_531, %parallel_loop3A_534 : vector<16xi32>
      %parallel_loop3A_536 = arith.constant 6 : i32
      %parallel_loop3A_537 = vector.broadcast %parallel_loop3A_536 : i32 to vector<16xi32>
      %parallel_loop3A_538 = arith.shrui %parallel_loop3A_531, %parallel_loop3A_537 : vector<16xi32>
      %parallel_loop3A_539 = arith.ori %parallel_loop3A_535, %parallel_loop3A_538 : vector<16xi32>
      %parallel_loop3A_540 = arith.xori %parallel_loop3A_539, %parallel_loop3A_532 : vector<16xi32>
      %parallel_loop3A_541 = arith.addi %parallel_loop3A_532, %parallel_loop3A_540 : vector<16xi32>
      %parallel_loop3A_542 = arith.constant 6 : i32
      %parallel_loop3A_543 = vector.broadcast %parallel_loop3A_542 : i32 to vector<16xi32>
      %parallel_loop3A_544 = arith.shli %parallel_loop3A_540, %parallel_loop3A_543 : vector<16xi32>
      %parallel_loop3A_545 = arith.constant 26 : i32
      %parallel_loop3A_546 = vector.broadcast %parallel_loop3A_545 : i32 to vector<16xi32>
      %parallel_loop3A_547 = arith.shrui %parallel_loop3A_540, %parallel_loop3A_546 : vector<16xi32>
      %parallel_loop3A_548 = arith.ori %parallel_loop3A_544, %parallel_loop3A_547 : vector<16xi32>
      %parallel_loop3A_549 = arith.xori %parallel_loop3A_548, %parallel_loop3A_541 : vector<16xi32>
      %parallel_loop3A_550 = arith.constant -1244255485 : i32
      %parallel_loop3A_551 = vector.broadcast %parallel_loop3A_550 : i32 to vector<16xi32>
      %parallel_loop3A_552 = arith.addi %parallel_loop3A_541, %parallel_loop3A_551 : vector<16xi32>
      %parallel_loop3A_553 = arith.constant 64467762 : i32
      %parallel_loop3A_554 = vector.broadcast %parallel_loop3A_553 : i32 to vector<16xi32>
      %parallel_loop3A_555 = arith.addi %parallel_loop3A_549, %parallel_loop3A_554 : vector<16xi32>
      %parallel_loop3A_556 = arith.xori %parallel_loop3A_552, %parallel_loop3A_555 : vector<16xi32>
      %parallel_loop3A_557 = arith.constant -2147483136 : i32
      %parallel_loop3A_558 = vector.broadcast %parallel_loop3A_557 : i32 to vector<16xi32>
      %parallel_loop3A_559 = arith.cmpi uge, %parallel_loop3A_556, %parallel_loop3A_558 : vector<16xi32>
      %parallel_loop3A_560 = arith.constant 1.000000e+00 : f32
      %parallel_loop3A_561 = arith.constant 0.000000e+00 : f32
      %parallel_loop3A_562 = vector.broadcast %parallel_loop3A_560 : f32 to vector<16xf32>
      %parallel_loop3A_563 = vector.broadcast %parallel_loop3A_561 : f32 to vector<16xf32>
      %parallel_loop3A_564 = arith.select %parallel_loop3A_559, %parallel_loop3A_562, %parallel_loop3A_563 : vector<16xi1>, vector<16xf32>
      tpu.vector_store_idx %arg6[%parallel_loop3A_331, %parallel_loop3A_332], %parallel_loop3A_564 masked %parallel_loop3A_334 : memref<112x224xf32, #tpu.memory_space<vmem>>[vector<16xi32>, vector<16xi32>], vector<16xf32>, vector<16xi1>
    } {sc.loop_unroll_factor = 4 : i64, sc.parallel_access}
    %dma_start3A_273 = arith.constant 2 : i32
    %dma_start3A_274 = arith.constant 0 : i32
    %dma_start3A_275 = arith.constant 0 : i32
    %dma_start3A_276 = tpu.memref_slice %arg4[%add3A_16, %dma_start3A_273, %dma_start3A_274, %dma_start3A_275] : memref<32x3x224x224xf32, #tpu.memory_space<hbm>> -> memref<1x1x112x224xf32, #tpu.memory_space<hbm>>
    %dma_start3A_277 = tpu.memref_squeeze %dma_start3A_276 : memref<1x1x112x224xf32, #tpu.memory_space<hbm>> -> memref<112x224xf32, #tpu.memory_space<hbm>>
    %dma_start3A_278 = arith.constant 0 : i32
    %dma_start3A_279 = arith.constant 0 : i32
    %dma_start3A_280 = tpu.memref_slice %arg4[%add3A_16, %dma_start3A_273, %dma_start3A_278, %dma_start3A_279] : memref<32x3x224x224xf32, #tpu.memory_space<hbm>> -> memref<1x1x112x224xf32, #tpu.memory_space<hbm>>
    %dma_start3A_281 = tpu.memref_squeeze %dma_start3A_280 : memref<1x1x112x224xf32, #tpu.memory_space<hbm>> -> memref<112x224xf32, #tpu.memory_space<hbm>>
    tpu.enqueue_dma source(%arg6 : memref<112x224xf32, #tpu.memory_space<vmem>>) target(%dma_start3A_281 : memref<112x224xf32, #tpu.memory_space<hbm>>) target_semaphore(%arg15 : memref<!tpu.dma_semaphore, #tpu.memory_space<semaphore_mem>>)
    %dma_wait3A_282 = arith.constant 2 : i32
    %dma_wait3A_283 = arith.constant 0 : i32
    %dma_wait3A_284 = arith.constant 0 : i32
    %dma_wait3A_285 = tpu.memref_slice %arg4[%add3A_16, %dma_wait3A_282, %dma_wait3A_283, %dma_wait3A_284] : memref<32x3x224x224xf32, #tpu.memory_space<hbm>> -> memref<1x1x112x224xf32, #tpu.memory_space<hbm>>
    %dma_wait3A_286 = tpu.memref_squeeze %dma_wait3A_285 : memref<1x1x112x224xf32, #tpu.memory_space<hbm>> -> memref<112x224xf32, #tpu.memory_space<hbm>>
    %dma_wait3A_287 = arith.constant 0 : i32
    %dma_wait3A_288 = arith.constant 0 : i32
    %dma_wait3A_289 = tpu.memref_slice %arg4[%add3A_16, %dma_wait3A_282, %dma_wait3A_287, %dma_wait3A_288] : memref<32x3x224x224xf32, #tpu.memory_space<hbm>> -> memref<1x1x112x224xf32, #tpu.memory_space<hbm>>
    %dma_wait3A_290 = tpu.memref_squeeze %dma_wait3A_289 : memref<1x1x112x224xf32, #tpu.memory_space<hbm>> -> memref<112x224xf32, #tpu.memory_space<hbm>>
    tpu.wait_dma2 semaphore(%arg15 : memref<!tpu.dma_semaphore, #tpu.memory_space<semaphore_mem>>) src(%arg6 : memref<112x224xf32, #tpu.memory_space<vmem>>) dst(%dma_wait3A_290 : memref<112x224xf32, #tpu.memory_space<hbm>>)
    %dma_wait3A_291 = arith.constant 2 : i32
    %dma_wait3A_292 = arith.constant 112 : i32
    %dma_wait3A_293 = arith.constant 0 : i32
    %dma_wait3A_294 = tpu.memref_slice %arg2[%add3A_16, %dma_wait3A_291, %dma_wait3A_292, %dma_wait3A_293] : memref<64x3x224x224xf32, #tpu.memory_space<hbm>> -> memref<1x1x112x224xf32, #tpu.memory_space<hbm>>
    %dma_wait3A_295 = tpu.memref_squeeze %dma_wait3A_294 : memref<1x1x112x224xf32, #tpu.memory_space<hbm>> -> memref<112x224xf32, #tpu.memory_space<hbm>>
    %dma_wait3A_296 = arith.constant 112 : i32
    %dma_wait3A_297 = arith.constant 0 : i32
    %dma_wait3A_298 = tpu.memref_slice %arg2[%add3A_16, %dma_wait3A_291, %dma_wait3A_296, %dma_wait3A_297] : memref<64x3x224x224xf32, #tpu.memory_space<hbm>> -> memref<1x1x112x224xf32, #tpu.memory_space<hbm>>
    %dma_wait3A_299 = tpu.memref_squeeze %dma_wait3A_298 : memref<1x1x112x224xf32, #tpu.memory_space<hbm>> -> memref<112x224xf32, #tpu.memory_space<hbm>>
    tpu.wait_dma2 semaphore(%arg14 : memref<!tpu.dma_semaphore, #tpu.memory_space<semaphore_mem>>) src(%dma_wait3A_299 : memref<112x224xf32, #tpu.memory_space<hbm>>) dst(%arg7 : memref<112x224xf32, #tpu.memory_space<vmem>>)
    %mul3A_300 = arith.constant 3 : i32
    %mul3A_301 = arith.muli %add3A_16, %mul3A_300 : i32
    %add3A_302 = arith.constant 2 : i32
    %add3A_303 = arith.addi %mul3A_301, %add3A_302 : i32
    %mul3A_304 = arith.constant 50176 : i32
    %mul3A_305 = arith.muli %add3A_303, %mul3A_304 : i32
    %add3A_306 = arith.constant 25088 : i32
    %add3A_307 = arith.addi %mul3A_305, %add3A_306 : i32
    %parallel_loop3A_308 = arith.constant 0 : i32
    %parallel_loop3A_309 = arith.constant 1 : i32
    scf.for %parallel_loop3A_328 = %parallel_loop3A_308 to %reduce_max3A_52 step %parallel_loop3A_309  : i32 {
      %parallel_loop3A_329 = vector.broadcast %parallel_loop3A_328 : i32 to vector<16xi32>
      %parallel_loop3A_330 = arith.addi %mul3A_3, %parallel_loop3A_329 : vector<16xi32>
      %parallel_loop3A_331 = tpu.vector_load_idx %arg10[%parallel_loop3A_330] : memref<3072xi32, #tpu.memory_space<vmem>>[vector<16xi32>], vector<16xi32>,
      %parallel_loop3A_332 = tpu.vector_load_idx %arg11[%parallel_loop3A_330] : memref<3072xi32, #tpu.memory_space<vmem>>[vector<16xi32>], vector<16xi32>,
      %parallel_loop3A_333 = vector.broadcast %parallel_loop3A_328 : i32 to vector<16xi32>
      %parallel_loop3A_334 = arith.cmpi slt, %parallel_loop3A_333, %scan3A_36 : vector<16xi32>
      %parallel_loop3A_335 = arith.constant 224 : i32
      %parallel_loop3A_336 = vector.broadcast %parallel_loop3A_335 : i32 to vector<16xi32>
      %parallel_loop3A_337 = arith.muli %parallel_loop3A_331, %parallel_loop3A_336 : vector<16xi32>
      %parallel_loop3A_338 = arith.addi %parallel_loop3A_337, %parallel_loop3A_332 : vector<16xi32>
      %parallel_loop3A_339 = vector.broadcast %add3A_307 : i32 to vector<16xi32>
      %parallel_loop3A_340 = arith.addi %parallel_loop3A_339, %parallel_loop3A_338 : vector<16xi32>
      %parallel_loop3A_341 = arith.constant 64467757 : i32
      %parallel_loop3A_342 = vector.broadcast %parallel_loop3A_341 : i32 to vector<16xi32>
      %parallel_loop3A_343 = arith.constant -1378843660 : i32
      %parallel_loop3A_344 = vector.broadcast %parallel_loop3A_343 : i32 to vector<16xi32>
      %parallel_loop3A_345 = arith.addi %parallel_loop3A_340, %parallel_loop3A_344 : vector<16xi32>
      %parallel_loop3A_346 = arith.addi %parallel_loop3A_342, %parallel_loop3A_345 : vector<16xi32>
      %parallel_loop3A_347 = arith.constant 13 : i32
      %parallel_loop3A_348 = vector.broadcast %parallel_loop3A_347 : i32 to vector<16xi32>
      %parallel_loop3A_349 = arith.shli %parallel_loop3A_345, %parallel_loop3A_348 : vector<16xi32>
      %parallel_loop3A_350 = arith.constant 19 : i32
      %parallel_loop3A_351 = vector.broadcast %parallel_loop3A_350 : i32 to vector<16xi32>
      %parallel_loop3A_352 = arith.shrui %parallel_loop3A_345, %parallel_loop3A_351 : vector<16xi32>
      %parallel_loop3A_353 = arith.ori %parallel_loop3A_349, %parallel_loop3A_352 : vector<16xi32>
      %parallel_loop3A_354 = arith.xori %parallel_loop3A_353, %parallel_loop3A_346 : vector<16xi32>
      %parallel_loop3A_355 = arith.addi %parallel_loop3A_346, %parallel_loop3A_354 : vector<16xi32>
      %parallel_loop3A_356 = arith.constant 15 : i32
      %parallel_loop3A_357 = vector.broadcast %parallel_loop3A_356 : i32 to vector<16xi32>
      %parallel_loop3A_358 = arith.shli %parallel_loop3A_354, %parallel_loop3A_357 : vector<16xi32>
      %parallel_loop3A_359 = arith.constant 17 : i32
      %parallel_loop3A_360 = vector.broadcast %parallel_loop3A_359 : i32 to vector<16xi32>
      %parallel_loop3A_361 = arith.shrui %parallel_loop3A_354, %parallel_loop3A_360 : vector<16xi32>
      %parallel_loop3A_362 = arith.ori %parallel_loop3A_358, %parallel_loop3A_361 : vector<16xi32>
      %parallel_loop3A_363 = arith.xori %parallel_loop3A_362, %parallel_loop3A_355 : vector<16xi32>
      %parallel_loop3A_364 = arith.addi %parallel_loop3A_355, %parallel_loop3A_363 : vector<16xi32>
      %parallel_loop3A_365 = arith.constant 26 : i32
      %parallel_loop3A_366 = vector.broadcast %parallel_loop3A_365 : i32 to vector<16xi32>
      %parallel_loop3A_367 = arith.shli %parallel_loop3A_363, %parallel_loop3A_366 : vector<16xi32>
      %parallel_loop3A_368 = arith.constant 6 : i32
      %parallel_loop3A_369 = vector.broadcast %parallel_loop3A_368 : i32 to vector<16xi32>
      %parallel_loop3A_370 = arith.shrui %parallel_loop3A_363, %parallel_loop3A_369 : vector<16xi32>
      %parallel_loop3A_371 = arith.ori %parallel_loop3A_367, %parallel_loop3A_370 : vector<16xi32>
      %parallel_loop3A_372 = arith.xori %parallel_loop3A_371, %parallel_loop3A_364 : vector<16xi32>
      %parallel_loop3A_373 = arith.addi %parallel_loop3A_364, %parallel_loop3A_372 : vector<16xi32>
      %parallel_loop3A_374 = arith.constant 6 : i32
      %parallel_loop3A_375 = vector.broadcast %parallel_loop3A_374 : i32 to vector<16xi32>
      %parallel_loop3A_376 = arith.shli %parallel_loop3A_372, %parallel_loop3A_375 : vector<16xi32>
      %parallel_loop3A_377 = arith.constant 26 : i32
      %parallel_loop3A_378 = vector.broadcast %parallel_loop3A_377 : i32 to vector<16xi32>
      %parallel_loop3A_379 = arith.shrui %parallel_loop3A_372, %parallel_loop3A_378 : vector<16xi32>
      %parallel_loop3A_380 = arith.ori %parallel_loop3A_376, %parallel_loop3A_379 : vector<16xi32>
      %parallel_loop3A_381 = arith.xori %parallel_loop3A_380, %parallel_loop3A_373 : vector<16xi32>
      %parallel_loop3A_382 = arith.constant -1378843660 : i32
      %parallel_loop3A_383 = vector.broadcast %parallel_loop3A_382 : i32 to vector<16xi32>
      %parallel_loop3A_384 = arith.addi %parallel_loop3A_373, %parallel_loop3A_383 : vector<16xi32>
      %parallel_loop3A_385 = arith.constant -1244255484 : i32
      %parallel_loop3A_386 = vector.broadcast %parallel_loop3A_385 : i32 to vector<16xi32>
      %parallel_loop3A_387 = arith.addi %parallel_loop3A_381, %parallel_loop3A_386 : vector<16xi32>
      %parallel_loop3A_388 = arith.addi %parallel_loop3A_384, %parallel_loop3A_387 : vector<16xi32>
      %parallel_loop3A_389 = arith.constant 17 : i32
      %parallel_loop3A_390 = vector.broadcast %parallel_loop3A_389 : i32 to vector<16xi32>
      %parallel_loop3A_391 = arith.shli %parallel_loop3A_387, %parallel_loop3A_390 : vector<16xi32>
      %parallel_loop3A_392 = arith.constant 15 : i32
      %parallel_loop3A_393 = vector.broadcast %parallel_loop3A_392 : i32 to vector<16xi32>
      %parallel_loop3A_394 = arith.shrui %parallel_loop3A_387, %parallel_loop3A_393 : vector<16xi32>
      %parallel_loop3A_395 = arith.ori %parallel_loop3A_391, %parallel_loop3A_394 : vector<16xi32>
      %parallel_loop3A_396 = arith.xori %parallel_loop3A_395, %parallel_loop3A_388 : vector<16xi32>
      %parallel_loop3A_397 = arith.addi %parallel_loop3A_388, %parallel_loop3A_396 : vector<16xi32>
      %parallel_loop3A_398 = arith.constant 29 : i32
      %parallel_loop3A_399 = vector.broadcast %parallel_loop3A_398 : i32 to vector<16xi32>
      %parallel_loop3A_400 = arith.shli %parallel_loop3A_396, %parallel_loop3A_399 : vector<16xi32>
      %parallel_loop3A_401 = arith.constant 3 : i32
      %parallel_loop3A_402 = vector.broadcast %parallel_loop3A_401 : i32 to vector<16xi32>
      %parallel_loop3A_403 = arith.shrui %parallel_loop3A_396, %parallel_loop3A_402 : vector<16xi32>
      %parallel_loop3A_404 = arith.ori %parallel_loop3A_400, %parallel_loop3A_403 : vector<16xi32>
      %parallel_loop3A_405 = arith.xori %parallel_loop3A_404, %parallel_loop3A_397 : vector<16xi32>
      %parallel_loop3A_406 = arith.addi %parallel_loop3A_397, %parallel_loop3A_405 : vector<16xi32>
      %parallel_loop3A_407 = arith.constant 16 : i32
      %parallel_loop3A_408 = vector.broadcast %parallel_loop3A_407 : i32 to vector<16xi32>
      %parallel_loop3A_409 = arith.shli %parallel_loop3A_405, %parallel_loop3A_408 : vector<16xi32>
      %parallel_loop3A_410 = arith.constant 16 : i32
      %parallel_loop3A_411 = vector.broadcast %parallel_loop3A_410 : i32 to vector<16xi32>
      %parallel_loop3A_412 = arith.shrui %parallel_loop3A_405, %parallel_loop3A_411 : vector<16xi32>
      %parallel_loop3A_413 = arith.ori %parallel_loop3A_409, %parallel_loop3A_412 : vector<16xi32>
      %parallel_loop3A_414 = arith.xori %parallel_loop3A_413, %parallel_loop3A_406 : vector<16xi32>
      %parallel_loop3A_415 = arith.addi %parallel_loop3A_406, %parallel_loop3A_414 : vector<16xi32>
      %parallel_loop3A_416 = arith.constant 24 : i32
      %parallel_loop3A_417 = vector.broadcast %parallel_loop3A_416 : i32 to vector<16xi32>
      %parallel_loop3A_418 = arith.shli %parallel_loop3A_414, %parallel_loop3A_417 : vector<16xi32>
      %parallel_loop3A_419 = arith.constant 8 : i32
      %parallel_loop3A_420 = vector.broadcast %parallel_loop3A_419 : i32 to vector<16xi32>
      %parallel_loop3A_421 = arith.shrui %parallel_loop3A_414, %parallel_loop3A_420 : vector<16xi32>
      %parallel_loop3A_422 = arith.ori %parallel_loop3A_418, %parallel_loop3A_421 : vector<16xi32>
      %parallel_loop3A_423 = arith.xori %parallel_loop3A_422, %parallel_loop3A_415 : vector<16xi32>
      %parallel_loop3A_424 = arith.constant -1244255485 : i32
      %parallel_loop3A_425 = vector.broadcast %parallel_loop3A_424 : i32 to vector<16xi32>
      %parallel_loop3A_426 = arith.addi %parallel_loop3A_415, %parallel_loop3A_425 : vector<16xi32>
      %parallel_loop3A_427 = arith.constant 64467759 : i32
      %parallel_loop3A_428 = vector.broadcast %parallel_loop3A_427 : i32 to vector<16xi32>
      %parallel_loop3A_429 = arith.addi %parallel_loop3A_423, %parallel_loop3A_428 : vector<16xi32>
      %parallel_loop3A_430 = arith.addi %parallel_loop3A_426, %parallel_loop3A_429 : vector<16xi32>
      %parallel_loop3A_431 = arith.constant 13 : i32
      %parallel_loop3A_432 = vector.broadcast %parallel_loop3A_431 : i32 to vector<16xi32>
      %parallel_loop3A_433 = arith.shli %parallel_loop3A_429, %parallel_loop3A_432 : vector<16xi32>
      %parallel_loop3A_434 = arith.constant 19 : i32
      %parallel_loop3A_435 = vector.broadcast %parallel_loop3A_434 : i32 to vector<16xi32>
      %parallel_loop3A_436 = arith.shrui %parallel_loop3A_429, %parallel_loop3A_435 : vector<16xi32>
      %parallel_loop3A_437 = arith.ori %parallel_loop3A_433, %parallel_loop3A_436 : vector<16xi32>
      %parallel_loop3A_438 = arith.xori %parallel_loop3A_437, %parallel_loop3A_430 : vector<16xi32>
      %parallel_loop3A_439 = arith.addi %parallel_loop3A_430, %parallel_loop3A_438 : vector<16xi32>
      %parallel_loop3A_440 = arith.constant 15 : i32
      %parallel_loop3A_441 = vector.broadcast %parallel_loop3A_440 : i32 to vector<16xi32>
      %parallel_loop3A_442 = arith.shli %parallel_loop3A_438, %parallel_loop3A_441 : vector<16xi32>
      %parallel_loop3A_443 = arith.constant 17 : i32
      %parallel_loop3A_444 = vector.broadcast %parallel_loop3A_443 : i32 to vector<16xi32>
      %parallel_loop3A_445 = arith.shrui %parallel_loop3A_438, %parallel_loop3A_444 : vector<16xi32>
      %parallel_loop3A_446 = arith.ori %parallel_loop3A_442, %parallel_loop3A_445 : vector<16xi32>
      %parallel_loop3A_447 = arith.xori %parallel_loop3A_446, %parallel_loop3A_439 : vector<16xi32>
      %parallel_loop3A_448 = arith.addi %parallel_loop3A_439, %parallel_loop3A_447 : vector<16xi32>
      %parallel_loop3A_449 = arith.constant 26 : i32
      %parallel_loop3A_450 = vector.broadcast %parallel_loop3A_449 : i32 to vector<16xi32>
      %parallel_loop3A_451 = arith.shli %parallel_loop3A_447, %parallel_loop3A_450 : vector<16xi32>
      %parallel_loop3A_452 = arith.constant 6 : i32
      %parallel_loop3A_453 = vector.broadcast %parallel_loop3A_452 : i32 to vector<16xi32>
      %parallel_loop3A_454 = arith.shrui %parallel_loop3A_447, %parallel_loop3A_453 : vector<16xi32>
      %parallel_loop3A_455 = arith.ori %parallel_loop3A_451, %parallel_loop3A_454 : vector<16xi32>
      %parallel_loop3A_456 = arith.xori %parallel_loop3A_455, %parallel_loop3A_448 : vector<16xi32>
      %parallel_loop3A_457 = arith.addi %parallel_loop3A_448, %parallel_loop3A_456 : vector<16xi32>
      %parallel_loop3A_458 = arith.constant 6 : i32
      %parallel_loop3A_459 = vector.broadcast %parallel_loop3A_458 : i32 to vector<16xi32>
      %parallel_loop3A_460 = arith.shli %parallel_loop3A_456, %parallel_loop3A_459 : vector<16xi32>
      %parallel_loop3A_461 = arith.constant 26 : i32
      %parallel_loop3A_462 = vector.broadcast %parallel_loop3A_461 : i32 to vector<16xi32>
      %parallel_loop3A_463 = arith.shrui %parallel_loop3A_456, %parallel_loop3A_462 : vector<16xi32>
      %parallel_loop3A_464 = arith.ori %parallel_loop3A_460, %parallel_loop3A_463 : vector<16xi32>
      %parallel_loop3A_465 = arith.xori %parallel_loop3A_464, %parallel_loop3A_457 : vector<16xi32>
      %parallel_loop3A_466 = arith.constant 64467757 : i32
      %parallel_loop3A_467 = vector.broadcast %parallel_loop3A_466 : i32 to vector<16xi32>
      %parallel_loop3A_468 = arith.addi %parallel_loop3A_457, %parallel_loop3A_467 : vector<16xi32>
      %parallel_loop3A_469 = arith.constant -1378843657 : i32
      %parallel_loop3A_470 = vector.broadcast %parallel_loop3A_469 : i32 to vector<16xi32>
      %parallel_loop3A_471 = arith.addi %parallel_loop3A_465, %parallel_loop3A_470 : vector<16xi32>
      %parallel_loop3A_472 = arith.addi %parallel_loop3A_468, %parallel_loop3A_471 : vector<16xi32>
      %parallel_loop3A_473 = arith.constant 17 : i32
      %parallel_loop3A_474 = vector.broadcast %parallel_loop3A_473 : i32 to vector<16xi32>
      %parallel_loop3A_475 = arith.shli %parallel_loop3A_471, %parallel_loop3A_474 : vector<16xi32>
      %parallel_loop3A_476 = arith.constant 15 : i32
      %parallel_loop3A_477 = vector.broadcast %parallel_loop3A_476 : i32 to vector<16xi32>
      %parallel_loop3A_478 = arith.shrui %parallel_loop3A_471, %parallel_loop3A_477 : vector<16xi32>
      %parallel_loop3A_479 = arith.ori %parallel_loop3A_475, %parallel_loop3A_478 : vector<16xi32>
      %parallel_loop3A_480 = arith.xori %parallel_loop3A_479, %parallel_loop3A_472 : vector<16xi32>
      %parallel_loop3A_481 = arith.addi %parallel_loop3A_472, %parallel_loop3A_480 : vector<16xi32>
      %parallel_loop3A_482 = arith.constant 29 : i32
      %parallel_loop3A_483 = vector.broadcast %parallel_loop3A_482 : i32 to vector<16xi32>
      %parallel_loop3A_484 = arith.shli %parallel_loop3A_480, %parallel_loop3A_483 : vector<16xi32>
      %parallel_loop3A_485 = arith.constant 3 : i32
      %parallel_loop3A_486 = vector.broadcast %parallel_loop3A_485 : i32 to vector<16xi32>
      %parallel_loop3A_487 = arith.shrui %parallel_loop3A_480, %parallel_loop3A_486 : vector<16xi32>
      %parallel_loop3A_488 = arith.ori %parallel_loop3A_484, %parallel_loop3A_487 : vector<16xi32>
      %parallel_loop3A_489 = arith.xori %parallel_loop3A_488, %parallel_loop3A_481 : vector<16xi32>
      %parallel_loop3A_490 = arith.addi %parallel_loop3A_481, %parallel_loop3A_489 : vector<16xi32>
      %parallel_loop3A_491 = arith.constant 16 : i32
      %parallel_loop3A_492 = vector.broadcast %parallel_loop3A_491 : i32 to vector<16xi32>
      %parallel_loop3A_493 = arith.shli %parallel_loop3A_489, %parallel_loop3A_492 : vector<16xi32>
      %parallel_loop3A_494 = arith.constant 16 : i32
      %parallel_loop3A_495 = vector.broadcast %parallel_loop3A_494 : i32 to vector<16xi32>
      %parallel_loop3A_496 = arith.shrui %parallel_loop3A_489, %parallel_loop3A_495 : vector<16xi32>
      %parallel_loop3A_497 = arith.ori %parallel_loop3A_493, %parallel_loop3A_496 : vector<16xi32>
      %parallel_loop3A_498 = arith.xori %parallel_loop3A_497, %parallel_loop3A_490 : vector<16xi32>
      %parallel_loop3A_499 = arith.addi %parallel_loop3A_490, %parallel_loop3A_498 : vector<16xi32>
      %parallel_loop3A_500 = arith.constant 24 : i32
      %parallel_loop3A_501 = vector.broadcast %parallel_loop3A_500 : i32 to vector<16xi32>
      %parallel_loop3A_502 = arith.shli %parallel_loop3A_498, %parallel_loop3A_501 : vector<16xi32>
      %parallel_loop3A_503 = arith.constant 8 : i32
      %parallel_loop3A_504 = vector.broadcast %parallel_loop3A_503 : i32 to vector<16xi32>
      %parallel_loop3A_505 = arith.shrui %parallel_loop3A_498, %parallel_loop3A_504 : vector<16xi32>
      %parallel_loop3A_506 = arith.ori %parallel_loop3A_502, %parallel_loop3A_505 : vector<16xi32>
      %parallel_loop3A_507 = arith.xori %parallel_loop3A_506, %parallel_loop3A_499 : vector<16xi32>
      %parallel_loop3A_508 = arith.constant -1378843660 : i32
      %parallel_loop3A_509 = vector.broadcast %parallel_loop3A_508 : i32 to vector<16xi32>
      %parallel_loop3A_510 = arith.addi %parallel_loop3A_499, %parallel_loop3A_509 : vector<16xi32>
      %parallel_loop3A_511 = arith.constant -1244255481 : i32
      %parallel_loop3A_512 = vector.broadcast %parallel_loop3A_511 : i32 to vector<16xi32>
      %parallel_loop3A_513 = arith.addi %parallel_loop3A_507, %parallel_loop3A_512 : vector<16xi32>
      %parallel_loop3A_514 = arith.addi %parallel_loop3A_510, %parallel_loop3A_513 : vector<16xi32>
      %parallel_loop3A_515 = arith.constant 13 : i32
      %parallel_loop3A_516 = vector.broadcast %parallel_loop3A_515 : i32 to vector<16xi32>
      %parallel_loop3A_517 = arith.shli %parallel_loop3A_513, %parallel_loop3A_516 : vector<16xi32>
      %parallel_loop3A_518 = arith.constant 19 : i32
      %parallel_loop3A_519 = vector.broadcast %parallel_loop3A_518 : i32 to vector<16xi32>
      %parallel_loop3A_520 = arith.shrui %parallel_loop3A_513, %parallel_loop3A_519 : vector<16xi32>
      %parallel_loop3A_521 = arith.ori %parallel_loop3A_517, %parallel_loop3A_520 : vector<16xi32>
      %parallel_loop3A_522 = arith.xori %parallel_loop3A_521, %parallel_loop3A_514 : vector<16xi32>
      %parallel_loop3A_523 = arith.addi %parallel_loop3A_514, %parallel_loop3A_522 : vector<16xi32>
      %parallel_loop3A_524 = arith.constant 15 : i32
      %parallel_loop3A_525 = vector.broadcast %parallel_loop3A_524 : i32 to vector<16xi32>
      %parallel_loop3A_526 = arith.shli %parallel_loop3A_522, %parallel_loop3A_525 : vector<16xi32>
      %parallel_loop3A_527 = arith.constant 17 : i32
      %parallel_loop3A_528 = vector.broadcast %parallel_loop3A_527 : i32 to vector<16xi32>
      %parallel_loop3A_529 = arith.shrui %parallel_loop3A_522, %parallel_loop3A_528 : vector<16xi32>
      %parallel_loop3A_530 = arith.ori %parallel_loop3A_526, %parallel_loop3A_529 : vector<16xi32>
      %parallel_loop3A_531 = arith.xori %parallel_loop3A_530, %parallel_loop3A_523 : vector<16xi32>
      %parallel_loop3A_532 = arith.addi %parallel_loop3A_523, %parallel_loop3A_531 : vector<16xi32>
      %parallel_loop3A_533 = arith.constant 26 : i32
      %parallel_loop3A_534 = vector.broadcast %parallel_loop3A_533 : i32 to vector<16xi32>
      %parallel_loop3A_535 = arith.shli %parallel_loop3A_531, %parallel_loop3A_534 : vector<16xi32>
      %parallel_loop3A_536 = arith.constant 6 : i32
      %parallel_loop3A_537 = vector.broadcast %parallel_loop3A_536 : i32 to vector<16xi32>
      %parallel_loop3A_538 = arith.shrui %parallel_loop3A_531, %parallel_loop3A_537 : vector<16xi32>
      %parallel_loop3A_539 = arith.ori %parallel_loop3A_535, %parallel_loop3A_538 : vector<16xi32>
      %parallel_loop3A_540 = arith.xori %parallel_loop3A_539, %parallel_loop3A_532 : vector<16xi32>
      %parallel_loop3A_541 = arith.addi %parallel_loop3A_532, %parallel_loop3A_540 : vector<16xi32>
      %parallel_loop3A_542 = arith.constant 6 : i32
      %parallel_loop3A_543 = vector.broadcast %parallel_loop3A_542 : i32 to vector<16xi32>
      %parallel_loop3A_544 = arith.shli %parallel_loop3A_540, %parallel_loop3A_543 : vector<16xi32>
      %parallel_loop3A_545 = arith.constant 26 : i32
      %parallel_loop3A_546 = vector.broadcast %parallel_loop3A_545 : i32 to vector<16xi32>
      %parallel_loop3A_547 = arith.shrui %parallel_loop3A_540, %parallel_loop3A_546 : vector<16xi32>
      %parallel_loop3A_548 = arith.ori %parallel_loop3A_544, %parallel_loop3A_547 : vector<16xi32>
      %parallel_loop3A_549 = arith.xori %parallel_loop3A_548, %parallel_loop3A_541 : vector<16xi32>
      %parallel_loop3A_550 = arith.constant -1244255485 : i32
      %parallel_loop3A_551 = vector.broadcast %parallel_loop3A_550 : i32 to vector<16xi32>
      %parallel_loop3A_552 = arith.addi %parallel_loop3A_541, %parallel_loop3A_551 : vector<16xi32>
      %parallel_loop3A_553 = arith.constant 64467762 : i32
      %parallel_loop3A_554 = vector.broadcast %parallel_loop3A_553 : i32 to vector<16xi32>
      %parallel_loop3A_555 = arith.addi %parallel_loop3A_549, %parallel_loop3A_554 : vector<16xi32>
      %parallel_loop3A_556 = arith.xori %parallel_loop3A_552, %parallel_loop3A_555 : vector<16xi32>
      %parallel_loop3A_557 = arith.constant -2147483136 : i32
      %parallel_loop3A_558 = vector.broadcast %parallel_loop3A_557 : i32 to vector<16xi32>
      %parallel_loop3A_559 = arith.cmpi uge, %parallel_loop3A_556, %parallel_loop3A_558 : vector<16xi32>
      %parallel_loop3A_560 = arith.constant 1.000000e+00 : f32
      %parallel_loop3A_561 = arith.constant 0.000000e+00 : f32
      %parallel_loop3A_562 = vector.broadcast %parallel_loop3A_560 : f32 to vector<16xf32>
      %parallel_loop3A_563 = vector.broadcast %parallel_loop3A_561 : f32 to vector<16xf32>
      %parallel_loop3A_564 = arith.select %parallel_loop3A_559, %parallel_loop3A_562, %parallel_loop3A_563 : vector<16xi1>, vector<16xf32>
      tpu.vector_store_idx %arg7[%parallel_loop3A_331, %parallel_loop3A_332], %parallel_loop3A_564 masked %parallel_loop3A_334 : memref<112x224xf32, #tpu.memory_space<vmem>>[vector<16xi32>, vector<16xi32>], vector<16xf32>, vector<16xi1>
    } {sc.loop_unroll_factor = 4 : i64, sc.parallel_access}
    %dma_start3A_310 = arith.constant 2 : i32
    %dma_start3A_311 = arith.constant 112 : i32
    %dma_start3A_312 = arith.constant 0 : i32
    %dma_start3A_313 = tpu.memref_slice %arg4[%add3A_16, %dma_start3A_310, %dma_start3A_311, %dma_start3A_312] : memref<32x3x224x224xf32, #tpu.memory_space<hbm>> -> memref<1x1x112x224xf32, #tpu.memory_space<hbm>>
    %dma_start3A_314 = tpu.memref_squeeze %dma_start3A_313 : memref<1x1x112x224xf32, #tpu.memory_space<hbm>> -> memref<112x224xf32, #tpu.memory_space<hbm>>
    %dma_start3A_315 = arith.constant 112 : i32
    %dma_start3A_316 = arith.constant 0 : i32
    %dma_start3A_317 = tpu.memref_slice %arg4[%add3A_16, %dma_start3A_310, %dma_start3A_315, %dma_start3A_316] : memref<32x3x224x224xf32, #tpu.memory_space<hbm>> -> memref<1x1x112x224xf32, #tpu.memory_space<hbm>>
    %dma_start3A_318 = tpu.memref_squeeze %dma_start3A_317 : memref<1x1x112x224xf32, #tpu.memory_space<hbm>> -> memref<112x224xf32, #tpu.memory_space<hbm>>
    tpu.enqueue_dma source(%arg7 : memref<112x224xf32, #tpu.memory_space<vmem>>) target(%dma_start3A_318 : memref<112x224xf32, #tpu.memory_space<hbm>>) target_semaphore(%arg16 : memref<!tpu.dma_semaphore, #tpu.memory_space<semaphore_mem>>)
    %dma_wait3A_319 = arith.constant 2 : i32
    %dma_wait3A_320 = arith.constant 112 : i32
    %dma_wait3A_321 = arith.constant 0 : i32
    %dma_wait3A_322 = tpu.memref_slice %arg4[%add3A_16, %dma_wait3A_319, %dma_wait3A_320, %dma_wait3A_321] : memref<32x3x224x224xf32, #tpu.memory_space<hbm>> -> memref<1x1x112x224xf32, #tpu.memory_space<hbm>>
    %dma_wait3A_323 = tpu.memref_squeeze %dma_wait3A_322 : memref<1x1x112x224xf32, #tpu.memory_space<hbm>> -> memref<112x224xf32, #tpu.memory_space<hbm>>
    %dma_wait3A_324 = arith.constant 112 : i32
    %dma_wait3A_325 = arith.constant 0 : i32
    %dma_wait3A_326 = tpu.memref_slice %arg4[%add3A_16, %dma_wait3A_319, %dma_wait3A_324, %dma_wait3A_325] : memref<32x3x224x224xf32, #tpu.memory_space<hbm>> -> memref<1x1x112x224xf32, #tpu.memory_space<hbm>>
    %dma_wait3A_327 = tpu.memref_squeeze %dma_wait3A_326 : memref<1x1x112x224xf32, #tpu.memory_space<hbm>> -> memref<112x224xf32, #tpu.memory_space<hbm>>
    tpu.wait_dma2 semaphore(%arg16 : memref<!tpu.dma_semaphore, #tpu.memory_space<semaphore_mem>>) src(%arg7 : memref<112x224xf32, #tpu.memory_space<vmem>>) dst(%dma_wait3A_327 : memref<112x224xf32, #tpu.memory_space<hbm>>)
    return
  }
}

module attributes {stable_mosaic.version = 14 : i64} {
  func.func @_mask_kernel(%arg0: i32, %arg1: i32, %arg2: memref<1x112x224xi32, #tpu.memory_space<vmem>>) attributes {dimension_semantics = [#tpu.dimension_semantics<arbitrary>, #tpu.dimension_semantics<arbitrary>], iteration_bounds = array<i64: 32, 2>, scalar_prefetch = 0 : i64, scratch_operands = 0 : i64, tpu.core_type = #tpu.core_type<tc>, window_params = [{transform_indices = @transform_0, window_bounds = array<i64: 1, 112, 224>}]} {
    %iota3A = tpu.iota {dimensions = array<i32: 0>} : vector<112x224xi32>
    %iota3A_0 = tpu.iota {dimensions = array<i32: 1>} : vector<112x224xi32>
    %mul3A = arith.constant 112 : i32
    %mul3A_1 = arith.muli %arg1, %mul3A : i32
    %add3A = vector.broadcast %mul3A_1 : i32 to vector<112x224xi32>
    %add3A_2 = arith.addi %add3A, %iota3A : vector<112x224xi32>
    %mul3A_3 = arith.constant 224 : i32
    %mul3A_4 = vector.broadcast %mul3A_3 : i32 to vector<112x224xi32>
    %mul3A_5 = arith.muli %add3A_2, %mul3A_4 : vector<112x224xi32>
    %add3A_6 = arith.addi %mul3A_5, %iota3A_0 : vector<112x224xi32>
    %mul3A_7 = arith.constant 50176 : i32
    %mul3A_8 = arith.muli %arg0, %mul3A_7 : i32
    %add3A_9 = vector.broadcast %mul3A_8 : i32 to vector<112x224xi32>
    %add3A_10 = arith.addi %add3A_9, %add3A_6 : vector<112x224xi32>
    %broadcast_in_dim3A = arith.constant 1832780943 : i32
    %broadcast_in_dim3A_11 = vector.broadcast %broadcast_in_dim3A : i32 to vector<112x224xi32>
    %add3A_12 = arith.constant 270669613 : i32
    %add3A_13 = vector.broadcast %add3A_12 : i32 to vector<112x224xi32>
    %add3A_14 = arith.addi %add3A_10, %add3A_13 : vector<112x224xi32>
    %add3A_15 = arith.addi %broadcast_in_dim3A_11, %add3A_14 : vector<112x224xi32>
    %shift_left3A = arith.constant 13 : i32
    %shift_left3A_16 = vector.broadcast %shift_left3A : i32 to vector<112x224xi32>
    %shift_left3A_17 = arith.shli %add3A_14, %shift_left3A_16 : vector<112x224xi32>
    %shift_right_logical3A = arith.constant 19 : i32
    %shift_right_logical3A_18 = vector.broadcast %shift_right_logical3A : i32 to vector<112x224xi32>
    %shift_right_logical3A_19 = arith.shrui %add3A_14, %shift_right_logical3A_18 : vector<112x224xi32>
    %or3A = arith.ori %shift_left3A_17, %shift_right_logical3A_19 : vector<112x224xi32>
    %xor3A = arith.xori %or3A, %add3A_15 : vector<112x224xi32>
    %add3A_20 = arith.addi %add3A_15, %xor3A : vector<112x224xi32>
    %shift_left3A_21 = arith.constant 15 : i32
    %shift_left3A_22 = vector.broadcast %shift_left3A_21 : i32 to vector<112x224xi32>
    %shift_left3A_23 = arith.shli %xor3A, %shift_left3A_22 : vector<112x224xi32>
    %shift_right_logical3A_24 = arith.constant 17 : i32
    %shift_right_logical3A_25 = vector.broadcast %shift_right_logical3A_24 : i32 to vector<112x224xi32>
    %shift_right_logical3A_26 = arith.shrui %xor3A, %shift_right_logical3A_25 : vector<112x224xi32>
    %or3A_27 = arith.ori %shift_left3A_23, %shift_right_logical3A_26 : vector<112x224xi32>
    %xor3A_28 = arith.xori %or3A_27, %add3A_20 : vector<112x224xi32>
    %add3A_29 = arith.addi %add3A_20, %xor3A_28 : vector<112x224xi32>
    %shift_left3A_30 = arith.constant 26 : i32
    %shift_left3A_31 = vector.broadcast %shift_left3A_30 : i32 to vector<112x224xi32>
    %shift_left3A_32 = arith.shli %xor3A_28, %shift_left3A_31 : vector<112x224xi32>
    %shift_right_logical3A_33 = arith.constant 6 : i32
    %shift_right_logical3A_34 = vector.broadcast %shift_right_logical3A_33 : i32 to vector<112x224xi32>
    %shift_right_logical3A_35 = arith.shrui %xor3A_28, %shift_right_logical3A_34 : vector<112x224xi32>
    %or3A_36 = arith.ori %shift_left3A_32, %shift_right_logical3A_35 : vector<112x224xi32>
    %xor3A_37 = arith.xori %or3A_36, %add3A_29 : vector<112x224xi32>
    %add3A_38 = arith.addi %add3A_29, %xor3A_37 : vector<112x224xi32>
    %shift_left3A_39 = arith.constant 6 : i32
    %shift_left3A_40 = vector.broadcast %shift_left3A_39 : i32 to vector<112x224xi32>
    %shift_left3A_41 = arith.shli %xor3A_37, %shift_left3A_40 : vector<112x224xi32>
    %shift_right_logical3A_42 = arith.constant 26 : i32
    %shift_right_logical3A_43 = vector.broadcast %shift_right_logical3A_42 : i32 to vector<112x224xi32>
    %shift_right_logical3A_44 = arith.shrui %xor3A_37, %shift_right_logical3A_43 : vector<112x224xi32>
    %or3A_45 = arith.ori %shift_left3A_41, %shift_right_logical3A_44 : vector<112x224xi32>
    %xor3A_46 = arith.xori %or3A_45, %add3A_38 : vector<112x224xi32>
    %add3A_47 = arith.constant 270669613 : i32
    %add3A_48 = vector.broadcast %add3A_47 : i32 to vector<112x224xi32>
    %add3A_49 = arith.addi %add3A_38, %add3A_48 : vector<112x224xi32>
    %add3A_50 = arith.constant 1724713081 : i32
    %add3A_51 = vector.broadcast %add3A_50 : i32 to vector<112x224xi32>
    %add3A_52 = arith.addi %xor3A_46, %add3A_51 : vector<112x224xi32>
    %add3A_53 = arith.addi %add3A_49, %add3A_52 : vector<112x224xi32>
    %shift_left3A_54 = arith.constant 17 : i32
    %shift_left3A_55 = vector.broadcast %shift_left3A_54 : i32 to vector<112x224xi32>
    %shift_left3A_56 = arith.shli %add3A_52, %shift_left3A_55 : vector<112x224xi32>
    %shift_right_logical3A_57 = arith.constant 15 : i32
    %shift_right_logical3A_58 = vector.broadcast %shift_right_logical3A_57 : i32 to vector<112x224xi32>
    %shift_right_logical3A_59 = arith.shrui %add3A_52, %shift_right_logical3A_58 : vector<112x224xi32>
    %or3A_60 = arith.ori %shift_left3A_56, %shift_right_logical3A_59 : vector<112x224xi32>
    %xor3A_61 = arith.xori %or3A_60, %add3A_53 : vector<112x224xi32>
    %add3A_62 = arith.addi %add3A_53, %xor3A_61 : vector<112x224xi32>
    %shift_left3A_63 = arith.constant 29 : i32
    %shift_left3A_64 = vector.broadcast %shift_left3A_63 : i32 to vector<112x224xi32>
    %shift_left3A_65 = arith.shli %xor3A_61, %shift_left3A_64 : vector<112x224xi32>
    %shift_right_logical3A_66 = arith.constant 3 : i32
    %shift_right_logical3A_67 = vector.broadcast %shift_right_logical3A_66 : i32 to vector<112x224xi32>
    %shift_right_logical3A_68 = arith.shrui %xor3A_61, %shift_right_logical3A_67 : vector<112x224xi32>
    %or3A_69 = arith.ori %shift_left3A_65, %shift_right_logical3A_68 : vector<112x224xi32>
    %xor3A_70 = arith.xori %or3A_69, %add3A_62 : vector<112x224xi32>
    %add3A_71 = arith.addi %add3A_62, %xor3A_70 : vector<112x224xi32>
    %shift_left3A_72 = arith.constant 16 : i32
    %shift_left3A_73 = vector.broadcast %shift_left3A_72 : i32 to vector<112x224xi32>
    %shift_left3A_74 = arith.shli %xor3A_70, %shift_left3A_73 : vector<112x224xi32>
    %shift_right_logical3A_75 = arith.constant 16 : i32
    %shift_right_logical3A_76 = vector.broadcast %shift_right_logical3A_75 : i32 to vector<112x224xi32>
    %shift_right_logical3A_77 = arith.shrui %xor3A_70, %shift_right_logical3A_76 : vector<112x224xi32>
    %or3A_78 = arith.ori %shift_left3A_74, %shift_right_logical3A_77 : vector<112x224xi32>
    %xor3A_79 = arith.xori %or3A_78, %add3A_71 : vector<112x224xi32>
    %add3A_80 = arith.addi %add3A_71, %xor3A_79 : vector<112x224xi32>
    %shift_left3A_81 = arith.constant 24 : i32
    %shift_left3A_82 = vector.broadcast %shift_left3A_81 : i32 to vector<112x224xi32>
    %shift_left3A_83 = arith.shli %xor3A_79, %shift_left3A_82 : vector<112x224xi32>
    %shift_right_logical3A_84 = arith.constant 8 : i32
    %shift_right_logical3A_85 = vector.broadcast %shift_right_logical3A_84 : i32 to vector<112x224xi32>
    %shift_right_logical3A_86 = arith.shrui %xor3A_79, %shift_right_logical3A_85 : vector<112x224xi32>
    %or3A_87 = arith.ori %shift_left3A_83, %shift_right_logical3A_86 : vector<112x224xi32>
    %xor3A_88 = arith.xori %or3A_87, %add3A_80 : vector<112x224xi32>
    %add3A_89 = arith.constant 1724713080 : i32
    %add3A_90 = vector.broadcast %add3A_89 : i32 to vector<112x224xi32>
    %add3A_91 = arith.addi %add3A_80, %add3A_90 : vector<112x224xi32>
    %add3A_92 = arith.constant 1832780945 : i32
    %add3A_93 = vector.broadcast %add3A_92 : i32 to vector<112x224xi32>
    %add3A_94 = arith.addi %xor3A_88, %add3A_93 : vector<112x224xi32>
    %add3A_95 = arith.addi %add3A_91, %add3A_94 : vector<112x224xi32>
    %shift_left3A_96 = arith.constant 13 : i32
    %shift_left3A_97 = vector.broadcast %shift_left3A_96 : i32 to vector<112x224xi32>
    %shift_left3A_98 = arith.shli %add3A_94, %shift_left3A_97 : vector<112x224xi32>
    %shift_right_logical3A_99 = arith.constant 19 : i32
    %shift_right_logical3A_100 = vector.broadcast %shift_right_logical3A_99 : i32 to vector<112x224xi32>
    %shift_right_logical3A_101 = arith.shrui %add3A_94, %shift_right_logical3A_100 : vector<112x224xi32>
    %or3A_102 = arith.ori %shift_left3A_98, %shift_right_logical3A_101 : vector<112x224xi32>
    %xor3A_103 = arith.xori %or3A_102, %add3A_95 : vector<112x224xi32>
    %add3A_104 = arith.addi %add3A_95, %xor3A_103 : vector<112x224xi32>
    %shift_left3A_105 = arith.constant 15 : i32
    %shift_left3A_106 = vector.broadcast %shift_left3A_105 : i32 to vector<112x224xi32>
    %shift_left3A_107 = arith.shli %xor3A_103, %shift_left3A_106 : vector<112x224xi32>
    %shift_right_logical3A_108 = arith.constant 17 : i32
    %shift_right_logical3A_109 = vector.broadcast %shift_right_logical3A_108 : i32 to vector<112x224xi32>
    %shift_right_logical3A_110 = arith.shrui %xor3A_103, %shift_right_logical3A_109 : vector<112x224xi32>
    %or3A_111 = arith.ori %shift_left3A_107, %shift_right_logical3A_110 : vector<112x224xi32>
    %xor3A_112 = arith.xori %or3A_111, %add3A_104 : vector<112x224xi32>
    %add3A_113 = arith.addi %add3A_104, %xor3A_112 : vector<112x224xi32>
    %shift_left3A_114 = arith.constant 26 : i32
    %shift_left3A_115 = vector.broadcast %shift_left3A_114 : i32 to vector<112x224xi32>
    %shift_left3A_116 = arith.shli %xor3A_112, %shift_left3A_115 : vector<112x224xi32>
    %shift_right_logical3A_117 = arith.constant 6 : i32
    %shift_right_logical3A_118 = vector.broadcast %shift_right_logical3A_117 : i32 to vector<112x224xi32>
    %shift_right_logical3A_119 = arith.shrui %xor3A_112, %shift_right_logical3A_118 : vector<112x224xi32>
    %or3A_120 = arith.ori %shift_left3A_116, %shift_right_logical3A_119 : vector<112x224xi32>
    %xor3A_121 = arith.xori %or3A_120, %add3A_113 : vector<112x224xi32>
    %add3A_122 = arith.addi %add3A_113, %xor3A_121 : vector<112x224xi32>
    %shift_left3A_123 = arith.constant 6 : i32
    %shift_left3A_124 = vector.broadcast %shift_left3A_123 : i32 to vector<112x224xi32>
    %shift_left3A_125 = arith.shli %xor3A_121, %shift_left3A_124 : vector<112x224xi32>
    %shift_right_logical3A_126 = arith.constant 26 : i32
    %shift_right_logical3A_127 = vector.broadcast %shift_right_logical3A_126 : i32 to vector<112x224xi32>
    %shift_right_logical3A_128 = arith.shrui %xor3A_121, %shift_right_logical3A_127 : vector<112x224xi32>
    %or3A_129 = arith.ori %shift_left3A_125, %shift_right_logical3A_128 : vector<112x224xi32>
    %xor3A_130 = arith.xori %or3A_129, %add3A_122 : vector<112x224xi32>
    %add3A_131 = arith.constant 1832780943 : i32
    %add3A_132 = vector.broadcast %add3A_131 : i32 to vector<112x224xi32>
    %add3A_133 = arith.addi %add3A_122, %add3A_132 : vector<112x224xi32>
    %add3A_134 = arith.constant 270669616 : i32
    %add3A_135 = vector.broadcast %add3A_134 : i32 to vector<112x224xi32>
    %add3A_136 = arith.addi %xor3A_130, %add3A_135 : vector<112x224xi32>
    %add3A_137 = arith.addi %add3A_133, %add3A_136 : vector<112x224xi32>
    %shift_left3A_138 = arith.constant 17 : i32
    %shift_left3A_139 = vector.broadcast %shift_left3A_138 : i32 to vector<112x224xi32>
    %shift_left3A_140 = arith.shli %add3A_136, %shift_left3A_139 : vector<112x224xi32>
    %shift_right_logical3A_141 = arith.constant 15 : i32
    %shift_right_logical3A_142 = vector.broadcast %shift_right_logical3A_141 : i32 to vector<112x224xi32>
    %shift_right_logical3A_143 = arith.shrui %add3A_136, %shift_right_logical3A_142 : vector<112x224xi32>
    %or3A_144 = arith.ori %shift_left3A_140, %shift_right_logical3A_143 : vector<112x224xi32>
    %xor3A_145 = arith.xori %or3A_144, %add3A_137 : vector<112x224xi32>
    %add3A_146 = arith.addi %add3A_137, %xor3A_145 : vector<112x224xi32>
    %shift_left3A_147 = arith.constant 29 : i32
    %shift_left3A_148 = vector.broadcast %shift_left3A_147 : i32 to vector<112x224xi32>
    %shift_left3A_149 = arith.shli %xor3A_145, %shift_left3A_148 : vector<112x224xi32>
    %shift_right_logical3A_150 = arith.constant 3 : i32
    %shift_right_logical3A_151 = vector.broadcast %shift_right_logical3A_150 : i32 to vector<112x224xi32>
    %shift_right_logical3A_152 = arith.shrui %xor3A_145, %shift_right_logical3A_151 : vector<112x224xi32>
    %or3A_153 = arith.ori %shift_left3A_149, %shift_right_logical3A_152 : vector<112x224xi32>
    %xor3A_154 = arith.xori %or3A_153, %add3A_146 : vector<112x224xi32>
    %add3A_155 = arith.addi %add3A_146, %xor3A_154 : vector<112x224xi32>
    %shift_left3A_156 = arith.constant 16 : i32
    %shift_left3A_157 = vector.broadcast %shift_left3A_156 : i32 to vector<112x224xi32>
    %shift_left3A_158 = arith.shli %xor3A_154, %shift_left3A_157 : vector<112x224xi32>
    %shift_right_logical3A_159 = arith.constant 16 : i32
    %shift_right_logical3A_160 = vector.broadcast %shift_right_logical3A_159 : i32 to vector<112x224xi32>
    %shift_right_logical3A_161 = arith.shrui %xor3A_154, %shift_right_logical3A_160 : vector<112x224xi32>
    %or3A_162 = arith.ori %shift_left3A_158, %shift_right_logical3A_161 : vector<112x224xi32>
    %xor3A_163 = arith.xori %or3A_162, %add3A_155 : vector<112x224xi32>
    %add3A_164 = arith.addi %add3A_155, %xor3A_163 : vector<112x224xi32>
    %shift_left3A_165 = arith.constant 24 : i32
    %shift_left3A_166 = vector.broadcast %shift_left3A_165 : i32 to vector<112x224xi32>
    %shift_left3A_167 = arith.shli %xor3A_163, %shift_left3A_166 : vector<112x224xi32>
    %shift_right_logical3A_168 = arith.constant 8 : i32
    %shift_right_logical3A_169 = vector.broadcast %shift_right_logical3A_168 : i32 to vector<112x224xi32>
    %shift_right_logical3A_170 = arith.shrui %xor3A_163, %shift_right_logical3A_169 : vector<112x224xi32>
    %or3A_171 = arith.ori %shift_left3A_167, %shift_right_logical3A_170 : vector<112x224xi32>
    %xor3A_172 = arith.xori %or3A_171, %add3A_164 : vector<112x224xi32>
    %add3A_173 = arith.constant 270669613 : i32
    %add3A_174 = vector.broadcast %add3A_173 : i32 to vector<112x224xi32>
    %add3A_175 = arith.addi %add3A_164, %add3A_174 : vector<112x224xi32>
    %add3A_176 = arith.constant 1724713084 : i32
    %add3A_177 = vector.broadcast %add3A_176 : i32 to vector<112x224xi32>
    %add3A_178 = arith.addi %xor3A_172, %add3A_177 : vector<112x224xi32>
    %add3A_179 = arith.addi %add3A_175, %add3A_178 : vector<112x224xi32>
    %shift_left3A_180 = arith.constant 13 : i32
    %shift_left3A_181 = vector.broadcast %shift_left3A_180 : i32 to vector<112x224xi32>
    %shift_left3A_182 = arith.shli %add3A_178, %shift_left3A_181 : vector<112x224xi32>
    %shift_right_logical3A_183 = arith.constant 19 : i32
    %shift_right_logical3A_184 = vector.broadcast %shift_right_logical3A_183 : i32 to vector<112x224xi32>
    %shift_right_logical3A_185 = arith.shrui %add3A_178, %shift_right_logical3A_184 : vector<112x224xi32>
    %or3A_186 = arith.ori %shift_left3A_182, %shift_right_logical3A_185 : vector<112x224xi32>
    %xor3A_187 = arith.xori %or3A_186, %add3A_179 : vector<112x224xi32>
    %add3A_188 = arith.addi %add3A_179, %xor3A_187 : vector<112x224xi32>
    %shift_left3A_189 = arith.constant 15 : i32
    %shift_left3A_190 = vector.broadcast %shift_left3A_189 : i32 to vector<112x224xi32>
    %shift_left3A_191 = arith.shli %xor3A_187, %shift_left3A_190 : vector<112x224xi32>
    %shift_right_logical3A_192 = arith.constant 17 : i32
    %shift_right_logical3A_193 = vector.broadcast %shift_right_logical3A_192 : i32 to vector<112x224xi32>
    %shift_right_logical3A_194 = arith.shrui %xor3A_187, %shift_right_logical3A_193 : vector<112x224xi32>
    %or3A_195 = arith.ori %shift_left3A_191, %shift_right_logical3A_194 : vector<112x224xi32>
    %xor3A_196 = arith.xori %or3A_195, %add3A_188 : vector<112x224xi32>
    %add3A_197 = arith.addi %add3A_188, %xor3A_196 : vector<112x224xi32>
    %shift_left3A_198 = arith.constant 26 : i32
    %shift_left3A_199 = vector.broadcast %shift_left3A_198 : i32 to vector<112x224xi32>
    %shift_left3A_200 = arith.shli %xor3A_196, %shift_left3A_199 : vector<112x224xi32>
    %shift_right_logical3A_201 = arith.constant 6 : i32
    %shift_right_logical3A_202 = vector.broadcast %shift_right_logical3A_201 : i32 to vector<112x224xi32>
    %shift_right_logical3A_203 = arith.shrui %xor3A_196, %shift_right_logical3A_202 : vector<112x224xi32>
    %or3A_204 = arith.ori %shift_left3A_200, %shift_right_logical3A_203 : vector<112x224xi32>
    %xor3A_205 = arith.xori %or3A_204, %add3A_197 : vector<112x224xi32>
    %add3A_206 = arith.addi %add3A_197, %xor3A_205 : vector<112x224xi32>
    %shift_left3A_207 = arith.constant 6 : i32
    %shift_left3A_208 = vector.broadcast %shift_left3A_207 : i32 to vector<112x224xi32>
    %shift_left3A_209 = arith.shli %xor3A_205, %shift_left3A_208 : vector<112x224xi32>
    %shift_right_logical3A_210 = arith.constant 26 : i32
    %shift_right_logical3A_211 = vector.broadcast %shift_right_logical3A_210 : i32 to vector<112x224xi32>
    %shift_right_logical3A_212 = arith.shrui %xor3A_205, %shift_right_logical3A_211 : vector<112x224xi32>
    %or3A_213 = arith.ori %shift_left3A_209, %shift_right_logical3A_212 : vector<112x224xi32>
    %xor3A_214 = arith.xori %or3A_213, %add3A_206 : vector<112x224xi32>
    %add3A_215 = arith.constant 1724713080 : i32
    %add3A_216 = vector.broadcast %add3A_215 : i32 to vector<112x224xi32>
    %add3A_217 = arith.addi %add3A_206, %add3A_216 : vector<112x224xi32>
    %add3A_218 = arith.constant 1832780948 : i32
    %add3A_219 = vector.broadcast %add3A_218 : i32 to vector<112x224xi32>
    %add3A_220 = arith.addi %xor3A_214, %add3A_219 : vector<112x224xi32>
    %xor3A_221 = arith.xori %add3A_217, %add3A_220 : vector<112x224xi32>
    %lt3A = arith.constant 300647936 : i32
    %lt3A_222 = vector.broadcast %lt3A : i32 to vector<112x224xi32>
    %lt3A_223 = arith.cmpi ult, %xor3A_221, %lt3A_222 : vector<112x224xi32>
    %jit3A = arith.constant 1 : i32
    %jit3A_224 = arith.constant 0 : i32
    %broadcast_in_dim3A_225 = vector.broadcast %jit3A : i32 to vector<112x224xi32>
    %broadcast_in_dim3A_226 = vector.broadcast %jit3A_224 : i32 to vector<112x224xi32>
    %select_n3A = arith.select %lt3A_223, %broadcast_in_dim3A_225, %broadcast_in_dim3A_226 : vector<112x224xi1>, vector<112x224xi32>
    %swap3A = arith.constant 0 : index
    %swap3A_227 = arith.constant 0 : index
    %swap3A_228 = arith.constant 0 : index
    %swap3A_229 = vector.load %arg2[%swap3A, %swap3A_227, %swap3A_228] : memref<1x112x224xi32, #tpu.memory_space<vmem>>, vector<1x112x224xi32>
    %swap3A_230 = vector.shape_cast %swap3A_229 : vector<1x112x224xi32> to vector<112x224xi32>
    %swap3A_231 = vector.shape_cast %select_n3A : vector<112x224xi32> to vector<1x112x224xi32>
    tpu.vector_store %arg2[%swap3A, %swap3A_227, %swap3A_228], %swap3A_231 {strides = array<i32>} : memref<1x112x224xi32, #tpu.memory_space<vmem>>, vector<1x112x224xi32>,
    return
  }
  func.func @transform_0(%arg0: i32, %arg1: i32) -> (i32, i32, i32) {
    %c0_i32 = arith.constant 0 : i32
    %c0_i32_0 = arith.constant 0 : i32
    return %arg0, %arg1, %c0_i32 : i32, i32, i32
  }
}

module attributes {stable_mosaic.version = 14 : i64} {
  func.func @_dense_kernel(%arg0: i32, %arg1: i32, %arg2: memref<1x3x224x224xf32, #tpu.memory_space<vmem>>, %arg3: memref<1x3x224x224xf32, #tpu.memory_space<vmem>>, %arg4: memref<1x3x224x224xf32, #tpu.memory_space<vmem>>) attributes {dimension_semantics = [#tpu.dimension_semantics<arbitrary>, #tpu.dimension_semantics<arbitrary>], iteration_bounds = array<i64: 32, 2>, scalar_prefetch = 0 : i64, scratch_operands = 0 : i64, tpu.core_type = #tpu.core_type<tc>, window_params = [{transform_indices = @transform_0, window_bounds = array<i64: 1, 3, 224, 224>}, {transform_indices = @transform_1, window_bounds = array<i64: 1, 3, 224, 224>}, {transform_indices = @transform_2, window_bounds = array<i64: 1, 3, 224, 224>}]} {
    %eq3A = arith.constant 0 : i32
    %eq3A_0 = arith.cmpi eq, %arg1, %eq3A : i32
    %convert_element_type3A = arith.extui %eq3A_0 : i1 to i32
    %cond3A = arith.constant 0 : i32
    %cond3A_1 = arith.cmpi ne, %convert_element_type3A, %cond3A : i32
    scf.if %cond3A_1 {
      %get3A = arith.constant 0 : index
      %get3A_7 = arith.constant 0 : index
      %get3A_8 = arith.constant 0 : index
      %get3A_9 = arith.constant 0 : index
      %get3A_10 = vector.load %arg3[%get3A, %get3A_7, %get3A_8, %get3A_9] : memref<1x3x224x224xf32, #tpu.memory_space<vmem>>, vector<1x1x224x224xf32>
      %get3A_11 = vector.shape_cast %get3A_10 : vector<1x1x224x224xf32> to vector<224x224xf32>
      %swap3A = arith.constant 0 : index
      %swap3A_12 = arith.constant 0 : index
      %swap3A_13 = arith.constant 0 : index
      %swap3A_14 = arith.constant 0 : index
      %swap3A_15 = vector.load %arg4[%swap3A, %swap3A_12, %swap3A_13, %swap3A_14] : memref<1x3x224x224xf32, #tpu.memory_space<vmem>>, vector<1x1x224x224xf32>
      %swap3A_16 = vector.shape_cast %swap3A_15 : vector<1x1x224x224xf32> to vector<224x224xf32>
      %swap3A_17 = vector.shape_cast %get3A_11 : vector<224x224xf32> to vector<1x1x224x224xf32>
      tpu.vector_store %arg4[%swap3A, %swap3A_12, %swap3A_13, %swap3A_14], %swap3A_17 {strides = array<i32>} : memref<1x3x224x224xf32, #tpu.memory_space<vmem>>, vector<1x1x224x224xf32>,
      %get3A_18 = arith.constant 0 : index
      %get3A_19 = arith.constant 1 : index
      %get3A_20 = arith.constant 0 : index
      %get3A_21 = arith.constant 0 : index
      %get3A_22 = vector.load %arg3[%get3A_18, %get3A_19, %get3A_20, %get3A_21] : memref<1x3x224x224xf32, #tpu.memory_space<vmem>>, vector<1x1x224x224xf32>
      %get3A_23 = vector.shape_cast %get3A_22 : vector<1x1x224x224xf32> to vector<224x224xf32>
      %swap3A_24 = arith.constant 0 : index
      %swap3A_25 = arith.constant 1 : index
      %swap3A_26 = arith.constant 0 : index
      %swap3A_27 = arith.constant 0 : index
      %swap3A_28 = vector.load %arg4[%swap3A_24, %swap3A_25, %swap3A_26, %swap3A_27] : memref<1x3x224x224xf32, #tpu.memory_space<vmem>>, vector<1x1x224x224xf32>
      %swap3A_29 = vector.shape_cast %swap3A_28 : vector<1x1x224x224xf32> to vector<224x224xf32>
      %swap3A_30 = vector.shape_cast %get3A_23 : vector<224x224xf32> to vector<1x1x224x224xf32>
      tpu.vector_store %arg4[%swap3A_24, %swap3A_25, %swap3A_26, %swap3A_27], %swap3A_30 {strides = array<i32>} : memref<1x3x224x224xf32, #tpu.memory_space<vmem>>, vector<1x1x224x224xf32>,
      %get3A_31 = arith.constant 0 : index
      %get3A_32 = arith.constant 2 : index
      %get3A_33 = arith.constant 0 : index
      %get3A_34 = arith.constant 0 : index
      %get3A_35 = vector.load %arg3[%get3A_31, %get3A_32, %get3A_33, %get3A_34] : memref<1x3x224x224xf32, #tpu.memory_space<vmem>>, vector<1x1x224x224xf32>
      %get3A_36 = vector.shape_cast %get3A_35 : vector<1x1x224x224xf32> to vector<224x224xf32>
      %swap3A_37 = arith.constant 0 : index
      %swap3A_38 = arith.constant 2 : index
      %swap3A_39 = arith.constant 0 : index
      %swap3A_40 = arith.constant 0 : index
      %swap3A_41 = vector.load %arg4[%swap3A_37, %swap3A_38, %swap3A_39, %swap3A_40] : memref<1x3x224x224xf32, #tpu.memory_space<vmem>>, vector<1x1x224x224xf32>
      %swap3A_42 = vector.shape_cast %swap3A_41 : vector<1x1x224x224xf32> to vector<224x224xf32>
      %swap3A_43 = vector.shape_cast %get3A_36 : vector<224x224xf32> to vector<1x1x224x224xf32>
      tpu.vector_store %arg4[%swap3A_37, %swap3A_38, %swap3A_39, %swap3A_40], %swap3A_43 {strides = array<i32>} : memref<1x3x224x224xf32, #tpu.memory_space<vmem>>, vector<1x1x224x224xf32>,
    } else {
    }
    %eq3A_2 = arith.constant 1 : i32
    %eq3A_3 = arith.cmpi eq, %arg1, %eq3A_2 : i32
    %convert_element_type3A_4 = arith.extui %eq3A_3 : i1 to i32
    %cond3A_5 = arith.constant 0 : i32
    %cond3A_6 = arith.cmpi ne, %convert_element_type3A_4, %cond3A_5 : i32
    scf.if %cond3A_6 {
      %iota3A = tpu.iota {dimensions = array<i32: 0>} : vector<224x224xi32>
      %iota3A_7 = tpu.iota {dimensions = array<i32: 1>} : vector<224x224xi32>
      %mul3A = arith.constant 224 : i32
      %mul3A_8 = vector.broadcast %mul3A : i32 to vector<224x224xi32>
      %mul3A_9 = arith.muli %iota3A, %mul3A_8 : vector<224x224xi32>
      %add3A = arith.addi %mul3A_9, %iota3A_7 : vector<224x224xi32>
      %add3A_10 = arith.constant 32 : i32
      %add3A_11 = arith.addi %arg0, %add3A_10 : i32
      %mul3A_12 = arith.constant 50176 : i32
      %mul3A_13 = arith.muli %add3A_11, %mul3A_12 : i32
      %add3A_14 = vector.broadcast %mul3A_13 : i32 to vector<224x224xi32>
      %add3A_15 = arith.addi %add3A_14, %add3A : vector<224x224xi32>
      %broadcast_in_dim3A = arith.constant 1832780943 : i32
      %broadcast_in_dim3A_16 = vector.broadcast %broadcast_in_dim3A : i32 to vector<224x224xi32>
      %add3A_17 = arith.constant 270669613 : i32
      %add3A_18 = vector.broadcast %add3A_17 : i32 to vector<224x224xi32>
      %add3A_19 = arith.addi %add3A_15, %add3A_18 : vector<224x224xi32>
      %add3A_20 = arith.addi %broadcast_in_dim3A_16, %add3A_19 : vector<224x224xi32>
      %shift_left3A = arith.constant 13 : i32
      %shift_left3A_21 = vector.broadcast %shift_left3A : i32 to vector<224x224xi32>
      %shift_left3A_22 = arith.shli %add3A_19, %shift_left3A_21 : vector<224x224xi32>
      %shift_right_logical3A = arith.constant 19 : i32
      %shift_right_logical3A_23 = vector.broadcast %shift_right_logical3A : i32 to vector<224x224xi32>
      %shift_right_logical3A_24 = arith.shrui %add3A_19, %shift_right_logical3A_23 : vector<224x224xi32>
      %or3A = arith.ori %shift_left3A_22, %shift_right_logical3A_24 : vector<224x224xi32>
      %xor3A = arith.xori %or3A, %add3A_20 : vector<224x224xi32>
      %add3A_25 = arith.addi %add3A_20, %xor3A : vector<224x224xi32>
      %shift_left3A_26 = arith.constant 15 : i32
      %shift_left3A_27 = vector.broadcast %shift_left3A_26 : i32 to vector<224x224xi32>
      %shift_left3A_28 = arith.shli %xor3A, %shift_left3A_27 : vector<224x224xi32>
      %shift_right_logical3A_29 = arith.constant 17 : i32
      %shift_right_logical3A_30 = vector.broadcast %shift_right_logical3A_29 : i32 to vector<224x224xi32>
      %shift_right_logical3A_31 = arith.shrui %xor3A, %shift_right_logical3A_30 : vector<224x224xi32>
      %or3A_32 = arith.ori %shift_left3A_28, %shift_right_logical3A_31 : vector<224x224xi32>
      %xor3A_33 = arith.xori %or3A_32, %add3A_25 : vector<224x224xi32>
      %add3A_34 = arith.addi %add3A_25, %xor3A_33 : vector<224x224xi32>
      %shift_left3A_35 = arith.constant 26 : i32
      %shift_left3A_36 = vector.broadcast %shift_left3A_35 : i32 to vector<224x224xi32>
      %shift_left3A_37 = arith.shli %xor3A_33, %shift_left3A_36 : vector<224x224xi32>
      %shift_right_logical3A_38 = arith.constant 6 : i32
      %shift_right_logical3A_39 = vector.broadcast %shift_right_logical3A_38 : i32 to vector<224x224xi32>
      %shift_right_logical3A_40 = arith.shrui %xor3A_33, %shift_right_logical3A_39 : vector<224x224xi32>
      %or3A_41 = arith.ori %shift_left3A_37, %shift_right_logical3A_40 : vector<224x224xi32>
      %xor3A_42 = arith.xori %or3A_41, %add3A_34 : vector<224x224xi32>
      %add3A_43 = arith.addi %add3A_34, %xor3A_42 : vector<224x224xi32>
      %shift_left3A_44 = arith.constant 6 : i32
      %shift_left3A_45 = vector.broadcast %shift_left3A_44 : i32 to vector<224x224xi32>
      %shift_left3A_46 = arith.shli %xor3A_42, %shift_left3A_45 : vector<224x224xi32>
      %shift_right_logical3A_47 = arith.constant 26 : i32
      %shift_right_logical3A_48 = vector.broadcast %shift_right_logical3A_47 : i32 to vector<224x224xi32>
      %shift_right_logical3A_49 = arith.shrui %xor3A_42, %shift_right_logical3A_48 : vector<224x224xi32>
      %or3A_50 = arith.ori %shift_left3A_46, %shift_right_logical3A_49 : vector<224x224xi32>
      %xor3A_51 = arith.xori %or3A_50, %add3A_43 : vector<224x224xi32>
      %add3A_52 = arith.constant 270669613 : i32
      %add3A_53 = vector.broadcast %add3A_52 : i32 to vector<224x224xi32>
      %add3A_54 = arith.addi %add3A_43, %add3A_53 : vector<224x224xi32>
      %add3A_55 = arith.constant 1724713081 : i32
      %add3A_56 = vector.broadcast %add3A_55 : i32 to vector<224x224xi32>
      %add3A_57 = arith.addi %xor3A_51, %add3A_56 : vector<224x224xi32>
      %add3A_58 = arith.addi %add3A_54, %add3A_57 : vector<224x224xi32>
      %shift_left3A_59 = arith.constant 17 : i32
      %shift_left3A_60 = vector.broadcast %shift_left3A_59 : i32 to vector<224x224xi32>
      %shift_left3A_61 = arith.shli %add3A_57, %shift_left3A_60 : vector<224x224xi32>
      %shift_right_logical3A_62 = arith.constant 15 : i32
      %shift_right_logical3A_63 = vector.broadcast %shift_right_logical3A_62 : i32 to vector<224x224xi32>
      %shift_right_logical3A_64 = arith.shrui %add3A_57, %shift_right_logical3A_63 : vector<224x224xi32>
      %or3A_65 = arith.ori %shift_left3A_61, %shift_right_logical3A_64 : vector<224x224xi32>
      %xor3A_66 = arith.xori %or3A_65, %add3A_58 : vector<224x224xi32>
      %add3A_67 = arith.addi %add3A_58, %xor3A_66 : vector<224x224xi32>
      %shift_left3A_68 = arith.constant 29 : i32
      %shift_left3A_69 = vector.broadcast %shift_left3A_68 : i32 to vector<224x224xi32>
      %shift_left3A_70 = arith.shli %xor3A_66, %shift_left3A_69 : vector<224x224xi32>
      %shift_right_logical3A_71 = arith.constant 3 : i32
      %shift_right_logical3A_72 = vector.broadcast %shift_right_logical3A_71 : i32 to vector<224x224xi32>
      %shift_right_logical3A_73 = arith.shrui %xor3A_66, %shift_right_logical3A_72 : vector<224x224xi32>
      %or3A_74 = arith.ori %shift_left3A_70, %shift_right_logical3A_73 : vector<224x224xi32>
      %xor3A_75 = arith.xori %or3A_74, %add3A_67 : vector<224x224xi32>
      %add3A_76 = arith.addi %add3A_67, %xor3A_75 : vector<224x224xi32>
      %shift_left3A_77 = arith.constant 16 : i32
      %shift_left3A_78 = vector.broadcast %shift_left3A_77 : i32 to vector<224x224xi32>
      %shift_left3A_79 = arith.shli %xor3A_75, %shift_left3A_78 : vector<224x224xi32>
      %shift_right_logical3A_80 = arith.constant 16 : i32
      %shift_right_logical3A_81 = vector.broadcast %shift_right_logical3A_80 : i32 to vector<224x224xi32>
      %shift_right_logical3A_82 = arith.shrui %xor3A_75, %shift_right_logical3A_81 : vector<224x224xi32>
      %or3A_83 = arith.ori %shift_left3A_79, %shift_right_logical3A_82 : vector<224x224xi32>
      %xor3A_84 = arith.xori %or3A_83, %add3A_76 : vector<224x224xi32>
      %add3A_85 = arith.addi %add3A_76, %xor3A_84 : vector<224x224xi32>
      %shift_left3A_86 = arith.constant 24 : i32
      %shift_left3A_87 = vector.broadcast %shift_left3A_86 : i32 to vector<224x224xi32>
      %shift_left3A_88 = arith.shli %xor3A_84, %shift_left3A_87 : vector<224x224xi32>
      %shift_right_logical3A_89 = arith.constant 8 : i32
      %shift_right_logical3A_90 = vector.broadcast %shift_right_logical3A_89 : i32 to vector<224x224xi32>
      %shift_right_logical3A_91 = arith.shrui %xor3A_84, %shift_right_logical3A_90 : vector<224x224xi32>
      %or3A_92 = arith.ori %shift_left3A_88, %shift_right_logical3A_91 : vector<224x224xi32>
      %xor3A_93 = arith.xori %or3A_92, %add3A_85 : vector<224x224xi32>
      %add3A_94 = arith.constant 1724713080 : i32
      %add3A_95 = vector.broadcast %add3A_94 : i32 to vector<224x224xi32>
      %add3A_96 = arith.addi %add3A_85, %add3A_95 : vector<224x224xi32>
      %add3A_97 = arith.constant 1832780945 : i32
      %add3A_98 = vector.broadcast %add3A_97 : i32 to vector<224x224xi32>
      %add3A_99 = arith.addi %xor3A_93, %add3A_98 : vector<224x224xi32>
      %add3A_100 = arith.addi %add3A_96, %add3A_99 : vector<224x224xi32>
      %shift_left3A_101 = arith.constant 13 : i32
      %shift_left3A_102 = vector.broadcast %shift_left3A_101 : i32 to vector<224x224xi32>
      %shift_left3A_103 = arith.shli %add3A_99, %shift_left3A_102 : vector<224x224xi32>
      %shift_right_logical3A_104 = arith.constant 19 : i32
      %shift_right_logical3A_105 = vector.broadcast %shift_right_logical3A_104 : i32 to vector<224x224xi32>
      %shift_right_logical3A_106 = arith.shrui %add3A_99, %shift_right_logical3A_105 : vector<224x224xi32>
      %or3A_107 = arith.ori %shift_left3A_103, %shift_right_logical3A_106 : vector<224x224xi32>
      %xor3A_108 = arith.xori %or3A_107, %add3A_100 : vector<224x224xi32>
      %add3A_109 = arith.addi %add3A_100, %xor3A_108 : vector<224x224xi32>
      %shift_left3A_110 = arith.constant 15 : i32
      %shift_left3A_111 = vector.broadcast %shift_left3A_110 : i32 to vector<224x224xi32>
      %shift_left3A_112 = arith.shli %xor3A_108, %shift_left3A_111 : vector<224x224xi32>
      %shift_right_logical3A_113 = arith.constant 17 : i32
      %shift_right_logical3A_114 = vector.broadcast %shift_right_logical3A_113 : i32 to vector<224x224xi32>
      %shift_right_logical3A_115 = arith.shrui %xor3A_108, %shift_right_logical3A_114 : vector<224x224xi32>
      %or3A_116 = arith.ori %shift_left3A_112, %shift_right_logical3A_115 : vector<224x224xi32>
      %xor3A_117 = arith.xori %or3A_116, %add3A_109 : vector<224x224xi32>
      %add3A_118 = arith.addi %add3A_109, %xor3A_117 : vector<224x224xi32>
      %shift_left3A_119 = arith.constant 26 : i32
      %shift_left3A_120 = vector.broadcast %shift_left3A_119 : i32 to vector<224x224xi32>
      %shift_left3A_121 = arith.shli %xor3A_117, %shift_left3A_120 : vector<224x224xi32>
      %shift_right_logical3A_122 = arith.constant 6 : i32
      %shift_right_logical3A_123 = vector.broadcast %shift_right_logical3A_122 : i32 to vector<224x224xi32>
      %shift_right_logical3A_124 = arith.shrui %xor3A_117, %shift_right_logical3A_123 : vector<224x224xi32>
      %or3A_125 = arith.ori %shift_left3A_121, %shift_right_logical3A_124 : vector<224x224xi32>
      %xor3A_126 = arith.xori %or3A_125, %add3A_118 : vector<224x224xi32>
      %add3A_127 = arith.addi %add3A_118, %xor3A_126 : vector<224x224xi32>
      %shift_left3A_128 = arith.constant 6 : i32
      %shift_left3A_129 = vector.broadcast %shift_left3A_128 : i32 to vector<224x224xi32>
      %shift_left3A_130 = arith.shli %xor3A_126, %shift_left3A_129 : vector<224x224xi32>
      %shift_right_logical3A_131 = arith.constant 26 : i32
      %shift_right_logical3A_132 = vector.broadcast %shift_right_logical3A_131 : i32 to vector<224x224xi32>
      %shift_right_logical3A_133 = arith.shrui %xor3A_126, %shift_right_logical3A_132 : vector<224x224xi32>
      %or3A_134 = arith.ori %shift_left3A_130, %shift_right_logical3A_133 : vector<224x224xi32>
      %xor3A_135 = arith.xori %or3A_134, %add3A_127 : vector<224x224xi32>
      %add3A_136 = arith.constant 1832780943 : i32
      %add3A_137 = vector.broadcast %add3A_136 : i32 to vector<224x224xi32>
      %add3A_138 = arith.addi %add3A_127, %add3A_137 : vector<224x224xi32>
      %add3A_139 = arith.constant 270669616 : i32
      %add3A_140 = vector.broadcast %add3A_139 : i32 to vector<224x224xi32>
      %add3A_141 = arith.addi %xor3A_135, %add3A_140 : vector<224x224xi32>
      %add3A_142 = arith.addi %add3A_138, %add3A_141 : vector<224x224xi32>
      %shift_left3A_143 = arith.constant 17 : i32
      %shift_left3A_144 = vector.broadcast %shift_left3A_143 : i32 to vector<224x224xi32>
      %shift_left3A_145 = arith.shli %add3A_141, %shift_left3A_144 : vector<224x224xi32>
      %shift_right_logical3A_146 = arith.constant 15 : i32
      %shift_right_logical3A_147 = vector.broadcast %shift_right_logical3A_146 : i32 to vector<224x224xi32>
      %shift_right_logical3A_148 = arith.shrui %add3A_141, %shift_right_logical3A_147 : vector<224x224xi32>
      %or3A_149 = arith.ori %shift_left3A_145, %shift_right_logical3A_148 : vector<224x224xi32>
      %xor3A_150 = arith.xori %or3A_149, %add3A_142 : vector<224x224xi32>
      %add3A_151 = arith.addi %add3A_142, %xor3A_150 : vector<224x224xi32>
      %shift_left3A_152 = arith.constant 29 : i32
      %shift_left3A_153 = vector.broadcast %shift_left3A_152 : i32 to vector<224x224xi32>
      %shift_left3A_154 = arith.shli %xor3A_150, %shift_left3A_153 : vector<224x224xi32>
      %shift_right_logical3A_155 = arith.constant 3 : i32
      %shift_right_logical3A_156 = vector.broadcast %shift_right_logical3A_155 : i32 to vector<224x224xi32>
      %shift_right_logical3A_157 = arith.shrui %xor3A_150, %shift_right_logical3A_156 : vector<224x224xi32>
      %or3A_158 = arith.ori %shift_left3A_154, %shift_right_logical3A_157 : vector<224x224xi32>
      %xor3A_159 = arith.xori %or3A_158, %add3A_151 : vector<224x224xi32>
      %add3A_160 = arith.addi %add3A_151, %xor3A_159 : vector<224x224xi32>
      %shift_left3A_161 = arith.constant 16 : i32
      %shift_left3A_162 = vector.broadcast %shift_left3A_161 : i32 to vector<224x224xi32>
      %shift_left3A_163 = arith.shli %xor3A_159, %shift_left3A_162 : vector<224x224xi32>
      %shift_right_logical3A_164 = arith.constant 16 : i32
      %shift_right_logical3A_165 = vector.broadcast %shift_right_logical3A_164 : i32 to vector<224x224xi32>
      %shift_right_logical3A_166 = arith.shrui %xor3A_159, %shift_right_logical3A_165 : vector<224x224xi32>
      %or3A_167 = arith.ori %shift_left3A_163, %shift_right_logical3A_166 : vector<224x224xi32>
      %xor3A_168 = arith.xori %or3A_167, %add3A_160 : vector<224x224xi32>
      %add3A_169 = arith.addi %add3A_160, %xor3A_168 : vector<224x224xi32>
      %shift_left3A_170 = arith.constant 24 : i32
      %shift_left3A_171 = vector.broadcast %shift_left3A_170 : i32 to vector<224x224xi32>
      %shift_left3A_172 = arith.shli %xor3A_168, %shift_left3A_171 : vector<224x224xi32>
      %shift_right_logical3A_173 = arith.constant 8 : i32
      %shift_right_logical3A_174 = vector.broadcast %shift_right_logical3A_173 : i32 to vector<224x224xi32>
      %shift_right_logical3A_175 = arith.shrui %xor3A_168, %shift_right_logical3A_174 : vector<224x224xi32>
      %or3A_176 = arith.ori %shift_left3A_172, %shift_right_logical3A_175 : vector<224x224xi32>
      %xor3A_177 = arith.xori %or3A_176, %add3A_169 : vector<224x224xi32>
      %add3A_178 = arith.constant 270669613 : i32
      %add3A_179 = vector.broadcast %add3A_178 : i32 to vector<224x224xi32>
      %add3A_180 = arith.addi %add3A_169, %add3A_179 : vector<224x224xi32>
      %add3A_181 = arith.constant 1724713084 : i32
      %add3A_182 = vector.broadcast %add3A_181 : i32 to vector<224x224xi32>
      %add3A_183 = arith.addi %xor3A_177, %add3A_182 : vector<224x224xi32>
      %add3A_184 = arith.addi %add3A_180, %add3A_183 : vector<224x224xi32>
      %shift_left3A_185 = arith.constant 13 : i32
      %shift_left3A_186 = vector.broadcast %shift_left3A_185 : i32 to vector<224x224xi32>
      %shift_left3A_187 = arith.shli %add3A_183, %shift_left3A_186 : vector<224x224xi32>
      %shift_right_logical3A_188 = arith.constant 19 : i32
      %shift_right_logical3A_189 = vector.broadcast %shift_right_logical3A_188 : i32 to vector<224x224xi32>
      %shift_right_logical3A_190 = arith.shrui %add3A_183, %shift_right_logical3A_189 : vector<224x224xi32>
      %or3A_191 = arith.ori %shift_left3A_187, %shift_right_logical3A_190 : vector<224x224xi32>
      %xor3A_192 = arith.xori %or3A_191, %add3A_184 : vector<224x224xi32>
      %add3A_193 = arith.addi %add3A_184, %xor3A_192 : vector<224x224xi32>
      %shift_left3A_194 = arith.constant 15 : i32
      %shift_left3A_195 = vector.broadcast %shift_left3A_194 : i32 to vector<224x224xi32>
      %shift_left3A_196 = arith.shli %xor3A_192, %shift_left3A_195 : vector<224x224xi32>
      %shift_right_logical3A_197 = arith.constant 17 : i32
      %shift_right_logical3A_198 = vector.broadcast %shift_right_logical3A_197 : i32 to vector<224x224xi32>
      %shift_right_logical3A_199 = arith.shrui %xor3A_192, %shift_right_logical3A_198 : vector<224x224xi32>
      %or3A_200 = arith.ori %shift_left3A_196, %shift_right_logical3A_199 : vector<224x224xi32>
      %xor3A_201 = arith.xori %or3A_200, %add3A_193 : vector<224x224xi32>
      %add3A_202 = arith.addi %add3A_193, %xor3A_201 : vector<224x224xi32>
      %shift_left3A_203 = arith.constant 26 : i32
      %shift_left3A_204 = vector.broadcast %shift_left3A_203 : i32 to vector<224x224xi32>
      %shift_left3A_205 = arith.shli %xor3A_201, %shift_left3A_204 : vector<224x224xi32>
      %shift_right_logical3A_206 = arith.constant 6 : i32
      %shift_right_logical3A_207 = vector.broadcast %shift_right_logical3A_206 : i32 to vector<224x224xi32>
      %shift_right_logical3A_208 = arith.shrui %xor3A_201, %shift_right_logical3A_207 : vector<224x224xi32>
      %or3A_209 = arith.ori %shift_left3A_205, %shift_right_logical3A_208 : vector<224x224xi32>
      %xor3A_210 = arith.xori %or3A_209, %add3A_202 : vector<224x224xi32>
      %add3A_211 = arith.addi %add3A_202, %xor3A_210 : vector<224x224xi32>
      %shift_left3A_212 = arith.constant 6 : i32
      %shift_left3A_213 = vector.broadcast %shift_left3A_212 : i32 to vector<224x224xi32>
      %shift_left3A_214 = arith.shli %xor3A_210, %shift_left3A_213 : vector<224x224xi32>
      %shift_right_logical3A_215 = arith.constant 26 : i32
      %shift_right_logical3A_216 = vector.broadcast %shift_right_logical3A_215 : i32 to vector<224x224xi32>
      %shift_right_logical3A_217 = arith.shrui %xor3A_210, %shift_right_logical3A_216 : vector<224x224xi32>
      %or3A_218 = arith.ori %shift_left3A_214, %shift_right_logical3A_217 : vector<224x224xi32>
      %xor3A_219 = arith.xori %or3A_218, %add3A_211 : vector<224x224xi32>
      %add3A_220 = arith.constant 1724713080 : i32
      %add3A_221 = vector.broadcast %add3A_220 : i32 to vector<224x224xi32>
      %add3A_222 = arith.addi %add3A_211, %add3A_221 : vector<224x224xi32>
      %add3A_223 = arith.constant 1832780948 : i32
      %add3A_224 = vector.broadcast %add3A_223 : i32 to vector<224x224xi32>
      %add3A_225 = arith.addi %xor3A_219, %add3A_224 : vector<224x224xi32>
      %xor3A_226 = arith.xori %add3A_222, %add3A_225 : vector<224x224xi32>
      %lt3A = arith.constant 300647936 : i32
      %lt3A_227 = vector.broadcast %lt3A : i32 to vector<224x224xi32>
      %lt3A_228 = arith.cmpi ult, %xor3A_226, %lt3A_227 : vector<224x224xi32>
      %mul3A_229 = arith.constant 3 : i32
      %mul3A_230 = arith.muli %add3A_11, %mul3A_229 : i32
      %add3A_231 = arith.constant 0 : i32
      %add3A_232 = arith.addi %mul3A_230, %add3A_231 : i32
      %mul3A_233 = arith.constant 50176 : i32
      %mul3A_234 = arith.muli %add3A_232, %mul3A_233 : i32
      %add3A_235 = vector.broadcast %mul3A_234 : i32 to vector<224x224xi32>
      %add3A_236 = arith.addi %add3A_235, %add3A : vector<224x224xi32>
      %broadcast_in_dim3A_237 = arith.constant 64467757 : i32
      %broadcast_in_dim3A_238 = vector.broadcast %broadcast_in_dim3A_237 : i32 to vector<224x224xi32>
      %add3A_239 = arith.constant -1378843660 : i32
      %add3A_240 = vector.broadcast %add3A_239 : i32 to vector<224x224xi32>
      %add3A_241 = arith.addi %add3A_236, %add3A_240 : vector<224x224xi32>
      %add3A_242 = arith.addi %broadcast_in_dim3A_238, %add3A_241 : vector<224x224xi32>
      %shift_left3A_243 = arith.constant 13 : i32
      %shift_left3A_244 = vector.broadcast %shift_left3A_243 : i32 to vector<224x224xi32>
      %shift_left3A_245 = arith.shli %add3A_241, %shift_left3A_244 : vector<224x224xi32>
      %shift_right_logical3A_246 = arith.constant 19 : i32
      %shift_right_logical3A_247 = vector.broadcast %shift_right_logical3A_246 : i32 to vector<224x224xi32>
      %shift_right_logical3A_248 = arith.shrui %add3A_241, %shift_right_logical3A_247 : vector<224x224xi32>
      %or3A_249 = arith.ori %shift_left3A_245, %shift_right_logical3A_248 : vector<224x224xi32>
      %xor3A_250 = arith.xori %or3A_249, %add3A_242 : vector<224x224xi32>
      %add3A_251 = arith.addi %add3A_242, %xor3A_250 : vector<224x224xi32>
      %shift_left3A_252 = arith.constant 15 : i32
      %shift_left3A_253 = vector.broadcast %shift_left3A_252 : i32 to vector<224x224xi32>
      %shift_left3A_254 = arith.shli %xor3A_250, %shift_left3A_253 : vector<224x224xi32>
      %shift_right_logical3A_255 = arith.constant 17 : i32
      %shift_right_logical3A_256 = vector.broadcast %shift_right_logical3A_255 : i32 to vector<224x224xi32>
      %shift_right_logical3A_257 = arith.shrui %xor3A_250, %shift_right_logical3A_256 : vector<224x224xi32>
      %or3A_258 = arith.ori %shift_left3A_254, %shift_right_logical3A_257 : vector<224x224xi32>
      %xor3A_259 = arith.xori %or3A_258, %add3A_251 : vector<224x224xi32>
      %add3A_260 = arith.addi %add3A_251, %xor3A_259 : vector<224x224xi32>
      %shift_left3A_261 = arith.constant 26 : i32
      %shift_left3A_262 = vector.broadcast %shift_left3A_261 : i32 to vector<224x224xi32>
      %shift_left3A_263 = arith.shli %xor3A_259, %shift_left3A_262 : vector<224x224xi32>
      %shift_right_logical3A_264 = arith.constant 6 : i32
      %shift_right_logical3A_265 = vector.broadcast %shift_right_logical3A_264 : i32 to vector<224x224xi32>
      %shift_right_logical3A_266 = arith.shrui %xor3A_259, %shift_right_logical3A_265 : vector<224x224xi32>
      %or3A_267 = arith.ori %shift_left3A_263, %shift_right_logical3A_266 : vector<224x224xi32>
      %xor3A_268 = arith.xori %or3A_267, %add3A_260 : vector<224x224xi32>
      %add3A_269 = arith.addi %add3A_260, %xor3A_268 : vector<224x224xi32>
      %shift_left3A_270 = arith.constant 6 : i32
      %shift_left3A_271 = vector.broadcast %shift_left3A_270 : i32 to vector<224x224xi32>
      %shift_left3A_272 = arith.shli %xor3A_268, %shift_left3A_271 : vector<224x224xi32>
      %shift_right_logical3A_273 = arith.constant 26 : i32
      %shift_right_logical3A_274 = vector.broadcast %shift_right_logical3A_273 : i32 to vector<224x224xi32>
      %shift_right_logical3A_275 = arith.shrui %xor3A_268, %shift_right_logical3A_274 : vector<224x224xi32>
      %or3A_276 = arith.ori %shift_left3A_272, %shift_right_logical3A_275 : vector<224x224xi32>
      %xor3A_277 = arith.xori %or3A_276, %add3A_269 : vector<224x224xi32>
      %add3A_278 = arith.constant -1378843660 : i32
      %add3A_279 = vector.broadcast %add3A_278 : i32 to vector<224x224xi32>
      %add3A_280 = arith.addi %add3A_269, %add3A_279 : vector<224x224xi32>
      %add3A_281 = arith.constant -1244255484 : i32
      %add3A_282 = vector.broadcast %add3A_281 : i32 to vector<224x224xi32>
      %add3A_283 = arith.addi %xor3A_277, %add3A_282 : vector<224x224xi32>
      %add3A_284 = arith.addi %add3A_280, %add3A_283 : vector<224x224xi32>
      %shift_left3A_285 = arith.constant 17 : i32
      %shift_left3A_286 = vector.broadcast %shift_left3A_285 : i32 to vector<224x224xi32>
      %shift_left3A_287 = arith.shli %add3A_283, %shift_left3A_286 : vector<224x224xi32>
      %shift_right_logical3A_288 = arith.constant 15 : i32
      %shift_right_logical3A_289 = vector.broadcast %shift_right_logical3A_288 : i32 to vector<224x224xi32>
      %shift_right_logical3A_290 = arith.shrui %add3A_283, %shift_right_logical3A_289 : vector<224x224xi32>
      %or3A_291 = arith.ori %shift_left3A_287, %shift_right_logical3A_290 : vector<224x224xi32>
      %xor3A_292 = arith.xori %or3A_291, %add3A_284 : vector<224x224xi32>
      %add3A_293 = arith.addi %add3A_284, %xor3A_292 : vector<224x224xi32>
      %shift_left3A_294 = arith.constant 29 : i32
      %shift_left3A_295 = vector.broadcast %shift_left3A_294 : i32 to vector<224x224xi32>
      %shift_left3A_296 = arith.shli %xor3A_292, %shift_left3A_295 : vector<224x224xi32>
      %shift_right_logical3A_297 = arith.constant 3 : i32
      %shift_right_logical3A_298 = vector.broadcast %shift_right_logical3A_297 : i32 to vector<224x224xi32>
      %shift_right_logical3A_299 = arith.shrui %xor3A_292, %shift_right_logical3A_298 : vector<224x224xi32>
      %or3A_300 = arith.ori %shift_left3A_296, %shift_right_logical3A_299 : vector<224x224xi32>
      %xor3A_301 = arith.xori %or3A_300, %add3A_293 : vector<224x224xi32>
      %add3A_302 = arith.addi %add3A_293, %xor3A_301 : vector<224x224xi32>
      %shift_left3A_303 = arith.constant 16 : i32
      %shift_left3A_304 = vector.broadcast %shift_left3A_303 : i32 to vector<224x224xi32>
      %shift_left3A_305 = arith.shli %xor3A_301, %shift_left3A_304 : vector<224x224xi32>
      %shift_right_logical3A_306 = arith.constant 16 : i32
      %shift_right_logical3A_307 = vector.broadcast %shift_right_logical3A_306 : i32 to vector<224x224xi32>
      %shift_right_logical3A_308 = arith.shrui %xor3A_301, %shift_right_logical3A_307 : vector<224x224xi32>
      %or3A_309 = arith.ori %shift_left3A_305, %shift_right_logical3A_308 : vector<224x224xi32>
      %xor3A_310 = arith.xori %or3A_309, %add3A_302 : vector<224x224xi32>
      %add3A_311 = arith.addi %add3A_302, %xor3A_310 : vector<224x224xi32>
      %shift_left3A_312 = arith.constant 24 : i32
      %shift_left3A_313 = vector.broadcast %shift_left3A_312 : i32 to vector<224x224xi32>
      %shift_left3A_314 = arith.shli %xor3A_310, %shift_left3A_313 : vector<224x224xi32>
      %shift_right_logical3A_315 = arith.constant 8 : i32
      %shift_right_logical3A_316 = vector.broadcast %shift_right_logical3A_315 : i32 to vector<224x224xi32>
      %shift_right_logical3A_317 = arith.shrui %xor3A_310, %shift_right_logical3A_316 : vector<224x224xi32>
      %or3A_318 = arith.ori %shift_left3A_314, %shift_right_logical3A_317 : vector<224x224xi32>
      %xor3A_319 = arith.xori %or3A_318, %add3A_311 : vector<224x224xi32>
      %add3A_320 = arith.constant -1244255485 : i32
      %add3A_321 = vector.broadcast %add3A_320 : i32 to vector<224x224xi32>
      %add3A_322 = arith.addi %add3A_311, %add3A_321 : vector<224x224xi32>
      %add3A_323 = arith.constant 64467759 : i32
      %add3A_324 = vector.broadcast %add3A_323 : i32 to vector<224x224xi32>
      %add3A_325 = arith.addi %xor3A_319, %add3A_324 : vector<224x224xi32>
      %add3A_326 = arith.addi %add3A_322, %add3A_325 : vector<224x224xi32>
      %shift_left3A_327 = arith.constant 13 : i32
      %shift_left3A_328 = vector.broadcast %shift_left3A_327 : i32 to vector<224x224xi32>
      %shift_left3A_329 = arith.shli %add3A_325, %shift_left3A_328 : vector<224x224xi32>
      %shift_right_logical3A_330 = arith.constant 19 : i32
      %shift_right_logical3A_331 = vector.broadcast %shift_right_logical3A_330 : i32 to vector<224x224xi32>
      %shift_right_logical3A_332 = arith.shrui %add3A_325, %shift_right_logical3A_331 : vector<224x224xi32>
      %or3A_333 = arith.ori %shift_left3A_329, %shift_right_logical3A_332 : vector<224x224xi32>
      %xor3A_334 = arith.xori %or3A_333, %add3A_326 : vector<224x224xi32>
      %add3A_335 = arith.addi %add3A_326, %xor3A_334 : vector<224x224xi32>
      %shift_left3A_336 = arith.constant 15 : i32
      %shift_left3A_337 = vector.broadcast %shift_left3A_336 : i32 to vector<224x224xi32>
      %shift_left3A_338 = arith.shli %xor3A_334, %shift_left3A_337 : vector<224x224xi32>
      %shift_right_logical3A_339 = arith.constant 17 : i32
      %shift_right_logical3A_340 = vector.broadcast %shift_right_logical3A_339 : i32 to vector<224x224xi32>
      %shift_right_logical3A_341 = arith.shrui %xor3A_334, %shift_right_logical3A_340 : vector<224x224xi32>
      %or3A_342 = arith.ori %shift_left3A_338, %shift_right_logical3A_341 : vector<224x224xi32>
      %xor3A_343 = arith.xori %or3A_342, %add3A_335 : vector<224x224xi32>
      %add3A_344 = arith.addi %add3A_335, %xor3A_343 : vector<224x224xi32>
      %shift_left3A_345 = arith.constant 26 : i32
      %shift_left3A_346 = vector.broadcast %shift_left3A_345 : i32 to vector<224x224xi32>
      %shift_left3A_347 = arith.shli %xor3A_343, %shift_left3A_346 : vector<224x224xi32>
      %shift_right_logical3A_348 = arith.constant 6 : i32
      %shift_right_logical3A_349 = vector.broadcast %shift_right_logical3A_348 : i32 to vector<224x224xi32>
      %shift_right_logical3A_350 = arith.shrui %xor3A_343, %shift_right_logical3A_349 : vector<224x224xi32>
      %or3A_351 = arith.ori %shift_left3A_347, %shift_right_logical3A_350 : vector<224x224xi32>
      %xor3A_352 = arith.xori %or3A_351, %add3A_344 : vector<224x224xi32>
      %add3A_353 = arith.addi %add3A_344, %xor3A_352 : vector<224x224xi32>
      %shift_left3A_354 = arith.constant 6 : i32
      %shift_left3A_355 = vector.broadcast %shift_left3A_354 : i32 to vector<224x224xi32>
      %shift_left3A_356 = arith.shli %xor3A_352, %shift_left3A_355 : vector<224x224xi32>
      %shift_right_logical3A_357 = arith.constant 26 : i32
      %shift_right_logical3A_358 = vector.broadcast %shift_right_logical3A_357 : i32 to vector<224x224xi32>
      %shift_right_logical3A_359 = arith.shrui %xor3A_352, %shift_right_logical3A_358 : vector<224x224xi32>
      %or3A_360 = arith.ori %shift_left3A_356, %shift_right_logical3A_359 : vector<224x224xi32>
      %xor3A_361 = arith.xori %or3A_360, %add3A_353 : vector<224x224xi32>
      %add3A_362 = arith.constant 64467757 : i32
      %add3A_363 = vector.broadcast %add3A_362 : i32 to vector<224x224xi32>
      %add3A_364 = arith.addi %add3A_353, %add3A_363 : vector<224x224xi32>
      %add3A_365 = arith.constant -1378843657 : i32
      %add3A_366 = vector.broadcast %add3A_365 : i32 to vector<224x224xi32>
      %add3A_367 = arith.addi %xor3A_361, %add3A_366 : vector<224x224xi32>
      %add3A_368 = arith.addi %add3A_364, %add3A_367 : vector<224x224xi32>
      %shift_left3A_369 = arith.constant 17 : i32
      %shift_left3A_370 = vector.broadcast %shift_left3A_369 : i32 to vector<224x224xi32>
      %shift_left3A_371 = arith.shli %add3A_367, %shift_left3A_370 : vector<224x224xi32>
      %shift_right_logical3A_372 = arith.constant 15 : i32
      %shift_right_logical3A_373 = vector.broadcast %shift_right_logical3A_372 : i32 to vector<224x224xi32>
      %shift_right_logical3A_374 = arith.shrui %add3A_367, %shift_right_logical3A_373 : vector<224x224xi32>
      %or3A_375 = arith.ori %shift_left3A_371, %shift_right_logical3A_374 : vector<224x224xi32>
      %xor3A_376 = arith.xori %or3A_375, %add3A_368 : vector<224x224xi32>
      %add3A_377 = arith.addi %add3A_368, %xor3A_376 : vector<224x224xi32>
      %shift_left3A_378 = arith.constant 29 : i32
      %shift_left3A_379 = vector.broadcast %shift_left3A_378 : i32 to vector<224x224xi32>
      %shift_left3A_380 = arith.shli %xor3A_376, %shift_left3A_379 : vector<224x224xi32>
      %shift_right_logical3A_381 = arith.constant 3 : i32
      %shift_right_logical3A_382 = vector.broadcast %shift_right_logical3A_381 : i32 to vector<224x224xi32>
      %shift_right_logical3A_383 = arith.shrui %xor3A_376, %shift_right_logical3A_382 : vector<224x224xi32>
      %or3A_384 = arith.ori %shift_left3A_380, %shift_right_logical3A_383 : vector<224x224xi32>
      %xor3A_385 = arith.xori %or3A_384, %add3A_377 : vector<224x224xi32>
      %add3A_386 = arith.addi %add3A_377, %xor3A_385 : vector<224x224xi32>
      %shift_left3A_387 = arith.constant 16 : i32
      %shift_left3A_388 = vector.broadcast %shift_left3A_387 : i32 to vector<224x224xi32>
      %shift_left3A_389 = arith.shli %xor3A_385, %shift_left3A_388 : vector<224x224xi32>
      %shift_right_logical3A_390 = arith.constant 16 : i32
      %shift_right_logical3A_391 = vector.broadcast %shift_right_logical3A_390 : i32 to vector<224x224xi32>
      %shift_right_logical3A_392 = arith.shrui %xor3A_385, %shift_right_logical3A_391 : vector<224x224xi32>
      %or3A_393 = arith.ori %shift_left3A_389, %shift_right_logical3A_392 : vector<224x224xi32>
      %xor3A_394 = arith.xori %or3A_393, %add3A_386 : vector<224x224xi32>
      %add3A_395 = arith.addi %add3A_386, %xor3A_394 : vector<224x224xi32>
      %shift_left3A_396 = arith.constant 24 : i32
      %shift_left3A_397 = vector.broadcast %shift_left3A_396 : i32 to vector<224x224xi32>
      %shift_left3A_398 = arith.shli %xor3A_394, %shift_left3A_397 : vector<224x224xi32>
      %shift_right_logical3A_399 = arith.constant 8 : i32
      %shift_right_logical3A_400 = vector.broadcast %shift_right_logical3A_399 : i32 to vector<224x224xi32>
      %shift_right_logical3A_401 = arith.shrui %xor3A_394, %shift_right_logical3A_400 : vector<224x224xi32>
      %or3A_402 = arith.ori %shift_left3A_398, %shift_right_logical3A_401 : vector<224x224xi32>
      %xor3A_403 = arith.xori %or3A_402, %add3A_395 : vector<224x224xi32>
      %add3A_404 = arith.constant -1378843660 : i32
      %add3A_405 = vector.broadcast %add3A_404 : i32 to vector<224x224xi32>
      %add3A_406 = arith.addi %add3A_395, %add3A_405 : vector<224x224xi32>
      %add3A_407 = arith.constant -1244255481 : i32
      %add3A_408 = vector.broadcast %add3A_407 : i32 to vector<224x224xi32>
      %add3A_409 = arith.addi %xor3A_403, %add3A_408 : vector<224x224xi32>
      %add3A_410 = arith.addi %add3A_406, %add3A_409 : vector<224x224xi32>
      %shift_left3A_411 = arith.constant 13 : i32
      %shift_left3A_412 = vector.broadcast %shift_left3A_411 : i32 to vector<224x224xi32>
      %shift_left3A_413 = arith.shli %add3A_409, %shift_left3A_412 : vector<224x224xi32>
      %shift_right_logical3A_414 = arith.constant 19 : i32
      %shift_right_logical3A_415 = vector.broadcast %shift_right_logical3A_414 : i32 to vector<224x224xi32>
      %shift_right_logical3A_416 = arith.shrui %add3A_409, %shift_right_logical3A_415 : vector<224x224xi32>
      %or3A_417 = arith.ori %shift_left3A_413, %shift_right_logical3A_416 : vector<224x224xi32>
      %xor3A_418 = arith.xori %or3A_417, %add3A_410 : vector<224x224xi32>
      %add3A_419 = arith.addi %add3A_410, %xor3A_418 : vector<224x224xi32>
      %shift_left3A_420 = arith.constant 15 : i32
      %shift_left3A_421 = vector.broadcast %shift_left3A_420 : i32 to vector<224x224xi32>
      %shift_left3A_422 = arith.shli %xor3A_418, %shift_left3A_421 : vector<224x224xi32>
      %shift_right_logical3A_423 = arith.constant 17 : i32
      %shift_right_logical3A_424 = vector.broadcast %shift_right_logical3A_423 : i32 to vector<224x224xi32>
      %shift_right_logical3A_425 = arith.shrui %xor3A_418, %shift_right_logical3A_424 : vector<224x224xi32>
      %or3A_426 = arith.ori %shift_left3A_422, %shift_right_logical3A_425 : vector<224x224xi32>
      %xor3A_427 = arith.xori %or3A_426, %add3A_419 : vector<224x224xi32>
      %add3A_428 = arith.addi %add3A_419, %xor3A_427 : vector<224x224xi32>
      %shift_left3A_429 = arith.constant 26 : i32
      %shift_left3A_430 = vector.broadcast %shift_left3A_429 : i32 to vector<224x224xi32>
      %shift_left3A_431 = arith.shli %xor3A_427, %shift_left3A_430 : vector<224x224xi32>
      %shift_right_logical3A_432 = arith.constant 6 : i32
      %shift_right_logical3A_433 = vector.broadcast %shift_right_logical3A_432 : i32 to vector<224x224xi32>
      %shift_right_logical3A_434 = arith.shrui %xor3A_427, %shift_right_logical3A_433 : vector<224x224xi32>
      %or3A_435 = arith.ori %shift_left3A_431, %shift_right_logical3A_434 : vector<224x224xi32>
      %xor3A_436 = arith.xori %or3A_435, %add3A_428 : vector<224x224xi32>
      %add3A_437 = arith.addi %add3A_428, %xor3A_436 : vector<224x224xi32>
      %shift_left3A_438 = arith.constant 6 : i32
      %shift_left3A_439 = vector.broadcast %shift_left3A_438 : i32 to vector<224x224xi32>
      %shift_left3A_440 = arith.shli %xor3A_436, %shift_left3A_439 : vector<224x224xi32>
      %shift_right_logical3A_441 = arith.constant 26 : i32
      %shift_right_logical3A_442 = vector.broadcast %shift_right_logical3A_441 : i32 to vector<224x224xi32>
      %shift_right_logical3A_443 = arith.shrui %xor3A_436, %shift_right_logical3A_442 : vector<224x224xi32>
      %or3A_444 = arith.ori %shift_left3A_440, %shift_right_logical3A_443 : vector<224x224xi32>
      %xor3A_445 = arith.xori %or3A_444, %add3A_437 : vector<224x224xi32>
      %add3A_446 = arith.constant -1244255485 : i32
      %add3A_447 = vector.broadcast %add3A_446 : i32 to vector<224x224xi32>
      %add3A_448 = arith.addi %add3A_437, %add3A_447 : vector<224x224xi32>
      %add3A_449 = arith.constant 64467762 : i32
      %add3A_450 = vector.broadcast %add3A_449 : i32 to vector<224x224xi32>
      %add3A_451 = arith.addi %xor3A_445, %add3A_450 : vector<224x224xi32>
      %xor3A_452 = arith.xori %add3A_448, %add3A_451 : vector<224x224xi32>
      %ge3A = arith.constant -2147483136 : i32
      %ge3A_453 = vector.broadcast %ge3A : i32 to vector<224x224xi32>
      %ge3A_454 = arith.cmpi uge, %xor3A_452, %ge3A_453 : vector<224x224xi32>
      %get3A = arith.constant 0 : index
      %get3A_455 = arith.constant 0 : index
      %get3A_456 = arith.constant 0 : index
      %get3A_457 = arith.constant 0 : index
      %get3A_458 = vector.load %arg2[%get3A, %get3A_455, %get3A_456, %get3A_457] : memref<1x3x224x224xf32, #tpu.memory_space<vmem>>, vector<1x1x224x224xf32>
      %get3A_459 = vector.shape_cast %get3A_458 : vector<1x1x224x224xf32> to vector<224x224xf32>
      %jit3A = arith.constant 1.000000e+00 : f32
      %jit3A_460 = arith.constant 0.000000e+00 : f32
      %broadcast_in_dim3A_461 = vector.broadcast %jit3A : f32 to vector<224x224xf32>
      %broadcast_in_dim3A_462 = vector.broadcast %jit3A_460 : f32 to vector<224x224xf32>
      %select_n3A = arith.select %ge3A_454, %broadcast_in_dim3A_461, %broadcast_in_dim3A_462 : vector<224x224xi1>, vector<224x224xf32>
      %jit3A_463 = arith.constant 0.000000e+00 : f32
      %jit3A_464 = arith.constant 1.000000e+00 : f32
      %max3A = vector.broadcast %jit3A_463 : f32 to vector<224x224xf32>
      %max3A_465 = arith.maximumf %max3A, %get3A_459 : vector<224x224xf32>
      %min3A = vector.broadcast %jit3A_464 : f32 to vector<224x224xf32>
      %min3A_466 = arith.minimumf %min3A, %max3A_465 : vector<224x224xf32>
      %select_n3A_467 = arith.select %lt3A_228, %select_n3A, %min3A_466 : vector<224x224xi1>, vector<224x224xf32>
      %swap3A = arith.constant 0 : index
      %swap3A_468 = arith.constant 0 : index
      %swap3A_469 = arith.constant 0 : index
      %swap3A_470 = arith.constant 0 : index
      %swap3A_471 = vector.load %arg4[%swap3A, %swap3A_468, %swap3A_469, %swap3A_470] : memref<1x3x224x224xf32, #tpu.memory_space<vmem>>, vector<1x1x224x224xf32>
      %swap3A_472 = vector.shape_cast %swap3A_471 : vector<1x1x224x224xf32> to vector<224x224xf32>
      %swap3A_473 = vector.shape_cast %select_n3A_467 : vector<224x224xf32> to vector<1x1x224x224xf32>
      tpu.vector_store %arg4[%swap3A, %swap3A_468, %swap3A_469, %swap3A_470], %swap3A_473 {strides = array<i32>} : memref<1x3x224x224xf32, #tpu.memory_space<vmem>>, vector<1x1x224x224xf32>,
      %mul3A_474 = arith.constant 3 : i32
      %mul3A_475 = arith.muli %add3A_11, %mul3A_474 : i32
      %add3A_476 = arith.constant 1 : i32
      %add3A_477 = arith.addi %mul3A_475, %add3A_476 : i32
      %mul3A_478 = arith.constant 50176 : i32
      %mul3A_479 = arith.muli %add3A_477, %mul3A_478 : i32
      %add3A_480 = vector.broadcast %mul3A_479 : i32 to vector<224x224xi32>
      %add3A_481 = arith.addi %add3A_480, %add3A : vector<224x224xi32>
      %broadcast_in_dim3A_482 = arith.constant 64467757 : i32
      %broadcast_in_dim3A_483 = vector.broadcast %broadcast_in_dim3A_482 : i32 to vector<224x224xi32>
      %add3A_484 = arith.constant -1378843660 : i32
      %add3A_485 = vector.broadcast %add3A_484 : i32 to vector<224x224xi32>
      %add3A_486 = arith.addi %add3A_481, %add3A_485 : vector<224x224xi32>
      %add3A_487 = arith.addi %broadcast_in_dim3A_483, %add3A_486 : vector<224x224xi32>
      %shift_left3A_488 = arith.constant 13 : i32
      %shift_left3A_489 = vector.broadcast %shift_left3A_488 : i32 to vector<224x224xi32>
      %shift_left3A_490 = arith.shli %add3A_486, %shift_left3A_489 : vector<224x224xi32>
      %shift_right_logical3A_491 = arith.constant 19 : i32
      %shift_right_logical3A_492 = vector.broadcast %shift_right_logical3A_491 : i32 to vector<224x224xi32>
      %shift_right_logical3A_493 = arith.shrui %add3A_486, %shift_right_logical3A_492 : vector<224x224xi32>
      %or3A_494 = arith.ori %shift_left3A_490, %shift_right_logical3A_493 : vector<224x224xi32>
      %xor3A_495 = arith.xori %or3A_494, %add3A_487 : vector<224x224xi32>
      %add3A_496 = arith.addi %add3A_487, %xor3A_495 : vector<224x224xi32>
      %shift_left3A_497 = arith.constant 15 : i32
      %shift_left3A_498 = vector.broadcast %shift_left3A_497 : i32 to vector<224x224xi32>
      %shift_left3A_499 = arith.shli %xor3A_495, %shift_left3A_498 : vector<224x224xi32>
      %shift_right_logical3A_500 = arith.constant 17 : i32
      %shift_right_logical3A_501 = vector.broadcast %shift_right_logical3A_500 : i32 to vector<224x224xi32>
      %shift_right_logical3A_502 = arith.shrui %xor3A_495, %shift_right_logical3A_501 : vector<224x224xi32>
      %or3A_503 = arith.ori %shift_left3A_499, %shift_right_logical3A_502 : vector<224x224xi32>
      %xor3A_504 = arith.xori %or3A_503, %add3A_496 : vector<224x224xi32>
      %add3A_505 = arith.addi %add3A_496, %xor3A_504 : vector<224x224xi32>
      %shift_left3A_506 = arith.constant 26 : i32
      %shift_left3A_507 = vector.broadcast %shift_left3A_506 : i32 to vector<224x224xi32>
      %shift_left3A_508 = arith.shli %xor3A_504, %shift_left3A_507 : vector<224x224xi32>
      %shift_right_logical3A_509 = arith.constant 6 : i32
      %shift_right_logical3A_510 = vector.broadcast %shift_right_logical3A_509 : i32 to vector<224x224xi32>
      %shift_right_logical3A_511 = arith.shrui %xor3A_504, %shift_right_logical3A_510 : vector<224x224xi32>
      %or3A_512 = arith.ori %shift_left3A_508, %shift_right_logical3A_511 : vector<224x224xi32>
      %xor3A_513 = arith.xori %or3A_512, %add3A_505 : vector<224x224xi32>
      %add3A_514 = arith.addi %add3A_505, %xor3A_513 : vector<224x224xi32>
      %shift_left3A_515 = arith.constant 6 : i32
      %shift_left3A_516 = vector.broadcast %shift_left3A_515 : i32 to vector<224x224xi32>
      %shift_left3A_517 = arith.shli %xor3A_513, %shift_left3A_516 : vector<224x224xi32>
      %shift_right_logical3A_518 = arith.constant 26 : i32
      %shift_right_logical3A_519 = vector.broadcast %shift_right_logical3A_518 : i32 to vector<224x224xi32>
      %shift_right_logical3A_520 = arith.shrui %xor3A_513, %shift_right_logical3A_519 : vector<224x224xi32>
      %or3A_521 = arith.ori %shift_left3A_517, %shift_right_logical3A_520 : vector<224x224xi32>
      %xor3A_522 = arith.xori %or3A_521, %add3A_514 : vector<224x224xi32>
      %add3A_523 = arith.constant -1378843660 : i32
      %add3A_524 = vector.broadcast %add3A_523 : i32 to vector<224x224xi32>
      %add3A_525 = arith.addi %add3A_514, %add3A_524 : vector<224x224xi32>
      %add3A_526 = arith.constant -1244255484 : i32
      %add3A_527 = vector.broadcast %add3A_526 : i32 to vector<224x224xi32>
      %add3A_528 = arith.addi %xor3A_522, %add3A_527 : vector<224x224xi32>
      %add3A_529 = arith.addi %add3A_525, %add3A_528 : vector<224x224xi32>
      %shift_left3A_530 = arith.constant 17 : i32
      %shift_left3A_531 = vector.broadcast %shift_left3A_530 : i32 to vector<224x224xi32>
      %shift_left3A_532 = arith.shli %add3A_528, %shift_left3A_531 : vector<224x224xi32>
      %shift_right_logical3A_533 = arith.constant 15 : i32
      %shift_right_logical3A_534 = vector.broadcast %shift_right_logical3A_533 : i32 to vector<224x224xi32>
      %shift_right_logical3A_535 = arith.shrui %add3A_528, %shift_right_logical3A_534 : vector<224x224xi32>
      %or3A_536 = arith.ori %shift_left3A_532, %shift_right_logical3A_535 : vector<224x224xi32>
      %xor3A_537 = arith.xori %or3A_536, %add3A_529 : vector<224x224xi32>
      %add3A_538 = arith.addi %add3A_529, %xor3A_537 : vector<224x224xi32>
      %shift_left3A_539 = arith.constant 29 : i32
      %shift_left3A_540 = vector.broadcast %shift_left3A_539 : i32 to vector<224x224xi32>
      %shift_left3A_541 = arith.shli %xor3A_537, %shift_left3A_540 : vector<224x224xi32>
      %shift_right_logical3A_542 = arith.constant 3 : i32
      %shift_right_logical3A_543 = vector.broadcast %shift_right_logical3A_542 : i32 to vector<224x224xi32>
      %shift_right_logical3A_544 = arith.shrui %xor3A_537, %shift_right_logical3A_543 : vector<224x224xi32>
      %or3A_545 = arith.ori %shift_left3A_541, %shift_right_logical3A_544 : vector<224x224xi32>
      %xor3A_546 = arith.xori %or3A_545, %add3A_538 : vector<224x224xi32>
      %add3A_547 = arith.addi %add3A_538, %xor3A_546 : vector<224x224xi32>
      %shift_left3A_548 = arith.constant 16 : i32
      %shift_left3A_549 = vector.broadcast %shift_left3A_548 : i32 to vector<224x224xi32>
      %shift_left3A_550 = arith.shli %xor3A_546, %shift_left3A_549 : vector<224x224xi32>
      %shift_right_logical3A_551 = arith.constant 16 : i32
      %shift_right_logical3A_552 = vector.broadcast %shift_right_logical3A_551 : i32 to vector<224x224xi32>
      %shift_right_logical3A_553 = arith.shrui %xor3A_546, %shift_right_logical3A_552 : vector<224x224xi32>
      %or3A_554 = arith.ori %shift_left3A_550, %shift_right_logical3A_553 : vector<224x224xi32>
      %xor3A_555 = arith.xori %or3A_554, %add3A_547 : vector<224x224xi32>
      %add3A_556 = arith.addi %add3A_547, %xor3A_555 : vector<224x224xi32>
      %shift_left3A_557 = arith.constant 24 : i32
      %shift_left3A_558 = vector.broadcast %shift_left3A_557 : i32 to vector<224x224xi32>
      %shift_left3A_559 = arith.shli %xor3A_555, %shift_left3A_558 : vector<224x224xi32>
      %shift_right_logical3A_560 = arith.constant 8 : i32
      %shift_right_logical3A_561 = vector.broadcast %shift_right_logical3A_560 : i32 to vector<224x224xi32>
      %shift_right_logical3A_562 = arith.shrui %xor3A_555, %shift_right_logical3A_561 : vector<224x224xi32>
      %or3A_563 = arith.ori %shift_left3A_559, %shift_right_logical3A_562 : vector<224x224xi32>
      %xor3A_564 = arith.xori %or3A_563, %add3A_556 : vector<224x224xi32>
      %add3A_565 = arith.constant -1244255485 : i32
      %add3A_566 = vector.broadcast %add3A_565 : i32 to vector<224x224xi32>
      %add3A_567 = arith.addi %add3A_556, %add3A_566 : vector<224x224xi32>
      %add3A_568 = arith.constant 64467759 : i32
      %add3A_569 = vector.broadcast %add3A_568 : i32 to vector<224x224xi32>
      %add3A_570 = arith.addi %xor3A_564, %add3A_569 : vector<224x224xi32>
      %add3A_571 = arith.addi %add3A_567, %add3A_570 : vector<224x224xi32>
      %shift_left3A_572 = arith.constant 13 : i32
      %shift_left3A_573 = vector.broadcast %shift_left3A_572 : i32 to vector<224x224xi32>
      %shift_left3A_574 = arith.shli %add3A_570, %shift_left3A_573 : vector<224x224xi32>
      %shift_right_logical3A_575 = arith.constant 19 : i32
      %shift_right_logical3A_576 = vector.broadcast %shift_right_logical3A_575 : i32 to vector<224x224xi32>
      %shift_right_logical3A_577 = arith.shrui %add3A_570, %shift_right_logical3A_576 : vector<224x224xi32>
      %or3A_578 = arith.ori %shift_left3A_574, %shift_right_logical3A_577 : vector<224x224xi32>
      %xor3A_579 = arith.xori %or3A_578, %add3A_571 : vector<224x224xi32>
      %add3A_580 = arith.addi %add3A_571, %xor3A_579 : vector<224x224xi32>
      %shift_left3A_581 = arith.constant 15 : i32
      %shift_left3A_582 = vector.broadcast %shift_left3A_581 : i32 to vector<224x224xi32>
      %shift_left3A_583 = arith.shli %xor3A_579, %shift_left3A_582 : vector<224x224xi32>
      %shift_right_logical3A_584 = arith.constant 17 : i32
      %shift_right_logical3A_585 = vector.broadcast %shift_right_logical3A_584 : i32 to vector<224x224xi32>
      %shift_right_logical3A_586 = arith.shrui %xor3A_579, %shift_right_logical3A_585 : vector<224x224xi32>
      %or3A_587 = arith.ori %shift_left3A_583, %shift_right_logical3A_586 : vector<224x224xi32>
      %xor3A_588 = arith.xori %or3A_587, %add3A_580 : vector<224x224xi32>
      %add3A_589 = arith.addi %add3A_580, %xor3A_588 : vector<224x224xi32>
      %shift_left3A_590 = arith.constant 26 : i32
      %shift_left3A_591 = vector.broadcast %shift_left3A_590 : i32 to vector<224x224xi32>
      %shift_left3A_592 = arith.shli %xor3A_588, %shift_left3A_591 : vector<224x224xi32>
      %shift_right_logical3A_593 = arith.constant 6 : i32
      %shift_right_logical3A_594 = vector.broadcast %shift_right_logical3A_593 : i32 to vector<224x224xi32>
      %shift_right_logical3A_595 = arith.shrui %xor3A_588, %shift_right_logical3A_594 : vector<224x224xi32>
      %or3A_596 = arith.ori %shift_left3A_592, %shift_right_logical3A_595 : vector<224x224xi32>
      %xor3A_597 = arith.xori %or3A_596, %add3A_589 : vector<224x224xi32>
      %add3A_598 = arith.addi %add3A_589, %xor3A_597 : vector<224x224xi32>
      %shift_left3A_599 = arith.constant 6 : i32
      %shift_left3A_600 = vector.broadcast %shift_left3A_599 : i32 to vector<224x224xi32>
      %shift_left3A_601 = arith.shli %xor3A_597, %shift_left3A_600 : vector<224x224xi32>
      %shift_right_logical3A_602 = arith.constant 26 : i32
      %shift_right_logical3A_603 = vector.broadcast %shift_right_logical3A_602 : i32 to vector<224x224xi32>
      %shift_right_logical3A_604 = arith.shrui %xor3A_597, %shift_right_logical3A_603 : vector<224x224xi32>
      %or3A_605 = arith.ori %shift_left3A_601, %shift_right_logical3A_604 : vector<224x224xi32>
      %xor3A_606 = arith.xori %or3A_605, %add3A_598 : vector<224x224xi32>
      %add3A_607 = arith.constant 64467757 : i32
      %add3A_608 = vector.broadcast %add3A_607 : i32 to vector<224x224xi32>
      %add3A_609 = arith.addi %add3A_598, %add3A_608 : vector<224x224xi32>
      %add3A_610 = arith.constant -1378843657 : i32
      %add3A_611 = vector.broadcast %add3A_610 : i32 to vector<224x224xi32>
      %add3A_612 = arith.addi %xor3A_606, %add3A_611 : vector<224x224xi32>
      %add3A_613 = arith.addi %add3A_609, %add3A_612 : vector<224x224xi32>
      %shift_left3A_614 = arith.constant 17 : i32
      %shift_left3A_615 = vector.broadcast %shift_left3A_614 : i32 to vector<224x224xi32>
      %shift_left3A_616 = arith.shli %add3A_612, %shift_left3A_615 : vector<224x224xi32>
      %shift_right_logical3A_617 = arith.constant 15 : i32
      %shift_right_logical3A_618 = vector.broadcast %shift_right_logical3A_617 : i32 to vector<224x224xi32>
      %shift_right_logical3A_619 = arith.shrui %add3A_612, %shift_right_logical3A_618 : vector<224x224xi32>
      %or3A_620 = arith.ori %shift_left3A_616, %shift_right_logical3A_619 : vector<224x224xi32>
      %xor3A_621 = arith.xori %or3A_620, %add3A_613 : vector<224x224xi32>
      %add3A_622 = arith.addi %add3A_613, %xor3A_621 : vector<224x224xi32>
      %shift_left3A_623 = arith.constant 29 : i32
      %shift_left3A_624 = vector.broadcast %shift_left3A_623 : i32 to vector<224x224xi32>
      %shift_left3A_625 = arith.shli %xor3A_621, %shift_left3A_624 : vector<224x224xi32>
      %shift_right_logical3A_626 = arith.constant 3 : i32
      %shift_right_logical3A_627 = vector.broadcast %shift_right_logical3A_626 : i32 to vector<224x224xi32>
      %shift_right_logical3A_628 = arith.shrui %xor3A_621, %shift_right_logical3A_627 : vector<224x224xi32>
      %or3A_629 = arith.ori %shift_left3A_625, %shift_right_logical3A_628 : vector<224x224xi32>
      %xor3A_630 = arith.xori %or3A_629, %add3A_622 : vector<224x224xi32>
      %add3A_631 = arith.addi %add3A_622, %xor3A_630 : vector<224x224xi32>
      %shift_left3A_632 = arith.constant 16 : i32
      %shift_left3A_633 = vector.broadcast %shift_left3A_632 : i32 to vector<224x224xi32>
      %shift_left3A_634 = arith.shli %xor3A_630, %shift_left3A_633 : vector<224x224xi32>
      %shift_right_logical3A_635 = arith.constant 16 : i32
      %shift_right_logical3A_636 = vector.broadcast %shift_right_logical3A_635 : i32 to vector<224x224xi32>
      %shift_right_logical3A_637 = arith.shrui %xor3A_630, %shift_right_logical3A_636 : vector<224x224xi32>
      %or3A_638 = arith.ori %shift_left3A_634, %shift_right_logical3A_637 : vector<224x224xi32>
      %xor3A_639 = arith.xori %or3A_638, %add3A_631 : vector<224x224xi32>
      %add3A_640 = arith.addi %add3A_631, %xor3A_639 : vector<224x224xi32>
      %shift_left3A_641 = arith.constant 24 : i32
      %shift_left3A_642 = vector.broadcast %shift_left3A_641 : i32 to vector<224x224xi32>
      %shift_left3A_643 = arith.shli %xor3A_639, %shift_left3A_642 : vector<224x224xi32>
      %shift_right_logical3A_644 = arith.constant 8 : i32
      %shift_right_logical3A_645 = vector.broadcast %shift_right_logical3A_644 : i32 to vector<224x224xi32>
      %shift_right_logical3A_646 = arith.shrui %xor3A_639, %shift_right_logical3A_645 : vector<224x224xi32>
      %or3A_647 = arith.ori %shift_left3A_643, %shift_right_logical3A_646 : vector<224x224xi32>
      %xor3A_648 = arith.xori %or3A_647, %add3A_640 : vector<224x224xi32>
      %add3A_649 = arith.constant -1378843660 : i32
      %add3A_650 = vector.broadcast %add3A_649 : i32 to vector<224x224xi32>
      %add3A_651 = arith.addi %add3A_640, %add3A_650 : vector<224x224xi32>
      %add3A_652 = arith.constant -1244255481 : i32
      %add3A_653 = vector.broadcast %add3A_652 : i32 to vector<224x224xi32>
      %add3A_654 = arith.addi %xor3A_648, %add3A_653 : vector<224x224xi32>
      %add3A_655 = arith.addi %add3A_651, %add3A_654 : vector<224x224xi32>
      %shift_left3A_656 = arith.constant 13 : i32
      %shift_left3A_657 = vector.broadcast %shift_left3A_656 : i32 to vector<224x224xi32>
      %shift_left3A_658 = arith.shli %add3A_654, %shift_left3A_657 : vector<224x224xi32>
      %shift_right_logical3A_659 = arith.constant 19 : i32
      %shift_right_logical3A_660 = vector.broadcast %shift_right_logical3A_659 : i32 to vector<224x224xi32>
      %shift_right_logical3A_661 = arith.shrui %add3A_654, %shift_right_logical3A_660 : vector<224x224xi32>
      %or3A_662 = arith.ori %shift_left3A_658, %shift_right_logical3A_661 : vector<224x224xi32>
      %xor3A_663 = arith.xori %or3A_662, %add3A_655 : vector<224x224xi32>
      %add3A_664 = arith.addi %add3A_655, %xor3A_663 : vector<224x224xi32>
      %shift_left3A_665 = arith.constant 15 : i32
      %shift_left3A_666 = vector.broadcast %shift_left3A_665 : i32 to vector<224x224xi32>
      %shift_left3A_667 = arith.shli %xor3A_663, %shift_left3A_666 : vector<224x224xi32>
      %shift_right_logical3A_668 = arith.constant 17 : i32
      %shift_right_logical3A_669 = vector.broadcast %shift_right_logical3A_668 : i32 to vector<224x224xi32>
      %shift_right_logical3A_670 = arith.shrui %xor3A_663, %shift_right_logical3A_669 : vector<224x224xi32>
      %or3A_671 = arith.ori %shift_left3A_667, %shift_right_logical3A_670 : vector<224x224xi32>
      %xor3A_672 = arith.xori %or3A_671, %add3A_664 : vector<224x224xi32>
      %add3A_673 = arith.addi %add3A_664, %xor3A_672 : vector<224x224xi32>
      %shift_left3A_674 = arith.constant 26 : i32
      %shift_left3A_675 = vector.broadcast %shift_left3A_674 : i32 to vector<224x224xi32>
      %shift_left3A_676 = arith.shli %xor3A_672, %shift_left3A_675 : vector<224x224xi32>
      %shift_right_logical3A_677 = arith.constant 6 : i32
      %shift_right_logical3A_678 = vector.broadcast %shift_right_logical3A_677 : i32 to vector<224x224xi32>
      %shift_right_logical3A_679 = arith.shrui %xor3A_672, %shift_right_logical3A_678 : vector<224x224xi32>
      %or3A_680 = arith.ori %shift_left3A_676, %shift_right_logical3A_679 : vector<224x224xi32>
      %xor3A_681 = arith.xori %or3A_680, %add3A_673 : vector<224x224xi32>
      %add3A_682 = arith.addi %add3A_673, %xor3A_681 : vector<224x224xi32>
      %shift_left3A_683 = arith.constant 6 : i32
      %shift_left3A_684 = vector.broadcast %shift_left3A_683 : i32 to vector<224x224xi32>
      %shift_left3A_685 = arith.shli %xor3A_681, %shift_left3A_684 : vector<224x224xi32>
      %shift_right_logical3A_686 = arith.constant 26 : i32
      %shift_right_logical3A_687 = vector.broadcast %shift_right_logical3A_686 : i32 to vector<224x224xi32>
      %shift_right_logical3A_688 = arith.shrui %xor3A_681, %shift_right_logical3A_687 : vector<224x224xi32>
      %or3A_689 = arith.ori %shift_left3A_685, %shift_right_logical3A_688 : vector<224x224xi32>
      %xor3A_690 = arith.xori %or3A_689, %add3A_682 : vector<224x224xi32>
      %add3A_691 = arith.constant -1244255485 : i32
      %add3A_692 = vector.broadcast %add3A_691 : i32 to vector<224x224xi32>
      %add3A_693 = arith.addi %add3A_682, %add3A_692 : vector<224x224xi32>
      %add3A_694 = arith.constant 64467762 : i32
      %add3A_695 = vector.broadcast %add3A_694 : i32 to vector<224x224xi32>
      %add3A_696 = arith.addi %xor3A_690, %add3A_695 : vector<224x224xi32>
      %xor3A_697 = arith.xori %add3A_693, %add3A_696 : vector<224x224xi32>
      %ge3A_698 = arith.constant -2147483136 : i32
      %ge3A_699 = vector.broadcast %ge3A_698 : i32 to vector<224x224xi32>
      %ge3A_700 = arith.cmpi uge, %xor3A_697, %ge3A_699 : vector<224x224xi32>
      %get3A_701 = arith.constant 0 : index
      %get3A_702 = arith.constant 1 : index
      %get3A_703 = arith.constant 0 : index
      %get3A_704 = arith.constant 0 : index
      %get3A_705 = vector.load %arg2[%get3A_701, %get3A_702, %get3A_703, %get3A_704] : memref<1x3x224x224xf32, #tpu.memory_space<vmem>>, vector<1x1x224x224xf32>
      %get3A_706 = vector.shape_cast %get3A_705 : vector<1x1x224x224xf32> to vector<224x224xf32>
      %jit3A_707 = arith.constant 1.000000e+00 : f32
      %jit3A_708 = arith.constant 0.000000e+00 : f32
      %broadcast_in_dim3A_709 = vector.broadcast %jit3A_707 : f32 to vector<224x224xf32>
      %broadcast_in_dim3A_710 = vector.broadcast %jit3A_708 : f32 to vector<224x224xf32>
      %select_n3A_711 = arith.select %ge3A_700, %broadcast_in_dim3A_709, %broadcast_in_dim3A_710 : vector<224x224xi1>, vector<224x224xf32>
      %jit3A_712 = arith.constant 0.000000e+00 : f32
      %jit3A_713 = arith.constant 1.000000e+00 : f32
      %max3A_714 = vector.broadcast %jit3A_712 : f32 to vector<224x224xf32>
      %max3A_715 = arith.maximumf %max3A_714, %get3A_706 : vector<224x224xf32>
      %min3A_716 = vector.broadcast %jit3A_713 : f32 to vector<224x224xf32>
      %min3A_717 = arith.minimumf %min3A_716, %max3A_715 : vector<224x224xf32>
      %select_n3A_718 = arith.select %lt3A_228, %select_n3A_711, %min3A_717 : vector<224x224xi1>, vector<224x224xf32>
      %swap3A_719 = arith.constant 0 : index
      %swap3A_720 = arith.constant 1 : index
      %swap3A_721 = arith.constant 0 : index
      %swap3A_722 = arith.constant 0 : index
      %swap3A_723 = vector.load %arg4[%swap3A_719, %swap3A_720, %swap3A_721, %swap3A_722] : memref<1x3x224x224xf32, #tpu.memory_space<vmem>>, vector<1x1x224x224xf32>
      %swap3A_724 = vector.shape_cast %swap3A_723 : vector<1x1x224x224xf32> to vector<224x224xf32>
      %swap3A_725 = vector.shape_cast %select_n3A_718 : vector<224x224xf32> to vector<1x1x224x224xf32>
      tpu.vector_store %arg4[%swap3A_719, %swap3A_720, %swap3A_721, %swap3A_722], %swap3A_725 {strides = array<i32>} : memref<1x3x224x224xf32, #tpu.memory_space<vmem>>, vector<1x1x224x224xf32>,
      %mul3A_726 = arith.constant 3 : i32
      %mul3A_727 = arith.muli %add3A_11, %mul3A_726 : i32
      %add3A_728 = arith.constant 2 : i32
      %add3A_729 = arith.addi %mul3A_727, %add3A_728 : i32
      %mul3A_730 = arith.constant 50176 : i32
      %mul3A_731 = arith.muli %add3A_729, %mul3A_730 : i32
      %add3A_732 = vector.broadcast %mul3A_731 : i32 to vector<224x224xi32>
      %add3A_733 = arith.addi %add3A_732, %add3A : vector<224x224xi32>
      %broadcast_in_dim3A_734 = arith.constant 64467757 : i32
      %broadcast_in_dim3A_735 = vector.broadcast %broadcast_in_dim3A_734 : i32 to vector<224x224xi32>
      %add3A_736 = arith.constant -1378843660 : i32
      %add3A_737 = vector.broadcast %add3A_736 : i32 to vector<224x224xi32>
      %add3A_738 = arith.addi %add3A_733, %add3A_737 : vector<224x224xi32>
      %add3A_739 = arith.addi %broadcast_in_dim3A_735, %add3A_738 : vector<224x224xi32>
      %shift_left3A_740 = arith.constant 13 : i32
      %shift_left3A_741 = vector.broadcast %shift_left3A_740 : i32 to vector<224x224xi32>
      %shift_left3A_742 = arith.shli %add3A_738, %shift_left3A_741 : vector<224x224xi32>
      %shift_right_logical3A_743 = arith.constant 19 : i32
      %shift_right_logical3A_744 = vector.broadcast %shift_right_logical3A_743 : i32 to vector<224x224xi32>
      %shift_right_logical3A_745 = arith.shrui %add3A_738, %shift_right_logical3A_744 : vector<224x224xi32>
      %or3A_746 = arith.ori %shift_left3A_742, %shift_right_logical3A_745 : vector<224x224xi32>
      %xor3A_747 = arith.xori %or3A_746, %add3A_739 : vector<224x224xi32>
      %add3A_748 = arith.addi %add3A_739, %xor3A_747 : vector<224x224xi32>
      %shift_left3A_749 = arith.constant 15 : i32
      %shift_left3A_750 = vector.broadcast %shift_left3A_749 : i32 to vector<224x224xi32>
      %shift_left3A_751 = arith.shli %xor3A_747, %shift_left3A_750 : vector<224x224xi32>
      %shift_right_logical3A_752 = arith.constant 17 : i32
      %shift_right_logical3A_753 = vector.broadcast %shift_right_logical3A_752 : i32 to vector<224x224xi32>
      %shift_right_logical3A_754 = arith.shrui %xor3A_747, %shift_right_logical3A_753 : vector<224x224xi32>
      %or3A_755 = arith.ori %shift_left3A_751, %shift_right_logical3A_754 : vector<224x224xi32>
      %xor3A_756 = arith.xori %or3A_755, %add3A_748 : vector<224x224xi32>
      %add3A_757 = arith.addi %add3A_748, %xor3A_756 : vector<224x224xi32>
      %shift_left3A_758 = arith.constant 26 : i32
      %shift_left3A_759 = vector.broadcast %shift_left3A_758 : i32 to vector<224x224xi32>
      %shift_left3A_760 = arith.shli %xor3A_756, %shift_left3A_759 : vector<224x224xi32>
      %shift_right_logical3A_761 = arith.constant 6 : i32
      %shift_right_logical3A_762 = vector.broadcast %shift_right_logical3A_761 : i32 to vector<224x224xi32>
      %shift_right_logical3A_763 = arith.shrui %xor3A_756, %shift_right_logical3A_762 : vector<224x224xi32>
      %or3A_764 = arith.ori %shift_left3A_760, %shift_right_logical3A_763 : vector<224x224xi32>
      %xor3A_765 = arith.xori %or3A_764, %add3A_757 : vector<224x224xi32>
      %add3A_766 = arith.addi %add3A_757, %xor3A_765 : vector<224x224xi32>
      %shift_left3A_767 = arith.constant 6 : i32
      %shift_left3A_768 = vector.broadcast %shift_left3A_767 : i32 to vector<224x224xi32>
      %shift_left3A_769 = arith.shli %xor3A_765, %shift_left3A_768 : vector<224x224xi32>
      %shift_right_logical3A_770 = arith.constant 26 : i32
      %shift_right_logical3A_771 = vector.broadcast %shift_right_logical3A_770 : i32 to vector<224x224xi32>
      %shift_right_logical3A_772 = arith.shrui %xor3A_765, %shift_right_logical3A_771 : vector<224x224xi32>
      %or3A_773 = arith.ori %shift_left3A_769, %shift_right_logical3A_772 : vector<224x224xi32>
      %xor3A_774 = arith.xori %or3A_773, %add3A_766 : vector<224x224xi32>
      %add3A_775 = arith.constant -1378843660 : i32
      %add3A_776 = vector.broadcast %add3A_775 : i32 to vector<224x224xi32>
      %add3A_777 = arith.addi %add3A_766, %add3A_776 : vector<224x224xi32>
      %add3A_778 = arith.constant -1244255484 : i32
      %add3A_779 = vector.broadcast %add3A_778 : i32 to vector<224x224xi32>
      %add3A_780 = arith.addi %xor3A_774, %add3A_779 : vector<224x224xi32>
      %add3A_781 = arith.addi %add3A_777, %add3A_780 : vector<224x224xi32>
      %shift_left3A_782 = arith.constant 17 : i32
      %shift_left3A_783 = vector.broadcast %shift_left3A_782 : i32 to vector<224x224xi32>
      %shift_left3A_784 = arith.shli %add3A_780, %shift_left3A_783 : vector<224x224xi32>
      %shift_right_logical3A_785 = arith.constant 15 : i32
      %shift_right_logical3A_786 = vector.broadcast %shift_right_logical3A_785 : i32 to vector<224x224xi32>
      %shift_right_logical3A_787 = arith.shrui %add3A_780, %shift_right_logical3A_786 : vector<224x224xi32>
      %or3A_788 = arith.ori %shift_left3A_784, %shift_right_logical3A_787 : vector<224x224xi32>
      %xor3A_789 = arith.xori %or3A_788, %add3A_781 : vector<224x224xi32>
      %add3A_790 = arith.addi %add3A_781, %xor3A_789 : vector<224x224xi32>
      %shift_left3A_791 = arith.constant 29 : i32
      %shift_left3A_792 = vector.broadcast %shift_left3A_791 : i32 to vector<224x224xi32>
      %shift_left3A_793 = arith.shli %xor3A_789, %shift_left3A_792 : vector<224x224xi32>
      %shift_right_logical3A_794 = arith.constant 3 : i32
      %shift_right_logical3A_795 = vector.broadcast %shift_right_logical3A_794 : i32 to vector<224x224xi32>
      %shift_right_logical3A_796 = arith.shrui %xor3A_789, %shift_right_logical3A_795 : vector<224x224xi32>
      %or3A_797 = arith.ori %shift_left3A_793, %shift_right_logical3A_796 : vector<224x224xi32>
      %xor3A_798 = arith.xori %or3A_797, %add3A_790 : vector<224x224xi32>
      %add3A_799 = arith.addi %add3A_790, %xor3A_798 : vector<224x224xi32>
      %shift_left3A_800 = arith.constant 16 : i32
      %shift_left3A_801 = vector.broadcast %shift_left3A_800 : i32 to vector<224x224xi32>
      %shift_left3A_802 = arith.shli %xor3A_798, %shift_left3A_801 : vector<224x224xi32>
      %shift_right_logical3A_803 = arith.constant 16 : i32
      %shift_right_logical3A_804 = vector.broadcast %shift_right_logical3A_803 : i32 to vector<224x224xi32>
      %shift_right_logical3A_805 = arith.shrui %xor3A_798, %shift_right_logical3A_804 : vector<224x224xi32>
      %or3A_806 = arith.ori %shift_left3A_802, %shift_right_logical3A_805 : vector<224x224xi32>
      %xor3A_807 = arith.xori %or3A_806, %add3A_799 : vector<224x224xi32>
      %add3A_808 = arith.addi %add3A_799, %xor3A_807 : vector<224x224xi32>
      %shift_left3A_809 = arith.constant 24 : i32
      %shift_left3A_810 = vector.broadcast %shift_left3A_809 : i32 to vector<224x224xi32>
      %shift_left3A_811 = arith.shli %xor3A_807, %shift_left3A_810 : vector<224x224xi32>
      %shift_right_logical3A_812 = arith.constant 8 : i32
      %shift_right_logical3A_813 = vector.broadcast %shift_right_logical3A_812 : i32 to vector<224x224xi32>
      %shift_right_logical3A_814 = arith.shrui %xor3A_807, %shift_right_logical3A_813 : vector<224x224xi32>
      %or3A_815 = arith.ori %shift_left3A_811, %shift_right_logical3A_814 : vector<224x224xi32>
      %xor3A_816 = arith.xori %or3A_815, %add3A_808 : vector<224x224xi32>
      %add3A_817 = arith.constant -1244255485 : i32
      %add3A_818 = vector.broadcast %add3A_817 : i32 to vector<224x224xi32>
      %add3A_819 = arith.addi %add3A_808, %add3A_818 : vector<224x224xi32>
      %add3A_820 = arith.constant 64467759 : i32
      %add3A_821 = vector.broadcast %add3A_820 : i32 to vector<224x224xi32>
      %add3A_822 = arith.addi %xor3A_816, %add3A_821 : vector<224x224xi32>
      %add3A_823 = arith.addi %add3A_819, %add3A_822 : vector<224x224xi32>
      %shift_left3A_824 = arith.constant 13 : i32
      %shift_left3A_825 = vector.broadcast %shift_left3A_824 : i32 to vector<224x224xi32>
      %shift_left3A_826 = arith.shli %add3A_822, %shift_left3A_825 : vector<224x224xi32>
      %shift_right_logical3A_827 = arith.constant 19 : i32
      %shift_right_logical3A_828 = vector.broadcast %shift_right_logical3A_827 : i32 to vector<224x224xi32>
      %shift_right_logical3A_829 = arith.shrui %add3A_822, %shift_right_logical3A_828 : vector<224x224xi32>
      %or3A_830 = arith.ori %shift_left3A_826, %shift_right_logical3A_829 : vector<224x224xi32>
      %xor3A_831 = arith.xori %or3A_830, %add3A_823 : vector<224x224xi32>
      %add3A_832 = arith.addi %add3A_823, %xor3A_831 : vector<224x224xi32>
      %shift_left3A_833 = arith.constant 15 : i32
      %shift_left3A_834 = vector.broadcast %shift_left3A_833 : i32 to vector<224x224xi32>
      %shift_left3A_835 = arith.shli %xor3A_831, %shift_left3A_834 : vector<224x224xi32>
      %shift_right_logical3A_836 = arith.constant 17 : i32
      %shift_right_logical3A_837 = vector.broadcast %shift_right_logical3A_836 : i32 to vector<224x224xi32>
      %shift_right_logical3A_838 = arith.shrui %xor3A_831, %shift_right_logical3A_837 : vector<224x224xi32>
      %or3A_839 = arith.ori %shift_left3A_835, %shift_right_logical3A_838 : vector<224x224xi32>
      %xor3A_840 = arith.xori %or3A_839, %add3A_832 : vector<224x224xi32>
      %add3A_841 = arith.addi %add3A_832, %xor3A_840 : vector<224x224xi32>
      %shift_left3A_842 = arith.constant 26 : i32
      %shift_left3A_843 = vector.broadcast %shift_left3A_842 : i32 to vector<224x224xi32>
      %shift_left3A_844 = arith.shli %xor3A_840, %shift_left3A_843 : vector<224x224xi32>
      %shift_right_logical3A_845 = arith.constant 6 : i32
      %shift_right_logical3A_846 = vector.broadcast %shift_right_logical3A_845 : i32 to vector<224x224xi32>
      %shift_right_logical3A_847 = arith.shrui %xor3A_840, %shift_right_logical3A_846 : vector<224x224xi32>
      %or3A_848 = arith.ori %shift_left3A_844, %shift_right_logical3A_847 : vector<224x224xi32>
      %xor3A_849 = arith.xori %or3A_848, %add3A_841 : vector<224x224xi32>
      %add3A_850 = arith.addi %add3A_841, %xor3A_849 : vector<224x224xi32>
      %shift_left3A_851 = arith.constant 6 : i32
      %shift_left3A_852 = vector.broadcast %shift_left3A_851 : i32 to vector<224x224xi32>
      %shift_left3A_853 = arith.shli %xor3A_849, %shift_left3A_852 : vector<224x224xi32>
      %shift_right_logical3A_854 = arith.constant 26 : i32
      %shift_right_logical3A_855 = vector.broadcast %shift_right_logical3A_854 : i32 to vector<224x224xi32>
      %shift_right_logical3A_856 = arith.shrui %xor3A_849, %shift_right_logical3A_855 : vector<224x224xi32>
      %or3A_857 = arith.ori %shift_left3A_853, %shift_right_logical3A_856 : vector<224x224xi32>
      %xor3A_858 = arith.xori %or3A_857, %add3A_850 : vector<224x224xi32>
      %add3A_859 = arith.constant 64467757 : i32
      %add3A_860 = vector.broadcast %add3A_859 : i32 to vector<224x224xi32>
      %add3A_861 = arith.addi %add3A_850, %add3A_860 : vector<224x224xi32>
      %add3A_862 = arith.constant -1378843657 : i32
      %add3A_863 = vector.broadcast %add3A_862 : i32 to vector<224x224xi32>
      %add3A_864 = arith.addi %xor3A_858, %add3A_863 : vector<224x224xi32>
      %add3A_865 = arith.addi %add3A_861, %add3A_864 : vector<224x224xi32>
      %shift_left3A_866 = arith.constant 17 : i32
      %shift_left3A_867 = vector.broadcast %shift_left3A_866 : i32 to vector<224x224xi32>
      %shift_left3A_868 = arith.shli %add3A_864, %shift_left3A_867 : vector<224x224xi32>
      %shift_right_logical3A_869 = arith.constant 15 : i32
      %shift_right_logical3A_870 = vector.broadcast %shift_right_logical3A_869 : i32 to vector<224x224xi32>
      %shift_right_logical3A_871 = arith.shrui %add3A_864, %shift_right_logical3A_870 : vector<224x224xi32>
      %or3A_872 = arith.ori %shift_left3A_868, %shift_right_logical3A_871 : vector<224x224xi32>
      %xor3A_873 = arith.xori %or3A_872, %add3A_865 : vector<224x224xi32>
      %add3A_874 = arith.addi %add3A_865, %xor3A_873 : vector<224x224xi32>
      %shift_left3A_875 = arith.constant 29 : i32
      %shift_left3A_876 = vector.broadcast %shift_left3A_875 : i32 to vector<224x224xi32>
      %shift_left3A_877 = arith.shli %xor3A_873, %shift_left3A_876 : vector<224x224xi32>
      %shift_right_logical3A_878 = arith.constant 3 : i32
      %shift_right_logical3A_879 = vector.broadcast %shift_right_logical3A_878 : i32 to vector<224x224xi32>
      %shift_right_logical3A_880 = arith.shrui %xor3A_873, %shift_right_logical3A_879 : vector<224x224xi32>
      %or3A_881 = arith.ori %shift_left3A_877, %shift_right_logical3A_880 : vector<224x224xi32>
      %xor3A_882 = arith.xori %or3A_881, %add3A_874 : vector<224x224xi32>
      %add3A_883 = arith.addi %add3A_874, %xor3A_882 : vector<224x224xi32>
      %shift_left3A_884 = arith.constant 16 : i32
      %shift_left3A_885 = vector.broadcast %shift_left3A_884 : i32 to vector<224x224xi32>
      %shift_left3A_886 = arith.shli %xor3A_882, %shift_left3A_885 : vector<224x224xi32>
      %shift_right_logical3A_887 = arith.constant 16 : i32
      %shift_right_logical3A_888 = vector.broadcast %shift_right_logical3A_887 : i32 to vector<224x224xi32>
      %shift_right_logical3A_889 = arith.shrui %xor3A_882, %shift_right_logical3A_888 : vector<224x224xi32>
      %or3A_890 = arith.ori %shift_left3A_886, %shift_right_logical3A_889 : vector<224x224xi32>
      %xor3A_891 = arith.xori %or3A_890, %add3A_883 : vector<224x224xi32>
      %add3A_892 = arith.addi %add3A_883, %xor3A_891 : vector<224x224xi32>
      %shift_left3A_893 = arith.constant 24 : i32
      %shift_left3A_894 = vector.broadcast %shift_left3A_893 : i32 to vector<224x224xi32>
      %shift_left3A_895 = arith.shli %xor3A_891, %shift_left3A_894 : vector<224x224xi32>
      %shift_right_logical3A_896 = arith.constant 8 : i32
      %shift_right_logical3A_897 = vector.broadcast %shift_right_logical3A_896 : i32 to vector<224x224xi32>
      %shift_right_logical3A_898 = arith.shrui %xor3A_891, %shift_right_logical3A_897 : vector<224x224xi32>
      %or3A_899 = arith.ori %shift_left3A_895, %shift_right_logical3A_898 : vector<224x224xi32>
      %xor3A_900 = arith.xori %or3A_899, %add3A_892 : vector<224x224xi32>
      %add3A_901 = arith.constant -1378843660 : i32
      %add3A_902 = vector.broadcast %add3A_901 : i32 to vector<224x224xi32>
      %add3A_903 = arith.addi %add3A_892, %add3A_902 : vector<224x224xi32>
      %add3A_904 = arith.constant -1244255481 : i32
      %add3A_905 = vector.broadcast %add3A_904 : i32 to vector<224x224xi32>
      %add3A_906 = arith.addi %xor3A_900, %add3A_905 : vector<224x224xi32>
      %add3A_907 = arith.addi %add3A_903, %add3A_906 : vector<224x224xi32>
      %shift_left3A_908 = arith.constant 13 : i32
      %shift_left3A_909 = vector.broadcast %shift_left3A_908 : i32 to vector<224x224xi32>
      %shift_left3A_910 = arith.shli %add3A_906, %shift_left3A_909 : vector<224x224xi32>
      %shift_right_logical3A_911 = arith.constant 19 : i32
      %shift_right_logical3A_912 = vector.broadcast %shift_right_logical3A_911 : i32 to vector<224x224xi32>
      %shift_right_logical3A_913 = arith.shrui %add3A_906, %shift_right_logical3A_912 : vector<224x224xi32>
      %or3A_914 = arith.ori %shift_left3A_910, %shift_right_logical3A_913 : vector<224x224xi32>
      %xor3A_915 = arith.xori %or3A_914, %add3A_907 : vector<224x224xi32>
      %add3A_916 = arith.addi %add3A_907, %xor3A_915 : vector<224x224xi32>
      %shift_left3A_917 = arith.constant 15 : i32
      %shift_left3A_918 = vector.broadcast %shift_left3A_917 : i32 to vector<224x224xi32>
      %shift_left3A_919 = arith.shli %xor3A_915, %shift_left3A_918 : vector<224x224xi32>
      %shift_right_logical3A_920 = arith.constant 17 : i32
      %shift_right_logical3A_921 = vector.broadcast %shift_right_logical3A_920 : i32 to vector<224x224xi32>
      %shift_right_logical3A_922 = arith.shrui %xor3A_915, %shift_right_logical3A_921 : vector<224x224xi32>
      %or3A_923 = arith.ori %shift_left3A_919, %shift_right_logical3A_922 : vector<224x224xi32>
      %xor3A_924 = arith.xori %or3A_923, %add3A_916 : vector<224x224xi32>
      %add3A_925 = arith.addi %add3A_916, %xor3A_924 : vector<224x224xi32>
      %shift_left3A_926 = arith.constant 26 : i32
      %shift_left3A_927 = vector.broadcast %shift_left3A_926 : i32 to vector<224x224xi32>
      %shift_left3A_928 = arith.shli %xor3A_924, %shift_left3A_927 : vector<224x224xi32>
      %shift_right_logical3A_929 = arith.constant 6 : i32
      %shift_right_logical3A_930 = vector.broadcast %shift_right_logical3A_929 : i32 to vector<224x224xi32>
      %shift_right_logical3A_931 = arith.shrui %xor3A_924, %shift_right_logical3A_930 : vector<224x224xi32>
      %or3A_932 = arith.ori %shift_left3A_928, %shift_right_logical3A_931 : vector<224x224xi32>
      %xor3A_933 = arith.xori %or3A_932, %add3A_925 : vector<224x224xi32>
      %add3A_934 = arith.addi %add3A_925, %xor3A_933 : vector<224x224xi32>
      %shift_left3A_935 = arith.constant 6 : i32
      %shift_left3A_936 = vector.broadcast %shift_left3A_935 : i32 to vector<224x224xi32>
      %shift_left3A_937 = arith.shli %xor3A_933, %shift_left3A_936 : vector<224x224xi32>
      %shift_right_logical3A_938 = arith.constant 26 : i32
      %shift_right_logical3A_939 = vector.broadcast %shift_right_logical3A_938 : i32 to vector<224x224xi32>
      %shift_right_logical3A_940 = arith.shrui %xor3A_933, %shift_right_logical3A_939 : vector<224x224xi32>
      %or3A_941 = arith.ori %shift_left3A_937, %shift_right_logical3A_940 : vector<224x224xi32>
      %xor3A_942 = arith.xori %or3A_941, %add3A_934 : vector<224x224xi32>
      %add3A_943 = arith.constant -1244255485 : i32
      %add3A_944 = vector.broadcast %add3A_943 : i32 to vector<224x224xi32>
      %add3A_945 = arith.addi %add3A_934, %add3A_944 : vector<224x224xi32>
      %add3A_946 = arith.constant 64467762 : i32
      %add3A_947 = vector.broadcast %add3A_946 : i32 to vector<224x224xi32>
      %add3A_948 = arith.addi %xor3A_942, %add3A_947 : vector<224x224xi32>
      %xor3A_949 = arith.xori %add3A_945, %add3A_948 : vector<224x224xi32>
      %ge3A_950 = arith.constant -2147483136 : i32
      %ge3A_951 = vector.broadcast %ge3A_950 : i32 to vector<224x224xi32>
      %ge3A_952 = arith.cmpi uge, %xor3A_949, %ge3A_951 : vector<224x224xi32>
      %get3A_953 = arith.constant 0 : index
      %get3A_954 = arith.constant 2 : index
      %get3A_955 = arith.constant 0 : index
      %get3A_956 = arith.constant 0 : index
      %get3A_957 = vector.load %arg2[%get3A_953, %get3A_954, %get3A_955, %get3A_956] : memref<1x3x224x224xf32, #tpu.memory_space<vmem>>, vector<1x1x224x224xf32>
      %get3A_958 = vector.shape_cast %get3A_957 : vector<1x1x224x224xf32> to vector<224x224xf32>
      %jit3A_959 = arith.constant 1.000000e+00 : f32
      %jit3A_960 = arith.constant 0.000000e+00 : f32
      %broadcast_in_dim3A_961 = vector.broadcast %jit3A_959 : f32 to vector<224x224xf32>
      %broadcast_in_dim3A_962 = vector.broadcast %jit3A_960 : f32 to vector<224x224xf32>
      %select_n3A_963 = arith.select %ge3A_952, %broadcast_in_dim3A_961, %broadcast_in_dim3A_962 : vector<224x224xi1>, vector<224x224xf32>
      %jit3A_964 = arith.constant 0.000000e+00 : f32
      %jit3A_965 = arith.constant 1.000000e+00 : f32
      %max3A_966 = vector.broadcast %jit3A_964 : f32 to vector<224x224xf32>
      %max3A_967 = arith.maximumf %max3A_966, %get3A_958 : vector<224x224xf32>
      %min3A_968 = vector.broadcast %jit3A_965 : f32 to vector<224x224xf32>
      %min3A_969 = arith.minimumf %min3A_968, %max3A_967 : vector<224x224xf32>
      %select_n3A_970 = arith.select %lt3A_228, %select_n3A_963, %min3A_969 : vector<224x224xi1>, vector<224x224xf32>
      %swap3A_971 = arith.constant 0 : index
      %swap3A_972 = arith.constant 2 : index
      %swap3A_973 = arith.constant 0 : index
      %swap3A_974 = arith.constant 0 : index
      %swap3A_975 = vector.load %arg4[%swap3A_971, %swap3A_972, %swap3A_973, %swap3A_974] : memref<1x3x224x224xf32, #tpu.memory_space<vmem>>, vector<1x1x224x224xf32>
      %swap3A_976 = vector.shape_cast %swap3A_975 : vector<1x1x224x224xf32> to vector<224x224xf32>
      %swap3A_977 = vector.shape_cast %select_n3A_970 : vector<224x224xf32> to vector<1x1x224x224xf32>
      tpu.vector_store %arg4[%swap3A_971, %swap3A_972, %swap3A_973, %swap3A_974], %swap3A_977 {strides = array<i32>} : memref<1x3x224x224xf32, #tpu.memory_space<vmem>>, vector<1x1x224x224xf32>,
    } else {
    }
    return
  }
  func.func @transform_0(%arg0: i32, %arg1: i32) -> (i32, i32, i32, i32) {
    %mul3A = arith.constant 32 : i32
    %mul3A_0 = arith.muli %arg1, %mul3A : i32
    %add3A = arith.addi %arg0, %mul3A_0 : i32
    %c0_i32 = arith.constant 0 : i32
    %c0_i32_1 = arith.constant 0 : i32
    %c0_i32_2 = arith.constant 0 : i32
    %c0_i32_3 = arith.constant 0 : i32
    return %add3A, %c0_i32, %c0_i32_1, %c0_i32_2 : i32, i32, i32, i32
  }
  func.func @transform_1(%arg0: i32, %arg1: i32) -> (i32, i32, i32, i32) {
    %c0_i32 = arith.constant 0 : i32
    %c0_i32_0 = arith.constant 0 : i32
    %c0_i32_1 = arith.constant 0 : i32
    %c0_i32_2 = arith.constant 0 : i32
    return %arg0, %c0_i32, %c0_i32_0, %c0_i32_1 : i32, i32, i32, i32
  }
  func.func @transform_2(%arg0: i32, %arg1: i32) -> (i32, i32, i32, i32) {
    %mul3A = arith.constant 32 : i32
    %mul3A_0 = arith.muli %arg1, %mul3A : i32
    %add3A = arith.addi %arg0, %mul3A_0 : i32
    %c0_i32 = arith.constant 0 : i32
    %c0_i32_1 = arith.constant 0 : i32
    %c0_i32_2 = arith.constant 0 : i32
    %c0_i32_3 = arith.constant 0 : i32
    return %add3A, %c0_i32, %c0_i32_1, %c0_i32_2 : i32, i32, i32, i32
  }
}

</mosaic_0001>

<sc_bundles>
// kernel: kernel.5.cloned.1.call-start
scs
__scs_entry_jumppad:
0x0: {  	(pc) =	sbr.rel $0x88, $3  }
0x1: {  	(tag) =	ssettag $0x0;
	lr =	simm.s32 $0x1  }
0x2: {  	[smem:$0x3FA0] =	sst lr;
	_ =	strace $0xD0000000  }
0x3: {  	_ = 	snop  }
0x4: {  	_ = 	snop  }
0x5: {  	_ = 	snop  }
0x6: {  	_ = 	snop  }
0x7: {  	_ = 	snop  }
__scs_overlays_trampoline_lowered:
0x8: {  	[smem:$0x3FAF] =	sst s0  }
0x9: {  	[smem:$0x3FB0] =	sst s1  }
0xa: {  	[smem:$0x3FB1] =	sst s2  }
0xb: {  	[smem:$0x3FB2] =	sst s3  }
0xc: {  	[smem:$0x3FB3] =	sst s4  }
0xd: {  	[smem:$0x3FB4] =	sst s5  }
0xe: {  	[smem:$0x3FB5] =	sst s6  }
0xf: {  	[smem:$0x3FB6] =	sst s7  }
0x10: {  	[smem:$0x3FB7] =	sst s8  }
0x11: {  	[smem:$0x3FB8] =	sst s9;
	s0 =	simm.s32 @!p0 $0x0  }
0x12: {  	s1 =	sld [smem:$0x3F9E];
	s0 =	simm.s32 @p0 $0x1  }
0x13: {  	[smem:$0x3FB9] =	sst s0;
	s0 =	simm.s32 @!p1 $0x0  }
0x14: {  	s2 =	sld [smem:$0x3F9D];
	s0 =	simm.s32 @p1 $0x1  }
0x15: {  	[smem:$0x3FBA] =	sst s0;
	s0 =	simm.s32 @!p2 $0x0  }
0x16: {  	s3 =	sld [smem:$0x3FDB];
	s0 =	simm.s32 @p2 $0x1  }
0x17: {  	s4 =	simm.s32 $0x1BF5;
	[smem:$0x3FBC] =	sst s0  }
0x18: {  	s0 =	sld [smem:$0x3F9F];
	_ =	swait.ge [sflag:s4], $0x0  }
0x19: {  	s7 =	sld [smem:$0x3FA0]  }
0x1a: {  	s8 =	sadd.s32 $0xFFFFE003, lr  }
0x1b: {  	s9 =	sadd.s32 $0xFFFFFEF7, lr;
	s5 =	simm.s32 $0xFFFFFFFF;
	p2 =	slt.u32 s8, $0xFFFFF086  }
0x1c: {  	p1 =	slt.u32 s9, $0xF7A;
	s5 =	simm.s32 @!p2 $0x0  }
0x1d: {  	s5 =	simm.s32 @p1 $0x1;
	p0 =	seq.s32 s7, s2  }
0x1e: {  	s7 =	smul.u32 @!p0 $0xF7A, s2;
	p2 =	seq.s32 @!p0 s5, $0x0  }
0x1f: {  	s9 =	smul.u32 $0xF7A, s1;
	s8 =	simm.s32 @!p0 $0x1BF5;
	p2 =	por !p2, p0  }
0x20: {  	[sflag:s8] =	ssyncset.s32 @!p0 $0xFFFFF086;
	s6 =	sadd.s32 @!p0 s3, s7;
	s7 =	simm.s32 @!p0 $0x108  }
0x21: {  	s3 =	sadd.s32 s3, s9;
	s6 =	sadd.s32 @!p0 $0x88, s6;
	s7 =	simm.s32 @p2 $0x1082  }
0x22: {  	[simem:s7], [sflag:s8] =	dma.local @!p0 [hbm:s6], $0xF7A  }
0x23: {  	s9 =	sor.u32 $0xD0000000, s2;
	s6 =	simm.s32 $0x108;
	_ =	swait.ge @!p0 [sflag:s8], $0x0  }
0x24: {  	s3 =	sadd.s32 $0x88, s3;
	s6 =	simm.s32 @!p1 $0x1082;
	[sflag:s4] =	ssyncset.s32 $0xFFFFF086  }
0x25: {  	[simem:s6], [sflag:s4] =	dma.local [hbm:s3], $0xF7A  }
0x26: {  	[smem:$0x3FA0] =	sst s1;
	(tag) =	ssettag s2;
	_ =	strace s9  }
0x27: {  	s1 =	sld [smem:$0x3FB0]  }
0x28: {  	s2 =	sld [smem:$0x3FB1]  }
0x29: {  	s4 =	sld [smem:$0x3FB3]  }
0x2a: {  	p0 =	seq.s32 s5, $0x0;
	s5 =	sld [smem:$0x3FB4]  }
0x2b: {  	s6 =	sld [smem:$0x3FB5]  }
0x2c: {  	s7 =	sld [smem:$0x3FB6]  }
0x2d: {  	s3 =	simm.s32 $0x108;
	s8 =	sld [smem:$0x3FB7]  }
0x2e: {  	s3 =	simm.s32 @!p0 $0x1082;
	s9 =	sld [smem:$0x3FB8]  }
0x2f: {  	lr =	sadd.s32 s0, s3;
	s0 =	sld [smem:$0x3FAF]  }
0x30: {  	s3 =	sld [smem:$0x3FB2]  }
0x31: {  	[smem:$0x3FBB] =	sst s10  }
0x32: {  	s10 =	sld [smem:$0x3FB9];
	_ =	sdelay $0x3  }
0x33: {  	p0 =	seq.s32 s10, $0x1;
	s10 =	sld [smem:$0x3FBB];
	_ =	sdelay $0x3  }
0x34: {  	[smem:$0x3FBB] =	sst s10  }
0x35: {  	s10 =	sld [smem:$0x3FBA];
	_ =	sdelay $0x3  }
0x36: {  	p1 =	seq.s32 s10, $0x1;
	s10 =	sld [smem:$0x3FBB];
	_ =	sdelay $0x3  }
0x37: {  	[smem:$0x3FBB] =	sst s10  }
0x38: {  	s10 =	sld [smem:$0x3FBC]  }
0x39: {  	_ = 	snop;
	(pc) =	sbr.ind lr, $3  }
0x3a: {  	_ = 	snop  }
0x3b: {  	_ = 	snop  }
0x3c: {  	p2 =	seq.s32 s10, $0x1;
	s10 =	sld [smem:$0x3FBB]  }
0x3d: {  	_ =	shalt  }
0x3e: {  	_ =	shalt  }
0x3f: {  	_ =	shalt  }
0x40: {  	_ =	shalt  }
0x41: {  	_ =	shalt  }
0x42: {  	_ =	shalt  }
0x43: {  	_ =	shalt  }
0x44: {  	_ =	shalt  }
0x45: {  	_ =	shalt  }
0x46: {  	_ =	shalt  }
0x47: {  	_ =	shalt  }
0x48: {  	_ =	shalt  }
0x49: {  	_ =	shalt  }
0x4a: {  	_ =	shalt  }
0x4b: {  	_ =	shalt  }
0x4c: {  	_ =	shalt  }
0x4d: {  	_ =	shalt  }
0x4e: {  	_ =	shalt  }
0x4f: {  	_ =	shalt  }
0x50: {  	_ =	shalt  }
0x51: {  	_ =	shalt  }
0x52: {  	_ =	shalt  }
0x53: {  	_ =	shalt  }
0x54: {  	_ =	shalt  }
0x55: {  	_ =	shalt  }
0x56: {  	_ =	shalt  }
0x57: {  	_ =	shalt  }
0x58: {  	_ =	shalt  }
0x59: {  	_ =	shalt  }
0x5a: {  	_ =	shalt  }
0x5b: {  	_ =	shalt  }
0x5c: {  	_ =	shalt  }
0x5d: {  	_ =	shalt  }
0x5e: {  	_ =	shalt  }
0x5f: {  	_ =	shalt  }
0x60: {  	_ =	shalt  }
0x61: {  	_ =	shalt  }
0x62: {  	_ =	shalt  }
0x63: {  	_ =	shalt  }
0x64: {  	_ =	shalt  }
0x65: {  	_ =	shalt  }
0x66: {  	_ =	shalt  }
0x67: {  	_ =	shalt  }
0x68: {  	_ =	shalt  }
0x69: {  	_ =	shalt  }
0x6a: {  	_ =	shalt  }
0x6b: {  	_ =	shalt  }
0x6c: {  	_ =	shalt  }
0x6d: {  	_ =	shalt  }
0x6e: {  	_ =	shalt  }
0x6f: {  	_ =	shalt  }
0x70: {  	_ =	shalt  }
0x71: {  	_ =	shalt  }
0x72: {  	_ =	shalt  }
0x73: {  	_ =	shalt  }
0x74: {  	_ =	shalt  }
0x75: {  	_ =	shalt  }
0x76: {  	_ =	shalt  }
0x77: {  	_ =	shalt  }
0x78: {  	_ =	shalt  }
0x79: {  	_ =	shalt  }
0x7a: {  	_ =	shalt  }
0x7b: {  	_ =	shalt  }
0x7c: {  	_ =	shalt  }
0x7d: {  	_ =	shalt  }
0x7e: {  	_ =	shalt  }
0x7f: {  	_ =	shalt  }
0x80: {  	_ =	shalt  }
0x81: {  	_ =	shalt  }
0x82: {  	_ =	shalt  }
0x83: {  	_ =	shalt  }
0x84: {  	_ =	shalt  }
0x85: {  	_ =	shalt  }
0x86: {  	_ =	shalt  }
0x87: {  	_ =	shalt  }
.Lfunc_end0:
.L_simem_size_0:
called_computation_lowered:
.L_overlay_start_0:
0x88: {  	s2 =	sld [smem:$0x3FD9]  }
0x89: {  	s3 =	sld [smem:$0x3FFE];
	_ =	sdelay $0x1  }
0x8a: {  	s1 =	srdreg.scid  }
0x8b: {  	s0 =	sand.u32 $0x1, s1  }
0x8c: {  	s17 =	sshll.u32 s0, $0xA;
	s2 =	sadd.s32 s3, s2  }
0x8d: {  	s2 =	sadd.s32 s2, s17  }
0x8e: {  	[smem:$0x3FC7] =	sst s2  }
0x8f: {  	_ = 	snop  }
0x90: {  	s2 =	sld [smem:$0x3FC9]  }
0x91: {  	s18 =	sld [smem:$0x3FD0];
	(tm) =	ssettm $0x1  }
0x92: {  	s4 =	sld [smem:$0x3FFB];
	_ =	sdelay $0x3  }
0x93: {  	_ =	strace s4  }
0x94: {  	s4 =	sld [smem:$0x3FFC];
	_ =	sdelay $0x3  }
0x95: {  	_ =	strace s4  }
0x96: {  	s4 =	sld [smem:$0x3FFD];
	_ =	sdelay $0x3  }
0x97: {  	_ =	strace s4  }
0x98: {  	_ =	strace $0x8FFFFFFF  }
0x99: {  	s19 =	sld [smem:$0x3FDB];
	_ =	sdelay $0x1  }
0x9a: {  	s5 =	simm.s32 $_scs_section_size  }
0x9b: {  	s6 =	simm.s32 $_size__tile_overlayer_lowered;
	s7 =	simm.s32 $_tile_overlayer_lowered  }
0x9c: {  	s22 =	simm.s32 $0x1BFF;
	s21 =	sshll.u32 s7, $0x1;
	s4 =	sadd.s32 s5, s19  }
0x9d: {  	s8 =	simm.s32 $0x0;
	s20 =	sshll.u32 s6, $0x1;
	s6 =	sadd.s32 s21, s4  }
0x9e: {  	[timem:s8], [sflag:s22] =	dma.local [hbm:s6], s20  }
0x9f: {  	_ =	swait.ge [sflag:s22], s20  }
0xa0: {  	s5 =	ssub.s32 $0x0, s20;
	[sflag:s22] =	ssyncset.done $0x0  }
0xa1: {  	[sflag:s22] =	ssyncadd.s32 s5;
	_ =	sdelay $0x1  }
0xa2: {  	s23 =	simm.s32 $0x1B8B  }
0xa3: {  	_ =	swait.ge [sflag:s23], $0x1  }
0xa4: {  	[sflag:s23] =	ssyncset.done $0x0  }
0xa5: {  	s25 =	simm.s32 $0x1B8E;
	s24 =	sld [smem:$0x3FFE];
	[sflag:s23] =	ssyncadd.s32 $0xFFFFFFFF  }
0xa6: {  	s26 =	simm.s32 $execute0_lowered;
	[smem:$0x3FD2] =	sst s25  }
0xa7: {  	s6 =	sshll.u32 s26, $0x1;
	_ =	strace $0x80000046;
	[dreg:$0x1] =	wrdreg $0xFFFFFFFF  }
0xa8: {  	s28 =	simm.s32 $_size_execute0_lowered;
	s4 =	sadd.s32 s4, s6;
	[dreg:$0x0] =	wrdreg $0x0  }
0xa9: {  	s6 =	sshll.u32 s28, $0x1;
	[dreg:$0x2] =	wrdreg s4  }
0xaa: {  	[dreg:$0x3] =	wrdreg s6  }
0xab: {  	[dreg:$0x4] =	wrdreg $0xC0  }
0xac: {  	_ =	task [dreg:s8], $0x5FFFF  }
0xad: {  	[dreg:$0x1] =	wrdreg $0xFFFFFFFF  }
0xae: {  	[dreg:$0x0] =	wrdreg $0x60  }
0xaf: {  	[dreg:$0x2] =	wrdreg s2  }
0xb0: {  	[dreg:$0x3] =	wrdreg s24  }
0xb1: {  	[dreg:$0x4] =	wrdreg s18  }
0xb2: {  	[dreg:$0x5] =	wrdreg $0x9  }
0xb3: {  	_ =	task.clear_ibuf [dreg:s8], $0x6FFFF;
	_ =	strace $0x90000046  }
0xb4: {  	s29 =	simm.s32 $0x9;
	_ =	strace $0x80000048  }
0xb5: {  	_ =	swait.ge [sflag:s29], $0x1  }
0xb6: {  	[sflag:s29] =	ssyncadd.s32 $0xFFFFFFFF  }
0xb7: {  	_ =	strace $0x90000048  }
0xb8: {  	_ =	sfence  }
0xb9: {  	s30 =	sld [smem:$0x0];
	_ =	sdelay $0x2  }
0xba: {  	s31 =	sshll.u32 s1, $0xD;
	s1 =	sshrl.u32 s1, $0x2  }
0xbb: {  	s3 =	sand.u32 $0x4000, s31;
	s1 =	sadd.s32 s1, s30  }
0xbc: {  	s0 =	sor.u32 s3, s0;
	s1 =	sshll.u32 s1, $0x11  }
0xbd: {  	s0 =	sor.u32 s1, s0  }
0xbe: {  	s0 =	sadd.s32 $0x8F2B, s0  }
0xbf: {  	[sflag:s0] =	ssyncadd.remote.s32 $0x1  }
0xc0: {  	_ =	sfence.sel $0xFFFF  }
0xc1: {  	[dreg:$0x0] =	wrdreg $0xFFFFFFFF;
	(pc) =	sbr.abs _section_cstart, $3  }
0xc2: {  	[dreg:$0x1] =	wrdreg $0xFFFFFFFF  }
0xc3: {  	_ =	task.clear_ibuf [dreg:s8], $0x2FFFF;
	_ =	strace $0x9FFFFFFF  }
0xc4: {  	(tm) =	ssettm $0x7FFFFFFF  }
0xc5: {  	_ =	shalt  }
tec
execute0_lowered:
.L_overlay_start_1:
0x0: {  	(tag) =	ssettag $0x1  }
0x1: {  	s0 =	rddreg [dreg:$0x0]  }
0x2: {  	s1 =	srdreg.scid;
	s2 =	stileid.u32  }
0x3: {  	s3 =	rddreg [dreg:$0x1];
	s1 =	sand.u32 $0x1, s1;
	s2 =	sshll.u32 s2, $0x1  }
0x4: {  	s4 =	rddreg [dreg:$0x2];
	s5 =	sor.u32 s1, s2  }
0x5: {  	s28 =	simm.s32 $0x5;
	s29 =	simm.s32 $0x0;
	s6 =	smul.u32 $0x1C00, s5  }
0x6: {  	s2 =	simm.s32 $0x0;
	s1 =	ssub.s32 $0x2, s1;
	s7 =	smul.u32 $0x2A000, s5  }
0x7: {  	[smem:$0x7FF] =	sst s2;
	s17 =	sshrl.u32 s1, $0x1;
	s5 =	smul.u32 $0x24C00, s5  }
0x8: {  	_ =	strace $0x80000047;
	s1 =	ssub.s32 s1, s17;
	s17 =	simm.s32 $0x1  }
0x9: {  	s3 =	sadd.s32 s6, s3;
	s18 =	sshrl.u32 s7, $0x3;
	s24 =	sadd.s32 $0x6200, s5  }
0xa: {  	s25 =	sadd.s32 $0xC400, s5;
	s30 =	sadd.s32 $0x12600, s5;
	s31 =	sadd.s32 $0x18800, s5  }
0xb: {  	v0 =	vmov s5;
	s5 =	sadd.s32 $0x1EA00, s5;
	s16 =	smax.u32 s1, $0x1;
	s3 =	sadd.s32 $0x800, s3  }
0xc: {  	s19 =	sadd.s32 s0, s18;
	s20 =	sadd.s32 $0xE00, s18;
	s22 =	sadd.s32 s4, s18  }
0xd: {  	s23 =	sadd.s32 $0x1C00, s18;
	s12 =	sadd.s32 $0x2A00, s18;
	[dreg:$0x4] =	wrdreg s3  }
0xe: {  	v1 =	vmov s24;
	s26 =	sadd.s32 $0x3800, s18;
	s24 =	simm.s32 $0x2;
	[dreg:$0x5] =	wrdreg s19  }
0xf: {  	v2 =	vmov s25;
	s25 =	simm.s32 $0x4;
	s21 =	sadd.s32 s0, s20;
	[dreg:$0x7] =	wrdreg s22  }
0x10: {  	v4 =	vlaneseq.u32;
	v8 =	vimm.s32 $0x0;
	s8 =	sadd.s32 s0, s23;
	s6 =	sadd.s32 s4, s20;
	s9 =	sadd.s32 s0, s12  }
0x11: {  	v22 =	vimm.f32 $0.0e+00;
	v7 =	vmul.u32 $0xC0, v4;
	v9 =	vor.u32 $0x10, v4;
	s10 =	sadd.s32 s4, s23;
	s3 =	sadd.s32 $0x4600, s18;
	s11 =	sadd.s32 s0, s26  }
.Ltmp0:
0x12: {  	v10 =	vor.u32 $0x20, v4;
	v11 =	vor.u32 $0x30, v4;
	v12 =	vor.u32 $0x40, v4;
	s12 =	sadd.s32 s4, s12;
	s14 =	sadd.s32 s4, s26;
	(pc) =	sbr.rel .LBB2_1-.Ltmp0, $4  }
0x13: {  	v13 =	vor.u32 $0x50, v4;
	v14 =	vor.u32 $0x60, v4;
	v15 =	vor.u32 $0x70, v4;
	s18 =	simm.s32 $0x1C000;
	s19 =	simm.s32 $0x1CC00;
	[dreg:$0x6] =	wrdreg s21  }
0x14: {  	v16 =	vor.u32 $0x80, v4;
	v17 =	vor.u32 $0x90, v4;
	v18 =	vor.u32 $0xA0, v4;
	s20 =	simm.s32 $0x1D800;
	s22 =	simm.s32 $0xE000;
	[dreg:$0x8] =	wrdreg s8  }
0x15: {  	v19 =	vor.u32 $0xB0, v4;
	v20 =	vor.u32 $0xC0, v4;
	v21 =	vor.u32 $0xD0, v4;
	s23 =	simm.s32 $0x15000;
	s26 =	simm.s32 $0x3;
	[dreg:$0x9] =	wrdreg s6  }
0x16: {  	v3 =	vmov s30;
	v5 =	vmov s31;
	v6 =	vmov s5;
	s13 =	sadd.s32 s0, s3;
	s15 =	sadd.s32 s4, s3;
	s21 =	simm.s32 $0x1E400  }
.LBB2_39:
0x17: {  	s29 =	sadd.s32 $0x1, s29  }
0x18: {  	p0 =	sne.s32 s29, s16  }
.Ltmp1:
0x19: {  	_ = 	snop;
	(pc) =	sbr.rel @!p0 .LBB2_40-.Ltmp1, $4  }
0x1a: {  	[hbm4b:s15+s2] =	stream.linear.scatter [tilespmem:s23], [sflag:$0x5], $0x7000, $0x38;
	[tilespmem:$0x1F000] =	vst v63  }
0x1b: {  	_ =	swait.ge [sflag:s28], $0x7000  }
0x1c: {  	[sflag:s28] =	ssyncset.done $0x0  }
0x1d: {  	[sflag:s28] =	ssyncadd.s32 $0xFFFF9000  }
.LBB2_1:
0x1e: {  	s0 =	rddreg [dreg:$0x4]  }
0x1f: {  	[tilespmem:s2], [sflag:$0x1] =	stream.linear.gather [hbm4b:s0+s2], $0xE000, $0x38;
	[tilespmem:$0x1F000] =	vst v63  }
0x20: {  	_ =	swait.ge [sflag:s17], $0xE000  }
0x21: {  	s1 =	simm.s32 $0x0;
	[sflag:s17] =	ssyncset.done $0x0  }
0x22: {  	v24 =	vimm.s32 $0x0;
	s3 =	simm.s32 $0x0;
	s0 =	simm.s32 $0x0;
	[sflag:s17] =	ssyncadd.s32 $0xFFFF2000  }
.LBB2_2:
0x23: {  	s4 =	sand.u32 $0x7800, s0;
	s5 =	sand.u32 $0x380, s1  }
0x24: {  	s4 =	sor.u32 s5, s4  }
0x25: {  	v23 =	vld [tilespmem:s4+$0x0];
	_ =	sdelay $0x4  }
0x26: {  	vm0 =	vne.s32 v23, $0x0  }
0x27: {  	v23 =	vadd.s32 v7, v24;
	_ =	sdelay $0x3  }
0x28: {  	v25 =	vmov s3  }
0x29: {  	[tilespmem:v23+s18+$0x0] =	vst.idx.msk vm0, v25  }
0x2a: {  	[tilespmem:v23+s19+$0x0] =	vst.idx.msk vm0, v4  }
0x2b: {  	v23 =	vld [tilespmem:s4+$0x10];
	_ =	sdelay $0x3  }
0x2c: {  	v26 =	vsel vm0, $0x1, v8  }
0x2d: {  	v24 =	vadd.s32 v26, v24;
	vm15 =	vne.s32 v23, $0x0  }
0x2e: {  	v23 =	vadd.s32 v7, v24;
	_ =	sdelay $0x4  }
0x2f: {  	[tilespmem:v23+s18+$0x0] =	vst.idx.msk vm15, v25  }
0x30: {  	[tilespmem:v23+s19+$0x0] =	vst.idx.msk vm15, v9  }
0x31: {  	v23 =	vld [tilespmem:s4+$0x20];
	_ =	sdelay $0x3  }
0x32: {  	v26 =	vsel vm15, $0x1, v8  }
0x33: {  	v24 =	vadd.s32 v26, v24;
	vm4 =	vne.s32 v23, $0x0  }
0x34: {  	v23 =	vadd.s32 v7, v24;
	_ =	sdelay $0x4  }
0x35: {  	[tilespmem:v23+s18+$0x0] =	vst.idx.msk vm4, v25  }
0x36: {  	[tilespmem:v23+s19+$0x0] =	vst.idx.msk vm4, v10  }
0x37: {  	v23 =	vld [tilespmem:s4+$0x30];
	_ =	sdelay $0x3  }
0x38: {  	v26 =	vsel vm4, $0x1, v8  }
0x39: {  	v24 =	vadd.s32 v26, v24;
	vm5 =	vne.s32 v23, $0x0  }
0x3a: {  	v23 =	vadd.s32 v7, v24;
	_ =	sdelay $0x4  }
0x3b: {  	[tilespmem:v23+s18+$0x0] =	vst.idx.msk vm5, v25  }
0x3c: {  	[tilespmem:v23+s19+$0x0] =	vst.idx.msk vm5, v11  }
0x3d: {  	v23 =	vld [tilespmem:s4+$0x40];
	_ =	sdelay $0x3  }
0x3e: {  	v26 =	vsel vm5, $0x1, v8  }
0x3f: {  	v24 =	vadd.s32 v26, v24;
	vm6 =	vne.s32 v23, $0x0  }
0x40: {  	v23 =	vadd.s32 v7, v24;
	_ =	sdelay $0x4  }
0x41: {  	[tilespmem:v23+s18+$0x0] =	vst.idx.msk vm6, v25  }
0x42: {  	[tilespmem:v23+s19+$0x0] =	vst.idx.msk vm6, v12  }
0x43: {  	v23 =	vld [tilespmem:s4+$0x50];
	_ =	sdelay $0x3  }
0x44: {  	v26 =	vsel vm6, $0x1, v8  }
0x45: {  	v24 =	vadd.s32 v26, v24;
	vm7 =	vne.s32 v23, $0x0  }
0x46: {  	v23 =	vadd.s32 v7, v24;
	_ =	sdelay $0x4  }
0x47: {  	[tilespmem:v23+s18+$0x0] =	vst.idx.msk vm7, v25  }
0x48: {  	[tilespmem:v23+s19+$0x0] =	vst.idx.msk vm7, v13  }
0x49: {  	v23 =	vld [tilespmem:s4+$0x60];
	_ =	sdelay $0x3  }
0x4a: {  	v26 =	vsel vm7, $0x1, v8  }
0x4b: {  	v24 =	vadd.s32 v26, v24;
	vm8 =	vne.s32 v23, $0x0  }
0x4c: {  	v23 =	vadd.s32 v7, v24;
	_ =	sdelay $0x4  }
0x4d: {  	[tilespmem:v23+s18+$0x0] =	vst.idx.msk vm8, v25  }
0x4e: {  	[tilespmem:v23+s19+$0x0] =	vst.idx.msk vm8, v14  }
0x4f: {  	v23 =	vld [tilespmem:s4+$0x70];
	_ =	sdelay $0x3  }
0x50: {  	v26 =	vsel vm8, $0x1, v8  }
0x51: {  	v24 =	vadd.s32 v26, v24;
	vm9 =	vne.s32 v23, $0x0  }
0x52: {  	v23 =	vadd.s32 v7, v24;
	_ =	sdelay $0x4  }
0x53: {  	[tilespmem:v23+s18+$0x0] =	vst.idx.msk vm9, v25  }
0x54: {  	[tilespmem:v23+s19+$0x0] =	vst.idx.msk vm9, v15  }
0x55: {  	v23 =	vld [tilespmem:s4+$0x400];
	_ =	sdelay $0x3  }
0x56: {  	v26 =	vsel vm9, $0x1, v8  }
0x57: {  	v24 =	vadd.s32 v26, v24;
	vm10 =	vne.s32 v23, $0x0  }
0x58: {  	v23 =	vadd.s32 v7, v24;
	_ =	sdelay $0x4  }
0x59: {  	[tilespmem:v23+s18+$0x0] =	vst.idx.msk vm10, v25  }
0x5a: {  	[tilespmem:v23+s19+$0x0] =	vst.idx.msk vm10, v16  }
0x5b: {  	v23 =	vld [tilespmem:s4+$0x410];
	_ =	sdelay $0x3  }
0x5c: {  	v26 =	vsel vm10, $0x1, v8  }
0x5d: {  	v24 =	vadd.s32 v26, v24;
	vm11 =	vne.s32 v23, $0x0  }
0x5e: {  	v23 =	vadd.s32 v7, v24;
	_ =	sdelay $0x4  }
0x5f: {  	[tilespmem:v23+s18+$0x0] =	vst.idx.msk vm11, v25  }
0x60: {  	[tilespmem:v23+s19+$0x0] =	vst.idx.msk vm11, v17  }
0x61: {  	v23 =	vld [tilespmem:s4+$0x420];
	_ =	sdelay $0x3  }
0x62: {  	v26 =	vsel vm11, $0x1, v8  }
0x63: {  	v24 =	vadd.s32 v26, v24;
	vm12 =	vne.s32 v23, $0x0  }
0x64: {  	v23 =	vadd.s32 v7, v24;
	_ =	sdelay $0x4  }
0x65: {  	[tilespmem:v23+s18+$0x0] =	vst.idx.msk vm12, v25  }
0x66: {  	[tilespmem:v23+s19+$0x0] =	vst.idx.msk vm12, v18  }
0x67: {  	v23 =	vld [tilespmem:s4+$0x430];
	_ =	sdelay $0x3  }
0x68: {  	v26 =	vsel vm12, $0x1, v8  }
0x69: {  	v24 =	vadd.s32 v26, v24;
	vm13 =	vne.s32 v23, $0x0  }
0x6a: {  	v23 =	vadd.s32 v7, v24;
	_ =	sdelay $0x4  }
0x6b: {  	[tilespmem:v23+s18+$0x0] =	vst.idx.msk vm13, v25  }
0x6c: {  	[tilespmem:v23+s19+$0x0] =	vst.idx.msk vm13, v19  }
0x6d: {  	v23 =	vld [tilespmem:s4+$0x440];
	_ =	sdelay $0x3  }
0x6e: {  	v26 =	vsel vm13, $0x1, v8  }
0x6f: {  	v24 =	vadd.s32 v26, v24;
	vm14 =	vne.s32 v23, $0x0  }
0x70: {  	v23 =	vadd.s32 v7, v24;
	_ =	sdelay $0x4  }
0x71: {  	[tilespmem:v23+s18+$0x0] =	vst.idx.msk vm14, v25  }
0x72: {  	[tilespmem:v23+s19+$0x0] =	vst.idx.msk vm14, v20  }
0x73: {  	v23 =	vld [tilespmem:s4+$0x450];
	_ =	sdelay $0x3  }
0x74: {  	v26 =	vsel vm14, $0x1, v8  }
0x75: {  	v24 =	vadd.s32 v26, v24;
	vm15 =	vne.s32 v23, $0x0  }
0x76: {  	v23 =	vadd.s32 v7, v24  }
0x77: {  	p0 =	sne.s32 s3, $0x6F  }
.Ltmp2:
0x78: {  	_ = 	snop;
	(pc) =	sbr.rel @p0 .LBB2_2-.Ltmp2, $3  }
0x79: {  	_ =	sdelay $0x1  }
0x7a: {  	[tilespmem:v23+s18+$0x0] =	vst.idx.msk vm15, v25;
	v25 =	vsel vm15, $0x1, v8  }
0x7b: {  	s1 =	sadd.s32 $0x80, s1;
	s0 =	sadd.s32 $0x100, s0;
	s3 =	sadd.s32 $0x1, s3;
	[tilespmem:v23+s19+$0x0] =	vst.idx.msk vm15, v21;
	v24 =	vadd.s32 v25, v24  }
0x7c: {  	v23 =	vimm.s32 $0x0;
	s0 =	simm.s32 $0x7000;
	s1 =	simm.s32 $0x0;
	s3 =	simm.s32 $0x3800  }
.LBB2_4:
0x7d: {  	s4 =	sand.u32 $0xF800, s0;
	s5 =	sand.u32 $0x380, s3  }
0x7e: {  	s4 =	sor.u32 s5, s4  }
0x7f: {  	v25 =	vld [tilespmem:s4+$0x0];
	_ =	sdelay $0x4  }
0x80: {  	vm0 =	vne.s32 v25, $0x0  }
0x81: {  	v25 =	vadd.s32 v7, v23;
	_ =	sdelay $0x3  }
0x82: {  	v26 =	vmov s1  }
0x83: {  	[tilespmem:v25+s20+$0x0] =	vst.idx.msk vm0, v26  }
0x84: {  	[tilespmem:v25+s21+$0x0] =	vst.idx.msk vm0, v4  }
0x85: {  	v25 =	vld [tilespmem:s4+$0x10];
	_ =	sdelay $0x3  }
0x86: {  	v27 =	vsel vm0, $0x1, v8  }
0x87: {  	v23 =	vadd.s32 v27, v23;
	vm15 =	vne.s32 v25, $0x0  }
0x88: {  	v25 =	vadd.s32 v7, v23;
	_ =	sdelay $0x4  }
0x89: {  	[tilespmem:v25+s20+$0x0] =	vst.idx.msk vm15, v26  }
0x8a: {  	[tilespmem:v25+s21+$0x0] =	vst.idx.msk vm15, v9  }
0x8b: {  	v25 =	vld [tilespmem:s4+$0x20];
	_ =	sdelay $0x3  }
0x8c: {  	v27 =	vsel vm15, $0x1, v8  }
0x8d: {  	v23 =	vadd.s32 v27, v23;
	vm4 =	vne.s32 v25, $0x0  }
0x8e: {  	v25 =	vadd.s32 v7, v23;
	_ =	sdelay $0x4  }
0x8f: {  	[tilespmem:v25+s20+$0x0] =	vst.idx.msk vm4, v26  }
0x90: {  	[tilespmem:v25+s21+$0x0] =	vst.idx.msk vm4, v10  }
0x91: {  	v25 =	vld [tilespmem:s4+$0x30];
	_ =	sdelay $0x3  }
0x92: {  	v27 =	vsel vm4, $0x1, v8  }
0x93: {  	v23 =	vadd.s32 v27, v23;
	vm5 =	vne.s32 v25, $0x0  }
0x94: {  	v25 =	vadd.s32 v7, v23;
	_ =	sdelay $0x4  }
0x95: {  	[tilespmem:v25+s20+$0x0] =	vst.idx.msk vm5, v26  }
0x96: {  	[tilespmem:v25+s21+$0x0] =	vst.idx.msk vm5, v11  }
0x97: {  	v25 =	vld [tilespmem:s4+$0x40];
	_ =	sdelay $0x3  }
0x98: {  	v27 =	vsel vm5, $0x1, v8  }
0x99: {  	v23 =	vadd.s32 v27, v23;
	vm6 =	vne.s32 v25, $0x0  }
0x9a: {  	v25 =	vadd.s32 v7, v23;
	_ =	sdelay $0x4  }
0x9b: {  	[tilespmem:v25+s20+$0x0] =	vst.idx.msk vm6, v26  }
0x9c: {  	[tilespmem:v25+s21+$0x0] =	vst.idx.msk vm6, v12  }
0x9d: {  	v25 =	vld [tilespmem:s4+$0x50];
	_ =	sdelay $0x3  }
0x9e: {  	v27 =	vsel vm6, $0x1, v8  }
0x9f: {  	v23 =	vadd.s32 v27, v23;
	vm7 =	vne.s32 v25, $0x0  }
0xa0: {  	v25 =	vadd.s32 v7, v23;
	_ =	sdelay $0x4  }
0xa1: {  	[tilespmem:v25+s20+$0x0] =	vst.idx.msk vm7, v26  }
0xa2: {  	[tilespmem:v25+s21+$0x0] =	vst.idx.msk vm7, v13  }
0xa3: {  	v25 =	vld [tilespmem:s4+$0x60];
	_ =	sdelay $0x3  }
0xa4: {  	v27 =	vsel vm7, $0x1, v8  }
0xa5: {  	v23 =	vadd.s32 v27, v23;
	vm8 =	vne.s32 v25, $0x0  }
0xa6: {  	v25 =	vadd.s32 v7, v23;
	_ =	sdelay $0x4  }
0xa7: {  	[tilespmem:v25+s20+$0x0] =	vst.idx.msk vm8, v26  }
0xa8: {  	[tilespmem:v25+s21+$0x0] =	vst.idx.msk vm8, v14  }
0xa9: {  	v25 =	vld [tilespmem:s4+$0x70];
	_ =	sdelay $0x3  }
0xaa: {  	v27 =	vsel vm8, $0x1, v8  }
0xab: {  	v23 =	vadd.s32 v27, v23;
	vm9 =	vne.s32 v25, $0x0  }
0xac: {  	v25 =	vadd.s32 v7, v23;
	_ =	sdelay $0x4  }
0xad: {  	[tilespmem:v25+s20+$0x0] =	vst.idx.msk vm9, v26  }
0xae: {  	[tilespmem:v25+s21+$0x0] =	vst.idx.msk vm9, v15  }
0xaf: {  	v25 =	vld [tilespmem:s4+$0x400];
	_ =	sdelay $0x3  }
0xb0: {  	v27 =	vsel vm9, $0x1, v8  }
0xb1: {  	v23 =	vadd.s32 v27, v23;
	vm10 =	vne.s32 v25, $0x0  }
0xb2: {  	v25 =	vadd.s32 v7, v23;
	_ =	sdelay $0x4  }
0xb3: {  	[tilespmem:v25+s20+$0x0] =	vst.idx.msk vm10, v26  }
0xb4: {  	[tilespmem:v25+s21+$0x0] =	vst.idx.msk vm10, v16  }
0xb5: {  	v25 =	vld [tilespmem:s4+$0x410];
	_ =	sdelay $0x3  }
0xb6: {  	v27 =	vsel vm10, $0x1, v8  }
0xb7: {  	v23 =	vadd.s32 v27, v23;
	vm11 =	vne.s32 v25, $0x0  }
0xb8: {  	v25 =	vadd.s32 v7, v23;
	_ =	sdelay $0x4  }
0xb9: {  	[tilespmem:v25+s20+$0x0] =	vst.idx.msk vm11, v26  }
0xba: {  	[tilespmem:v25+s21+$0x0] =	vst.idx.msk vm11, v17  }
0xbb: {  	v25 =	vld [tilespmem:s4+$0x420];
	_ =	sdelay $0x3  }
0xbc: {  	v27 =	vsel vm11, $0x1, v8  }
0xbd: {  	v23 =	vadd.s32 v27, v23;
	vm12 =	vne.s32 v25, $0x0  }
0xbe: {  	v25 =	vadd.s32 v7, v23;
	_ =	sdelay $0x4  }
0xbf: {  	[tilespmem:v25+s20+$0x0] =	vst.idx.msk vm12, v26  }
0xc0: {  	[tilespmem:v25+s21+$0x0] =	vst.idx.msk vm12, v18  }
0xc1: {  	v25 =	vld [tilespmem:s4+$0x430];
	_ =	sdelay $0x3  }
0xc2: {  	v27 =	vsel vm12, $0x1, v8  }
0xc3: {  	v23 =	vadd.s32 v27, v23;
	vm13 =	vne.s32 v25, $0x0  }
0xc4: {  	v25 =	vadd.s32 v7, v23;
	_ =	sdelay $0x4  }
0xc5: {  	[tilespmem:v25+s20+$0x0] =	vst.idx.msk vm13, v26  }
0xc6: {  	[tilespmem:v25+s21+$0x0] =	vst.idx.msk vm13, v19  }
0xc7: {  	v25 =	vld [tilespmem:s4+$0x440];
	_ =	sdelay $0x3  }
0xc8: {  	v27 =	vsel vm13, $0x1, v8  }
0xc9: {  	v23 =	vadd.s32 v27, v23;
	vm14 =	vne.s32 v25, $0x0  }
0xca: {  	v25 =	vadd.s32 v7, v23;
	_ =	sdelay $0x4  }
0xcb: {  	[tilespmem:v25+s20+$0x0] =	vst.idx.msk vm14, v26  }
0xcc: {  	[tilespmem:v25+s21+$0x0] =	vst.idx.msk vm14, v20  }
0xcd: {  	v25 =	vld [tilespmem:s4+$0x450];
	_ =	sdelay $0x3  }
0xce: {  	v27 =	vsel vm14, $0x1, v8  }
0xcf: {  	v23 =	vadd.s32 v27, v23;
	vm15 =	vne.s32 v25, $0x0  }
0xd0: {  	v25 =	vadd.s32 v7, v23  }
0xd1: {  	p0 =	sne.s32 s0, $0xDF00  }
.Ltmp3:
0xd2: {  	_ = 	snop;
	(pc) =	sbr.rel @p0 .LBB2_4-.Ltmp3, $3  }
0xd3: {  	_ =	sdelay $0x1  }
0xd4: {  	[tilespmem:v25+s20+$0x0] =	vst.idx.msk vm15, v26;
	v26 =	vsel vm15, $0x1, v8  }
0xd5: {  	s1 =	sadd.s32 $0x1, s1;
	s3 =	sadd.s32 $0x80, s3;
	s0 =	sadd.s32 $0x100, s0;
	[tilespmem:v25+s21+$0x0] =	vst.idx.msk vm15, v21;
	v23 =	vadd.s32 v26, v23  }
0xd6: {  	v25 =	vxor.u32 $0x80000000, v24  }
0xd7: {  	(xrf0) =	vmax.scan.msk.u32 $0xffff, v25;
	_ =	sdelay $0x5  }
0xd8: {  	v26, _, _ =	vpop (xrf0)  }
0xd9: {  	v25 =	vxor.u32 $0x80000000, v23;
	(v2sf) =	vpush v26, $0xF  }
0xda: {  	(xrf0) =	vmax.scan.msk.u32 $0xffff, v25;
	_ =	sdelay $0x5  }
0xdb: {  	v25, _, _ =	vpop (xrf0)  }
0xdc: {  	(v2sf) =	vpush v25, $0xF;
	_ =	sdelay $0x2  }
0xdd: {  	s1 =	rddreg [dreg:$0x5]  }
0xde: {  	[tilespmem:s22], [sflag:$0x2] =	stream.linear.gather [hbm4b:s1+s2], $0x7000, $0x38;
	[tilespmem:$0x1F000] =	vst v63  }
0xdf: {  	s7 =	rddreg [dreg:$0x6]  }
0xe0: {  	[tilespmem:s23], [sflag:$0x3] =	stream.linear.gather [hbm4b:s7+s2], $0x7000, $0x38;
	[tilespmem:$0x1F000] =	vst v63  }
0xe1: {  	s0 =	spop (v2sf)  }
0xe2: {  	s30 =	sxor.u32 $0x80000000, s0  }
0xe3: {  	s8 =	sshra.s32 s30, $0x1F  }
0xe4: {  	s31 =	sshrl.u32 s8, $0x1E  }
0xe5: {  	s1 =	sadd.s32 s31, s30  }
0xe6: {  	s1 =	sand.u32 $0xFFFFFFFC, s1  }
0xe7: {  	p0 =	slt.s32 s1, $0x1  }
.Ltmp4:
0xe8: {  	_ = 	snop;
	(pc) =	sbr.rel @p0 .LBB2_8-.Ltmp4, $4  }
0xe9: {  	s0 =	spop (v2sf)  }
0xea: {  	_ =	swait.ge [sflag:s24], $0x7000  }
0xeb: {  	[sflag:s24] =	ssyncset.done $0x0  }
0xec: {  	[sflag:s24] =	ssyncadd.s32 $0xFFFF9000  }
0xed: {  	s3 =	simm.s32 $0x0  }
.LBB2_7:
0xee: {  	v25 =	vadd.s32 s3, v7;
	_ =	sdelay $0x4  }
0xef: {  	v29 =	vld.idx.msk [tilespmem:v25+s18+$0x0], $0xffff  }
0xf0: {  	v30 =	vld.idx.msk [tilespmem:v25+s19+$0x0], $0xffff;
	_ =	sdelay $0x3  }
0xf1: {  	v25 =	vmul.u32 $0xE0, v29  }
0xf2: {  	v26 =	vadd.s32 v0, v30  }
0xf3: {  	v25 =	vadd.s32 v25, v26  }
0xf4: {  	v26 =	vadd.s32 $0xADD083F4, v25  }
0xf5: {  	v27 =	vshrl.u32 v26, $0x13;
	v26 =	vshll.u32 v26, $0xD  }
0xf6: {  	v25 =	vadd.s32 $0xB1A83721, v25;
	v26 =	vor.u32 v27, v26  }
0xf7: {  	v26 =	vxor.u32 v25, v26  }
0xf8: {  	v27 =	vshrl.u32 v26, $0x11;
	v28 =	vshll.u32 v26, $0xF  }
0xf9: {  	v25 =	vadd.s32 v25, v26;
	v26 =	vor.u32 v27, v28  }
0xfa: {  	v26 =	vxor.u32 v25, v26  }
0xfb: {  	v27 =	vshrl.u32 v26, $0x6;
	v49 =	vshll.u32 v26, $0x1A  }
0xfc: {  	v25 =	vadd.s32 v25, v26;
	v26 =	vor.u32 v27, v49  }
0xfd: {  	v26 =	vxor.u32 v25, v26  }
0xfe: {  	v27 =	vshrl.u32 v26, $0x1A;
	v50 =	vshll.u32 v26, $0x6  }
0xff: {  	v25 =	vadd.s32 v25, v26;
	v26 =	vor.u32 v27, v50  }
0x100: {  	v26 =	vxor.u32 v25, v26  }
0x101: {  	v26 =	vadd.s32 $0xB5D62B04, v26  }
0x102: {  	v25 =	vadd.s32 v26, v25;
	v27 =	vshrl.u32 v26, $0xF;
	v26 =	vshll.u32 v26, $0x11  }
0x103: {  	v25 =	vadd.s32 $0xADD083F4, v25;
	v26 =	vor.u32 v27, v26  }
0x104: {  	v26 =	vxor.u32 v25, v26  }
0x105: {  	v27 =	vshrl.u32 v26, $0x3;
	v51 =	vshll.u32 v26, $0x1D  }
0x106: {  	v25 =	vadd.s32 v25, v26;
	v26 =	vor.u32 v27, v51  }
0x107: {  	v26 =	vxor.u32 v25, v26  }
0x108: {  	v27 =	vshrl.u32 v26, $0x10;
	v52 =	vshll.u32 v26, $0x10  }
0x109: {  	v25 =	vadd.s32 v25, v26;
	v26 =	vor.u32 v27, v52  }
0x10a: {  	v26 =	vxor.u32 v25, v26  }
0x10b: {  	v27 =	vshrl.u32 v26, $0x8;
	v53 =	vshll.u32 v26, $0x18  }
0x10c: {  	v25 =	vadd.s32 v25, v26;
	v26 =	vor.u32 v27, v53  }
0x10d: {  	v26 =	vxor.u32 v25, v26  }
0x10e: {  	v26 =	vadd.s32 $0x3D7B32F, v26  }
0x10f: {  	v25 =	vadd.s32 v26, v25;
	v27 =	vshrl.u32 v26, $0x13;
	v26 =	vshll.u32 v26, $0xD  }
0x110: {  	v25 =	vadd.s32 $0xB5D62B03, v25;
	v26 =	vor.u32 v27, v26  }
0x111: {  	v26 =	vxor.u32 v25, v26  }
0x112: {  	s4 =	sadd.s32 $0x1, s3;
	v27 =	vshrl.u32 v26, $0x11;
	v54 =	vshll.u32 v26, $0xF  }
0x113: {  	v25 =	vadd.s32 v25, v26;
	v26 =	vor.u32 v27, v54;
	v27 =	vadd.s32 s4, v7  }
0x114: {  	v26 =	vxor.u32 v25, v26  }
0x115: {  	v55 =	vshrl.u32 v26, $0x6;
	v31 =	vshll.u32 v26, $0x1A  }
0x116: {  	v25 =	vadd.s32 v25, v26;
	v26 =	vor.u32 v55, v31  }
0x117: {  	v28 =	vxor.u32 v25, v26  }
0x118: {  	v56 =	vshrl.u32 v28, $0x1A;
	v32 =	vshll.u32 v28, $0x6;
	v26 =	vld.idx.msk [tilespmem:v27+s18+$0x0], $0xffff  }
0x119: {  	v28 =	vadd.s32 v25, v28;
	v25 =	vld.idx.msk [tilespmem:v27+s19+$0x0], $0xffff;
	v31 =	vor.u32 v56, v32  }
0x11a: {  	v27 =	vxor.u32 v28, v31  }
0x11b: {  	v27 =	vadd.s32 $0xADD083F7, v27  }
0x11c: {  	v48 =	vmov s3;
	v28 =	vadd.s32 v27, v28  }
0x11d: {  	v57 =	vshrl.u32 v27, $0xF;
	v27 =	vshll.u32 v27, $0x11;
	v58 =	vmul.u32 $0xE0, v26  }
0x11e: {  	v28 =	vadd.s32 $0x3D7B32D, v28;
	v27 =	vor.u32 v57, v27;
	v59 =	vadd.s32 v0, v25  }
0x11f: {  	vm0 =	vlt.s32 v48, v24;
	v27 =	vxor.u32 v28, v27;
	v31 =	vadd.s32 v58, v59  }
0x120: {  	v28 =	vadd.s32 v28, v27;
	v60 =	vshrl.u32 v27, $0x3;
	v27 =	vshll.u32 v27, $0x1D  }
0x121: {  	v33 =	vadd.s32 $0xADD083F4, v31;
	v27 =	vor.u32 v60, v27;
	v31 =	vadd.s32 $0xB1A83721, v31  }
0x122: {  	v34 =	vshrl.u32 v33, $0x13;
	v33 =	vshll.u32 v33, $0xD;
	v27 =	vxor.u32 v28, v27  }
0x123: {  	v61 =	vor.u32 v34, v33;
	v62 =	vshrl.u32 v27, $0x10;
	v36 =	vshll.u32 v27, $0x10  }
0x124: {  	v27 =	vadd.s32 v28, v27;
	v34 =	vmov s4;
	v32 =	vxor.u32 v31, v61  }
0x125: {  	v40 =	vor.u32 v62, v36;
	v63 =	vshrl.u32 v32, $0x11;
	v35 =	vshll.u32 v32, $0xF  }
0x126: {  	v31 =	vadd.s32 v31, v32;
	v28 =	vxor.u32 v27, v40;
	v39 =	vor.u32 v63, v35  }
0x127: {  	v27 =	vadd.s32 v27, v28;
	v44 =	vshrl.u32 v28, $0x8;
	v32 =	vxor.u32 v31, v39  }
0x128: {  	v28 =	vshll.u32 v28, $0x18;
	v41 =	vshrl.u32 v32, $0x6;
	v42 =	vshll.u32 v32, $0x1A  }
0x129: {  	s8 =	sadd.s32 $0x2, s3;
	v28 =	vor.u32 v44, v28;
	v31 =	vadd.s32 v31, v32;
	v43 =	vor.u32 v41, v42  }
0x12a: {  	v40 =	vadd.s32 s8, v7;
	v28 =	vxor.u32 v27, v28;
	v32 =	vxor.u32 v31, v43  }
0x12b: {  	v28 =	vadd.s32 $0xB5D62B07, v28;
	v45 =	vshrl.u32 v32, $0x1A;
	v46 =	vshll.u32 v32, $0x6  }
0x12c: {  	v27 =	vadd.s32 v28, v27;
	v31 =	vadd.s32 v31, v32;
	v47 =	vor.u32 v45, v46  }
0x12d: {  	v49 =	vshrl.u32 v28, $0x13;
	v28 =	vshll.u32 v28, $0xD;
	v32 =	vxor.u32 v31, v47  }
0x12e: {  	v27 =	vadd.s32 $0xADD083F4, v27;
	v28 =	vor.u32 v49, v28;
	v32 =	vadd.s32 $0xB5D62B04, v32  }
0x12f: {  	v31 =	vadd.s32 v32, v31;
	v50 =	vshrl.u32 v32, $0xF;
	v32 =	vshll.u32 v32, $0x11  }
0x130: {  	v28 =	vxor.u32 v27, v28;
	v31 =	vadd.s32 $0xADD083F4, v31;
	v32 =	vor.u32 v50, v32  }
0x131: {  	v44 =	vand.u32 $0x7F, v30;
	v27 =	vadd.s32 v27, v28;
	v32 =	vxor.u32 v31, v32  }
0x132: {  	v54 =	vshrl.u32 v28, $0x11;
	v51 =	vshrl.u32 v32, $0x3;
	v52 =	vshll.u32 v32, $0x1D  }
0x133: {  	v28 =	vshll.u32 v28, $0xF;
	v31 =	vadd.s32 v31, v32;
	v53 =	vor.u32 v51, v52  }
0x134: {  	v30 =	vshll.u32 v30, $0x3;
	v28 =	vor.u32 v54, v28;
	v32 =	vxor.u32 v31, v53  }
0x135: {  	v28 =	vxor.u32 v27, v28;
	v55 =	vshrl.u32 v32, $0x10;
	v56 =	vshll.u32 v32, $0x10  }
0x136: {  	v27 =	vadd.s32 v27, v28;
	v31 =	vadd.s32 v31, v32;
	v57 =	vor.u32 v55, v56  }
0x137: {  	v58 =	vshrl.u32 v28, $0x6;
	v28 =	vshll.u32 v28, $0x1A;
	v32 =	vxor.u32 v31, v57  }
0x138: {  	v28 =	vor.u32 v58, v28;
	v59 =	vshrl.u32 v32, $0x8;
	v60 =	vshll.u32 v32, $0x18  }
0x139: {  	v28 =	vxor.u32 v27, v28;
	v31 =	vadd.s32 v31, v32;
	v61 =	vor.u32 v59, v60  }
0x13a: {  	v30 =	vand.u32 $0xFFFFFC00, v30;
	v27 =	vadd.s32 v27, v28;
	v32 =	vxor.u32 v31, v61  }
0x13b: {  	v62 =	vshrl.u32 v28, $0x1A;
	v28 =	vshll.u32 v28, $0x6;
	v32 =	vadd.s32 $0x3D7B32F, v32  }
0x13c: {  	v31 =	vadd.s32 v32, v31;
	v63 =	vshrl.u32 v32, $0x13;
	v32 =	vshll.u32 v32, $0xD  }
0x13d: {  	v28 =	vor.u32 v62, v28;
	v31 =	vadd.s32 $0xB5D62B03, v31;
	v32 =	vor.u32 v63, v32  }
0x13e: {  	v28 =	vxor.u32 v27, v28;
	v27 =	vadd.s32 $0xB5D62B03, v27;
	v32 =	vxor.u32 v31, v32  }
0x13f: {  	v28 =	vadd.s32 $0x3D7B332, v28;
	v41 =	vshrl.u32 v32, $0x11;
	v42 =	vshll.u32 v32, $0xF  }
0x140: {  	v27 =	vxor.u32 v27, v28;
	v28 =	vld.idx.msk [tilespmem:v40+s18+$0x0], $0xffff;
	v31 =	vadd.s32 v31, v32;
	v43 =	vor.u32 v41, v42  }
0x141: {  	v45 =	vshll.u32 v29, $0x8;
	vm1 =	vgt.u32 v27, $0x800001FF;
	v27 =	vld.idx.msk [tilespmem:v40+s19+$0x0], $0xffff;
	v33 =	vxor.u32 v31, v43  }
0x142: {  	v29 =	vshll.u32 v29, $0x7;
	v37 =	vshrl.u32 v33, $0x6;
	v38 =	vshll.u32 v33, $0x1A  }
0x143: {  	v35 =	vand.u32 $0xFFFFF800, v45;
	v31 =	vadd.s32 v31, v33;
	v46 =	vor.u32 v37, v38  }
0x144: {  	v29 =	vand.u32 $0x380, v29;
	v30 =	vadd.s32 v35, v30;
	v33 =	vxor.u32 v31, v46  }
0x145: {  	v50 =	vmul.u32 $0xE0, v28;
	v47 =	vshrl.u32 v33, $0x1A;
	v48 =	vshll.u32 v33, $0x6  }
0x146: {  	v51 =	vadd.s32 v0, v27;
	v31 =	vadd.s32 v31, v33;
	v49 =	vor.u32 v47, v48  }
0x147: {  	v29 =	vor.u32 v29, v30;
	v35 =	vadd.s32 v50, v51;
	v33 =	vxor.u32 v31, v49  }
0x148: {  	v53 =	vadd.s32 $0xADD083F4, v35;
	v35 =	vadd.s32 $0xB1A83721, v35;
	v33 =	vadd.s32 $0xADD083F7, v33  }
0x149: {  	v55 =	vshrl.u32 v53, $0x13;
	v52 =	vadd.s32 v33, v31;
	v31 =	vshll.u32 v53, $0xD  }
0x14a: {  	v54 =	vshrl.u32 v33, $0xF;
	v33 =	vshll.u32 v33, $0x11;
	v31 =	vor.u32 v55, v31  }
0x14b: {  	v30 =	vadd.s32 $0x3D7B32D, v52;
	v33 =	vor.u32 v54, v33;
	v31 =	vxor.u32 v35, v31  }
0x14c: {  	vm2 =	vlt.s32 v34, v24;
	v33 =	vxor.u32 v30, v33;
	v56 =	vshrl.u32 v31, $0x11  }
0x14d: {  	v57 =	vshll.u32 v31, $0xF;
	v30 =	vadd.s32 v30, v33;
	v31 =	vadd.s32 v35, v31  }
0x14e: {  	v59 =	vshrl.u32 v33, $0x3;
	v33 =	vshll.u32 v33, $0x1D;
	v58 =	vor.u32 v56, v57  }
0x14f: {  	v29 =	vor.u32 v44, v29;
	v33 =	vor.u32 v59, v33;
	v35 =	vxor.u32 v31, v58  }
0x150: {  	v33 =	vxor.u32 v30, v33;
	v60 =	vshrl.u32 v35, $0x6;
	v61 =	vshll.u32 v35, $0x1A  }
0x151: {  	v30 =	vadd.s32 v30, v33;
	v63 =	vshrl.u32 v33, $0x10;
	v33 =	vshll.u32 v33, $0x10  }
0x152: {  	s31 =	sadd.s32 $0x3, s3;
	v31 =	vadd.s32 v31, v35;
	v62 =	vor.u32 v60, v61;
	v33 =	vor.u32 v63, v33  }
0x153: {  	v50 =	vadd.s32 s31, v7;
	v35 =	vxor.u32 v31, v62;
	v43 =	vxor.u32 v30, v33  }
0x154: {  	v40 =	vshrl.u32 v35, $0x1A;
	v41 =	vshll.u32 v35, $0x6;
	v31 =	vadd.s32 v31, v35  }
0x155: {  	v46 =	vshrl.u32 v43, $0x8;
	v32 =	vshll.u32 v43, $0x18;
	v42 =	vor.u32 v40, v41  }
0x156: {  	v45 =	vadd.s32 v30, v43;
	v32 =	vor.u32 v46, v32;
	v44 =	vxor.u32 v31, v42  }
0x157: {  	v30 =	vmov s8;
	v32 =	vxor.u32 v45, v32;
	v33 =	vadd.s32 $0xB5D62B04, v44  }
0x158: {  	v32 =	vadd.s32 $0xB5D62B07, v32;
	v31 =	vadd.s32 v33, v31;
	v47 =	vshrl.u32 v33, $0xF  }
0x159: {  	v33 =	vshll.u32 v33, $0x11;
	v52 =	vadd.s32 v32, v45;
	v56 =	vshrl.u32 v32, $0x13  }
0x15a: {  	v57 =	vshll.u32 v32, $0xD;
	v31 =	vadd.s32 $0xADD083F4, v31;
	v33 =	vor.u32 v47, v33  }
0x15b: {  	v34 =	vadd.s32 $0xADD083F4, v52;
	v35 =	vor.u32 v56, v57;
	v33 =	vxor.u32 v31, v33  }
0x15c: {  	v32 =	vld.idx.msk [tilespmem:v50+s18+$0x0], $0xffff;
	v35 =	vxor.u32 v34, v35;
	v48 =	vshrl.u32 v33, $0x3;
	v49 =	vshll.u32 v33, $0x1D  }
0x15d: {  	v31 =	vadd.s32 v31, v33;
	v60 =	vshrl.u32 v35, $0x11;
	v61 =	vshll.u32 v35, $0xF  }
0x15e: {  	v34 =	vadd.s32 v34, v35;
	v51 =	vor.u32 v48, v49;
	v62 =	vor.u32 v60, v61  }
0x15f: {  	vm4 =	vlt.s32 v30, v24;
	v33 =	vxor.u32 v31, v51;
	v35 =	vxor.u32 v34, v62  }
0x160: {  	v53 =	vshrl.u32 v33, $0x10;
	v54 =	vshll.u32 v33, $0x10;
	v33 =	vadd.s32 v31, v33;
	v31 =	vld.idx.msk [tilespmem:v50+s19+$0x0], $0xffff  }
0x161: {  	v63 =	vmul.u32 $0xE0, v32;
	v34 =	vadd.s32 v34, v35;
	v55 =	vor.u32 v53, v54  }
0x162: {  	v58 =	vxor.u32 v33, v55;
	v55 =	vshrl.u32 v35, $0x6;
	v35 =	vshll.u32 v35, $0x1A  }
0x163: {  	v59 =	vshrl.u32 v58, $0x8;
	v39 =	vshll.u32 v58, $0x18;
	v35 =	vor.u32 v55, v35  }
0x164: {  	v33 =	vadd.s32 v33, v58;
	v36 =	vor.u32 v59, v39;
	v35 =	vxor.u32 v34, v35  }
0x165: {  	v36 =	vxor.u32 v33, v36;
	v43 =	vadd.s32 v0, v31;
	v34 =	vadd.s32 v34, v35  }
0x166: {  	v36 =	vadd.s32 $0x3D7B32F, v36;
	v37 =	vadd.s32 v63, v43;
	v63 =	vshrl.u32 v35, $0x1A  }
0x167: {  	v35 =	vshll.u32 v35, $0x6;
	v33 =	vadd.s32 v36, v33;
	v42 =	vshrl.u32 v36, $0x13  }
0x168: {  	v36 =	vshll.u32 v36, $0xD;
	v44 =	vadd.s32 $0xADD083F4, v37;
	v37 =	vadd.s32 $0xB1A83721, v37  }
0x169: {  	v35 =	vor.u32 v63, v35;
	v33 =	vadd.s32 $0xB5D62B03, v33;
	v36 =	vor.u32 v42, v36  }
0x16a: {  	v40 =	vshrl.u32 v44, $0x13;
	v38 =	vshll.u32 v44, $0xD;
	v35 =	vxor.u32 v34, v35  }
0x16b: {  	v34 =	vadd.s32 $0xB5D62B03, v34;
	v36 =	vxor.u32 v33, v36;
	v38 =	vor.u32 v40, v38  }
0x16c: {  	v35 =	vadd.s32 $0x3D7B332, v35;
	v45 =	vshrl.u32 v36, $0x11;
	v46 =	vshll.u32 v36, $0xF  }
0x16d: {  	v33 =	vadd.s32 v33, v36;
	v38 =	vxor.u32 v37, v38;
	v47 =	vor.u32 v45, v46  }
0x16e: {  	v48 =	vshrl.u32 v38, $0x11;
	v49 =	vshll.u32 v38, $0xF;
	v36 =	vxor.u32 v33, v47  }
0x16f: {  	v37 =	vadd.s32 v37, v38;
	v50 =	vor.u32 v48, v49;
	v33 =	vadd.s32 v33, v36  }
0x170: {  	v51 =	vshrl.u32 v36, $0x6;
	v36 =	vshll.u32 v36, $0x1A;
	v38 =	vxor.u32 v37, v50  }
0x171: {  	v36 =	vor.u32 v51, v36;
	v52 =	vshrl.u32 v38, $0x6;
	v53 =	vshll.u32 v38, $0x1A  }
0x172: {  	v37 =	vadd.s32 v37, v38;
	v36 =	vxor.u32 v33, v36;
	v54 =	vor.u32 v52, v53  }
0x173: {  	v34 =	vxor.u32 v34, v35;
	v33 =	vadd.s32 v33, v36;
	v38 =	vxor.u32 v37, v54  }
0x174: {  	v57 =	vshrl.u32 v36, $0x1A;
	v36 =	vshll.u32 v36, $0x6;
	v37 =	vadd.s32 v37, v38  }
0x175: {  	v56 =	vshrl.u32 v38, $0x1A;
	v38 =	vshll.u32 v38, $0x6;
	v36 =	vor.u32 v57, v36  }
0x176: {  	vm3 =	vgt.u32 v34, $0x800001FF;
	v38 =	vor.u32 v56, v38;
	v36 =	vxor.u32 v33, v36  }
0x177: {  	v52 =	vshll.u32 v26, $0x8;
	v38 =	vxor.u32 v37, v38;
	v36 =	vadd.s32 $0xADD083F7, v36  }
0x178: {  	v38 =	vadd.s32 $0xB5D62B04, v38;
	v33 =	vadd.s32 v36, v33;
	v61 =	vshrl.u32 v36, $0xF  }
0x179: {  	v36 =	vshll.u32 v36, $0x11;
	v58 =	vshrl.u32 v38, $0xF;
	v59 =	vshll.u32 v38, $0x11  }
0x17a: {  	v37 =	vadd.s32 v38, v37;
	v36 =	vor.u32 v61, v36;
	v33 =	vadd.s32 $0x3D7B32D, v33  }
0x17b: {  	v60 =	vor.u32 v58, v59;
	v37 =	vadd.s32 $0xADD083F4, v37;
	v36 =	vxor.u32 v33, v36  }
0x17c: {  	v53 =	vshll.u32 v25, $0x3;
	v38 =	vxor.u32 v37, v60;
	v33 =	vadd.s32 v33, v36  }
0x17d: {  	v43 =	vshrl.u32 v36, $0x3;
	v36 =	vshll.u32 v36, $0x1D;
	v37 =	vadd.s32 v37, v38  }
0x17e: {  	v62 =	vshrl.u32 v38, $0x3;
	v38 =	vshll.u32 v38, $0x1D;
	v36 =	vor.u32 v43, v36  }
0x17f: {  	v26 =	vshll.u32 v26, $0x7;
	v38 =	vor.u32 v62, v38;
	v45 =	vxor.u32 v33, v36  }
0x180: {  	v38 =	vxor.u32 v37, v38;
	v47 =	vshrl.u32 v45, $0x10;
	v49 =	vshll.u32 v45, $0x10  }
0x181: {  	v37 =	vadd.s32 v37, v38;
	v42 =	vshrl.u32 v38, $0x10;
	v38 =	vshll.u32 v38, $0x10  }
0x182: {  	v33 =	vadd.s32 v33, v45;
	v34 =	vor.u32 v47, v49;
	v38 =	vor.u32 v42, v38  }
0x183: {  	v25 =	vand.u32 $0x7F, v25;
	v34 =	vxor.u32 v33, v34;
	v38 =	vxor.u32 v37, v38  }
0x184: {  	v33 =	vadd.s32 v33, v34;
	v55 =	vshrl.u32 v34, $0x8;
	v34 =	vshll.u32 v34, $0x18  }
0x185: {  	v37 =	vadd.s32 v37, v38;
	v44 =	vshrl.u32 v38, $0x8;
	v38 =	vshll.u32 v38, $0x18  }
0x186: {  	v26 =	vand.u32 $0x380, v26;
	v34 =	vor.u32 v55, v34;
	v38 =	vor.u32 v44, v38  }
0x187: {  	v55 =	vshll.u32 v31, $0x3;
	v31 =	vand.u32 $0x7F, v31;
	v46 =	vxor.u32 v37, v38  }
0x188: {  	v34 =	vxor.u32 v33, v34;
	v38 =	vand.u32 $0xFFFFF800, v52;
	v36 =	vadd.s32 $0x3D7B32F, v46  }
0x189: {  	v37 =	vadd.s32 v36, v37;
	v48 =	vshrl.u32 v36, $0x13;
	v36 =	vshll.u32 v36, $0xD  }
0x18a: {  	v34 =	vadd.s32 $0xB5D62B07, v34;
	v36 =	vor.u32 v48, v36;
	v37 =	vadd.s32 $0xB5D62B03, v37  }
0x18b: {  	v33 =	vadd.s32 v34, v33;
	v57 =	vshrl.u32 v34, $0x13;
	v50 =	vxor.u32 v37, v36  }
0x18c: {  	v34 =	vshll.u32 v34, $0xD;
	v51 =	vshrl.u32 v50, $0x11;
	v35 =	vshll.u32 v50, $0xF  }
0x18d: {  	v46 =	vshll.u32 v28, $0x8;
	v36 =	vadd.s32 v37, v50;
	v35 =	vor.u32 v51, v35  }
0x18e: {  	v28 =	vshll.u32 v28, $0x7;
	v33 =	vadd.s32 $0xADD083F4, v33;
	v35 =	vxor.u32 v36, v35  }
0x18f: {  	v36 =	vadd.s32 v36, v35;
	v54 =	vshrl.u32 v35, $0x6;
	v35 =	vshll.u32 v35, $0x1A  }
0x190: {  	v34 =	vor.u32 v57, v34;
	v28 =	vand.u32 $0x380, v28;
	v35 =	vor.u32 v54, v35  }
0x191: {  	v57 =	vand.u32 $0xFFFFFC00, v55;
	v34 =	vxor.u32 v33, v34;
	v35 =	vxor.u32 v36, v35  }
0x192: {  	v36 =	vadd.s32 v36, v35;
	v56 =	vshrl.u32 v35, $0x1A;
	v35 =	vshll.u32 v35, $0x6  }
0x193: {  	v48 =	vshll.u32 v27, $0x3;
	v27 =	vand.u32 $0x7F, v27;
	v35 =	vor.u32 v56, v35  }
0x194: {  	v33 =	vadd.s32 v33, v34;
	v62 =	vshrl.u32 v34, $0x11;
	v35 =	vxor.u32 v36, v35  }
0x195: {  	v34 =	vshll.u32 v34, $0xF;
	v37 =	vand.u32 $0xFFFFFC00, v53;
	v35 =	vadd.s32 $0xADD083F7, v35  }
0x196: {  	v36 =	vadd.s32 v35, v36;
	v58 =	vshrl.u32 v35, $0xF;
	v35 =	vshll.u32 v35, $0x11  }
0x197: {  	v37 =	vadd.s32 v38, v37;
	v36 =	vadd.s32 $0x3D7B32D, v36;
	v35 =	vor.u32 v58, v35  }
0x198: {  	v34 =	vor.u32 v62, v34;
	v26 =	vor.u32 v26, v37;
	v35 =	vxor.u32 v36, v35  }
0x199: {  	v25 =	vor.u32 v25, v26;
	v59 =	vshrl.u32 v35, $0x3;
	v60 =	vshll.u32 v35, $0x1D  }
0x19a: {  	v26 =	vxor.u32 v33, v34;
	v35 =	vadd.s32 v36, v35;
	v61 =	vor.u32 v59, v60  }
0x19b: {  	v37 =	vand.u32 $0xFFFFFC00, v48;
	v43 =	vshrl.u32 v26, $0x6;
	v36 =	vxor.u32 v35, v61  }
0x19c: {  	v44 =	vshll.u32 v26, $0x1A;
	v63 =	vshrl.u32 v36, $0x10;
	v40 =	vshll.u32 v36, $0x10  }
0x19d: {  	v26 =	vadd.s32 v33, v26;
	v35 =	vadd.s32 v35, v36;
	v41 =	vor.u32 v63, v40  }
0x19e: {  	v54 =	vshll.u32 v32, $0x8;
	v32 =	vshll.u32 v32, $0x7;
	v42 =	vxor.u32 v35, v41  }
0x19f: {  	v45 =	vor.u32 v43, v44;
	v36 =	vshrl.u32 v42, $0x8;
	v34 =	vshll.u32 v42, $0x18  }
0x1a0: {  	v33 =	vxor.u32 v26, v45;
	v35 =	vadd.s32 v35, v42;
	v34 =	vor.u32 v36, v34  }
0x1a1: {  	v32 =	vand.u32 $0x380, v32;
	v26 =	vadd.s32 v26, v33;
	v34 =	vxor.u32 v35, v34  }
0x1a2: {  	v52 =	vshrl.u32 v33, $0x1A;
	v33 =	vshll.u32 v33, $0x6;
	v34 =	vadd.s32 $0xB5D62B07, v34  }
0x1a3: {  	v35 =	vadd.s32 v34, v35;
	v47 =	vshrl.u32 v34, $0x13;
	v34 =	vshll.u32 v34, $0xD  }
0x1a4: {  	v56 =	vand.u32 $0xFFFFF800, v54;
	v34 =	vor.u32 v47, v34;
	v35 =	vadd.s32 $0xADD083F4, v35  }
0x1a5: {  	v33 =	vor.u32 v52, v33;
	v30 =	vadd.s32 v56, v57;
	v34 =	vxor.u32 v35, v34  }
0x1a6: {  	v36 =	vand.u32 $0xFFFFF800, v46;
	v49 =	vshrl.u32 v34, $0x11;
	v50 =	vshll.u32 v34, $0xF  }
0x1a7: {  	v36 =	vadd.s32 v36, v37;
	v34 =	vadd.s32 v35, v34;
	v51 =	vor.u32 v49, v50  }
0x1a8: {  	v30 =	vor.u32 v32, v30;
	v28 =	vor.u32 v28, v36;
	v53 =	vxor.u32 v34, v51  }
0x1a9: {  	v27 =	vor.u32 v27, v28;
	v35 =	vshrl.u32 v53, $0x6;
	v28 =	vshll.u32 v53, $0x1A  }
0x1aa: {  	v30 =	vor.u32 v31, v30;
	v34 =	vadd.s32 v34, v53;
	v28 =	vor.u32 v35, v28  }
0x1ab: {  	v58 =	vsel vm1, $0x3F800000, v22;
	v59 =	vmov s31;
	v28 =	vxor.u32 v34, v28  }
0x1ac: {  	v34 =	vadd.s32 v34, v28;
	v60 =	vshrl.u32 v28, $0x1A;
	v28 =	vshll.u32 v28, $0x6  }
0x1ad: {  	s3 =	sadd.s32 $0x4, s3;
	vm13 =	vlt.s32 v59, v24;
	v61 =	vxor.u32 v26, v33;
	v28 =	vor.u32 v60, v28  }
0x1ae: {  	p1 =	slt.s32 s3, s1;
	v26 =	vadd.s32 $0xB5D62B03, v26;
	v31 =	vadd.s32 $0x3D7B332, v61;
	v28 =	vxor.u32 v34, v28  }
.Ltmp5:
0x1af: {  	v26 =	vxor.u32 v26, v31;
	v62 =	vadd.s32 $0xB5D62B03, v34;
	v28 =	vadd.s32 $0x3D7B332, v28;
	(pc) =	sbr.rel @p1 .LBB2_7-.Ltmp5, $4  }
0x1b0: {  	[tilespmem:v29+s22+$0x0] =	vst.idx.msk vm0, v58;
	v63 =	vsel vm3, $0x3F800000, v22;
	vm14 =	vgt.u32 v26, $0x800001FF;
	v26 =	vxor.u32 v62, v28  }
0x1b1: {  	[tilespmem:v25+s22+$0x0] =	vst.idx.msk vm2, v63;
	v25 =	vsel vm14, $0x3F800000, v22;
	vm15 =	vgt.u32 v26, $0x800001FF  }
0x1b2: {  	[tilespmem:v27+s22+$0x0] =	vst.idx.msk vm4, v25;
	v25 =	vsel vm15, $0x3F800000, v22  }
0x1b3: {  	[tilespmem:v30+s22+$0x0] =	vst.idx.msk vm13, v25  }
.LBB2_8:
0x1b4: {  	p1 =	sge.s32 s1, s30  }
.Ltmp6:
0x1b5: {  	_ = 	snop;
	(pc) =	sbr.rel @p1 .LBB2_11-.Ltmp6, $3  }
0x1b6: {  	_ =	sdelay $0x1  }
0x1b7: {  	s5 =	ssub.s32 s30, s1  }
0x1b8: {  	s3 =	ssub.s32 $0x0, s5  }
0x1b9: {  	s4 =	ssub.s32 $0x0, s5  }
.LBB2_10:
0x1ba: {  	s6 =	sadd.s32 s4, s30  }
0x1bb: {  	v25 =	vadd.s32 s6, v7;
	_ =	sdelay $0x4  }
0x1bc: {  	v26 =	vld.idx.msk [tilespmem:v25+s18+$0x0], $0xffff  }
0x1bd: {  	v25 =	vld.idx.msk [tilespmem:v25+s19+$0x0], $0xffff;
	_ =	sdelay $0x3  }
0x1be: {  	v27 =	vmul.u32 $0xE0, v26  }
0x1bf: {  	v28 =	vadd.s32 v0, v25  }
0x1c0: {  	v27 =	vadd.s32 v27, v28  }
0x1c1: {  	v28 =	vadd.s32 $0xADD083F4, v27  }
0x1c2: {  	v29 =	vshrl.u32 v28, $0x13;
	v28 =	vshll.u32 v28, $0xD  }
0x1c3: {  	v27 =	vadd.s32 $0xB1A83721, v27;
	v28 =	vor.u32 v29, v28  }
0x1c4: {  	v28 =	vxor.u32 v27, v28  }
0x1c5: {  	v50 =	vshrl.u32 v28, $0x11;
	v30 =	vshll.u32 v28, $0xF  }
0x1c6: {  	v27 =	vadd.s32 v27, v28;
	v51 =	vor.u32 v50, v30  }
0x1c7: {  	v28 =	vxor.u32 v27, v51  }
0x1c8: {  	v52 =	vshrl.u32 v28, $0x6;
	v53 =	vshll.u32 v28, $0x1A  }
0x1c9: {  	v27 =	vadd.s32 v27, v28;
	v54 =	vor.u32 v52, v53  }
0x1ca: {  	v28 =	vxor.u32 v27, v54  }
0x1cb: {  	v55 =	vshrl.u32 v28, $0x1A;
	v56 =	vshll.u32 v28, $0x6  }
0x1cc: {  	v27 =	vadd.s32 v27, v28;
	v57 =	vor.u32 v55, v56  }
0x1cd: {  	v28 =	vxor.u32 v27, v57  }
0x1ce: {  	v28 =	vadd.s32 $0xB5D62B04, v28  }
0x1cf: {  	v27 =	vadd.s32 v28, v27;
	v58 =	vshrl.u32 v28, $0xF;
	v28 =	vshll.u32 v28, $0x11  }
0x1d0: {  	v27 =	vadd.s32 $0xADD083F4, v27;
	v28 =	vor.u32 v58, v28  }
0x1d1: {  	v28 =	vxor.u32 v27, v28  }
0x1d2: {  	v59 =	vshrl.u32 v28, $0x3;
	v60 =	vshll.u32 v28, $0x1D  }
0x1d3: {  	v27 =	vadd.s32 v27, v28;
	v61 =	vor.u32 v59, v60  }
0x1d4: {  	v28 =	vxor.u32 v27, v61  }
0x1d5: {  	v62 =	vshrl.u32 v28, $0x10;
	v63 =	vshll.u32 v28, $0x10  }
0x1d6: {  	v27 =	vadd.s32 v27, v28;
	v32 =	vor.u32 v62, v63  }
0x1d7: {  	v28 =	vxor.u32 v27, v32  }
0x1d8: {  	v33 =	vshrl.u32 v28, $0x8;
	v34 =	vshll.u32 v28, $0x18  }
0x1d9: {  	v27 =	vadd.s32 v27, v28;
	v35 =	vor.u32 v33, v34  }
0x1da: {  	v28 =	vxor.u32 v27, v35  }
0x1db: {  	v28 =	vadd.s32 $0x3D7B32F, v28  }
0x1dc: {  	v27 =	vadd.s32 v28, v27;
	v36 =	vshrl.u32 v28, $0x13;
	v28 =	vshll.u32 v28, $0xD  }
0x1dd: {  	v27 =	vadd.s32 $0xB5D62B03, v27;
	v28 =	vor.u32 v36, v28  }
0x1de: {  	v28 =	vxor.u32 v27, v28  }
0x1df: {  	v37 =	vshrl.u32 v28, $0x11;
	v38 =	vshll.u32 v28, $0xF  }
0x1e0: {  	v27 =	vadd.s32 v27, v28;
	v39 =	vor.u32 v37, v38  }
0x1e1: {  	v28 =	vxor.u32 v27, v39  }
0x1e2: {  	v40 =	vshrl.u32 v28, $0x6;
	v41 =	vshll.u32 v28, $0x1A  }
0x1e3: {  	v27 =	vadd.s32 v27, v28;
	v42 =	vor.u32 v40, v41  }
0x1e4: {  	v28 =	vxor.u32 v27, v42  }
0x1e5: {  	v43 =	vshrl.u32 v28, $0x1A;
	v44 =	vshll.u32 v28, $0x6  }
0x1e6: {  	v27 =	vadd.s32 v27, v28;
	v45 =	vor.u32 v43, v44  }
0x1e7: {  	v28 =	vxor.u32 v27, v45  }
0x1e8: {  	v28 =	vadd.s32 $0xADD083F7, v28  }
0x1e9: {  	v27 =	vadd.s32 v28, v27;
	v46 =	vshrl.u32 v28, $0xF;
	v28 =	vshll.u32 v28, $0x11  }
0x1ea: {  	v27 =	vadd.s32 $0x3D7B32D, v27;
	v28 =	vor.u32 v46, v28  }
0x1eb: {  	v28 =	vxor.u32 v27, v28  }
0x1ec: {  	v47 =	vshrl.u32 v28, $0x3;
	v48 =	vshll.u32 v28, $0x1D  }
0x1ed: {  	v27 =	vadd.s32 v27, v28;
	v49 =	vor.u32 v47, v48  }
0x1ee: {  	v28 =	vxor.u32 v27, v49  }
0x1ef: {  	v50 =	vshrl.u32 v28, $0x10;
	v51 =	vshll.u32 v28, $0x10  }
0x1f0: {  	v27 =	vadd.s32 v27, v28;
	v52 =	vor.u32 v50, v51  }
0x1f1: {  	v28 =	vxor.u32 v27, v52  }
0x1f2: {  	v53 =	vshrl.u32 v28, $0x8;
	v54 =	vshll.u32 v28, $0x18  }
0x1f3: {  	v27 =	vadd.s32 v27, v28;
	v55 =	vor.u32 v53, v54  }
0x1f4: {  	v28 =	vxor.u32 v27, v55  }
0x1f5: {  	v28 =	vadd.s32 $0xB5D62B07, v28  }
0x1f6: {  	v27 =	vadd.s32 v28, v27;
	v56 =	vshrl.u32 v28, $0x13;
	v28 =	vshll.u32 v28, $0xD  }
0x1f7: {  	v27 =	vadd.s32 $0xADD083F4, v27;
	v28 =	vor.u32 v56, v28  }
0x1f8: {  	v59 =	vmov s6;
	v28 =	vxor.u32 v27, v28  }
0x1f9: {  	vm0 =	vlt.s32 v59, v24;
	v57 =	vshrl.u32 v28, $0x11;
	v58 =	vshll.u32 v28, $0xF  }
0x1fa: {  	v61 =	vshll.u32 v26, $0x8;
	v27 =	vadd.s32 v27, v28;
	v29 =	vor.u32 v57, v58  }
0x1fb: {  	v26 =	vshll.u32 v26, $0x7;
	v62 =	vshll.u32 v25, $0x3;
	v60 =	vxor.u32 v27, v29  }
0x1fc: {  	v30 =	vand.u32 $0xFFFFFC00, v62;
	v29 =	vshrl.u32 v60, $0x6;
	v28 =	vshll.u32 v60, $0x1A  }
0x1fd: {  	v27 =	vadd.s32 v27, v60;
	v28 =	vor.u32 v29, v28;
	v29 =	vand.u32 $0xFFFFF800, v61  }
0x1fe: {  	v26 =	vand.u32 $0x380, v26;
	v28 =	vxor.u32 v27, v28;
	v29 =	vadd.s32 v29, v30  }
0x1ff: {  	v27 =	vadd.s32 v27, v28;
	v63 =	vshrl.u32 v28, $0x1A;
	v28 =	vshll.u32 v28, $0x6  }
0x200: {  	s4 =	sadd.s32 $0x1, s4;
	v25 =	vand.u32 $0x7F, v25;
	v26 =	vor.u32 v26, v29;
	v28 =	vor.u32 v63, v28  }
0x201: {  	p2 =	seq.s32 s4, $0x0;
	v25 =	vor.u32 v25, v26;
	v28 =	vxor.u32 v27, v28  }
.Ltmp7:
0x202: {  	v26 =	vadd.s32 $0xB5D62B03, v27;
	v27 =	vadd.s32 $0x3D7B332, v28;
	(pc) =	sbr.rel @!p2 .LBB2_10-.Ltmp7, $4  }
0x203: {  	v26 =	vxor.u32 v26, v27  }
0x204: {  	vm1 =	vgt.u32 v26, $0x800001FF  }
0x205: {  	v26 =	vsel vm1, $0x3F800000, v22  }
0x206: {  	[tilespmem:v25+s22+$0x0] =	vst.idx.msk vm0, v26  }
.LBB2_11:
0x207: {  	s4 =	rddreg [dreg:$0x7];
	s31 =	sxor.u32 $0x80000000, s0  }
0x208: {  	[hbm4b:s4+s2] =	stream.linear.scatter [tilespmem:s22], [sflag:$0x4], $0x7000, $0x38;
	[tilespmem:$0x1F000] =	vst v63  }
0x209: {  	s8 =	sshra.s32 s31, $0x1F  }
0x20a: {  	s0 =	sshrl.u32 s8, $0x1E  }
0x20b: {  	s0 =	sadd.s32 s0, s31  }
0x20c: {  	_ =	swait.ge [sflag:s25], $0x7000;
	s0 =	sand.u32 $0xFFFFFFFC, s0  }
0x20d: {  	[sflag:s25] =	ssyncset.done $0x0;
	p2 =	slt.s32 s0, $0x1  }
.Ltmp8:
0x20e: {  	s7 =	rddreg [dreg:$0x8];
	[sflag:s25] =	ssyncadd.s32 $0xFFFF9000;
	(pc) =	sbr.rel @p2 .LBB2_14-.Ltmp8, $4  }
0x20f: {  	[tilespmem:s22], [sflag:$0x2] =	stream.linear.gather [hbm4b:s7+s2], $0x7000, $0x38;
	[tilespmem:$0x1F000] =	vst v63  }
0x210: {  	_ =	swait.ge [sflag:s26], $0x7000  }
0x211: {  	[sflag:s26] =	ssyncset.done $0x0  }
0x212: {  	[sflag:s26] =	ssyncadd.s32 $0xFFFF9000  }
0x213: {  	s4 =	simm.s32 $0x0  }
.LBB2_13:
0x214: {  	v25 =	vadd.s32 s4, v7;
	_ =	sdelay $0x4  }
0x215: {  	v29 =	vld.idx.msk [tilespmem:v25+s20+$0x0], $0xffff  }
0x216: {  	v30 =	vld.idx.msk [tilespmem:v25+s21+$0x0], $0xffff;
	_ =	sdelay $0x3  }
0x217: {  	v25 =	vmul.u32 $0xE0, v29  }
0x218: {  	v26 =	vadd.s32 v1, v30  }
0x219: {  	v25 =	vadd.s32 v25, v26  }
0x21a: {  	v26 =	vadd.s32 $0xADD083F4, v25  }
0x21b: {  	v27 =	vshrl.u32 v26, $0x13;
	v26 =	vshll.u32 v26, $0xD  }
0x21c: {  	v25 =	vadd.s32 $0xB1A83721, v25;
	v26 =	vor.u32 v27, v26  }
0x21d: {  	v26 =	vxor.u32 v25, v26  }
0x21e: {  	v27 =	vshrl.u32 v26, $0x11;
	v28 =	vshll.u32 v26, $0xF  }
0x21f: {  	v25 =	vadd.s32 v25, v26;
	v26 =	vor.u32 v27, v28  }
0x220: {  	v26 =	vxor.u32 v25, v26  }
0x221: {  	v27 =	vshrl.u32 v26, $0x6;
	v49 =	vshll.u32 v26, $0x1A  }
0x222: {  	v25 =	vadd.s32 v25, v26;
	v26 =	vor.u32 v27, v49  }
0x223: {  	v26 =	vxor.u32 v25, v26  }
0x224: {  	v27 =	vshrl.u32 v26, $0x1A;
	v50 =	vshll.u32 v26, $0x6  }
0x225: {  	v25 =	vadd.s32 v25, v26;
	v26 =	vor.u32 v27, v50  }
0x226: {  	v26 =	vxor.u32 v25, v26  }
0x227: {  	v26 =	vadd.s32 $0xB5D62B04, v26  }
0x228: {  	v25 =	vadd.s32 v26, v25;
	v27 =	vshrl.u32 v26, $0xF;
	v26 =	vshll.u32 v26, $0x11  }
0x229: {  	v25 =	vadd.s32 $0xADD083F4, v25;
	v26 =	vor.u32 v27, v26  }
0x22a: {  	v26 =	vxor.u32 v25, v26  }
0x22b: {  	v27 =	vshrl.u32 v26, $0x3;
	v51 =	vshll.u32 v26, $0x1D  }
0x22c: {  	v25 =	vadd.s32 v25, v26;
	v26 =	vor.u32 v27, v51  }
0x22d: {  	v26 =	vxor.u32 v25, v26  }
0x22e: {  	v27 =	vshrl.u32 v26, $0x10;
	v52 =	vshll.u32 v26, $0x10  }
0x22f: {  	v25 =	vadd.s32 v25, v26;
	v26 =	vor.u32 v27, v52  }
0x230: {  	v26 =	vxor.u32 v25, v26  }
0x231: {  	v27 =	vshrl.u32 v26, $0x8;
	v53 =	vshll.u32 v26, $0x18  }
0x232: {  	v25 =	vadd.s32 v25, v26;
	v26 =	vor.u32 v27, v53  }
0x233: {  	v26 =	vxor.u32 v25, v26  }
0x234: {  	v26 =	vadd.s32 $0x3D7B32F, v26  }
0x235: {  	v25 =	vadd.s32 v26, v25;
	v27 =	vshrl.u32 v26, $0x13;
	v26 =	vshll.u32 v26, $0xD  }
0x236: {  	v25 =	vadd.s32 $0xB5D62B03, v25;
	v26 =	vor.u32 v27, v26  }
0x237: {  	v26 =	vxor.u32 v25, v26  }
0x238: {  	s6 =	sadd.s32 $0x1, s4;
	v27 =	vshrl.u32 v26, $0x11;
	v54 =	vshll.u32 v26, $0xF  }
0x239: {  	v25 =	vadd.s32 v25, v26;
	v26 =	vor.u32 v27, v54;
	v27 =	vadd.s32 s6, v7  }
0x23a: {  	v26 =	vxor.u32 v25, v26  }
0x23b: {  	v55 =	vshrl.u32 v26, $0x6;
	v31 =	vshll.u32 v26, $0x1A  }
0x23c: {  	v25 =	vadd.s32 v25, v26;
	v26 =	vor.u32 v55, v31  }
0x23d: {  	v28 =	vxor.u32 v25, v26  }
0x23e: {  	v56 =	vshrl.u32 v28, $0x1A;
	v32 =	vshll.u32 v28, $0x6;
	v26 =	vld.idx.msk [tilespmem:v27+s20+$0x0], $0xffff  }
0x23f: {  	v28 =	vadd.s32 v25, v28;
	v25 =	vld.idx.msk [tilespmem:v27+s21+$0x0], $0xffff;
	v31 =	vor.u32 v56, v32  }
0x240: {  	v27 =	vxor.u32 v28, v31  }
0x241: {  	v27 =	vadd.s32 $0xADD083F7, v27  }
0x242: {  	v48 =	vmov s4;
	v28 =	vadd.s32 v27, v28  }
0x243: {  	v57 =	vshrl.u32 v27, $0xF;
	v27 =	vshll.u32 v27, $0x11;
	v58 =	vmul.u32 $0xE0, v26  }
0x244: {  	v28 =	vadd.s32 $0x3D7B32D, v28;
	v27 =	vor.u32 v57, v27;
	v59 =	vadd.s32 v1, v25  }
0x245: {  	vm0 =	vlt.s32 v48, v23;
	v27 =	vxor.u32 v28, v27;
	v31 =	vadd.s32 v58, v59  }
0x246: {  	v28 =	vadd.s32 v28, v27;
	v60 =	vshrl.u32 v27, $0x3;
	v27 =	vshll.u32 v27, $0x1D  }
0x247: {  	v33 =	vadd.s32 $0xADD083F4, v31;
	v27 =	vor.u32 v60, v27;
	v31 =	vadd.s32 $0xB1A83721, v31  }
0x248: {  	v34 =	vshrl.u32 v33, $0x13;
	v33 =	vshll.u32 v33, $0xD;
	v27 =	vxor.u32 v28, v27  }
0x249: {  	v61 =	vor.u32 v34, v33;
	v62 =	vshrl.u32 v27, $0x10;
	v36 =	vshll.u32 v27, $0x10  }
0x24a: {  	v27 =	vadd.s32 v28, v27;
	v34 =	vmov s6;
	v32 =	vxor.u32 v31, v61  }
0x24b: {  	v40 =	vor.u32 v62, v36;
	v63 =	vshrl.u32 v32, $0x11;
	v35 =	vshll.u32 v32, $0xF  }
0x24c: {  	v31 =	vadd.s32 v31, v32;
	v28 =	vxor.u32 v27, v40;
	v39 =	vor.u32 v63, v35  }
0x24d: {  	v27 =	vadd.s32 v27, v28;
	v44 =	vshrl.u32 v28, $0x8;
	v32 =	vxor.u32 v31, v39  }
0x24e: {  	v28 =	vshll.u32 v28, $0x18;
	v41 =	vshrl.u32 v32, $0x6;
	v42 =	vshll.u32 v32, $0x1A  }
0x24f: {  	s7 =	sadd.s32 $0x2, s4;
	v28 =	vor.u32 v44, v28;
	v31 =	vadd.s32 v31, v32;
	v43 =	vor.u32 v41, v42  }
0x250: {  	v40 =	vadd.s32 s7, v7;
	v28 =	vxor.u32 v27, v28;
	v32 =	vxor.u32 v31, v43  }
0x251: {  	v28 =	vadd.s32 $0xB5D62B07, v28;
	v45 =	vshrl.u32 v32, $0x1A;
	v46 =	vshll.u32 v32, $0x6  }
0x252: {  	v27 =	vadd.s32 v28, v27;
	v31 =	vadd.s32 v31, v32;
	v47 =	vor.u32 v45, v46  }
0x253: {  	v49 =	vshrl.u32 v28, $0x13;
	v28 =	vshll.u32 v28, $0xD;
	v32 =	vxor.u32 v31, v47  }
0x254: {  	v27 =	vadd.s32 $0xADD083F4, v27;
	v28 =	vor.u32 v49, v28;
	v32 =	vadd.s32 $0xB5D62B04, v32  }
0x255: {  	v31 =	vadd.s32 v32, v31;
	v50 =	vshrl.u32 v32, $0xF;
	v32 =	vshll.u32 v32, $0x11  }
0x256: {  	v28 =	vxor.u32 v27, v28;
	v31 =	vadd.s32 $0xADD083F4, v31;
	v32 =	vor.u32 v50, v32  }
0x257: {  	v44 =	vand.u32 $0x7F, v30;
	v27 =	vadd.s32 v27, v28;
	v32 =	vxor.u32 v31, v32  }
0x258: {  	v54 =	vshrl.u32 v28, $0x11;
	v51 =	vshrl.u32 v32, $0x3;
	v52 =	vshll.u32 v32, $0x1D  }
0x259: {  	v28 =	vshll.u32 v28, $0xF;
	v31 =	vadd.s32 v31, v32;
	v53 =	vor.u32 v51, v52  }
0x25a: {  	v30 =	vshll.u32 v30, $0x3;
	v28 =	vor.u32 v54, v28;
	v32 =	vxor.u32 v31, v53  }
0x25b: {  	v28 =	vxor.u32 v27, v28;
	v55 =	vshrl.u32 v32, $0x10;
	v56 =	vshll.u32 v32, $0x10  }
0x25c: {  	v27 =	vadd.s32 v27, v28;
	v31 =	vadd.s32 v31, v32;
	v57 =	vor.u32 v55, v56  }
0x25d: {  	v58 =	vshrl.u32 v28, $0x6;
	v28 =	vshll.u32 v28, $0x1A;
	v32 =	vxor.u32 v31, v57  }
0x25e: {  	v28 =	vor.u32 v58, v28;
	v59 =	vshrl.u32 v32, $0x8;
	v60 =	vshll.u32 v32, $0x18  }
0x25f: {  	v28 =	vxor.u32 v27, v28;
	v31 =	vadd.s32 v31, v32;
	v61 =	vor.u32 v59, v60  }
0x260: {  	v30 =	vand.u32 $0xFFFFFC00, v30;
	v27 =	vadd.s32 v27, v28;
	v32 =	vxor.u32 v31, v61  }
0x261: {  	v62 =	vshrl.u32 v28, $0x1A;
	v28 =	vshll.u32 v28, $0x6;
	v32 =	vadd.s32 $0x3D7B32F, v32  }
0x262: {  	v31 =	vadd.s32 v32, v31;
	v63 =	vshrl.u32 v32, $0x13;
	v32 =	vshll.u32 v32, $0xD  }
0x263: {  	v28 =	vor.u32 v62, v28;
	v31 =	vadd.s32 $0xB5D62B03, v31;
	v32 =	vor.u32 v63, v32  }
0x264: {  	v28 =	vxor.u32 v27, v28;
	v27 =	vadd.s32 $0xB5D62B03, v27;
	v32 =	vxor.u32 v31, v32  }
0x265: {  	v28 =	vadd.s32 $0x3D7B332, v28;
	v41 =	vshrl.u32 v32, $0x11;
	v42 =	vshll.u32 v32, $0xF  }
0x266: {  	v27 =	vxor.u32 v27, v28;
	v28 =	vld.idx.msk [tilespmem:v40+s20+$0x0], $0xffff;
	v31 =	vadd.s32 v31, v32;
	v43 =	vor.u32 v41, v42  }
0x267: {  	v45 =	vshll.u32 v29, $0x8;
	vm1 =	vgt.u32 v27, $0x800001FF;
	v27 =	vld.idx.msk [tilespmem:v40+s21+$0x0], $0xffff;
	v33 =	vxor.u32 v31, v43  }
0x268: {  	v29 =	vshll.u32 v29, $0x7;
	v37 =	vshrl.u32 v33, $0x6;
	v38 =	vshll.u32 v33, $0x1A  }
0x269: {  	v35 =	vand.u32 $0xFFFFF800, v45;
	v31 =	vadd.s32 v31, v33;
	v46 =	vor.u32 v37, v38  }
0x26a: {  	v29 =	vand.u32 $0x380, v29;
	v30 =	vadd.s32 v35, v30;
	v33 =	vxor.u32 v31, v46  }
0x26b: {  	v50 =	vmul.u32 $0xE0, v28;
	v47 =	vshrl.u32 v33, $0x1A;
	v48 =	vshll.u32 v33, $0x6  }
0x26c: {  	v51 =	vadd.s32 v1, v27;
	v31 =	vadd.s32 v31, v33;
	v49 =	vor.u32 v47, v48  }
0x26d: {  	v29 =	vor.u32 v29, v30;
	v35 =	vadd.s32 v50, v51;
	v33 =	vxor.u32 v31, v49  }
0x26e: {  	v53 =	vadd.s32 $0xADD083F4, v35;
	v35 =	vadd.s32 $0xB1A83721, v35;
	v33 =	vadd.s32 $0xADD083F7, v33  }
0x26f: {  	v55 =	vshrl.u32 v53, $0x13;
	v52 =	vadd.s32 v33, v31;
	v31 =	vshll.u32 v53, $0xD  }
0x270: {  	v54 =	vshrl.u32 v33, $0xF;
	v33 =	vshll.u32 v33, $0x11;
	v31 =	vor.u32 v55, v31  }
0x271: {  	v30 =	vadd.s32 $0x3D7B32D, v52;
	v33 =	vor.u32 v54, v33;
	v31 =	vxor.u32 v35, v31  }
0x272: {  	vm2 =	vlt.s32 v34, v23;
	v33 =	vxor.u32 v30, v33;
	v56 =	vshrl.u32 v31, $0x11  }
0x273: {  	v57 =	vshll.u32 v31, $0xF;
	v30 =	vadd.s32 v30, v33;
	v31 =	vadd.s32 v35, v31  }
0x274: {  	v59 =	vshrl.u32 v33, $0x3;
	v33 =	vshll.u32 v33, $0x1D;
	v58 =	vor.u32 v56, v57  }
0x275: {  	v29 =	vor.u32 v44, v29;
	v33 =	vor.u32 v59, v33;
	v35 =	vxor.u32 v31, v58  }
0x276: {  	v33 =	vxor.u32 v30, v33;
	v60 =	vshrl.u32 v35, $0x6;
	v61 =	vshll.u32 v35, $0x1A  }
0x277: {  	v30 =	vadd.s32 v30, v33;
	v63 =	vshrl.u32 v33, $0x10;
	v33 =	vshll.u32 v33, $0x10  }
0x278: {  	s8 =	sadd.s32 $0x3, s4;
	v31 =	vadd.s32 v31, v35;
	v62 =	vor.u32 v60, v61;
	v33 =	vor.u32 v63, v33  }
0x279: {  	v50 =	vadd.s32 s8, v7;
	v35 =	vxor.u32 v31, v62;
	v43 =	vxor.u32 v30, v33  }
0x27a: {  	v40 =	vshrl.u32 v35, $0x1A;
	v41 =	vshll.u32 v35, $0x6;
	v31 =	vadd.s32 v31, v35  }
0x27b: {  	v46 =	vshrl.u32 v43, $0x8;
	v32 =	vshll.u32 v43, $0x18;
	v42 =	vor.u32 v40, v41  }
0x27c: {  	v45 =	vadd.s32 v30, v43;
	v32 =	vor.u32 v46, v32;
	v44 =	vxor.u32 v31, v42  }
0x27d: {  	v30 =	vmov s7;
	v32 =	vxor.u32 v45, v32;
	v33 =	vadd.s32 $0xB5D62B04, v44  }
0x27e: {  	v32 =	vadd.s32 $0xB5D62B07, v32;
	v31 =	vadd.s32 v33, v31;
	v47 =	vshrl.u32 v33, $0xF  }
0x27f: {  	v33 =	vshll.u32 v33, $0x11;
	v52 =	vadd.s32 v32, v45;
	v56 =	vshrl.u32 v32, $0x13  }
0x280: {  	v57 =	vshll.u32 v32, $0xD;
	v31 =	vadd.s32 $0xADD083F4, v31;
	v33 =	vor.u32 v47, v33  }
0x281: {  	v34 =	vadd.s32 $0xADD083F4, v52;
	v35 =	vor.u32 v56, v57;
	v33 =	vxor.u32 v31, v33  }
0x282: {  	v32 =	vld.idx.msk [tilespmem:v50+s20+$0x0], $0xffff;
	v35 =	vxor.u32 v34, v35;
	v48 =	vshrl.u32 v33, $0x3;
	v49 =	vshll.u32 v33, $0x1D  }
0x283: {  	v31 =	vadd.s32 v31, v33;
	v60 =	vshrl.u32 v35, $0x11;
	v61 =	vshll.u32 v35, $0xF  }
0x284: {  	v34 =	vadd.s32 v34, v35;
	v51 =	vor.u32 v48, v49;
	v62 =	vor.u32 v60, v61  }
0x285: {  	vm4 =	vlt.s32 v30, v23;
	v33 =	vxor.u32 v31, v51;
	v35 =	vxor.u32 v34, v62  }
0x286: {  	v53 =	vshrl.u32 v33, $0x10;
	v54 =	vshll.u32 v33, $0x10;
	v33 =	vadd.s32 v31, v33;
	v31 =	vld.idx.msk [tilespmem:v50+s21+$0x0], $0xffff  }
0x287: {  	v63 =	vmul.u32 $0xE0, v32;
	v34 =	vadd.s32 v34, v35;
	v55 =	vor.u32 v53, v54  }
0x288: {  	v58 =	vxor.u32 v33, v55;
	v55 =	vshrl.u32 v35, $0x6;
	v35 =	vshll.u32 v35, $0x1A  }
0x289: {  	v59 =	vshrl.u32 v58, $0x8;
	v39 =	vshll.u32 v58, $0x18;
	v35 =	vor.u32 v55, v35  }
0x28a: {  	v33 =	vadd.s32 v33, v58;
	v36 =	vor.u32 v59, v39;
	v35 =	vxor.u32 v34, v35  }
0x28b: {  	v36 =	vxor.u32 v33, v36;
	v43 =	vadd.s32 v1, v31;
	v34 =	vadd.s32 v34, v35  }
0x28c: {  	v36 =	vadd.s32 $0x3D7B32F, v36;
	v37 =	vadd.s32 v63, v43;
	v63 =	vshrl.u32 v35, $0x1A  }
0x28d: {  	v35 =	vshll.u32 v35, $0x6;
	v33 =	vadd.s32 v36, v33;
	v42 =	vshrl.u32 v36, $0x13  }
0x28e: {  	v36 =	vshll.u32 v36, $0xD;
	v44 =	vadd.s32 $0xADD083F4, v37;
	v37 =	vadd.s32 $0xB1A83721, v37  }
0x28f: {  	v35 =	vor.u32 v63, v35;
	v33 =	vadd.s32 $0xB5D62B03, v33;
	v36 =	vor.u32 v42, v36  }
0x290: {  	v40 =	vshrl.u32 v44, $0x13;
	v38 =	vshll.u32 v44, $0xD;
	v35 =	vxor.u32 v34, v35  }
0x291: {  	v34 =	vadd.s32 $0xB5D62B03, v34;
	v36 =	vxor.u32 v33, v36;
	v38 =	vor.u32 v40, v38  }
0x292: {  	v35 =	vadd.s32 $0x3D7B332, v35;
	v45 =	vshrl.u32 v36, $0x11;
	v46 =	vshll.u32 v36, $0xF  }
0x293: {  	v33 =	vadd.s32 v33, v36;
	v38 =	vxor.u32 v37, v38;
	v47 =	vor.u32 v45, v46  }
0x294: {  	v48 =	vshrl.u32 v38, $0x11;
	v49 =	vshll.u32 v38, $0xF;
	v36 =	vxor.u32 v33, v47  }
0x295: {  	v37 =	vadd.s32 v37, v38;
	v50 =	vor.u32 v48, v49;
	v33 =	vadd.s32 v33, v36  }
0x296: {  	v51 =	vshrl.u32 v36, $0x6;
	v36 =	vshll.u32 v36, $0x1A;
	v38 =	vxor.u32 v37, v50  }
0x297: {  	v36 =	vor.u32 v51, v36;
	v52 =	vshrl.u32 v38, $0x6;
	v53 =	vshll.u32 v38, $0x1A  }
0x298: {  	v37 =	vadd.s32 v37, v38;
	v36 =	vxor.u32 v33, v36;
	v54 =	vor.u32 v52, v53  }
0x299: {  	v34 =	vxor.u32 v34, v35;
	v33 =	vadd.s32 v33, v36;
	v38 =	vxor.u32 v37, v54  }
0x29a: {  	v57 =	vshrl.u32 v36, $0x1A;
	v36 =	vshll.u32 v36, $0x6;
	v37 =	vadd.s32 v37, v38  }
0x29b: {  	v56 =	vshrl.u32 v38, $0x1A;
	v38 =	vshll.u32 v38, $0x6;
	v36 =	vor.u32 v57, v36  }
0x29c: {  	vm3 =	vgt.u32 v34, $0x800001FF;
	v38 =	vor.u32 v56, v38;
	v36 =	vxor.u32 v33, v36  }
0x29d: {  	v52 =	vshll.u32 v26, $0x8;
	v38 =	vxor.u32 v37, v38;
	v36 =	vadd.s32 $0xADD083F7, v36  }
0x29e: {  	v38 =	vadd.s32 $0xB5D62B04, v38;
	v33 =	vadd.s32 v36, v33;
	v61 =	vshrl.u32 v36, $0xF  }
0x29f: {  	v36 =	vshll.u32 v36, $0x11;
	v58 =	vshrl.u32 v38, $0xF;
	v59 =	vshll.u32 v38, $0x11  }
0x2a0: {  	v37 =	vadd.s32 v38, v37;
	v36 =	vor.u32 v61, v36;
	v33 =	vadd.s32 $0x3D7B32D, v33  }
0x2a1: {  	v60 =	vor.u32 v58, v59;
	v37 =	vadd.s32 $0xADD083F4, v37;
	v36 =	vxor.u32 v33, v36  }
0x2a2: {  	v53 =	vshll.u32 v25, $0x3;
	v38 =	vxor.u32 v37, v60;
	v33 =	vadd.s32 v33, v36  }
0x2a3: {  	v43 =	vshrl.u32 v36, $0x3;
	v36 =	vshll.u32 v36, $0x1D;
	v37 =	vadd.s32 v37, v38  }
0x2a4: {  	v62 =	vshrl.u32 v38, $0x3;
	v38 =	vshll.u32 v38, $0x1D;
	v36 =	vor.u32 v43, v36  }
0x2a5: {  	v26 =	vshll.u32 v26, $0x7;
	v38 =	vor.u32 v62, v38;
	v45 =	vxor.u32 v33, v36  }
0x2a6: {  	v38 =	vxor.u32 v37, v38;
	v47 =	vshrl.u32 v45, $0x10;
	v49 =	vshll.u32 v45, $0x10  }
0x2a7: {  	v37 =	vadd.s32 v37, v38;
	v42 =	vshrl.u32 v38, $0x10;
	v38 =	vshll.u32 v38, $0x10  }
0x2a8: {  	v33 =	vadd.s32 v33, v45;
	v34 =	vor.u32 v47, v49;
	v38 =	vor.u32 v42, v38  }
0x2a9: {  	v25 =	vand.u32 $0x7F, v25;
	v34 =	vxor.u32 v33, v34;
	v38 =	vxor.u32 v37, v38  }
0x2aa: {  	v33 =	vadd.s32 v33, v34;
	v55 =	vshrl.u32 v34, $0x8;
	v34 =	vshll.u32 v34, $0x18  }
0x2ab: {  	v37 =	vadd.s32 v37, v38;
	v44 =	vshrl.u32 v38, $0x8;
	v38 =	vshll.u32 v38, $0x18  }
0x2ac: {  	v26 =	vand.u32 $0x380, v26;
	v34 =	vor.u32 v55, v34;
	v38 =	vor.u32 v44, v38  }
0x2ad: {  	v55 =	vshll.u32 v31, $0x3;
	v31 =	vand.u32 $0x7F, v31;
	v46 =	vxor.u32 v37, v38  }
0x2ae: {  	v34 =	vxor.u32 v33, v34;
	v38 =	vand.u32 $0xFFFFF800, v52;
	v36 =	vadd.s32 $0x3D7B32F, v46  }
0x2af: {  	v37 =	vadd.s32 v36, v37;
	v48 =	vshrl.u32 v36, $0x13;
	v36 =	vshll.u32 v36, $0xD  }
0x2b0: {  	v34 =	vadd.s32 $0xB5D62B07, v34;
	v36 =	vor.u32 v48, v36;
	v37 =	vadd.s32 $0xB5D62B03, v37  }
0x2b1: {  	v33 =	vadd.s32 v34, v33;
	v57 =	vshrl.u32 v34, $0x13;
	v50 =	vxor.u32 v37, v36  }
0x2b2: {  	v34 =	vshll.u32 v34, $0xD;
	v51 =	vshrl.u32 v50, $0x11;
	v35 =	vshll.u32 v50, $0xF  }
0x2b3: {  	v46 =	vshll.u32 v28, $0x8;
	v36 =	vadd.s32 v37, v50;
	v35 =	vor.u32 v51, v35  }
0x2b4: {  	v28 =	vshll.u32 v28, $0x7;
	v33 =	vadd.s32 $0xADD083F4, v33;
	v35 =	vxor.u32 v36, v35  }
0x2b5: {  	v36 =	vadd.s32 v36, v35;
	v54 =	vshrl.u32 v35, $0x6;
	v35 =	vshll.u32 v35, $0x1A  }
0x2b6: {  	v34 =	vor.u32 v57, v34;
	v28 =	vand.u32 $0x380, v28;
	v35 =	vor.u32 v54, v35  }
0x2b7: {  	v57 =	vand.u32 $0xFFFFFC00, v55;
	v34 =	vxor.u32 v33, v34;
	v35 =	vxor.u32 v36, v35  }
0x2b8: {  	v36 =	vadd.s32 v36, v35;
	v56 =	vshrl.u32 v35, $0x1A;
	v35 =	vshll.u32 v35, $0x6  }
0x2b9: {  	v48 =	vshll.u32 v27, $0x3;
	v27 =	vand.u32 $0x7F, v27;
	v35 =	vor.u32 v56, v35  }
0x2ba: {  	v33 =	vadd.s32 v33, v34;
	v62 =	vshrl.u32 v34, $0x11;
	v35 =	vxor.u32 v36, v35  }
0x2bb: {  	v34 =	vshll.u32 v34, $0xF;
	v37 =	vand.u32 $0xFFFFFC00, v53;
	v35 =	vadd.s32 $0xADD083F7, v35  }
0x2bc: {  	v36 =	vadd.s32 v35, v36;
	v58 =	vshrl.u32 v35, $0xF;
	v35 =	vshll.u32 v35, $0x11  }
0x2bd: {  	v37 =	vadd.s32 v38, v37;
	v36 =	vadd.s32 $0x3D7B32D, v36;
	v35 =	vor.u32 v58, v35  }
0x2be: {  	v34 =	vor.u32 v62, v34;
	v26 =	vor.u32 v26, v37;
	v35 =	vxor.u32 v36, v35  }
0x2bf: {  	v25 =	vor.u32 v25, v26;
	v59 =	vshrl.u32 v35, $0x3;
	v60 =	vshll.u32 v35, $0x1D  }
0x2c0: {  	v26 =	vxor.u32 v33, v34;
	v35 =	vadd.s32 v36, v35;
	v61 =	vor.u32 v59, v60  }
0x2c1: {  	v37 =	vand.u32 $0xFFFFFC00, v48;
	v43 =	vshrl.u32 v26, $0x6;
	v36 =	vxor.u32 v35, v61  }
0x2c2: {  	v44 =	vshll.u32 v26, $0x1A;
	v63 =	vshrl.u32 v36, $0x10;
	v40 =	vshll.u32 v36, $0x10  }
0x2c3: {  	v26 =	vadd.s32 v33, v26;
	v35 =	vadd.s32 v35, v36;
	v41 =	vor.u32 v63, v40  }
0x2c4: {  	v54 =	vshll.u32 v32, $0x8;
	v32 =	vshll.u32 v32, $0x7;
	v42 =	vxor.u32 v35, v41  }
0x2c5: {  	v45 =	vor.u32 v43, v44;
	v36 =	vshrl.u32 v42, $0x8;
	v34 =	vshll.u32 v42, $0x18  }
0x2c6: {  	v33 =	vxor.u32 v26, v45;
	v35 =	vadd.s32 v35, v42;
	v34 =	vor.u32 v36, v34  }
0x2c7: {  	v32 =	vand.u32 $0x380, v32;
	v26 =	vadd.s32 v26, v33;
	v34 =	vxor.u32 v35, v34  }
0x2c8: {  	v52 =	vshrl.u32 v33, $0x1A;
	v33 =	vshll.u32 v33, $0x6;
	v34 =	vadd.s32 $0xB5D62B07, v34  }
0x2c9: {  	v35 =	vadd.s32 v34, v35;
	v47 =	vshrl.u32 v34, $0x13;
	v34 =	vshll.u32 v34, $0xD  }
0x2ca: {  	v56 =	vand.u32 $0xFFFFF800, v54;
	v34 =	vor.u32 v47, v34;
	v35 =	vadd.s32 $0xADD083F4, v35  }
0x2cb: {  	v33 =	vor.u32 v52, v33;
	v30 =	vadd.s32 v56, v57;
	v34 =	vxor.u32 v35, v34  }
0x2cc: {  	v36 =	vand.u32 $0xFFFFF800, v46;
	v49 =	vshrl.u32 v34, $0x11;
	v50 =	vshll.u32 v34, $0xF  }
0x2cd: {  	v36 =	vadd.s32 v36, v37;
	v34 =	vadd.s32 v35, v34;
	v51 =	vor.u32 v49, v50  }
0x2ce: {  	v30 =	vor.u32 v32, v30;
	v28 =	vor.u32 v28, v36;
	v53 =	vxor.u32 v34, v51  }
0x2cf: {  	v27 =	vor.u32 v27, v28;
	v35 =	vshrl.u32 v53, $0x6;
	v28 =	vshll.u32 v53, $0x1A  }
0x2d0: {  	v30 =	vor.u32 v31, v30;
	v34 =	vadd.s32 v34, v53;
	v28 =	vor.u32 v35, v28  }
0x2d1: {  	v58 =	vsel vm1, $0x3F800000, v22;
	v59 =	vmov s8;
	v28 =	vxor.u32 v34, v28  }
0x2d2: {  	v34 =	vadd.s32 v34, v28;
	v60 =	vshrl.u32 v28, $0x1A;
	v28 =	vshll.u32 v28, $0x6  }
0x2d3: {  	s4 =	sadd.s32 $0x4, s4;
	vm13 =	vlt.s32 v59, v23;
	v61 =	vxor.u32 v26, v33;
	v28 =	vor.u32 v60, v28  }
0x2d4: {  	p3 =	slt.s32 s4, s0;
	v26 =	vadd.s32 $0xB5D62B03, v26;
	v31 =	vadd.s32 $0x3D7B332, v61;
	v28 =	vxor.u32 v34, v28  }
.Ltmp9:
0x2d5: {  	v26 =	vxor.u32 v26, v31;
	v62 =	vadd.s32 $0xB5D62B03, v34;
	v28 =	vadd.s32 $0x3D7B332, v28;
	(pc) =	sbr.rel @p3 .LBB2_13-.Ltmp9, $4  }
0x2d6: {  	[tilespmem:v29+s23+$0x0] =	vst.idx.msk vm0, v58;
	v63 =	vsel vm3, $0x3F800000, v22;
	vm14 =	vgt.u32 v26, $0x800001FF;
	v26 =	vxor.u32 v62, v28  }
0x2d7: {  	[tilespmem:v25+s23+$0x0] =	vst.idx.msk vm2, v63;
	v25 =	vsel vm14, $0x3F800000, v22;
	vm15 =	vgt.u32 v26, $0x800001FF  }
0x2d8: {  	[tilespmem:v27+s23+$0x0] =	vst.idx.msk vm4, v25;
	v25 =	vsel vm15, $0x3F800000, v22  }
0x2d9: {  	[tilespmem:v30+s23+$0x0] =	vst.idx.msk vm13, v25  }
.LBB2_14:
0x2da: {  	p3 =	sge.s32 s0, s31  }
.Ltmp10:
0x2db: {  	_ = 	snop;
	(pc) =	sbr.rel @p3 .LBB2_17-.Ltmp10, $3  }
0x2dc: {  	_ =	sdelay $0x1  }
0x2dd: {  	s6 =	ssub.s32 s31, s0  }
0x2de: {  	s4 =	ssub.s32 $0x0, s6  }
0x2df: {  	s7 =	ssub.s32 $0x0, s6  }
.LBB2_16:
0x2e0: {  	s8 =	sadd.s32 s7, s31  }
0x2e1: {  	v25 =	vadd.s32 s8, v7;
	_ =	sdelay $0x4  }
0x2e2: {  	v26 =	vld.idx.msk [tilespmem:v25+s20+$0x0], $0xffff  }
0x2e3: {  	v25 =	vld.idx.msk [tilespmem:v25+s21+$0x0], $0xffff;
	_ =	sdelay $0x3  }
0x2e4: {  	v27 =	vmul.u32 $0xE0, v26  }
0x2e5: {  	v28 =	vadd.s32 v1, v25  }
0x2e6: {  	v27 =	vadd.s32 v27, v28  }
0x2e7: {  	v28 =	vadd.s32 $0xADD083F4, v27  }
0x2e8: {  	v29 =	vshrl.u32 v28, $0x13;
	v28 =	vshll.u32 v28, $0xD  }
0x2e9: {  	v27 =	vadd.s32 $0xB1A83721, v27;
	v28 =	vor.u32 v29, v28  }
0x2ea: {  	v28 =	vxor.u32 v27, v28  }
0x2eb: {  	v50 =	vshrl.u32 v28, $0x11;
	v30 =	vshll.u32 v28, $0xF  }
0x2ec: {  	v27 =	vadd.s32 v27, v28;
	v51 =	vor.u32 v50, v30  }
0x2ed: {  	v28 =	vxor.u32 v27, v51  }
0x2ee: {  	v52 =	vshrl.u32 v28, $0x6;
	v53 =	vshll.u32 v28, $0x1A  }
0x2ef: {  	v27 =	vadd.s32 v27, v28;
	v54 =	vor.u32 v52, v53  }
0x2f0: {  	v28 =	vxor.u32 v27, v54  }
0x2f1: {  	v55 =	vshrl.u32 v28, $0x1A;
	v56 =	vshll.u32 v28, $0x6  }
0x2f2: {  	v27 =	vadd.s32 v27, v28;
	v57 =	vor.u32 v55, v56  }
0x2f3: {  	v28 =	vxor.u32 v27, v57  }
0x2f4: {  	v28 =	vadd.s32 $0xB5D62B04, v28  }
0x2f5: {  	v27 =	vadd.s32 v28, v27;
	v58 =	vshrl.u32 v28, $0xF;
	v28 =	vshll.u32 v28, $0x11  }
0x2f6: {  	v27 =	vadd.s32 $0xADD083F4, v27;
	v28 =	vor.u32 v58, v28  }
0x2f7: {  	v28 =	vxor.u32 v27, v28  }
0x2f8: {  	v59 =	vshrl.u32 v28, $0x3;
	v60 =	vshll.u32 v28, $0x1D  }
0x2f9: {  	v27 =	vadd.s32 v27, v28;
	v61 =	vor.u32 v59, v60  }
0x2fa: {  	v28 =	vxor.u32 v27, v61  }
0x2fb: {  	v62 =	vshrl.u32 v28, $0x10;
	v63 =	vshll.u32 v28, $0x10  }
0x2fc: {  	v27 =	vadd.s32 v27, v28;
	v32 =	vor.u32 v62, v63  }
0x2fd: {  	v28 =	vxor.u32 v27, v32  }
0x2fe: {  	v33 =	vshrl.u32 v28, $0x8;
	v34 =	vshll.u32 v28, $0x18  }
0x2ff: {  	v27 =	vadd.s32 v27, v28;
	v35 =	vor.u32 v33, v34  }
0x300: {  	v28 =	vxor.u32 v27, v35  }
0x301: {  	v28 =	vadd.s32 $0x3D7B32F, v28  }
0x302: {  	v27 =	vadd.s32 v28, v27;
	v36 =	vshrl.u32 v28, $0x13;
	v28 =	vshll.u32 v28, $0xD  }
0x303: {  	v27 =	vadd.s32 $0xB5D62B03, v27;
	v28 =	vor.u32 v36, v28  }
0x304: {  	v28 =	vxor.u32 v27, v28  }
0x305: {  	v37 =	vshrl.u32 v28, $0x11;
	v38 =	vshll.u32 v28, $0xF  }
0x306: {  	v27 =	vadd.s32 v27, v28;
	v39 =	vor.u32 v37, v38  }
0x307: {  	v28 =	vxor.u32 v27, v39  }
0x308: {  	v40 =	vshrl.u32 v28, $0x6;
	v41 =	vshll.u32 v28, $0x1A  }
0x309: {  	v27 =	vadd.s32 v27, v28;
	v42 =	vor.u32 v40, v41  }
0x30a: {  	v28 =	vxor.u32 v27, v42  }
0x30b: {  	v43 =	vshrl.u32 v28, $0x1A;
	v44 =	vshll.u32 v28, $0x6  }
0x30c: {  	v27 =	vadd.s32 v27, v28;
	v45 =	vor.u32 v43, v44  }
0x30d: {  	v28 =	vxor.u32 v27, v45  }
0x30e: {  	v28 =	vadd.s32 $0xADD083F7, v28  }
0x30f: {  	v27 =	vadd.s32 v28, v27;
	v46 =	vshrl.u32 v28, $0xF;
	v28 =	vshll.u32 v28, $0x11  }
0x310: {  	v27 =	vadd.s32 $0x3D7B32D, v27;
	v28 =	vor.u32 v46, v28  }
0x311: {  	v28 =	vxor.u32 v27, v28  }
0x312: {  	v47 =	vshrl.u32 v28, $0x3;
	v48 =	vshll.u32 v28, $0x1D  }
0x313: {  	v27 =	vadd.s32 v27, v28;
	v49 =	vor.u32 v47, v48  }
0x314: {  	v28 =	vxor.u32 v27, v49  }
0x315: {  	v50 =	vshrl.u32 v28, $0x10;
	v51 =	vshll.u32 v28, $0x10  }
0x316: {  	v27 =	vadd.s32 v27, v28;
	v52 =	vor.u32 v50, v51  }
0x317: {  	v28 =	vxor.u32 v27, v52  }
0x318: {  	v53 =	vshrl.u32 v28, $0x8;
	v54 =	vshll.u32 v28, $0x18  }
0x319: {  	v27 =	vadd.s32 v27, v28;
	v55 =	vor.u32 v53, v54  }
0x31a: {  	v28 =	vxor.u32 v27, v55  }
0x31b: {  	v28 =	vadd.s32 $0xB5D62B07, v28  }
0x31c: {  	v27 =	vadd.s32 v28, v27;
	v56 =	vshrl.u32 v28, $0x13;
	v28 =	vshll.u32 v28, $0xD  }
0x31d: {  	v27 =	vadd.s32 $0xADD083F4, v27;
	v28 =	vor.u32 v56, v28  }
0x31e: {  	v59 =	vmov s8;
	v28 =	vxor.u32 v27, v28  }
0x31f: {  	vm0 =	vlt.s32 v59, v23;
	v57 =	vshrl.u32 v28, $0x11;
	v58 =	vshll.u32 v28, $0xF  }
0x320: {  	v61 =	vshll.u32 v26, $0x8;
	v27 =	vadd.s32 v27, v28;
	v29 =	vor.u32 v57, v58  }
0x321: {  	v26 =	vshll.u32 v26, $0x7;
	v62 =	vshll.u32 v25, $0x3;
	v60 =	vxor.u32 v27, v29  }
0x322: {  	v30 =	vand.u32 $0xFFFFFC00, v62;
	v29 =	vshrl.u32 v60, $0x6;
	v28 =	vshll.u32 v60, $0x1A  }
0x323: {  	v27 =	vadd.s32 v27, v60;
	v28 =	vor.u32 v29, v28;
	v29 =	vand.u32 $0xFFFFF800, v61  }
0x324: {  	v26 =	vand.u32 $0x380, v26;
	v28 =	vxor.u32 v27, v28;
	v29 =	vadd.s32 v29, v30  }
0x325: {  	v27 =	vadd.s32 v27, v28;
	v63 =	vshrl.u32 v28, $0x1A;
	v28 =	vshll.u32 v28, $0x6  }
0x326: {  	s7 =	sadd.s32 $0x1, s7;
	v25 =	vand.u32 $0x7F, v25;
	v26 =	vor.u32 v26, v29;
	v28 =	vor.u32 v63, v28  }
0x327: {  	p4 =	seq.s32 s7, $0x0;
	v25 =	vor.u32 v25, v26;
	v28 =	vxor.u32 v27, v28  }
.Ltmp11:
0x328: {  	v26 =	vadd.s32 $0xB5D62B03, v27;
	v27 =	vadd.s32 $0x3D7B332, v28;
	(pc) =	sbr.rel @!p4 .LBB2_16-.Ltmp11, $4  }
0x329: {  	v26 =	vxor.u32 v26, v27  }
0x32a: {  	vm1 =	vgt.u32 v26, $0x800001FF  }
0x32b: {  	v26 =	vsel vm1, $0x3F800000, v22  }
0x32c: {  	[tilespmem:v25+s23+$0x0] =	vst.idx.msk vm0, v26  }
.LBB2_17:
0x32d: {  	s7 =	rddreg [dreg:$0x9]  }
0x32e: {  	[hbm4b:s7+s2] =	stream.linear.scatter [tilespmem:s23], [sflag:$0x5], $0x7000, $0x38;
	[tilespmem:$0x1F000] =	vst v63  }
0x32f: {  	_ =	swait.ge [sflag:s28], $0x7000  }
0x330: {  	[sflag:s28] =	ssyncset.done $0x0  }
.Ltmp12:
0x331: {  	[sflag:s28] =	ssyncadd.s32 $0xFFFF9000;
	(pc) =	sbr.rel @p0 .LBB2_20-.Ltmp12, $4  }
0x332: {  	[tilespmem:s23], [sflag:$0x3] =	stream.linear.gather [hbm4b:s9+s2], $0x7000, $0x38;
	[tilespmem:$0x1F000] =	vst v63  }
0x333: {  	_ =	swait.ge [sflag:s24], $0x7000  }
0x334: {  	[sflag:s24] =	ssyncset.done $0x0  }
0x335: {  	[sflag:s24] =	ssyncadd.s32 $0xFFFF9000  }
0x336: {  	s7 =	simm.s32 $0x0  }
.LBB2_19:
0x337: {  	v25 =	vadd.s32 s7, v7;
	_ =	sdelay $0x4  }
0x338: {  	v29 =	vld.idx.msk [tilespmem:v25+s18+$0x0], $0xffff  }
0x339: {  	v30 =	vld.idx.msk [tilespmem:v25+s19+$0x0], $0xffff;
	_ =	sdelay $0x3  }
0x33a: {  	v25 =	vmul.u32 $0xE0, v29  }
0x33b: {  	v26 =	vadd.s32 v2, v30  }
0x33c: {  	v25 =	vadd.s32 v25, v26  }
0x33d: {  	v26 =	vadd.s32 $0xADD083F4, v25  }
0x33e: {  	v27 =	vshrl.u32 v26, $0x13;
	v26 =	vshll.u32 v26, $0xD  }
0x33f: {  	v25 =	vadd.s32 $0xB1A83721, v25;
	v26 =	vor.u32 v27, v26  }
0x340: {  	v26 =	vxor.u32 v25, v26  }
0x341: {  	v27 =	vshrl.u32 v26, $0x11;
	v28 =	vshll.u32 v26, $0xF  }
0x342: {  	v25 =	vadd.s32 v25, v26;
	v26 =	vor.u32 v27, v28  }
0x343: {  	v26 =	vxor.u32 v25, v26  }
0x344: {  	v27 =	vshrl.u32 v26, $0x6;
	v49 =	vshll.u32 v26, $0x1A  }
0x345: {  	v25 =	vadd.s32 v25, v26;
	v26 =	vor.u32 v27, v49  }
0x346: {  	v26 =	vxor.u32 v25, v26  }
0x347: {  	v27 =	vshrl.u32 v26, $0x1A;
	v50 =	vshll.u32 v26, $0x6  }
0x348: {  	v25 =	vadd.s32 v25, v26;
	v26 =	vor.u32 v27, v50  }
0x349: {  	v26 =	vxor.u32 v25, v26  }
0x34a: {  	v26 =	vadd.s32 $0xB5D62B04, v26  }
0x34b: {  	v25 =	vadd.s32 v26, v25;
	v27 =	vshrl.u32 v26, $0xF;
	v26 =	vshll.u32 v26, $0x11  }
0x34c: {  	v25 =	vadd.s32 $0xADD083F4, v25;
	v26 =	vor.u32 v27, v26  }
0x34d: {  	v26 =	vxor.u32 v25, v26  }
0x34e: {  	v27 =	vshrl.u32 v26, $0x3;
	v51 =	vshll.u32 v26, $0x1D  }
0x34f: {  	v25 =	vadd.s32 v25, v26;
	v26 =	vor.u32 v27, v51  }
0x350: {  	v26 =	vxor.u32 v25, v26  }
0x351: {  	v27 =	vshrl.u32 v26, $0x10;
	v52 =	vshll.u32 v26, $0x10  }
0x352: {  	v25 =	vadd.s32 v25, v26;
	v26 =	vor.u32 v27, v52  }
0x353: {  	v26 =	vxor.u32 v25, v26  }
0x354: {  	v27 =	vshrl.u32 v26, $0x8;
	v53 =	vshll.u32 v26, $0x18  }
0x355: {  	v25 =	vadd.s32 v25, v26;
	v26 =	vor.u32 v27, v53  }
0x356: {  	v26 =	vxor.u32 v25, v26  }
0x357: {  	v26 =	vadd.s32 $0x3D7B32F, v26  }
0x358: {  	v25 =	vadd.s32 v26, v25;
	v27 =	vshrl.u32 v26, $0x13;
	v26 =	vshll.u32 v26, $0xD  }
0x359: {  	v25 =	vadd.s32 $0xB5D62B03, v25;
	v26 =	vor.u32 v27, v26  }
0x35a: {  	v26 =	vxor.u32 v25, v26  }
0x35b: {  	s8 =	sadd.s32 $0x1, s7;
	v27 =	vshrl.u32 v26, $0x11;
	v54 =	vshll.u32 v26, $0xF  }
0x35c: {  	v25 =	vadd.s32 v25, v26;
	v26 =	vor.u32 v27, v54;
	v27 =	vadd.s32 s8, v7  }
0x35d: {  	v26 =	vxor.u32 v25, v26  }
0x35e: {  	v55 =	vshrl.u32 v26, $0x6;
	v31 =	vshll.u32 v26, $0x1A  }
0x35f: {  	v25 =	vadd.s32 v25, v26;
	v26 =	vor.u32 v55, v31  }
0x360: {  	v28 =	vxor.u32 v25, v26  }
0x361: {  	v56 =	vshrl.u32 v28, $0x1A;
	v32 =	vshll.u32 v28, $0x6;
	v26 =	vld.idx.msk [tilespmem:v27+s18+$0x0], $0xffff  }
0x362: {  	v28 =	vadd.s32 v25, v28;
	v25 =	vld.idx.msk [tilespmem:v27+s19+$0x0], $0xffff;
	v31 =	vor.u32 v56, v32  }
0x363: {  	v27 =	vxor.u32 v28, v31  }
0x364: {  	v27 =	vadd.s32 $0xADD083F7, v27  }
0x365: {  	v48 =	vmov s7;
	v28 =	vadd.s32 v27, v28  }
0x366: {  	v57 =	vshrl.u32 v27, $0xF;
	v27 =	vshll.u32 v27, $0x11;
	v58 =	vmul.u32 $0xE0, v26  }
0x367: {  	v28 =	vadd.s32 $0x3D7B32D, v28;
	v27 =	vor.u32 v57, v27;
	v59 =	vadd.s32 v2, v25  }
0x368: {  	vm0 =	vlt.s32 v48, v24;
	v27 =	vxor.u32 v28, v27;
	v31 =	vadd.s32 v58, v59  }
0x369: {  	v28 =	vadd.s32 v28, v27;
	v60 =	vshrl.u32 v27, $0x3;
	v27 =	vshll.u32 v27, $0x1D  }
0x36a: {  	v33 =	vadd.s32 $0xADD083F4, v31;
	v27 =	vor.u32 v60, v27;
	v31 =	vadd.s32 $0xB1A83721, v31  }
0x36b: {  	v34 =	vshrl.u32 v33, $0x13;
	v33 =	vshll.u32 v33, $0xD;
	v27 =	vxor.u32 v28, v27  }
0x36c: {  	v61 =	vor.u32 v34, v33;
	v62 =	vshrl.u32 v27, $0x10;
	v36 =	vshll.u32 v27, $0x10  }
0x36d: {  	v27 =	vadd.s32 v28, v27;
	v34 =	vmov s8;
	v32 =	vxor.u32 v31, v61  }
0x36e: {  	v40 =	vor.u32 v62, v36;
	v63 =	vshrl.u32 v32, $0x11;
	v35 =	vshll.u32 v32, $0xF  }
0x36f: {  	v31 =	vadd.s32 v31, v32;
	v28 =	vxor.u32 v27, v40;
	v39 =	vor.u32 v63, v35  }
0x370: {  	v27 =	vadd.s32 v27, v28;
	v44 =	vshrl.u32 v28, $0x8;
	v32 =	vxor.u32 v31, v39  }
0x371: {  	v28 =	vshll.u32 v28, $0x18;
	v41 =	vshrl.u32 v32, $0x6;
	v42 =	vshll.u32 v32, $0x1A  }
0x372: {  	s8 =	sadd.s32 $0x2, s7;
	v28 =	vor.u32 v44, v28;
	v31 =	vadd.s32 v31, v32;
	v43 =	vor.u32 v41, v42  }
0x373: {  	v40 =	vadd.s32 s8, v7;
	v28 =	vxor.u32 v27, v28;
	v32 =	vxor.u32 v31, v43  }
0x374: {  	v28 =	vadd.s32 $0xB5D62B07, v28;
	v45 =	vshrl.u32 v32, $0x1A;
	v46 =	vshll.u32 v32, $0x6  }
0x375: {  	v27 =	vadd.s32 v28, v27;
	v31 =	vadd.s32 v31, v32;
	v47 =	vor.u32 v45, v46  }
0x376: {  	v49 =	vshrl.u32 v28, $0x13;
	v28 =	vshll.u32 v28, $0xD;
	v32 =	vxor.u32 v31, v47  }
0x377: {  	v27 =	vadd.s32 $0xADD083F4, v27;
	v28 =	vor.u32 v49, v28;
	v32 =	vadd.s32 $0xB5D62B04, v32  }
0x378: {  	v31 =	vadd.s32 v32, v31;
	v50 =	vshrl.u32 v32, $0xF;
	v32 =	vshll.u32 v32, $0x11  }
0x379: {  	v28 =	vxor.u32 v27, v28;
	v31 =	vadd.s32 $0xADD083F4, v31;
	v32 =	vor.u32 v50, v32  }
0x37a: {  	v44 =	vand.u32 $0x7F, v30;
	v27 =	vadd.s32 v27, v28;
	v32 =	vxor.u32 v31, v32  }
0x37b: {  	v54 =	vshrl.u32 v28, $0x11;
	v51 =	vshrl.u32 v32, $0x3;
	v52 =	vshll.u32 v32, $0x1D  }
0x37c: {  	v28 =	vshll.u32 v28, $0xF;
	v31 =	vadd.s32 v31, v32;
	v53 =	vor.u32 v51, v52  }
0x37d: {  	v30 =	vshll.u32 v30, $0x3;
	v28 =	vor.u32 v54, v28;
	v32 =	vxor.u32 v31, v53  }
0x37e: {  	v28 =	vxor.u32 v27, v28;
	v55 =	vshrl.u32 v32, $0x10;
	v56 =	vshll.u32 v32, $0x10  }
0x37f: {  	v27 =	vadd.s32 v27, v28;
	v31 =	vadd.s32 v31, v32;
	v57 =	vor.u32 v55, v56  }
0x380: {  	v58 =	vshrl.u32 v28, $0x6;
	v28 =	vshll.u32 v28, $0x1A;
	v32 =	vxor.u32 v31, v57  }
0x381: {  	v28 =	vor.u32 v58, v28;
	v59 =	vshrl.u32 v32, $0x8;
	v60 =	vshll.u32 v32, $0x18  }
0x382: {  	v28 =	vxor.u32 v27, v28;
	v31 =	vadd.s32 v31, v32;
	v61 =	vor.u32 v59, v60  }
0x383: {  	v30 =	vand.u32 $0xFFFFFC00, v30;
	v27 =	vadd.s32 v27, v28;
	v32 =	vxor.u32 v31, v61  }
0x384: {  	v62 =	vshrl.u32 v28, $0x1A;
	v28 =	vshll.u32 v28, $0x6;
	v32 =	vadd.s32 $0x3D7B32F, v32  }
0x385: {  	v31 =	vadd.s32 v32, v31;
	v63 =	vshrl.u32 v32, $0x13;
	v32 =	vshll.u32 v32, $0xD  }
0x386: {  	v28 =	vor.u32 v62, v28;
	v31 =	vadd.s32 $0xB5D62B03, v31;
	v32 =	vor.u32 v63, v32  }
0x387: {  	v28 =	vxor.u32 v27, v28;
	v27 =	vadd.s32 $0xB5D62B03, v27;
	v32 =	vxor.u32 v31, v32  }
0x388: {  	v28 =	vadd.s32 $0x3D7B332, v28;
	v41 =	vshrl.u32 v32, $0x11;
	v42 =	vshll.u32 v32, $0xF  }
0x389: {  	v27 =	vxor.u32 v27, v28;
	v28 =	vld.idx.msk [tilespmem:v40+s18+$0x0], $0xffff;
	v31 =	vadd.s32 v31, v32;
	v43 =	vor.u32 v41, v42  }
0x38a: {  	v45 =	vshll.u32 v29, $0x8;
	vm1 =	vgt.u32 v27, $0x800001FF;
	v27 =	vld.idx.msk [tilespmem:v40+s19+$0x0], $0xffff;
	v33 =	vxor.u32 v31, v43  }
0x38b: {  	v29 =	vshll.u32 v29, $0x7;
	v37 =	vshrl.u32 v33, $0x6;
	v38 =	vshll.u32 v33, $0x1A  }
0x38c: {  	v35 =	vand.u32 $0xFFFFF800, v45;
	v31 =	vadd.s32 v31, v33;
	v46 =	vor.u32 v37, v38  }
0x38d: {  	v29 =	vand.u32 $0x380, v29;
	v30 =	vadd.s32 v35, v30;
	v33 =	vxor.u32 v31, v46  }
0x38e: {  	v50 =	vmul.u32 $0xE0, v28;
	v47 =	vshrl.u32 v33, $0x1A;
	v48 =	vshll.u32 v33, $0x6  }
0x38f: {  	v51 =	vadd.s32 v2, v27;
	v31 =	vadd.s32 v31, v33;
	v49 =	vor.u32 v47, v48  }
0x390: {  	v29 =	vor.u32 v29, v30;
	v35 =	vadd.s32 v50, v51;
	v33 =	vxor.u32 v31, v49  }
0x391: {  	v53 =	vadd.s32 $0xADD083F4, v35;
	v35 =	vadd.s32 $0xB1A83721, v35;
	v33 =	vadd.s32 $0xADD083F7, v33  }
0x392: {  	v55 =	vshrl.u32 v53, $0x13;
	v52 =	vadd.s32 v33, v31;
	v31 =	vshll.u32 v53, $0xD  }
0x393: {  	v54 =	vshrl.u32 v33, $0xF;
	v33 =	vshll.u32 v33, $0x11;
	v31 =	vor.u32 v55, v31  }
0x394: {  	v30 =	vadd.s32 $0x3D7B32D, v52;
	v33 =	vor.u32 v54, v33;
	v31 =	vxor.u32 v35, v31  }
0x395: {  	v33 =	vxor.u32 v30, v33;
	v56 =	vshrl.u32 v31, $0x11  }
0x396: {  	v57 =	vshll.u32 v31, $0xF;
	v30 =	vadd.s32 v30, v33;
	v31 =	vadd.s32 v35, v31  }
0x397: {  	v59 =	vshrl.u32 v33, $0x3;
	v33 =	vshll.u32 v33, $0x1D;
	v58 =	vor.u32 v56, v57  }
0x398: {  	v33 =	vor.u32 v59, v33;
	v35 =	vxor.u32 v31, v58  }
0x399: {  	v33 =	vxor.u32 v30, v33;
	v60 =	vshrl.u32 v35, $0x6  }
0x39a: {  	v61 =	vshll.u32 v35, $0x1A;
	v31 =	vadd.s32 v31, v35;
	v30 =	vadd.s32 v30, v33  }
0x39b: {  	v63 =	vshrl.u32 v33, $0x10;
	v33 =	vshll.u32 v33, $0x10;
	v62 =	vor.u32 v60, v61  }
0x39c: {  	vm2 =	vlt.s32 v34, v24;
	v33 =	vor.u32 v63, v33;
	v35 =	vxor.u32 v31, v62  }
0x39d: {  	v29 =	vor.u32 v44, v29;
	v43 =	vxor.u32 v30, v33;
	v40 =	vshrl.u32 v35, $0x1A  }
0x39e: {  	v41 =	vshll.u32 v35, $0x6;
	v31 =	vadd.s32 v31, v35;
	v45 =	vadd.s32 v30, v43  }
0x39f: {  	v46 =	vshrl.u32 v43, $0x8;
	v32 =	vshll.u32 v43, $0x18;
	v42 =	vor.u32 v40, v41  }
0x3a0: {  	v30 =	vmov s8;
	s8 =	sadd.s32 $0x3, s7;
	v32 =	vor.u32 v46, v32;
	v44 =	vxor.u32 v31, v42  }
0x3a1: {  	v50 =	vadd.s32 s8, v7;
	v32 =	vxor.u32 v45, v32;
	v33 =	vadd.s32 $0xB5D62B04, v44  }
0x3a2: {  	v32 =	vadd.s32 $0xB5D62B07, v32;
	v31 =	vadd.s32 v33, v31;
	v47 =	vshrl.u32 v33, $0xF  }
0x3a3: {  	v33 =	vshll.u32 v33, $0x11;
	v52 =	vadd.s32 v32, v45;
	v56 =	vshrl.u32 v32, $0x13  }
0x3a4: {  	v57 =	vshll.u32 v32, $0xD;
	v31 =	vadd.s32 $0xADD083F4, v31;
	v33 =	vor.u32 v47, v33  }
0x3a5: {  	v34 =	vadd.s32 $0xADD083F4, v52;
	v35 =	vor.u32 v56, v57;
	v33 =	vxor.u32 v31, v33  }
0x3a6: {  	v32 =	vld.idx.msk [tilespmem:v50+s18+$0x0], $0xffff;
	v35 =	vxor.u32 v34, v35;
	v48 =	vshrl.u32 v33, $0x3;
	v49 =	vshll.u32 v33, $0x1D  }
0x3a7: {  	v31 =	vadd.s32 v31, v33;
	v60 =	vshrl.u32 v35, $0x11;
	v61 =	vshll.u32 v35, $0xF  }
0x3a8: {  	v34 =	vadd.s32 v34, v35;
	v51 =	vor.u32 v48, v49;
	v62 =	vor.u32 v60, v61  }
0x3a9: {  	vm4 =	vlt.s32 v30, v24;
	v33 =	vxor.u32 v31, v51;
	v35 =	vxor.u32 v34, v62  }
0x3aa: {  	v53 =	vshrl.u32 v33, $0x10;
	v54 =	vshll.u32 v33, $0x10;
	v33 =	vadd.s32 v31, v33;
	v31 =	vld.idx.msk [tilespmem:v50+s19+$0x0], $0xffff  }
0x3ab: {  	v34 =	vadd.s32 v34, v35;
	v55 =	vor.u32 v53, v54;
	v63 =	vmul.u32 $0xE0, v32  }
0x3ac: {  	v58 =	vxor.u32 v33, v55;
	v55 =	vshrl.u32 v35, $0x6;
	v35 =	vshll.u32 v35, $0x1A  }
0x3ad: {  	v59 =	vshrl.u32 v58, $0x8;
	v39 =	vshll.u32 v58, $0x18;
	v35 =	vor.u32 v55, v35  }
0x3ae: {  	v33 =	vadd.s32 v33, v58;
	v36 =	vor.u32 v59, v39;
	v35 =	vxor.u32 v34, v35  }
0x3af: {  	v36 =	vxor.u32 v33, v36;
	v43 =	vadd.s32 v2, v31;
	v34 =	vadd.s32 v34, v35  }
0x3b0: {  	v36 =	vadd.s32 $0x3D7B32F, v36;
	v37 =	vadd.s32 v63, v43;
	v63 =	vshrl.u32 v35, $0x1A  }
0x3b1: {  	v35 =	vshll.u32 v35, $0x6;
	v33 =	vadd.s32 v36, v33;
	v42 =	vshrl.u32 v36, $0x13  }
0x3b2: {  	v36 =	vshll.u32 v36, $0xD;
	v44 =	vadd.s32 $0xADD083F4, v37;
	v37 =	vadd.s32 $0xB1A83721, v37  }
0x3b3: {  	v35 =	vor.u32 v63, v35;
	v33 =	vadd.s32 $0xB5D62B03, v33;
	v36 =	vor.u32 v42, v36  }
0x3b4: {  	v40 =	vshrl.u32 v44, $0x13;
	v38 =	vshll.u32 v44, $0xD;
	v35 =	vxor.u32 v34, v35  }
0x3b5: {  	v34 =	vadd.s32 $0xB5D62B03, v34;
	v36 =	vxor.u32 v33, v36;
	v38 =	vor.u32 v40, v38  }
0x3b6: {  	v35 =	vadd.s32 $0x3D7B332, v35;
	v45 =	vshrl.u32 v36, $0x11;
	v46 =	vshll.u32 v36, $0xF  }
0x3b7: {  	v33 =	vadd.s32 v33, v36;
	v38 =	vxor.u32 v37, v38;
	v47 =	vor.u32 v45, v46  }
0x3b8: {  	v48 =	vshrl.u32 v38, $0x11;
	v49 =	vshll.u32 v38, $0xF;
	v36 =	vxor.u32 v33, v47  }
0x3b9: {  	v37 =	vadd.s32 v37, v38;
	v50 =	vor.u32 v48, v49;
	v33 =	vadd.s32 v33, v36  }
0x3ba: {  	v51 =	vshrl.u32 v36, $0x6;
	v36 =	vshll.u32 v36, $0x1A;
	v38 =	vxor.u32 v37, v50  }
0x3bb: {  	v36 =	vor.u32 v51, v36;
	v52 =	vshrl.u32 v38, $0x6;
	v53 =	vshll.u32 v38, $0x1A  }
0x3bc: {  	v37 =	vadd.s32 v37, v38;
	v36 =	vxor.u32 v33, v36;
	v54 =	vor.u32 v52, v53  }
0x3bd: {  	v34 =	vxor.u32 v34, v35;
	v33 =	vadd.s32 v33, v36;
	v38 =	vxor.u32 v37, v54  }
0x3be: {  	v57 =	vshrl.u32 v36, $0x1A;
	v36 =	vshll.u32 v36, $0x6;
	v37 =	vadd.s32 v37, v38  }
0x3bf: {  	v56 =	vshrl.u32 v38, $0x1A;
	v38 =	vshll.u32 v38, $0x6;
	v36 =	vor.u32 v57, v36  }
0x3c0: {  	vm3 =	vgt.u32 v34, $0x800001FF;
	v38 =	vor.u32 v56, v38;
	v36 =	vxor.u32 v33, v36  }
0x3c1: {  	v52 =	vshll.u32 v26, $0x8;
	v38 =	vxor.u32 v37, v38;
	v36 =	vadd.s32 $0xADD083F7, v36  }
0x3c2: {  	v38 =	vadd.s32 $0xB5D62B04, v38;
	v33 =	vadd.s32 v36, v33;
	v61 =	vshrl.u32 v36, $0xF  }
0x3c3: {  	v36 =	vshll.u32 v36, $0x11;
	v58 =	vshrl.u32 v38, $0xF;
	v59 =	vshll.u32 v38, $0x11  }
0x3c4: {  	v37 =	vadd.s32 v38, v37;
	v36 =	vor.u32 v61, v36;
	v33 =	vadd.s32 $0x3D7B32D, v33  }
0x3c5: {  	v60 =	vor.u32 v58, v59;
	v37 =	vadd.s32 $0xADD083F4, v37;
	v36 =	vxor.u32 v33, v36  }
0x3c6: {  	v53 =	vshll.u32 v25, $0x3;
	v38 =	vxor.u32 v37, v60;
	v33 =	vadd.s32 v33, v36  }
0x3c7: {  	v43 =	vshrl.u32 v36, $0x3;
	v36 =	vshll.u32 v36, $0x1D;
	v37 =	vadd.s32 v37, v38  }
0x3c8: {  	v62 =	vshrl.u32 v38, $0x3;
	v38 =	vshll.u32 v38, $0x1D;
	v36 =	vor.u32 v43, v36  }
0x3c9: {  	v26 =	vshll.u32 v26, $0x7;
	v38 =	vor.u32 v62, v38;
	v45 =	vxor.u32 v33, v36  }
0x3ca: {  	v38 =	vxor.u32 v37, v38;
	v47 =	vshrl.u32 v45, $0x10;
	v49 =	vshll.u32 v45, $0x10  }
0x3cb: {  	v37 =	vadd.s32 v37, v38;
	v42 =	vshrl.u32 v38, $0x10;
	v38 =	vshll.u32 v38, $0x10  }
0x3cc: {  	v33 =	vadd.s32 v33, v45;
	v34 =	vor.u32 v47, v49;
	v38 =	vor.u32 v42, v38  }
0x3cd: {  	v25 =	vand.u32 $0x7F, v25;
	v34 =	vxor.u32 v33, v34;
	v38 =	vxor.u32 v37, v38  }
0x3ce: {  	v33 =	vadd.s32 v33, v34;
	v55 =	vshrl.u32 v34, $0x8;
	v34 =	vshll.u32 v34, $0x18  }
0x3cf: {  	v37 =	vadd.s32 v37, v38;
	v44 =	vshrl.u32 v38, $0x8;
	v38 =	vshll.u32 v38, $0x18  }
0x3d0: {  	v26 =	vand.u32 $0x380, v26;
	v34 =	vor.u32 v55, v34;
	v38 =	vor.u32 v44, v38  }
0x3d1: {  	v55 =	vshll.u32 v31, $0x3;
	v31 =	vand.u32 $0x7F, v31;
	v46 =	vxor.u32 v37, v38  }
0x3d2: {  	v34 =	vxor.u32 v33, v34;
	v38 =	vand.u32 $0xFFFFF800, v52;
	v36 =	vadd.s32 $0x3D7B32F, v46  }
0x3d3: {  	v37 =	vadd.s32 v36, v37;
	v48 =	vshrl.u32 v36, $0x13;
	v36 =	vshll.u32 v36, $0xD  }
0x3d4: {  	v34 =	vadd.s32 $0xB5D62B07, v34;
	v36 =	vor.u32 v48, v36;
	v37 =	vadd.s32 $0xB5D62B03, v37  }
0x3d5: {  	v33 =	vadd.s32 v34, v33;
	v57 =	vshrl.u32 v34, $0x13;
	v50 =	vxor.u32 v37, v36  }
0x3d6: {  	v34 =	vshll.u32 v34, $0xD;
	v51 =	vshrl.u32 v50, $0x11;
	v35 =	vshll.u32 v50, $0xF  }
0x3d7: {  	v46 =	vshll.u32 v28, $0x8;
	v36 =	vadd.s32 v37, v50;
	v35 =	vor.u32 v51, v35  }
0x3d8: {  	v28 =	vshll.u32 v28, $0x7;
	v33 =	vadd.s32 $0xADD083F4, v33;
	v35 =	vxor.u32 v36, v35  }
0x3d9: {  	v36 =	vadd.s32 v36, v35;
	v54 =	vshrl.u32 v35, $0x6;
	v35 =	vshll.u32 v35, $0x1A  }
0x3da: {  	v34 =	vor.u32 v57, v34;
	v28 =	vand.u32 $0x380, v28;
	v35 =	vor.u32 v54, v35  }
0x3db: {  	v57 =	vand.u32 $0xFFFFFC00, v55;
	v34 =	vxor.u32 v33, v34;
	v35 =	vxor.u32 v36, v35  }
0x3dc: {  	v36 =	vadd.s32 v36, v35;
	v56 =	vshrl.u32 v35, $0x1A;
	v35 =	vshll.u32 v35, $0x6  }
0x3dd: {  	v48 =	vshll.u32 v27, $0x3;
	v27 =	vand.u32 $0x7F, v27;
	v35 =	vor.u32 v56, v35  }
0x3de: {  	v33 =	vadd.s32 v33, v34;
	v62 =	vshrl.u32 v34, $0x11;
	v35 =	vxor.u32 v36, v35  }
0x3df: {  	v34 =	vshll.u32 v34, $0xF;
	v37 =	vand.u32 $0xFFFFFC00, v53;
	v35 =	vadd.s32 $0xADD083F7, v35  }
0x3e0: {  	v36 =	vadd.s32 v35, v36;
	v58 =	vshrl.u32 v35, $0xF;
	v35 =	vshll.u32 v35, $0x11  }
0x3e1: {  	v37 =	vadd.s32 v38, v37;
	v36 =	vadd.s32 $0x3D7B32D, v36;
	v35 =	vor.u32 v58, v35  }
0x3e2: {  	v34 =	vor.u32 v62, v34;
	v26 =	vor.u32 v26, v37;
	v35 =	vxor.u32 v36, v35  }
0x3e3: {  	v25 =	vor.u32 v25, v26;
	v59 =	vshrl.u32 v35, $0x3;
	v60 =	vshll.u32 v35, $0x1D  }
0x3e4: {  	v26 =	vxor.u32 v33, v34;
	v35 =	vadd.s32 v36, v35;
	v61 =	vor.u32 v59, v60  }
0x3e5: {  	v37 =	vand.u32 $0xFFFFFC00, v48;
	v43 =	vshrl.u32 v26, $0x6;
	v36 =	vxor.u32 v35, v61  }
0x3e6: {  	v44 =	vshll.u32 v26, $0x1A;
	v63 =	vshrl.u32 v36, $0x10;
	v40 =	vshll.u32 v36, $0x10  }
0x3e7: {  	v26 =	vadd.s32 v33, v26;
	v35 =	vadd.s32 v35, v36;
	v41 =	vor.u32 v63, v40  }
0x3e8: {  	v54 =	vshll.u32 v32, $0x8;
	v32 =	vshll.u32 v32, $0x7;
	v42 =	vxor.u32 v35, v41  }
0x3e9: {  	v45 =	vor.u32 v43, v44;
	v36 =	vshrl.u32 v42, $0x8;
	v34 =	vshll.u32 v42, $0x18  }
0x3ea: {  	v33 =	vxor.u32 v26, v45;
	v35 =	vadd.s32 v35, v42;
	v34 =	vor.u32 v36, v34  }
0x3eb: {  	v32 =	vand.u32 $0x380, v32;
	v26 =	vadd.s32 v26, v33;
	v34 =	vxor.u32 v35, v34  }
0x3ec: {  	v52 =	vshrl.u32 v33, $0x1A;
	v33 =	vshll.u32 v33, $0x6;
	v34 =	vadd.s32 $0xB5D62B07, v34  }
0x3ed: {  	v35 =	vadd.s32 v34, v35;
	v47 =	vshrl.u32 v34, $0x13;
	v34 =	vshll.u32 v34, $0xD  }
0x3ee: {  	v56 =	vand.u32 $0xFFFFF800, v54;
	v34 =	vor.u32 v47, v34;
	v35 =	vadd.s32 $0xADD083F4, v35  }
0x3ef: {  	v33 =	vor.u32 v52, v33;
	v30 =	vadd.s32 v56, v57;
	v34 =	vxor.u32 v35, v34  }
0x3f0: {  	v36 =	vand.u32 $0xFFFFF800, v46;
	v49 =	vshrl.u32 v34, $0x11;
	v50 =	vshll.u32 v34, $0xF  }
0x3f1: {  	v36 =	vadd.s32 v36, v37;
	v34 =	vadd.s32 v35, v34;
	v51 =	vor.u32 v49, v50  }
0x3f2: {  	v30 =	vor.u32 v32, v30;
	v28 =	vor.u32 v28, v36;
	v53 =	vxor.u32 v34, v51  }
0x3f3: {  	v27 =	vor.u32 v27, v28;
	v35 =	vshrl.u32 v53, $0x6;
	v28 =	vshll.u32 v53, $0x1A  }
0x3f4: {  	v30 =	vor.u32 v31, v30;
	v34 =	vadd.s32 v34, v53;
	v28 =	vor.u32 v35, v28  }
0x3f5: {  	v58 =	vsel vm1, $0x3F800000, v22;
	v59 =	vmov s8;
	v28 =	vxor.u32 v34, v28  }
0x3f6: {  	v34 =	vadd.s32 v34, v28;
	v60 =	vshrl.u32 v28, $0x1A;
	v28 =	vshll.u32 v28, $0x6  }
0x3f7: {  	s7 =	sadd.s32 $0x4, s7;
	vm13 =	vlt.s32 v59, v24;
	v61 =	vxor.u32 v26, v33;
	v28 =	vor.u32 v60, v28  }
0x3f8: {  	p4 =	slt.s32 s7, s1;
	v26 =	vadd.s32 $0xB5D62B03, v26;
	v31 =	vadd.s32 $0x3D7B332, v61;
	v28 =	vxor.u32 v34, v28  }
.Ltmp13:
0x3f9: {  	v26 =	vxor.u32 v26, v31;
	v62 =	vadd.s32 $0xB5D62B03, v34;
	v28 =	vadd.s32 $0x3D7B332, v28;
	(pc) =	sbr.rel @p4 .LBB2_19-.Ltmp13, $4  }
0x3fa: {  	[tilespmem:v29+s22+$0x0] =	vst.idx.msk vm0, v58;
	v63 =	vsel vm3, $0x3F800000, v22;
	vm14 =	vgt.u32 v26, $0x800001FF;
	v26 =	vxor.u32 v62, v28  }
0x3fb: {  	[tilespmem:v25+s22+$0x0] =	vst.idx.msk vm2, v63;
	v25 =	vsel vm14, $0x3F800000, v22;
	vm15 =	vgt.u32 v26, $0x800001FF  }
0x3fc: {  	[tilespmem:v27+s22+$0x0] =	vst.idx.msk vm4, v25;
	v25 =	vsel vm15, $0x3F800000, v22  }
0x3fd: {  	[tilespmem:v30+s22+$0x0] =	vst.idx.msk vm13, v25  }
.LBB2_20:
.Ltmp14:
0x3fe: {  	(pc) =	sbr.rel @p1 .LBB2_23-.Ltmp14, $1  }
0x3ff: {  	_ =	sdelay $0x3  }
0x400: {  	s5 =	ssub.s32 $0x0, s5  }
.LBB2_22:
0x401: {  	s7 =	sadd.s32 s5, s30  }
0x402: {  	v25 =	vadd.s32 s7, v7;
	_ =	sdelay $0x4  }
0x403: {  	v26 =	vld.idx.msk [tilespmem:v25+s18+$0x0], $0xffff  }
0x404: {  	v25 =	vld.idx.msk [tilespmem:v25+s19+$0x0], $0xffff;
	_ =	sdelay $0x3  }
0x405: {  	v27 =	vmul.u32 $0xE0, v26  }
0x406: {  	v28 =	vadd.s32 v2, v25  }
0x407: {  	v27 =	vadd.s32 v27, v28  }
0x408: {  	v28 =	vadd.s32 $0xADD083F4, v27  }
0x409: {  	v29 =	vshrl.u32 v28, $0x13;
	v28 =	vshll.u32 v28, $0xD  }
0x40a: {  	v27 =	vadd.s32 $0xB1A83721, v27;
	v28 =	vor.u32 v29, v28  }
0x40b: {  	v28 =	vxor.u32 v27, v28  }
0x40c: {  	v50 =	vshrl.u32 v28, $0x11;
	v30 =	vshll.u32 v28, $0xF  }
0x40d: {  	v27 =	vadd.s32 v27, v28;
	v51 =	vor.u32 v50, v30  }
0x40e: {  	v28 =	vxor.u32 v27, v51  }
0x40f: {  	v52 =	vshrl.u32 v28, $0x6;
	v53 =	vshll.u32 v28, $0x1A  }
0x410: {  	v27 =	vadd.s32 v27, v28;
	v54 =	vor.u32 v52, v53  }
0x411: {  	v28 =	vxor.u32 v27, v54  }
0x412: {  	v55 =	vshrl.u32 v28, $0x1A;
	v56 =	vshll.u32 v28, $0x6  }
0x413: {  	v27 =	vadd.s32 v27, v28;
	v57 =	vor.u32 v55, v56  }
0x414: {  	v28 =	vxor.u32 v27, v57  }
0x415: {  	v28 =	vadd.s32 $0xB5D62B04, v28  }
0x416: {  	v27 =	vadd.s32 v28, v27;
	v58 =	vshrl.u32 v28, $0xF;
	v28 =	vshll.u32 v28, $0x11  }
0x417: {  	v27 =	vadd.s32 $0xADD083F4, v27;
	v28 =	vor.u32 v58, v28  }
0x418: {  	v28 =	vxor.u32 v27, v28  }
0x419: {  	v59 =	vshrl.u32 v28, $0x3;
	v60 =	vshll.u32 v28, $0x1D  }
0x41a: {  	v27 =	vadd.s32 v27, v28;
	v61 =	vor.u32 v59, v60  }
0x41b: {  	v28 =	vxor.u32 v27, v61  }
0x41c: {  	v62 =	vshrl.u32 v28, $0x10;
	v63 =	vshll.u32 v28, $0x10  }
0x41d: {  	v27 =	vadd.s32 v27, v28;
	v32 =	vor.u32 v62, v63  }
0x41e: {  	v28 =	vxor.u32 v27, v32  }
0x41f: {  	v33 =	vshrl.u32 v28, $0x8;
	v34 =	vshll.u32 v28, $0x18  }
0x420: {  	v27 =	vadd.s32 v27, v28;
	v35 =	vor.u32 v33, v34  }
0x421: {  	v28 =	vxor.u32 v27, v35  }
0x422: {  	v28 =	vadd.s32 $0x3D7B32F, v28  }
0x423: {  	v27 =	vadd.s32 v28, v27;
	v36 =	vshrl.u32 v28, $0x13;
	v28 =	vshll.u32 v28, $0xD  }
0x424: {  	v27 =	vadd.s32 $0xB5D62B03, v27;
	v28 =	vor.u32 v36, v28  }
0x425: {  	v28 =	vxor.u32 v27, v28  }
0x426: {  	v37 =	vshrl.u32 v28, $0x11;
	v38 =	vshll.u32 v28, $0xF  }
0x427: {  	v27 =	vadd.s32 v27, v28;
	v39 =	vor.u32 v37, v38  }
0x428: {  	v28 =	vxor.u32 v27, v39  }
0x429: {  	v40 =	vshrl.u32 v28, $0x6;
	v41 =	vshll.u32 v28, $0x1A  }
0x42a: {  	v27 =	vadd.s32 v27, v28;
	v42 =	vor.u32 v40, v41  }
0x42b: {  	v28 =	vxor.u32 v27, v42  }
0x42c: {  	v43 =	vshrl.u32 v28, $0x1A;
	v44 =	vshll.u32 v28, $0x6  }
0x42d: {  	v27 =	vadd.s32 v27, v28;
	v45 =	vor.u32 v43, v44  }
0x42e: {  	v28 =	vxor.u32 v27, v45  }
0x42f: {  	v28 =	vadd.s32 $0xADD083F7, v28  }
0x430: {  	v27 =	vadd.s32 v28, v27;
	v46 =	vshrl.u32 v28, $0xF;
	v28 =	vshll.u32 v28, $0x11  }
0x431: {  	v27 =	vadd.s32 $0x3D7B32D, v27;
	v28 =	vor.u32 v46, v28  }
0x432: {  	v28 =	vxor.u32 v27, v28  }
0x433: {  	v47 =	vshrl.u32 v28, $0x3;
	v48 =	vshll.u32 v28, $0x1D  }
0x434: {  	v27 =	vadd.s32 v27, v28;
	v49 =	vor.u32 v47, v48  }
0x435: {  	v28 =	vxor.u32 v27, v49  }
0x436: {  	v50 =	vshrl.u32 v28, $0x10;
	v51 =	vshll.u32 v28, $0x10  }
0x437: {  	v27 =	vadd.s32 v27, v28;
	v52 =	vor.u32 v50, v51  }
0x438: {  	v28 =	vxor.u32 v27, v52  }
0x439: {  	v53 =	vshrl.u32 v28, $0x8;
	v54 =	vshll.u32 v28, $0x18  }
0x43a: {  	v27 =	vadd.s32 v27, v28;
	v55 =	vor.u32 v53, v54  }
0x43b: {  	v28 =	vxor.u32 v27, v55  }
0x43c: {  	v28 =	vadd.s32 $0xB5D62B07, v28  }
0x43d: {  	v27 =	vadd.s32 v28, v27;
	v56 =	vshrl.u32 v28, $0x13;
	v28 =	vshll.u32 v28, $0xD  }
0x43e: {  	v27 =	vadd.s32 $0xADD083F4, v27;
	v28 =	vor.u32 v56, v28  }
0x43f: {  	v59 =	vmov s7;
	v28 =	vxor.u32 v27, v28  }
0x440: {  	vm0 =	vlt.s32 v59, v24;
	v57 =	vshrl.u32 v28, $0x11;
	v58 =	vshll.u32 v28, $0xF  }
0x441: {  	v61 =	vshll.u32 v26, $0x8;
	v27 =	vadd.s32 v27, v28;
	v29 =	vor.u32 v57, v58  }
0x442: {  	v26 =	vshll.u32 v26, $0x7;
	v62 =	vshll.u32 v25, $0x3;
	v60 =	vxor.u32 v27, v29  }
0x443: {  	v30 =	vand.u32 $0xFFFFFC00, v62;
	v29 =	vshrl.u32 v60, $0x6;
	v28 =	vshll.u32 v60, $0x1A  }
0x444: {  	v27 =	vadd.s32 v27, v60;
	v28 =	vor.u32 v29, v28;
	v29 =	vand.u32 $0xFFFFF800, v61  }
0x445: {  	v26 =	vand.u32 $0x380, v26;
	v28 =	vxor.u32 v27, v28;
	v29 =	vadd.s32 v29, v30  }
0x446: {  	v27 =	vadd.s32 v27, v28;
	v63 =	vshrl.u32 v28, $0x1A;
	v28 =	vshll.u32 v28, $0x6  }
0x447: {  	s5 =	sadd.s32 $0x1, s5;
	v25 =	vand.u32 $0x7F, v25;
	v26 =	vor.u32 v26, v29;
	v28 =	vor.u32 v63, v28  }
0x448: {  	p4 =	seq.s32 s5, $0x0;
	v25 =	vor.u32 v25, v26;
	v28 =	vxor.u32 v27, v28  }
.Ltmp15:
0x449: {  	v26 =	vadd.s32 $0xB5D62B03, v27;
	v27 =	vadd.s32 $0x3D7B332, v28;
	(pc) =	sbr.rel @!p4 .LBB2_22-.Ltmp15, $4  }
0x44a: {  	v26 =	vxor.u32 v26, v27  }
0x44b: {  	vm1 =	vgt.u32 v26, $0x800001FF  }
0x44c: {  	v26 =	vsel vm1, $0x3F800000, v22  }
0x44d: {  	[tilespmem:v25+s22+$0x0] =	vst.idx.msk vm0, v26  }
.LBB2_23:
0x44e: {  	[hbm4b:s10+s2] =	stream.linear.scatter [tilespmem:s22], [sflag:$0x4], $0x7000, $0x38;
	[tilespmem:$0x1F000] =	vst v63  }
0x44f: {  	_ =	swait.ge [sflag:s25], $0x7000  }
0x450: {  	[sflag:s25] =	ssyncset.done $0x0  }
.Ltmp16:
0x451: {  	[sflag:s25] =	ssyncadd.s32 $0xFFFF9000;
	(pc) =	sbr.rel @p2 .LBB2_26-.Ltmp16, $4  }
0x452: {  	[tilespmem:s22], [sflag:$0x2] =	stream.linear.gather [hbm4b:s11+s2], $0x7000, $0x38;
	[tilespmem:$0x1F000] =	vst v63  }
0x453: {  	_ =	swait.ge [sflag:s26], $0x7000  }
0x454: {  	[sflag:s26] =	ssyncset.done $0x0  }
0x455: {  	[sflag:s26] =	ssyncadd.s32 $0xFFFF9000  }
0x456: {  	s5 =	simm.s32 $0x0  }
.LBB2_25:
0x457: {  	v25 =	vadd.s32 s5, v7;
	_ =	sdelay $0x4  }
0x458: {  	v29 =	vld.idx.msk [tilespmem:v25+s20+$0x0], $0xffff  }
0x459: {  	v30 =	vld.idx.msk [tilespmem:v25+s21+$0x0], $0xffff;
	_ =	sdelay $0x3  }
0x45a: {  	v25 =	vmul.u32 $0xE0, v29  }
0x45b: {  	v26 =	vadd.s32 v3, v30  }
0x45c: {  	v25 =	vadd.s32 v25, v26  }
0x45d: {  	v26 =	vadd.s32 $0xADD083F4, v25  }
0x45e: {  	v27 =	vshrl.u32 v26, $0x13;
	v26 =	vshll.u32 v26, $0xD  }
0x45f: {  	v25 =	vadd.s32 $0xB1A83721, v25;
	v26 =	vor.u32 v27, v26  }
0x460: {  	v26 =	vxor.u32 v25, v26  }
0x461: {  	v27 =	vshrl.u32 v26, $0x11;
	v28 =	vshll.u32 v26, $0xF  }
0x462: {  	v25 =	vadd.s32 v25, v26;
	v26 =	vor.u32 v27, v28  }
0x463: {  	v26 =	vxor.u32 v25, v26  }
0x464: {  	v27 =	vshrl.u32 v26, $0x6;
	v49 =	vshll.u32 v26, $0x1A  }
0x465: {  	v25 =	vadd.s32 v25, v26;
	v26 =	vor.u32 v27, v49  }
0x466: {  	v26 =	vxor.u32 v25, v26  }
0x467: {  	v27 =	vshrl.u32 v26, $0x1A;
	v50 =	vshll.u32 v26, $0x6  }
0x468: {  	v25 =	vadd.s32 v25, v26;
	v26 =	vor.u32 v27, v50  }
0x469: {  	v26 =	vxor.u32 v25, v26  }
0x46a: {  	v26 =	vadd.s32 $0xB5D62B04, v26  }
0x46b: {  	v25 =	vadd.s32 v26, v25;
	v27 =	vshrl.u32 v26, $0xF;
	v26 =	vshll.u32 v26, $0x11  }
0x46c: {  	v25 =	vadd.s32 $0xADD083F4, v25;
	v26 =	vor.u32 v27, v26  }
0x46d: {  	v26 =	vxor.u32 v25, v26  }
0x46e: {  	v27 =	vshrl.u32 v26, $0x3;
	v51 =	vshll.u32 v26, $0x1D  }
0x46f: {  	v25 =	vadd.s32 v25, v26;
	v26 =	vor.u32 v27, v51  }
0x470: {  	v26 =	vxor.u32 v25, v26  }
0x471: {  	v27 =	vshrl.u32 v26, $0x10;
	v52 =	vshll.u32 v26, $0x10  }
0x472: {  	v25 =	vadd.s32 v25, v26;
	v26 =	vor.u32 v27, v52  }
0x473: {  	v26 =	vxor.u32 v25, v26  }
0x474: {  	v27 =	vshrl.u32 v26, $0x8;
	v53 =	vshll.u32 v26, $0x18  }
0x475: {  	v25 =	vadd.s32 v25, v26;
	v26 =	vor.u32 v27, v53  }
0x476: {  	v26 =	vxor.u32 v25, v26  }
0x477: {  	v26 =	vadd.s32 $0x3D7B32F, v26  }
0x478: {  	v25 =	vadd.s32 v26, v25;
	v27 =	vshrl.u32 v26, $0x13;
	v26 =	vshll.u32 v26, $0xD  }
0x479: {  	v25 =	vadd.s32 $0xB5D62B03, v25;
	v26 =	vor.u32 v27, v26  }
0x47a: {  	v26 =	vxor.u32 v25, v26  }
0x47b: {  	s7 =	sadd.s32 $0x1, s5;
	v27 =	vshrl.u32 v26, $0x11;
	v54 =	vshll.u32 v26, $0xF  }
0x47c: {  	v25 =	vadd.s32 v25, v26;
	v26 =	vor.u32 v27, v54;
	v27 =	vadd.s32 s7, v7  }
0x47d: {  	v26 =	vxor.u32 v25, v26  }
0x47e: {  	v55 =	vshrl.u32 v26, $0x6;
	v31 =	vshll.u32 v26, $0x1A  }
0x47f: {  	v25 =	vadd.s32 v25, v26;
	v26 =	vor.u32 v55, v31  }
0x480: {  	v28 =	vxor.u32 v25, v26  }
0x481: {  	v56 =	vshrl.u32 v28, $0x1A;
	v32 =	vshll.u32 v28, $0x6;
	v26 =	vld.idx.msk [tilespmem:v27+s20+$0x0], $0xffff  }
0x482: {  	v28 =	vadd.s32 v25, v28;
	v25 =	vld.idx.msk [tilespmem:v27+s21+$0x0], $0xffff;
	v31 =	vor.u32 v56, v32  }
0x483: {  	v27 =	vxor.u32 v28, v31  }
0x484: {  	v27 =	vadd.s32 $0xADD083F7, v27  }
0x485: {  	v28 =	vadd.s32 v27, v28  }
0x486: {  	v57 =	vshrl.u32 v27, $0xF;
	v27 =	vshll.u32 v27, $0x11;
	v58 =	vmul.u32 $0xE0, v26  }
0x487: {  	v28 =	vadd.s32 $0x3D7B32D, v28;
	v27 =	vor.u32 v57, v27;
	v59 =	vadd.s32 v3, v25  }
0x488: {  	v48 =	vmov s5;
	v27 =	vxor.u32 v28, v27;
	v31 =	vadd.s32 v58, v59  }
0x489: {  	v28 =	vadd.s32 v28, v27;
	v60 =	vshrl.u32 v27, $0x3;
	v27 =	vshll.u32 v27, $0x1D  }
0x48a: {  	vm0 =	vlt.s32 v48, v23;
	v33 =	vadd.s32 $0xADD083F4, v31;
	v27 =	vor.u32 v60, v27  }
0x48b: {  	v34 =	vshrl.u32 v33, $0x13;
	v33 =	vshll.u32 v33, $0xD;
	v27 =	vxor.u32 v28, v27  }
0x48c: {  	v31 =	vadd.s32 $0xB1A83721, v31;
	v61 =	vor.u32 v34, v33;
	v62 =	vshrl.u32 v27, $0x10  }
0x48d: {  	v36 =	vshll.u32 v27, $0x10;
	v27 =	vadd.s32 v28, v27;
	v32 =	vxor.u32 v31, v61  }
0x48e: {  	v40 =	vor.u32 v62, v36;
	v63 =	vshrl.u32 v32, $0x11;
	v35 =	vshll.u32 v32, $0xF  }
0x48f: {  	v31 =	vadd.s32 v31, v32;
	v28 =	vxor.u32 v27, v40;
	v39 =	vor.u32 v63, v35  }
0x490: {  	v27 =	vadd.s32 v27, v28;
	v44 =	vshrl.u32 v28, $0x8;
	v32 =	vxor.u32 v31, v39  }
0x491: {  	v28 =	vshll.u32 v28, $0x18;
	v41 =	vshrl.u32 v32, $0x6;
	v42 =	vshll.u32 v32, $0x1A  }
0x492: {  	s8 =	sadd.s32 $0x2, s5;
	v28 =	vor.u32 v44, v28;
	v31 =	vadd.s32 v31, v32;
	v43 =	vor.u32 v41, v42  }
0x493: {  	v40 =	vadd.s32 s8, v7;
	v28 =	vxor.u32 v27, v28;
	v32 =	vxor.u32 v31, v43  }
0x494: {  	v28 =	vadd.s32 $0xB5D62B07, v28;
	v45 =	vshrl.u32 v32, $0x1A;
	v46 =	vshll.u32 v32, $0x6  }
0x495: {  	v27 =	vadd.s32 v28, v27;
	v31 =	vadd.s32 v31, v32;
	v47 =	vor.u32 v45, v46  }
0x496: {  	v49 =	vshrl.u32 v28, $0x13;
	v28 =	vshll.u32 v28, $0xD;
	v32 =	vxor.u32 v31, v47  }
0x497: {  	v27 =	vadd.s32 $0xADD083F4, v27;
	v28 =	vor.u32 v49, v28;
	v32 =	vadd.s32 $0xB5D62B04, v32  }
0x498: {  	v31 =	vadd.s32 v32, v31;
	v50 =	vshrl.u32 v32, $0xF;
	v32 =	vshll.u32 v32, $0x11  }
0x499: {  	v28 =	vxor.u32 v27, v28;
	v31 =	vadd.s32 $0xADD083F4, v31;
	v32 =	vor.u32 v50, v32  }
0x49a: {  	v44 =	vand.u32 $0x7F, v30;
	v27 =	vadd.s32 v27, v28;
	v32 =	vxor.u32 v31, v32  }
0x49b: {  	v54 =	vshrl.u32 v28, $0x11;
	v51 =	vshrl.u32 v32, $0x3;
	v52 =	vshll.u32 v32, $0x1D  }
0x49c: {  	v28 =	vshll.u32 v28, $0xF;
	v31 =	vadd.s32 v31, v32;
	v53 =	vor.u32 v51, v52  }
0x49d: {  	v30 =	vshll.u32 v30, $0x3;
	v28 =	vor.u32 v54, v28;
	v32 =	vxor.u32 v31, v53  }
0x49e: {  	v28 =	vxor.u32 v27, v28;
	v55 =	vshrl.u32 v32, $0x10;
	v56 =	vshll.u32 v32, $0x10  }
0x49f: {  	v27 =	vadd.s32 v27, v28;
	v31 =	vadd.s32 v31, v32;
	v57 =	vor.u32 v55, v56  }
0x4a0: {  	v58 =	vshrl.u32 v28, $0x6;
	v28 =	vshll.u32 v28, $0x1A;
	v32 =	vxor.u32 v31, v57  }
0x4a1: {  	v28 =	vor.u32 v58, v28;
	v59 =	vshrl.u32 v32, $0x8;
	v60 =	vshll.u32 v32, $0x18  }
0x4a2: {  	v28 =	vxor.u32 v27, v28;
	v31 =	vadd.s32 v31, v32;
	v61 =	vor.u32 v59, v60  }
0x4a3: {  	v30 =	vand.u32 $0xFFFFFC00, v30;
	v27 =	vadd.s32 v27, v28;
	v32 =	vxor.u32 v31, v61  }
0x4a4: {  	v62 =	vshrl.u32 v28, $0x1A;
	v28 =	vshll.u32 v28, $0x6;
	v32 =	vadd.s32 $0x3D7B32F, v32  }
0x4a5: {  	v31 =	vadd.s32 v32, v31;
	v63 =	vshrl.u32 v32, $0x13;
	v32 =	vshll.u32 v32, $0xD  }
0x4a6: {  	v28 =	vor.u32 v62, v28;
	v31 =	vadd.s32 $0xB5D62B03, v31;
	v32 =	vor.u32 v63, v32  }
0x4a7: {  	v28 =	vxor.u32 v27, v28;
	v27 =	vadd.s32 $0xB5D62B03, v27;
	v32 =	vxor.u32 v31, v32  }
0x4a8: {  	v28 =	vadd.s32 $0x3D7B332, v28;
	v41 =	vshrl.u32 v32, $0x11;
	v42 =	vshll.u32 v32, $0xF  }
0x4a9: {  	v27 =	vxor.u32 v27, v28;
	v28 =	vld.idx.msk [tilespmem:v40+s20+$0x0], $0xffff;
	v31 =	vadd.s32 v31, v32;
	v43 =	vor.u32 v41, v42  }
0x4aa: {  	v45 =	vshll.u32 v29, $0x8;
	vm1 =	vgt.u32 v27, $0x800001FF;
	v27 =	vld.idx.msk [tilespmem:v40+s21+$0x0], $0xffff;
	v33 =	vxor.u32 v31, v43  }
0x4ab: {  	v29 =	vshll.u32 v29, $0x7;
	v37 =	vshrl.u32 v33, $0x6;
	v38 =	vshll.u32 v33, $0x1A  }
0x4ac: {  	v35 =	vand.u32 $0xFFFFF800, v45;
	v31 =	vadd.s32 v31, v33;
	v46 =	vor.u32 v37, v38  }
0x4ad: {  	v29 =	vand.u32 $0x380, v29;
	v30 =	vadd.s32 v35, v30;
	v33 =	vxor.u32 v31, v46  }
0x4ae: {  	v50 =	vmul.u32 $0xE0, v28;
	v47 =	vshrl.u32 v33, $0x1A;
	v48 =	vshll.u32 v33, $0x6  }
0x4af: {  	v51 =	vadd.s32 v3, v27;
	v31 =	vadd.s32 v31, v33;
	v49 =	vor.u32 v47, v48  }
0x4b0: {  	v29 =	vor.u32 v29, v30;
	v35 =	vadd.s32 v50, v51;
	v33 =	vxor.u32 v31, v49  }
0x4b1: {  	v53 =	vadd.s32 $0xADD083F4, v35;
	v35 =	vadd.s32 $0xB1A83721, v35;
	v33 =	vadd.s32 $0xADD083F7, v33  }
0x4b2: {  	v55 =	vshrl.u32 v53, $0x13;
	v52 =	vadd.s32 v33, v31;
	v31 =	vshll.u32 v53, $0xD  }
0x4b3: {  	v54 =	vshrl.u32 v33, $0xF;
	v33 =	vshll.u32 v33, $0x11;
	v31 =	vor.u32 v55, v31  }
0x4b4: {  	v30 =	vadd.s32 $0x3D7B32D, v52;
	v33 =	vor.u32 v54, v33;
	v31 =	vxor.u32 v35, v31  }
0x4b5: {  	v33 =	vxor.u32 v30, v33;
	v56 =	vshrl.u32 v31, $0x11  }
0x4b6: {  	v57 =	vshll.u32 v31, $0xF;
	v30 =	vadd.s32 v30, v33;
	v31 =	vadd.s32 v35, v31  }
0x4b7: {  	v59 =	vshrl.u32 v33, $0x3;
	v33 =	vshll.u32 v33, $0x1D;
	v58 =	vor.u32 v56, v57  }
0x4b8: {  	v33 =	vor.u32 v59, v33;
	v35 =	vxor.u32 v31, v58  }
0x4b9: {  	v34 =	vmov s7;
	v33 =	vxor.u32 v30, v33;
	v60 =	vshrl.u32 v35, $0x6  }
0x4ba: {  	v61 =	vshll.u32 v35, $0x1A;
	v31 =	vadd.s32 v31, v35;
	v30 =	vadd.s32 v30, v33  }
0x4bb: {  	v63 =	vshrl.u32 v33, $0x10;
	v33 =	vshll.u32 v33, $0x10;
	v62 =	vor.u32 v60, v61  }
0x4bc: {  	vm2 =	vlt.s32 v34, v23;
	v33 =	vor.u32 v63, v33;
	v35 =	vxor.u32 v31, v62  }
0x4bd: {  	v29 =	vor.u32 v44, v29;
	v43 =	vxor.u32 v30, v33;
	v40 =	vshrl.u32 v35, $0x1A  }
0x4be: {  	v41 =	vshll.u32 v35, $0x6;
	v31 =	vadd.s32 v31, v35;
	v45 =	vadd.s32 v30, v43  }
0x4bf: {  	v46 =	vshrl.u32 v43, $0x8;
	v32 =	vshll.u32 v43, $0x18;
	v42 =	vor.u32 v40, v41  }
0x4c0: {  	v30 =	vmov s8;
	s8 =	sadd.s32 $0x3, s5;
	v32 =	vor.u32 v46, v32;
	v44 =	vxor.u32 v31, v42  }
0x4c1: {  	v50 =	vadd.s32 s8, v7;
	v32 =	vxor.u32 v45, v32;
	v33 =	vadd.s32 $0xB5D62B04, v44  }
0x4c2: {  	v32 =	vadd.s32 $0xB5D62B07, v32;
	v31 =	vadd.s32 v33, v31;
	v47 =	vshrl.u32 v33, $0xF  }
0x4c3: {  	v33 =	vshll.u32 v33, $0x11;
	v52 =	vadd.s32 v32, v45;
	v56 =	vshrl.u32 v32, $0x13  }
0x4c4: {  	v57 =	vshll.u32 v32, $0xD;
	v31 =	vadd.s32 $0xADD083F4, v31;
	v33 =	vor.u32 v47, v33  }
0x4c5: {  	v34 =	vadd.s32 $0xADD083F4, v52;
	v35 =	vor.u32 v56, v57;
	v33 =	vxor.u32 v31, v33  }
0x4c6: {  	v32 =	vld.idx.msk [tilespmem:v50+s20+$0x0], $0xffff;
	v35 =	vxor.u32 v34, v35;
	v48 =	vshrl.u32 v33, $0x3;
	v49 =	vshll.u32 v33, $0x1D  }
0x4c7: {  	v31 =	vadd.s32 v31, v33;
	v60 =	vshrl.u32 v35, $0x11;
	v61 =	vshll.u32 v35, $0xF  }
0x4c8: {  	v34 =	vadd.s32 v34, v35;
	v51 =	vor.u32 v48, v49;
	v62 =	vor.u32 v60, v61  }
0x4c9: {  	vm4 =	vlt.s32 v30, v23;
	v33 =	vxor.u32 v31, v51;
	v35 =	vxor.u32 v34, v62  }
0x4ca: {  	v53 =	vshrl.u32 v33, $0x10;
	v54 =	vshll.u32 v33, $0x10;
	v33 =	vadd.s32 v31, v33;
	v31 =	vld.idx.msk [tilespmem:v50+s21+$0x0], $0xffff  }
0x4cb: {  	v34 =	vadd.s32 v34, v35;
	v55 =	vor.u32 v53, v54;
	v63 =	vmul.u32 $0xE0, v32  }
0x4cc: {  	v58 =	vxor.u32 v33, v55;
	v55 =	vshrl.u32 v35, $0x6;
	v35 =	vshll.u32 v35, $0x1A  }
0x4cd: {  	v59 =	vshrl.u32 v58, $0x8;
	v39 =	vshll.u32 v58, $0x18;
	v35 =	vor.u32 v55, v35  }
0x4ce: {  	v33 =	vadd.s32 v33, v58;
	v36 =	vor.u32 v59, v39;
	v35 =	vxor.u32 v34, v35  }
0x4cf: {  	v36 =	vxor.u32 v33, v36;
	v43 =	vadd.s32 v3, v31;
	v34 =	vadd.s32 v34, v35  }
0x4d0: {  	v36 =	vadd.s32 $0x3D7B32F, v36;
	v37 =	vadd.s32 v63, v43;
	v63 =	vshrl.u32 v35, $0x1A  }
0x4d1: {  	v35 =	vshll.u32 v35, $0x6;
	v33 =	vadd.s32 v36, v33;
	v42 =	vshrl.u32 v36, $0x13  }
0x4d2: {  	v36 =	vshll.u32 v36, $0xD;
	v44 =	vadd.s32 $0xADD083F4, v37;
	v37 =	vadd.s32 $0xB1A83721, v37  }
0x4d3: {  	v35 =	vor.u32 v63, v35;
	v33 =	vadd.s32 $0xB5D62B03, v33;
	v36 =	vor.u32 v42, v36  }
0x4d4: {  	v40 =	vshrl.u32 v44, $0x13;
	v38 =	vshll.u32 v44, $0xD;
	v35 =	vxor.u32 v34, v35  }
0x4d5: {  	v34 =	vadd.s32 $0xB5D62B03, v34;
	v36 =	vxor.u32 v33, v36;
	v38 =	vor.u32 v40, v38  }
0x4d6: {  	v35 =	vadd.s32 $0x3D7B332, v35;
	v45 =	vshrl.u32 v36, $0x11;
	v46 =	vshll.u32 v36, $0xF  }
0x4d7: {  	v33 =	vadd.s32 v33, v36;
	v38 =	vxor.u32 v37, v38;
	v47 =	vor.u32 v45, v46  }
0x4d8: {  	v48 =	vshrl.u32 v38, $0x11;
	v49 =	vshll.u32 v38, $0xF;
	v36 =	vxor.u32 v33, v47  }
0x4d9: {  	v37 =	vadd.s32 v37, v38;
	v50 =	vor.u32 v48, v49;
	v33 =	vadd.s32 v33, v36  }
0x4da: {  	v51 =	vshrl.u32 v36, $0x6;
	v36 =	vshll.u32 v36, $0x1A;
	v38 =	vxor.u32 v37, v50  }
0x4db: {  	v36 =	vor.u32 v51, v36;
	v52 =	vshrl.u32 v38, $0x6;
	v53 =	vshll.u32 v38, $0x1A  }
0x4dc: {  	v37 =	vadd.s32 v37, v38;
	v36 =	vxor.u32 v33, v36;
	v54 =	vor.u32 v52, v53  }
0x4dd: {  	v34 =	vxor.u32 v34, v35;
	v33 =	vadd.s32 v33, v36;
	v38 =	vxor.u32 v37, v54  }
0x4de: {  	v57 =	vshrl.u32 v36, $0x1A;
	v36 =	vshll.u32 v36, $0x6;
	v37 =	vadd.s32 v37, v38  }
0x4df: {  	v56 =	vshrl.u32 v38, $0x1A;
	v38 =	vshll.u32 v38, $0x6;
	v36 =	vor.u32 v57, v36  }
0x4e0: {  	vm3 =	vgt.u32 v34, $0x800001FF;
	v38 =	vor.u32 v56, v38;
	v36 =	vxor.u32 v33, v36  }
0x4e1: {  	v52 =	vshll.u32 v26, $0x8;
	v38 =	vxor.u32 v37, v38;
	v36 =	vadd.s32 $0xADD083F7, v36  }
0x4e2: {  	v38 =	vadd.s32 $0xB5D62B04, v38;
	v33 =	vadd.s32 v36, v33;
	v61 =	vshrl.u32 v36, $0xF  }
0x4e3: {  	v36 =	vshll.u32 v36, $0x11;
	v58 =	vshrl.u32 v38, $0xF;
	v59 =	vshll.u32 v38, $0x11  }
0x4e4: {  	v37 =	vadd.s32 v38, v37;
	v36 =	vor.u32 v61, v36;
	v33 =	vadd.s32 $0x3D7B32D, v33  }
0x4e5: {  	v60 =	vor.u32 v58, v59;
	v37 =	vadd.s32 $0xADD083F4, v37;
	v36 =	vxor.u32 v33, v36  }
0x4e6: {  	v53 =	vshll.u32 v25, $0x3;
	v38 =	vxor.u32 v37, v60;
	v33 =	vadd.s32 v33, v36  }
0x4e7: {  	v43 =	vshrl.u32 v36, $0x3;
	v36 =	vshll.u32 v36, $0x1D;
	v37 =	vadd.s32 v37, v38  }
0x4e8: {  	v62 =	vshrl.u32 v38, $0x3;
	v38 =	vshll.u32 v38, $0x1D;
	v36 =	vor.u32 v43, v36  }
0x4e9: {  	v26 =	vshll.u32 v26, $0x7;
	v38 =	vor.u32 v62, v38;
	v45 =	vxor.u32 v33, v36  }
0x4ea: {  	v38 =	vxor.u32 v37, v38;
	v47 =	vshrl.u32 v45, $0x10;
	v49 =	vshll.u32 v45, $0x10  }
0x4eb: {  	v37 =	vadd.s32 v37, v38;
	v42 =	vshrl.u32 v38, $0x10;
	v38 =	vshll.u32 v38, $0x10  }
0x4ec: {  	v33 =	vadd.s32 v33, v45;
	v34 =	vor.u32 v47, v49;
	v38 =	vor.u32 v42, v38  }
0x4ed: {  	v25 =	vand.u32 $0x7F, v25;
	v34 =	vxor.u32 v33, v34;
	v38 =	vxor.u32 v37, v38  }
0x4ee: {  	v33 =	vadd.s32 v33, v34;
	v55 =	vshrl.u32 v34, $0x8;
	v34 =	vshll.u32 v34, $0x18  }
0x4ef: {  	v37 =	vadd.s32 v37, v38;
	v44 =	vshrl.u32 v38, $0x8;
	v38 =	vshll.u32 v38, $0x18  }
0x4f0: {  	v26 =	vand.u32 $0x380, v26;
	v34 =	vor.u32 v55, v34;
	v38 =	vor.u32 v44, v38  }
0x4f1: {  	v55 =	vshll.u32 v31, $0x3;
	v31 =	vand.u32 $0x7F, v31;
	v46 =	vxor.u32 v37, v38  }
0x4f2: {  	v34 =	vxor.u32 v33, v34;
	v38 =	vand.u32 $0xFFFFF800, v52;
	v36 =	vadd.s32 $0x3D7B32F, v46  }
0x4f3: {  	v37 =	vadd.s32 v36, v37;
	v48 =	vshrl.u32 v36, $0x13;
	v36 =	vshll.u32 v36, $0xD  }
0x4f4: {  	v34 =	vadd.s32 $0xB5D62B07, v34;
	v36 =	vor.u32 v48, v36;
	v37 =	vadd.s32 $0xB5D62B03, v37  }
0x4f5: {  	v33 =	vadd.s32 v34, v33;
	v57 =	vshrl.u32 v34, $0x13;
	v50 =	vxor.u32 v37, v36  }
0x4f6: {  	v34 =	vshll.u32 v34, $0xD;
	v51 =	vshrl.u32 v50, $0x11;
	v35 =	vshll.u32 v50, $0xF  }
0x4f7: {  	v46 =	vshll.u32 v28, $0x8;
	v36 =	vadd.s32 v37, v50;
	v35 =	vor.u32 v51, v35  }
0x4f8: {  	v28 =	vshll.u32 v28, $0x7;
	v33 =	vadd.s32 $0xADD083F4, v33;
	v35 =	vxor.u32 v36, v35  }
0x4f9: {  	v36 =	vadd.s32 v36, v35;
	v54 =	vshrl.u32 v35, $0x6;
	v35 =	vshll.u32 v35, $0x1A  }
0x4fa: {  	v34 =	vor.u32 v57, v34;
	v28 =	vand.u32 $0x380, v28;
	v35 =	vor.u32 v54, v35  }
0x4fb: {  	v57 =	vand.u32 $0xFFFFFC00, v55;
	v34 =	vxor.u32 v33, v34;
	v35 =	vxor.u32 v36, v35  }
0x4fc: {  	v36 =	vadd.s32 v36, v35;
	v56 =	vshrl.u32 v35, $0x1A;
	v35 =	vshll.u32 v35, $0x6  }
0x4fd: {  	v48 =	vshll.u32 v27, $0x3;
	v27 =	vand.u32 $0x7F, v27;
	v35 =	vor.u32 v56, v35  }
0x4fe: {  	v33 =	vadd.s32 v33, v34;
	v62 =	vshrl.u32 v34, $0x11;
	v35 =	vxor.u32 v36, v35  }
0x4ff: {  	v34 =	vshll.u32 v34, $0xF;
	v37 =	vand.u32 $0xFFFFFC00, v53;
	v35 =	vadd.s32 $0xADD083F7, v35  }
0x500: {  	v36 =	vadd.s32 v35, v36;
	v58 =	vshrl.u32 v35, $0xF;
	v35 =	vshll.u32 v35, $0x11  }
0x501: {  	v37 =	vadd.s32 v38, v37;
	v36 =	vadd.s32 $0x3D7B32D, v36;
	v35 =	vor.u32 v58, v35  }
0x502: {  	v34 =	vor.u32 v62, v34;
	v26 =	vor.u32 v26, v37;
	v35 =	vxor.u32 v36, v35  }
0x503: {  	v25 =	vor.u32 v25, v26;
	v59 =	vshrl.u32 v35, $0x3;
	v60 =	vshll.u32 v35, $0x1D  }
0x504: {  	v26 =	vxor.u32 v33, v34;
	v35 =	vadd.s32 v36, v35;
	v61 =	vor.u32 v59, v60  }
0x505: {  	v37 =	vand.u32 $0xFFFFFC00, v48;
	v43 =	vshrl.u32 v26, $0x6;
	v36 =	vxor.u32 v35, v61  }
0x506: {  	v44 =	vshll.u32 v26, $0x1A;
	v63 =	vshrl.u32 v36, $0x10;
	v40 =	vshll.u32 v36, $0x10  }
0x507: {  	v26 =	vadd.s32 v33, v26;
	v35 =	vadd.s32 v35, v36;
	v41 =	vor.u32 v63, v40  }
0x508: {  	v54 =	vshll.u32 v32, $0x8;
	v32 =	vshll.u32 v32, $0x7;
	v42 =	vxor.u32 v35, v41  }
0x509: {  	v45 =	vor.u32 v43, v44;
	v36 =	vshrl.u32 v42, $0x8;
	v34 =	vshll.u32 v42, $0x18  }
0x50a: {  	v33 =	vxor.u32 v26, v45;
	v35 =	vadd.s32 v35, v42;
	v34 =	vor.u32 v36, v34  }
0x50b: {  	v32 =	vand.u32 $0x380, v32;
	v26 =	vadd.s32 v26, v33;
	v34 =	vxor.u32 v35, v34  }
0x50c: {  	v52 =	vshrl.u32 v33, $0x1A;
	v33 =	vshll.u32 v33, $0x6;
	v34 =	vadd.s32 $0xB5D62B07, v34  }
0x50d: {  	v35 =	vadd.s32 v34, v35;
	v47 =	vshrl.u32 v34, $0x13;
	v34 =	vshll.u32 v34, $0xD  }
0x50e: {  	v56 =	vand.u32 $0xFFFFF800, v54;
	v34 =	vor.u32 v47, v34;
	v35 =	vadd.s32 $0xADD083F4, v35  }
0x50f: {  	v33 =	vor.u32 v52, v33;
	v30 =	vadd.s32 v56, v57;
	v34 =	vxor.u32 v35, v34  }
0x510: {  	v36 =	vand.u32 $0xFFFFF800, v46;
	v49 =	vshrl.u32 v34, $0x11;
	v50 =	vshll.u32 v34, $0xF  }
0x511: {  	v36 =	vadd.s32 v36, v37;
	v34 =	vadd.s32 v35, v34;
	v51 =	vor.u32 v49, v50  }
0x512: {  	v30 =	vor.u32 v32, v30;
	v28 =	vor.u32 v28, v36;
	v53 =	vxor.u32 v34, v51  }
0x513: {  	v27 =	vor.u32 v27, v28;
	v35 =	vshrl.u32 v53, $0x6;
	v28 =	vshll.u32 v53, $0x1A  }
0x514: {  	v30 =	vor.u32 v31, v30;
	v34 =	vadd.s32 v34, v53;
	v28 =	vor.u32 v35, v28  }
0x515: {  	v58 =	vsel vm1, $0x3F800000, v22;
	v59 =	vmov s8;
	v28 =	vxor.u32 v34, v28  }
0x516: {  	v34 =	vadd.s32 v34, v28;
	v60 =	vshrl.u32 v28, $0x1A;
	v28 =	vshll.u32 v28, $0x6  }
0x517: {  	s5 =	sadd.s32 $0x4, s5;
	vm13 =	vlt.s32 v59, v23;
	v61 =	vxor.u32 v26, v33;
	v28 =	vor.u32 v60, v28  }
0x518: {  	p4 =	slt.s32 s5, s0;
	v26 =	vadd.s32 $0xB5D62B03, v26;
	v31 =	vadd.s32 $0x3D7B332, v61;
	v28 =	vxor.u32 v34, v28  }
.Ltmp17:
0x519: {  	v26 =	vxor.u32 v26, v31;
	v62 =	vadd.s32 $0xB5D62B03, v34;
	v28 =	vadd.s32 $0x3D7B332, v28;
	(pc) =	sbr.rel @p4 .LBB2_25-.Ltmp17, $4  }
0x51a: {  	[tilespmem:v29+s23+$0x0] =	vst.idx.msk vm0, v58;
	v63 =	vsel vm3, $0x3F800000, v22;
	vm14 =	vgt.u32 v26, $0x800001FF;
	v26 =	vxor.u32 v62, v28  }
0x51b: {  	[tilespmem:v25+s23+$0x0] =	vst.idx.msk vm2, v63;
	v25 =	vsel vm14, $0x3F800000, v22;
	vm15 =	vgt.u32 v26, $0x800001FF  }
0x51c: {  	[tilespmem:v27+s23+$0x0] =	vst.idx.msk vm4, v25;
	v25 =	vsel vm15, $0x3F800000, v22  }
0x51d: {  	[tilespmem:v30+s23+$0x0] =	vst.idx.msk vm13, v25  }
.LBB2_26:
.Ltmp18:
0x51e: {  	(pc) =	sbr.rel @p3 .LBB2_29-.Ltmp18, $1  }
0x51f: {  	_ =	sdelay $0x3  }
0x520: {  	s5 =	ssub.s32 $0x0, s6  }
.LBB2_28:
0x521: {  	s6 =	sadd.s32 s5, s31  }
0x522: {  	v25 =	vadd.s32 s6, v7;
	_ =	sdelay $0x4  }
0x523: {  	v26 =	vld.idx.msk [tilespmem:v25+s20+$0x0], $0xffff  }
0x524: {  	v25 =	vld.idx.msk [tilespmem:v25+s21+$0x0], $0xffff;
	_ =	sdelay $0x3  }
0x525: {  	v27 =	vmul.u32 $0xE0, v26  }
0x526: {  	v28 =	vadd.s32 v3, v25  }
0x527: {  	v27 =	vadd.s32 v27, v28  }
0x528: {  	v28 =	vadd.s32 $0xADD083F4, v27  }
0x529: {  	v29 =	vshrl.u32 v28, $0x13;
	v28 =	vshll.u32 v28, $0xD  }
0x52a: {  	v27 =	vadd.s32 $0xB1A83721, v27;
	v28 =	vor.u32 v29, v28  }
0x52b: {  	v28 =	vxor.u32 v27, v28  }
0x52c: {  	v50 =	vshrl.u32 v28, $0x11;
	v30 =	vshll.u32 v28, $0xF  }
0x52d: {  	v27 =	vadd.s32 v27, v28;
	v51 =	vor.u32 v50, v30  }
0x52e: {  	v28 =	vxor.u32 v27, v51  }
0x52f: {  	v52 =	vshrl.u32 v28, $0x6;
	v53 =	vshll.u32 v28, $0x1A  }
0x530: {  	v27 =	vadd.s32 v27, v28;
	v54 =	vor.u32 v52, v53  }
0x531: {  	v28 =	vxor.u32 v27, v54  }
0x532: {  	v55 =	vshrl.u32 v28, $0x1A;
	v56 =	vshll.u32 v28, $0x6  }
0x533: {  	v27 =	vadd.s32 v27, v28;
	v57 =	vor.u32 v55, v56  }
0x534: {  	v28 =	vxor.u32 v27, v57  }
0x535: {  	v28 =	vadd.s32 $0xB5D62B04, v28  }
0x536: {  	v27 =	vadd.s32 v28, v27;
	v58 =	vshrl.u32 v28, $0xF;
	v28 =	vshll.u32 v28, $0x11  }
0x537: {  	v27 =	vadd.s32 $0xADD083F4, v27;
	v28 =	vor.u32 v58, v28  }
0x538: {  	v28 =	vxor.u32 v27, v28  }
0x539: {  	v59 =	vshrl.u32 v28, $0x3;
	v60 =	vshll.u32 v28, $0x1D  }
0x53a: {  	v27 =	vadd.s32 v27, v28;
	v61 =	vor.u32 v59, v60  }
0x53b: {  	v28 =	vxor.u32 v27, v61  }
0x53c: {  	v62 =	vshrl.u32 v28, $0x10;
	v63 =	vshll.u32 v28, $0x10  }
0x53d: {  	v27 =	vadd.s32 v27, v28;
	v32 =	vor.u32 v62, v63  }
0x53e: {  	v28 =	vxor.u32 v27, v32  }
0x53f: {  	v33 =	vshrl.u32 v28, $0x8;
	v34 =	vshll.u32 v28, $0x18  }
0x540: {  	v27 =	vadd.s32 v27, v28;
	v35 =	vor.u32 v33, v34  }
0x541: {  	v28 =	vxor.u32 v27, v35  }
0x542: {  	v28 =	vadd.s32 $0x3D7B32F, v28  }
0x543: {  	v27 =	vadd.s32 v28, v27;
	v36 =	vshrl.u32 v28, $0x13;
	v28 =	vshll.u32 v28, $0xD  }
0x544: {  	v27 =	vadd.s32 $0xB5D62B03, v27;
	v28 =	vor.u32 v36, v28  }
0x545: {  	v28 =	vxor.u32 v27, v28  }
0x546: {  	v37 =	vshrl.u32 v28, $0x11;
	v38 =	vshll.u32 v28, $0xF  }
0x547: {  	v27 =	vadd.s32 v27, v28;
	v39 =	vor.u32 v37, v38  }
0x548: {  	v28 =	vxor.u32 v27, v39  }
0x549: {  	v40 =	vshrl.u32 v28, $0x6;
	v41 =	vshll.u32 v28, $0x1A  }
0x54a: {  	v27 =	vadd.s32 v27, v28;
	v42 =	vor.u32 v40, v41  }
0x54b: {  	v28 =	vxor.u32 v27, v42  }
0x54c: {  	v43 =	vshrl.u32 v28, $0x1A;
	v44 =	vshll.u32 v28, $0x6  }
0x54d: {  	v27 =	vadd.s32 v27, v28;
	v45 =	vor.u32 v43, v44  }
0x54e: {  	v28 =	vxor.u32 v27, v45  }
0x54f: {  	v28 =	vadd.s32 $0xADD083F7, v28  }
0x550: {  	v27 =	vadd.s32 v28, v27;
	v46 =	vshrl.u32 v28, $0xF;
	v28 =	vshll.u32 v28, $0x11  }
0x551: {  	v27 =	vadd.s32 $0x3D7B32D, v27;
	v28 =	vor.u32 v46, v28  }
0x552: {  	v28 =	vxor.u32 v27, v28  }
0x553: {  	v47 =	vshrl.u32 v28, $0x3;
	v48 =	vshll.u32 v28, $0x1D  }
0x554: {  	v27 =	vadd.s32 v27, v28;
	v49 =	vor.u32 v47, v48  }
0x555: {  	v28 =	vxor.u32 v27, v49  }
0x556: {  	v50 =	vshrl.u32 v28, $0x10;
	v51 =	vshll.u32 v28, $0x10  }
0x557: {  	v27 =	vadd.s32 v27, v28;
	v52 =	vor.u32 v50, v51  }
0x558: {  	v28 =	vxor.u32 v27, v52  }
0x559: {  	v53 =	vshrl.u32 v28, $0x8;
	v54 =	vshll.u32 v28, $0x18  }
0x55a: {  	v27 =	vadd.s32 v27, v28;
	v55 =	vor.u32 v53, v54  }
0x55b: {  	v28 =	vxor.u32 v27, v55  }
0x55c: {  	v28 =	vadd.s32 $0xB5D62B07, v28  }
0x55d: {  	v27 =	vadd.s32 v28, v27;
	v56 =	vshrl.u32 v28, $0x13;
	v28 =	vshll.u32 v28, $0xD  }
0x55e: {  	v27 =	vadd.s32 $0xADD083F4, v27;
	v28 =	vor.u32 v56, v28  }
0x55f: {  	v59 =	vmov s6;
	v28 =	vxor.u32 v27, v28  }
0x560: {  	vm0 =	vlt.s32 v59, v23;
	v57 =	vshrl.u32 v28, $0x11;
	v58 =	vshll.u32 v28, $0xF  }
0x561: {  	v61 =	vshll.u32 v26, $0x8;
	v27 =	vadd.s32 v27, v28;
	v29 =	vor.u32 v57, v58  }
0x562: {  	v26 =	vshll.u32 v26, $0x7;
	v62 =	vshll.u32 v25, $0x3;
	v60 =	vxor.u32 v27, v29  }
0x563: {  	v30 =	vand.u32 $0xFFFFFC00, v62;
	v29 =	vshrl.u32 v60, $0x6;
	v28 =	vshll.u32 v60, $0x1A  }
0x564: {  	v27 =	vadd.s32 v27, v60;
	v28 =	vor.u32 v29, v28;
	v29 =	vand.u32 $0xFFFFF800, v61  }
0x565: {  	v26 =	vand.u32 $0x380, v26;
	v28 =	vxor.u32 v27, v28;
	v29 =	vadd.s32 v29, v30  }
0x566: {  	v27 =	vadd.s32 v27, v28;
	v63 =	vshrl.u32 v28, $0x1A;
	v28 =	vshll.u32 v28, $0x6  }
0x567: {  	s5 =	sadd.s32 $0x1, s5;
	v25 =	vand.u32 $0x7F, v25;
	v26 =	vor.u32 v26, v29;
	v28 =	vor.u32 v63, v28  }
0x568: {  	p4 =	seq.s32 s5, $0x0;
	v25 =	vor.u32 v25, v26;
	v28 =	vxor.u32 v27, v28  }
.Ltmp19:
0x569: {  	v26 =	vadd.s32 $0xB5D62B03, v27;
	v27 =	vadd.s32 $0x3D7B332, v28;
	(pc) =	sbr.rel @!p4 .LBB2_28-.Ltmp19, $4  }
0x56a: {  	v26 =	vxor.u32 v26, v27  }
0x56b: {  	vm1 =	vgt.u32 v26, $0x800001FF  }
0x56c: {  	v26 =	vsel vm1, $0x3F800000, v22  }
0x56d: {  	[tilespmem:v25+s23+$0x0] =	vst.idx.msk vm0, v26  }
.LBB2_29:
0x56e: {  	[hbm4b:s12+s2] =	stream.linear.scatter [tilespmem:s23], [sflag:$0x5], $0x7000, $0x38;
	[tilespmem:$0x1F000] =	vst v63  }
0x56f: {  	_ =	swait.ge [sflag:s28], $0x7000  }
0x570: {  	[sflag:s28] =	ssyncset.done $0x0  }
.Ltmp20:
0x571: {  	[sflag:s28] =	ssyncadd.s32 $0xFFFF9000;
	(pc) =	sbr.rel @p0 .LBB2_32-.Ltmp20, $4  }
0x572: {  	[tilespmem:s23], [sflag:$0x3] =	stream.linear.gather [hbm4b:s13+s2], $0x7000, $0x38;
	[tilespmem:$0x1F000] =	vst v63  }
0x573: {  	_ =	swait.ge [sflag:s24], $0x7000  }
0x574: {  	[sflag:s24] =	ssyncset.done $0x0  }
0x575: {  	[sflag:s24] =	ssyncadd.s32 $0xFFFF9000  }
0x576: {  	s5 =	simm.s32 $0x0  }
.LBB2_31:
0x577: {  	v25 =	vadd.s32 s5, v7;
	_ =	sdelay $0x4  }
0x578: {  	v29 =	vld.idx.msk [tilespmem:v25+s18+$0x0], $0xffff  }
0x579: {  	v30 =	vld.idx.msk [tilespmem:v25+s19+$0x0], $0xffff;
	_ =	sdelay $0x3  }
0x57a: {  	v25 =	vmul.u32 $0xE0, v29  }
0x57b: {  	v26 =	vadd.s32 v5, v30  }
0x57c: {  	v25 =	vadd.s32 v25, v26  }
0x57d: {  	v26 =	vadd.s32 $0xADD083F4, v25  }
0x57e: {  	v27 =	vshrl.u32 v26, $0x13;
	v26 =	vshll.u32 v26, $0xD  }
0x57f: {  	v25 =	vadd.s32 $0xB1A83721, v25;
	v26 =	vor.u32 v27, v26  }
0x580: {  	v26 =	vxor.u32 v25, v26  }
0x581: {  	v27 =	vshrl.u32 v26, $0x11;
	v28 =	vshll.u32 v26, $0xF  }
0x582: {  	v25 =	vadd.s32 v25, v26;
	v26 =	vor.u32 v27, v28  }
0x583: {  	v26 =	vxor.u32 v25, v26  }
0x584: {  	v27 =	vshrl.u32 v26, $0x6;
	v49 =	vshll.u32 v26, $0x1A  }
0x585: {  	v25 =	vadd.s32 v25, v26;
	v26 =	vor.u32 v27, v49  }
0x586: {  	v26 =	vxor.u32 v25, v26  }
0x587: {  	v27 =	vshrl.u32 v26, $0x1A;
	v50 =	vshll.u32 v26, $0x6  }
0x588: {  	v25 =	vadd.s32 v25, v26;
	v26 =	vor.u32 v27, v50  }
0x589: {  	v26 =	vxor.u32 v25, v26  }
0x58a: {  	v26 =	vadd.s32 $0xB5D62B04, v26  }
0x58b: {  	v25 =	vadd.s32 v26, v25;
	v27 =	vshrl.u32 v26, $0xF;
	v26 =	vshll.u32 v26, $0x11  }
0x58c: {  	v25 =	vadd.s32 $0xADD083F4, v25;
	v26 =	vor.u32 v27, v26  }
0x58d: {  	v26 =	vxor.u32 v25, v26  }
0x58e: {  	v27 =	vshrl.u32 v26, $0x3;
	v51 =	vshll.u32 v26, $0x1D  }
0x58f: {  	v25 =	vadd.s32 v25, v26;
	v26 =	vor.u32 v27, v51  }
0x590: {  	v26 =	vxor.u32 v25, v26  }
0x591: {  	v27 =	vshrl.u32 v26, $0x10;
	v52 =	vshll.u32 v26, $0x10  }
0x592: {  	v25 =	vadd.s32 v25, v26;
	v26 =	vor.u32 v27, v52  }
0x593: {  	v26 =	vxor.u32 v25, v26  }
0x594: {  	v27 =	vshrl.u32 v26, $0x8;
	v53 =	vshll.u32 v26, $0x18  }
0x595: {  	v25 =	vadd.s32 v25, v26;
	v26 =	vor.u32 v27, v53  }
0x596: {  	v26 =	vxor.u32 v25, v26  }
0x597: {  	v26 =	vadd.s32 $0x3D7B32F, v26  }
0x598: {  	v25 =	vadd.s32 v26, v25;
	v27 =	vshrl.u32 v26, $0x13;
	v26 =	vshll.u32 v26, $0xD  }
0x599: {  	v25 =	vadd.s32 $0xB5D62B03, v25;
	v26 =	vor.u32 v27, v26  }
0x59a: {  	v26 =	vxor.u32 v25, v26  }
0x59b: {  	s6 =	sadd.s32 $0x1, s5;
	v27 =	vshrl.u32 v26, $0x11;
	v54 =	vshll.u32 v26, $0xF  }
0x59c: {  	v25 =	vadd.s32 v25, v26;
	v26 =	vor.u32 v27, v54;
	v27 =	vadd.s32 s6, v7  }
0x59d: {  	v26 =	vxor.u32 v25, v26  }
0x59e: {  	v55 =	vshrl.u32 v26, $0x6;
	v31 =	vshll.u32 v26, $0x1A  }
0x59f: {  	v25 =	vadd.s32 v25, v26;
	v26 =	vor.u32 v55, v31  }
0x5a0: {  	v28 =	vxor.u32 v25, v26  }
0x5a1: {  	v56 =	vshrl.u32 v28, $0x1A;
	v32 =	vshll.u32 v28, $0x6;
	v26 =	vld.idx.msk [tilespmem:v27+s18+$0x0], $0xffff  }
0x5a2: {  	v28 =	vadd.s32 v25, v28;
	v25 =	vld.idx.msk [tilespmem:v27+s19+$0x0], $0xffff;
	v31 =	vor.u32 v56, v32  }
0x5a3: {  	v27 =	vxor.u32 v28, v31  }
0x5a4: {  	v27 =	vadd.s32 $0xADD083F7, v27  }
0x5a5: {  	v48 =	vmov s5;
	v28 =	vadd.s32 v27, v28  }
0x5a6: {  	v57 =	vshrl.u32 v27, $0xF;
	v27 =	vshll.u32 v27, $0x11;
	v58 =	vmul.u32 $0xE0, v26  }
0x5a7: {  	v28 =	vadd.s32 $0x3D7B32D, v28;
	v27 =	vor.u32 v57, v27;
	v59 =	vadd.s32 v5, v25  }
0x5a8: {  	vm0 =	vlt.s32 v48, v24;
	v27 =	vxor.u32 v28, v27;
	v31 =	vadd.s32 v58, v59  }
0x5a9: {  	v28 =	vadd.s32 v28, v27;
	v60 =	vshrl.u32 v27, $0x3;
	v27 =	vshll.u32 v27, $0x1D  }
0x5aa: {  	v33 =	vadd.s32 $0xADD083F4, v31;
	v27 =	vor.u32 v60, v27;
	v31 =	vadd.s32 $0xB1A83721, v31  }
0x5ab: {  	v34 =	vshrl.u32 v33, $0x13;
	v33 =	vshll.u32 v33, $0xD;
	v27 =	vxor.u32 v28, v27  }
0x5ac: {  	v61 =	vor.u32 v34, v33;
	v62 =	vshrl.u32 v27, $0x10;
	v36 =	vshll.u32 v27, $0x10  }
0x5ad: {  	v27 =	vadd.s32 v28, v27;
	v34 =	vmov s6;
	v32 =	vxor.u32 v31, v61  }
0x5ae: {  	v40 =	vor.u32 v62, v36;
	v63 =	vshrl.u32 v32, $0x11;
	v35 =	vshll.u32 v32, $0xF  }
0x5af: {  	v31 =	vadd.s32 v31, v32;
	v28 =	vxor.u32 v27, v40;
	v39 =	vor.u32 v63, v35  }
0x5b0: {  	v27 =	vadd.s32 v27, v28;
	v44 =	vshrl.u32 v28, $0x8;
	v32 =	vxor.u32 v31, v39  }
0x5b1: {  	v28 =	vshll.u32 v28, $0x18;
	v41 =	vshrl.u32 v32, $0x6;
	v42 =	vshll.u32 v32, $0x1A  }
0x5b2: {  	s7 =	sadd.s32 $0x2, s5;
	v28 =	vor.u32 v44, v28;
	v31 =	vadd.s32 v31, v32;
	v43 =	vor.u32 v41, v42  }
0x5b3: {  	v40 =	vadd.s32 s7, v7;
	v28 =	vxor.u32 v27, v28;
	v32 =	vxor.u32 v31, v43  }
0x5b4: {  	v28 =	vadd.s32 $0xB5D62B07, v28;
	v45 =	vshrl.u32 v32, $0x1A;
	v46 =	vshll.u32 v32, $0x6  }
0x5b5: {  	v27 =	vadd.s32 v28, v27;
	v31 =	vadd.s32 v31, v32;
	v47 =	vor.u32 v45, v46  }
0x5b6: {  	v49 =	vshrl.u32 v28, $0x13;
	v28 =	vshll.u32 v28, $0xD;
	v32 =	vxor.u32 v31, v47  }
0x5b7: {  	v27 =	vadd.s32 $0xADD083F4, v27;
	v28 =	vor.u32 v49, v28;
	v32 =	vadd.s32 $0xB5D62B04, v32  }
0x5b8: {  	v31 =	vadd.s32 v32, v31;
	v50 =	vshrl.u32 v32, $0xF;
	v32 =	vshll.u32 v32, $0x11  }
0x5b9: {  	v28 =	vxor.u32 v27, v28;
	v31 =	vadd.s32 $0xADD083F4, v31;
	v32 =	vor.u32 v50, v32  }
0x5ba: {  	v44 =	vand.u32 $0x7F, v30;
	v27 =	vadd.s32 v27, v28;
	v32 =	vxor.u32 v31, v32  }
0x5bb: {  	v54 =	vshrl.u32 v28, $0x11;
	v51 =	vshrl.u32 v32, $0x3;
	v52 =	vshll.u32 v32, $0x1D  }
0x5bc: {  	v28 =	vshll.u32 v28, $0xF;
	v31 =	vadd.s32 v31, v32;
	v53 =	vor.u32 v51, v52  }
0x5bd: {  	v30 =	vshll.u32 v30, $0x3;
	v28 =	vor.u32 v54, v28;
	v32 =	vxor.u32 v31, v53  }
0x5be: {  	v28 =	vxor.u32 v27, v28;
	v55 =	vshrl.u32 v32, $0x10;
	v56 =	vshll.u32 v32, $0x10  }
0x5bf: {  	v27 =	vadd.s32 v27, v28;
	v31 =	vadd.s32 v31, v32;
	v57 =	vor.u32 v55, v56  }
0x5c0: {  	v58 =	vshrl.u32 v28, $0x6;
	v28 =	vshll.u32 v28, $0x1A;
	v32 =	vxor.u32 v31, v57  }
0x5c1: {  	v28 =	vor.u32 v58, v28;
	v59 =	vshrl.u32 v32, $0x8;
	v60 =	vshll.u32 v32, $0x18  }
0x5c2: {  	v28 =	vxor.u32 v27, v28;
	v31 =	vadd.s32 v31, v32;
	v61 =	vor.u32 v59, v60  }
0x5c3: {  	v30 =	vand.u32 $0xFFFFFC00, v30;
	v27 =	vadd.s32 v27, v28;
	v32 =	vxor.u32 v31, v61  }
0x5c4: {  	v62 =	vshrl.u32 v28, $0x1A;
	v28 =	vshll.u32 v28, $0x6;
	v32 =	vadd.s32 $0x3D7B32F, v32  }
0x5c5: {  	v31 =	vadd.s32 v32, v31;
	v63 =	vshrl.u32 v32, $0x13;
	v32 =	vshll.u32 v32, $0xD  }
0x5c6: {  	v28 =	vor.u32 v62, v28;
	v31 =	vadd.s32 $0xB5D62B03, v31;
	v32 =	vor.u32 v63, v32  }
0x5c7: {  	v28 =	vxor.u32 v27, v28;
	v27 =	vadd.s32 $0xB5D62B03, v27;
	v32 =	vxor.u32 v31, v32  }
0x5c8: {  	v28 =	vadd.s32 $0x3D7B332, v28;
	v41 =	vshrl.u32 v32, $0x11;
	v42 =	vshll.u32 v32, $0xF  }
0x5c9: {  	v27 =	vxor.u32 v27, v28;
	v28 =	vld.idx.msk [tilespmem:v40+s18+$0x0], $0xffff;
	v31 =	vadd.s32 v31, v32;
	v43 =	vor.u32 v41, v42  }
0x5ca: {  	v45 =	vshll.u32 v29, $0x8;
	vm1 =	vgt.u32 v27, $0x800001FF;
	v27 =	vld.idx.msk [tilespmem:v40+s19+$0x0], $0xffff;
	v33 =	vxor.u32 v31, v43  }
0x5cb: {  	v29 =	vshll.u32 v29, $0x7;
	v37 =	vshrl.u32 v33, $0x6;
	v38 =	vshll.u32 v33, $0x1A  }
0x5cc: {  	v35 =	vand.u32 $0xFFFFF800, v45;
	v31 =	vadd.s32 v31, v33;
	v46 =	vor.u32 v37, v38  }
0x5cd: {  	v29 =	vand.u32 $0x380, v29;
	v30 =	vadd.s32 v35, v30;
	v33 =	vxor.u32 v31, v46  }
0x5ce: {  	v50 =	vmul.u32 $0xE0, v28;
	v47 =	vshrl.u32 v33, $0x1A;
	v48 =	vshll.u32 v33, $0x6  }
0x5cf: {  	v51 =	vadd.s32 v5, v27;
	v31 =	vadd.s32 v31, v33;
	v49 =	vor.u32 v47, v48  }
0x5d0: {  	v29 =	vor.u32 v29, v30;
	v35 =	vadd.s32 v50, v51;
	v33 =	vxor.u32 v31, v49  }
0x5d1: {  	v53 =	vadd.s32 $0xADD083F4, v35;
	v35 =	vadd.s32 $0xB1A83721, v35;
	v33 =	vadd.s32 $0xADD083F7, v33  }
0x5d2: {  	v55 =	vshrl.u32 v53, $0x13;
	v52 =	vadd.s32 v33, v31;
	v31 =	vshll.u32 v53, $0xD  }
0x5d3: {  	v54 =	vshrl.u32 v33, $0xF;
	v33 =	vshll.u32 v33, $0x11;
	v31 =	vor.u32 v55, v31  }
0x5d4: {  	v30 =	vadd.s32 $0x3D7B32D, v52;
	v33 =	vor.u32 v54, v33;
	v31 =	vxor.u32 v35, v31  }
0x5d5: {  	vm2 =	vlt.s32 v34, v24;
	v33 =	vxor.u32 v30, v33;
	v56 =	vshrl.u32 v31, $0x11  }
0x5d6: {  	v57 =	vshll.u32 v31, $0xF;
	v30 =	vadd.s32 v30, v33;
	v31 =	vadd.s32 v35, v31  }
0x5d7: {  	v59 =	vshrl.u32 v33, $0x3;
	v33 =	vshll.u32 v33, $0x1D;
	v58 =	vor.u32 v56, v57  }
0x5d8: {  	v29 =	vor.u32 v44, v29;
	v33 =	vor.u32 v59, v33;
	v35 =	vxor.u32 v31, v58  }
0x5d9: {  	v33 =	vxor.u32 v30, v33;
	v60 =	vshrl.u32 v35, $0x6;
	v61 =	vshll.u32 v35, $0x1A  }
0x5da: {  	v30 =	vadd.s32 v30, v33;
	v63 =	vshrl.u32 v33, $0x10;
	v33 =	vshll.u32 v33, $0x10  }
0x5db: {  	s8 =	sadd.s32 $0x3, s5;
	v31 =	vadd.s32 v31, v35;
	v62 =	vor.u32 v60, v61;
	v33 =	vor.u32 v63, v33  }
0x5dc: {  	v50 =	vadd.s32 s8, v7;
	v35 =	vxor.u32 v31, v62;
	v43 =	vxor.u32 v30, v33  }
0x5dd: {  	v40 =	vshrl.u32 v35, $0x1A;
	v41 =	vshll.u32 v35, $0x6;
	v31 =	vadd.s32 v31, v35  }
0x5de: {  	v46 =	vshrl.u32 v43, $0x8;
	v32 =	vshll.u32 v43, $0x18;
	v42 =	vor.u32 v40, v41  }
0x5df: {  	v45 =	vadd.s32 v30, v43;
	v32 =	vor.u32 v46, v32;
	v44 =	vxor.u32 v31, v42  }
0x5e0: {  	v30 =	vmov s7;
	v32 =	vxor.u32 v45, v32;
	v33 =	vadd.s32 $0xB5D62B04, v44  }
0x5e1: {  	v32 =	vadd.s32 $0xB5D62B07, v32;
	v31 =	vadd.s32 v33, v31;
	v47 =	vshrl.u32 v33, $0xF  }
0x5e2: {  	v33 =	vshll.u32 v33, $0x11;
	v52 =	vadd.s32 v32, v45;
	v56 =	vshrl.u32 v32, $0x13  }
0x5e3: {  	v57 =	vshll.u32 v32, $0xD;
	v31 =	vadd.s32 $0xADD083F4, v31;
	v33 =	vor.u32 v47, v33  }
0x5e4: {  	v34 =	vadd.s32 $0xADD083F4, v52;
	v35 =	vor.u32 v56, v57;
	v33 =	vxor.u32 v31, v33  }
0x5e5: {  	v32 =	vld.idx.msk [tilespmem:v50+s18+$0x0], $0xffff;
	v35 =	vxor.u32 v34, v35;
	v48 =	vshrl.u32 v33, $0x3;
	v49 =	vshll.u32 v33, $0x1D  }
0x5e6: {  	v31 =	vadd.s32 v31, v33;
	v60 =	vshrl.u32 v35, $0x11;
	v61 =	vshll.u32 v35, $0xF  }
0x5e7: {  	v34 =	vadd.s32 v34, v35;
	v51 =	vor.u32 v48, v49;
	v62 =	vor.u32 v60, v61  }
0x5e8: {  	vm4 =	vlt.s32 v30, v24;
	v33 =	vxor.u32 v31, v51;
	v35 =	vxor.u32 v34, v62  }
0x5e9: {  	v53 =	vshrl.u32 v33, $0x10;
	v54 =	vshll.u32 v33, $0x10;
	v33 =	vadd.s32 v31, v33;
	v31 =	vld.idx.msk [tilespmem:v50+s19+$0x0], $0xffff  }
0x5ea: {  	v63 =	vmul.u32 $0xE0, v32;
	v34 =	vadd.s32 v34, v35;
	v55 =	vor.u32 v53, v54  }
0x5eb: {  	v58 =	vxor.u32 v33, v55;
	v55 =	vshrl.u32 v35, $0x6;
	v35 =	vshll.u32 v35, $0x1A  }
0x5ec: {  	v59 =	vshrl.u32 v58, $0x8;
	v39 =	vshll.u32 v58, $0x18;
	v35 =	vor.u32 v55, v35  }
0x5ed: {  	v33 =	vadd.s32 v33, v58;
	v36 =	vor.u32 v59, v39;
	v35 =	vxor.u32 v34, v35  }
0x5ee: {  	v36 =	vxor.u32 v33, v36;
	v43 =	vadd.s32 v5, v31;
	v34 =	vadd.s32 v34, v35  }
0x5ef: {  	v36 =	vadd.s32 $0x3D7B32F, v36;
	v37 =	vadd.s32 v63, v43;
	v63 =	vshrl.u32 v35, $0x1A  }
0x5f0: {  	v35 =	vshll.u32 v35, $0x6;
	v33 =	vadd.s32 v36, v33;
	v42 =	vshrl.u32 v36, $0x13  }
0x5f1: {  	v36 =	vshll.u32 v36, $0xD;
	v44 =	vadd.s32 $0xADD083F4, v37;
	v37 =	vadd.s32 $0xB1A83721, v37  }
0x5f2: {  	v35 =	vor.u32 v63, v35;
	v33 =	vadd.s32 $0xB5D62B03, v33;
	v36 =	vor.u32 v42, v36  }
0x5f3: {  	v40 =	vshrl.u32 v44, $0x13;
	v38 =	vshll.u32 v44, $0xD;
	v35 =	vxor.u32 v34, v35  }
0x5f4: {  	v34 =	vadd.s32 $0xB5D62B03, v34;
	v36 =	vxor.u32 v33, v36;
	v38 =	vor.u32 v40, v38  }
0x5f5: {  	v35 =	vadd.s32 $0x3D7B332, v35;
	v45 =	vshrl.u32 v36, $0x11;
	v46 =	vshll.u32 v36, $0xF  }
0x5f6: {  	v33 =	vadd.s32 v33, v36;
	v38 =	vxor.u32 v37, v38;
	v47 =	vor.u32 v45, v46  }
0x5f7: {  	v48 =	vshrl.u32 v38, $0x11;
	v49 =	vshll.u32 v38, $0xF;
	v36 =	vxor.u32 v33, v47  }
0x5f8: {  	v37 =	vadd.s32 v37, v38;
	v50 =	vor.u32 v48, v49;
	v33 =	vadd.s32 v33, v36  }
0x5f9: {  	v51 =	vshrl.u32 v36, $0x6;
	v36 =	vshll.u32 v36, $0x1A;
	v38 =	vxor.u32 v37, v50  }
0x5fa: {  	v36 =	vor.u32 v51, v36;
	v52 =	vshrl.u32 v38, $0x6;
	v53 =	vshll.u32 v38, $0x1A  }
0x5fb: {  	v37 =	vadd.s32 v37, v38;
	v36 =	vxor.u32 v33, v36;
	v54 =	vor.u32 v52, v53  }
0x5fc: {  	v34 =	vxor.u32 v34, v35;
	v33 =	vadd.s32 v33, v36;
	v38 =	vxor.u32 v37, v54  }
0x5fd: {  	v57 =	vshrl.u32 v36, $0x1A;
	v36 =	vshll.u32 v36, $0x6;
	v37 =	vadd.s32 v37, v38  }
0x5fe: {  	v56 =	vshrl.u32 v38, $0x1A;
	v38 =	vshll.u32 v38, $0x6;
	v36 =	vor.u32 v57, v36  }
0x5ff: {  	vm3 =	vgt.u32 v34, $0x800001FF;
	v38 =	vor.u32 v56, v38;
	v36 =	vxor.u32 v33, v36  }
0x600: {  	v52 =	vshll.u32 v26, $0x8;
	v38 =	vxor.u32 v37, v38;
	v36 =	vadd.s32 $0xADD083F7, v36  }
0x601: {  	v38 =	vadd.s32 $0xB5D62B04, v38;
	v33 =	vadd.s32 v36, v33;
	v61 =	vshrl.u32 v36, $0xF  }
0x602: {  	v36 =	vshll.u32 v36, $0x11;
	v58 =	vshrl.u32 v38, $0xF;
	v59 =	vshll.u32 v38, $0x11  }
0x603: {  	v37 =	vadd.s32 v38, v37;
	v36 =	vor.u32 v61, v36;
	v33 =	vadd.s32 $0x3D7B32D, v33  }
0x604: {  	v60 =	vor.u32 v58, v59;
	v37 =	vadd.s32 $0xADD083F4, v37;
	v36 =	vxor.u32 v33, v36  }
0x605: {  	v53 =	vshll.u32 v25, $0x3;
	v38 =	vxor.u32 v37, v60;
	v33 =	vadd.s32 v33, v36  }
0x606: {  	v43 =	vshrl.u32 v36, $0x3;
	v36 =	vshll.u32 v36, $0x1D;
	v37 =	vadd.s32 v37, v38  }
0x607: {  	v62 =	vshrl.u32 v38, $0x3;
	v38 =	vshll.u32 v38, $0x1D;
	v36 =	vor.u32 v43, v36  }
0x608: {  	v26 =	vshll.u32 v26, $0x7;
	v38 =	vor.u32 v62, v38;
	v45 =	vxor.u32 v33, v36  }
0x609: {  	v38 =	vxor.u32 v37, v38;
	v47 =	vshrl.u32 v45, $0x10;
	v49 =	vshll.u32 v45, $0x10  }
0x60a: {  	v37 =	vadd.s32 v37, v38;
	v42 =	vshrl.u32 v38, $0x10;
	v38 =	vshll.u32 v38, $0x10  }
0x60b: {  	v33 =	vadd.s32 v33, v45;
	v34 =	vor.u32 v47, v49;
	v38 =	vor.u32 v42, v38  }
0x60c: {  	v25 =	vand.u32 $0x7F, v25;
	v34 =	vxor.u32 v33, v34;
	v38 =	vxor.u32 v37, v38  }
0x60d: {  	v33 =	vadd.s32 v33, v34;
	v55 =	vshrl.u32 v34, $0x8;
	v34 =	vshll.u32 v34, $0x18  }
0x60e: {  	v37 =	vadd.s32 v37, v38;
	v44 =	vshrl.u32 v38, $0x8;
	v38 =	vshll.u32 v38, $0x18  }
0x60f: {  	v26 =	vand.u32 $0x380, v26;
	v34 =	vor.u32 v55, v34;
	v38 =	vor.u32 v44, v38  }
0x610: {  	v55 =	vshll.u32 v31, $0x3;
	v31 =	vand.u32 $0x7F, v31;
	v46 =	vxor.u32 v37, v38  }
0x611: {  	v34 =	vxor.u32 v33, v34;
	v38 =	vand.u32 $0xFFFFF800, v52;
	v36 =	vadd.s32 $0x3D7B32F, v46  }
0x612: {  	v37 =	vadd.s32 v36, v37;
	v48 =	vshrl.u32 v36, $0x13;
	v36 =	vshll.u32 v36, $0xD  }
0x613: {  	v34 =	vadd.s32 $0xB5D62B07, v34;
	v36 =	vor.u32 v48, v36;
	v37 =	vadd.s32 $0xB5D62B03, v37  }
0x614: {  	v33 =	vadd.s32 v34, v33;
	v57 =	vshrl.u32 v34, $0x13;
	v50 =	vxor.u32 v37, v36  }
0x615: {  	v34 =	vshll.u32 v34, $0xD;
	v51 =	vshrl.u32 v50, $0x11;
	v35 =	vshll.u32 v50, $0xF  }
0x616: {  	v46 =	vshll.u32 v28, $0x8;
	v36 =	vadd.s32 v37, v50;
	v35 =	vor.u32 v51, v35  }
0x617: {  	v28 =	vshll.u32 v28, $0x7;
	v33 =	vadd.s32 $0xADD083F4, v33;
	v35 =	vxor.u32 v36, v35  }
0x618: {  	v36 =	vadd.s32 v36, v35;
	v54 =	vshrl.u32 v35, $0x6;
	v35 =	vshll.u32 v35, $0x1A  }
0x619: {  	v34 =	vor.u32 v57, v34;
	v28 =	vand.u32 $0x380, v28;
	v35 =	vor.u32 v54, v35  }
0x61a: {  	v57 =	vand.u32 $0xFFFFFC00, v55;
	v34 =	vxor.u32 v33, v34;
	v35 =	vxor.u32 v36, v35  }
0x61b: {  	v36 =	vadd.s32 v36, v35;
	v56 =	vshrl.u32 v35, $0x1A;
	v35 =	vshll.u32 v35, $0x6  }
0x61c: {  	v48 =	vshll.u32 v27, $0x3;
	v27 =	vand.u32 $0x7F, v27;
	v35 =	vor.u32 v56, v35  }
0x61d: {  	v33 =	vadd.s32 v33, v34;
	v62 =	vshrl.u32 v34, $0x11;
	v35 =	vxor.u32 v36, v35  }
0x61e: {  	v34 =	vshll.u32 v34, $0xF;
	v37 =	vand.u32 $0xFFFFFC00, v53;
	v35 =	vadd.s32 $0xADD083F7, v35  }
0x61f: {  	v36 =	vadd.s32 v35, v36;
	v58 =	vshrl.u32 v35, $0xF;
	v35 =	vshll.u32 v35, $0x11  }
0x620: {  	v37 =	vadd.s32 v38, v37;
	v36 =	vadd.s32 $0x3D7B32D, v36;
	v35 =	vor.u32 v58, v35  }
0x621: {  	v34 =	vor.u32 v62, v34;
	v26 =	vor.u32 v26, v37;
	v35 =	vxor.u32 v36, v35  }
0x622: {  	v25 =	vor.u32 v25, v26;
	v59 =	vshrl.u32 v35, $0x3;
	v60 =	vshll.u32 v35, $0x1D  }
0x623: {  	v26 =	vxor.u32 v33, v34;
	v35 =	vadd.s32 v36, v35;
	v61 =	vor.u32 v59, v60  }
0x624: {  	v37 =	vand.u32 $0xFFFFFC00, v48;
	v43 =	vshrl.u32 v26, $0x6;
	v36 =	vxor.u32 v35, v61  }
0x625: {  	v44 =	vshll.u32 v26, $0x1A;
	v63 =	vshrl.u32 v36, $0x10;
	v40 =	vshll.u32 v36, $0x10  }
0x626: {  	v26 =	vadd.s32 v33, v26;
	v35 =	vadd.s32 v35, v36;
	v41 =	vor.u32 v63, v40  }
0x627: {  	v54 =	vshll.u32 v32, $0x8;
	v32 =	vshll.u32 v32, $0x7;
	v42 =	vxor.u32 v35, v41  }
0x628: {  	v45 =	vor.u32 v43, v44;
	v36 =	vshrl.u32 v42, $0x8;
	v34 =	vshll.u32 v42, $0x18  }
0x629: {  	v33 =	vxor.u32 v26, v45;
	v35 =	vadd.s32 v35, v42;
	v34 =	vor.u32 v36, v34  }
0x62a: {  	v32 =	vand.u32 $0x380, v32;
	v26 =	vadd.s32 v26, v33;
	v34 =	vxor.u32 v35, v34  }
0x62b: {  	v52 =	vshrl.u32 v33, $0x1A;
	v33 =	vshll.u32 v33, $0x6;
	v34 =	vadd.s32 $0xB5D62B07, v34  }
0x62c: {  	v35 =	vadd.s32 v34, v35;
	v47 =	vshrl.u32 v34, $0x13;
	v34 =	vshll.u32 v34, $0xD  }
0x62d: {  	v56 =	vand.u32 $0xFFFFF800, v54;
	v34 =	vor.u32 v47, v34;
	v35 =	vadd.s32 $0xADD083F4, v35  }
0x62e: {  	v33 =	vor.u32 v52, v33;
	v30 =	vadd.s32 v56, v57;
	v34 =	vxor.u32 v35, v34  }
0x62f: {  	v36 =	vand.u32 $0xFFFFF800, v46;
	v49 =	vshrl.u32 v34, $0x11;
	v50 =	vshll.u32 v34, $0xF  }
0x630: {  	v36 =	vadd.s32 v36, v37;
	v34 =	vadd.s32 v35, v34;
	v51 =	vor.u32 v49, v50  }
0x631: {  	v30 =	vor.u32 v32, v30;
	v28 =	vor.u32 v28, v36;
	v53 =	vxor.u32 v34, v51  }
0x632: {  	v27 =	vor.u32 v27, v28;
	v35 =	vshrl.u32 v53, $0x6;
	v28 =	vshll.u32 v53, $0x1A  }
0x633: {  	v30 =	vor.u32 v31, v30;
	v34 =	vadd.s32 v34, v53;
	v28 =	vor.u32 v35, v28  }
0x634: {  	v58 =	vsel vm1, $0x3F800000, v22;
	v59 =	vmov s8;
	v28 =	vxor.u32 v34, v28  }
0x635: {  	v34 =	vadd.s32 v34, v28;
	v60 =	vshrl.u32 v28, $0x1A;
	v28 =	vshll.u32 v28, $0x6  }
0x636: {  	s5 =	sadd.s32 $0x4, s5;
	vm13 =	vlt.s32 v59, v24;
	v61 =	vxor.u32 v26, v33;
	v28 =	vor.u32 v60, v28  }
0x637: {  	p0 =	slt.s32 s5, s1;
	v26 =	vadd.s32 $0xB5D62B03, v26;
	v31 =	vadd.s32 $0x3D7B332, v61;
	v28 =	vxor.u32 v34, v28  }
.Ltmp21:
0x638: {  	v26 =	vxor.u32 v26, v31;
	v62 =	vadd.s32 $0xB5D62B03, v34;
	v28 =	vadd.s32 $0x3D7B332, v28;
	(pc) =	sbr.rel @p0 .LBB2_31-.Ltmp21, $4  }
0x639: {  	[tilespmem:v29+s22+$0x0] =	vst.idx.msk vm0, v58;
	v63 =	vsel vm3, $0x3F800000, v22;
	vm14 =	vgt.u32 v26, $0x800001FF;
	v26 =	vxor.u32 v62, v28  }
0x63a: {  	[tilespmem:v25+s22+$0x0] =	vst.idx.msk vm2, v63;
	v25 =	vsel vm14, $0x3F800000, v22;
	vm15 =	vgt.u32 v26, $0x800001FF  }
0x63b: {  	[tilespmem:v27+s22+$0x0] =	vst.idx.msk vm4, v25;
	v25 =	vsel vm15, $0x3F800000, v22  }
0x63c: {  	[tilespmem:v30+s22+$0x0] =	vst.idx.msk vm13, v25  }
.LBB2_32:
.Ltmp22:
0x63d: {  	(pc) =	sbr.rel @p1 .LBB2_34-.Ltmp22, $1  }
0x63e: {  	_ =	sdelay $0x3  }
.LBB2_33:
0x63f: {  	s1 =	sadd.s32 s3, s30  }
0x640: {  	v25 =	vadd.s32 s1, v7;
	_ =	sdelay $0x4  }
0x641: {  	v26 =	vld.idx.msk [tilespmem:v25+s18+$0x0], $0xffff  }
0x642: {  	v25 =	vld.idx.msk [tilespmem:v25+s19+$0x0], $0xffff;
	_ =	sdelay $0x3  }
0x643: {  	v27 =	vmul.u32 $0xE0, v26  }
0x644: {  	v28 =	vadd.s32 v5, v25  }
0x645: {  	v27 =	vadd.s32 v27, v28  }
0x646: {  	v28 =	vadd.s32 $0xADD083F4, v27  }
0x647: {  	v29 =	vshrl.u32 v28, $0x13;
	v28 =	vshll.u32 v28, $0xD  }
0x648: {  	v27 =	vadd.s32 $0xB1A83721, v27;
	v28 =	vor.u32 v29, v28  }
0x649: {  	v28 =	vxor.u32 v27, v28  }
0x64a: {  	v50 =	vshrl.u32 v28, $0x11;
	v30 =	vshll.u32 v28, $0xF  }
0x64b: {  	v27 =	vadd.s32 v27, v28;
	v51 =	vor.u32 v50, v30  }
0x64c: {  	v28 =	vxor.u32 v27, v51  }
0x64d: {  	v52 =	vshrl.u32 v28, $0x6;
	v53 =	vshll.u32 v28, $0x1A  }
0x64e: {  	v27 =	vadd.s32 v27, v28;
	v54 =	vor.u32 v52, v53  }
0x64f: {  	v28 =	vxor.u32 v27, v54  }
0x650: {  	v55 =	vshrl.u32 v28, $0x1A;
	v56 =	vshll.u32 v28, $0x6  }
0x651: {  	v27 =	vadd.s32 v27, v28;
	v57 =	vor.u32 v55, v56  }
0x652: {  	v28 =	vxor.u32 v27, v57  }
0x653: {  	v28 =	vadd.s32 $0xB5D62B04, v28  }
0x654: {  	v27 =	vadd.s32 v28, v27;
	v58 =	vshrl.u32 v28, $0xF;
	v28 =	vshll.u32 v28, $0x11  }
0x655: {  	v27 =	vadd.s32 $0xADD083F4, v27;
	v28 =	vor.u32 v58, v28  }
0x656: {  	v28 =	vxor.u32 v27, v28  }
0x657: {  	v59 =	vshrl.u32 v28, $0x3;
	v60 =	vshll.u32 v28, $0x1D  }
0x658: {  	v27 =	vadd.s32 v27, v28;
	v61 =	vor.u32 v59, v60  }
0x659: {  	v28 =	vxor.u32 v27, v61  }
0x65a: {  	v62 =	vshrl.u32 v28, $0x10;
	v63 =	vshll.u32 v28, $0x10  }
0x65b: {  	v27 =	vadd.s32 v27, v28;
	v32 =	vor.u32 v62, v63  }
0x65c: {  	v28 =	vxor.u32 v27, v32  }
0x65d: {  	v33 =	vshrl.u32 v28, $0x8;
	v34 =	vshll.u32 v28, $0x18  }
0x65e: {  	v27 =	vadd.s32 v27, v28;
	v35 =	vor.u32 v33, v34  }
0x65f: {  	v28 =	vxor.u32 v27, v35  }
0x660: {  	v28 =	vadd.s32 $0x3D7B32F, v28  }
0x661: {  	v27 =	vadd.s32 v28, v27;
	v36 =	vshrl.u32 v28, $0x13;
	v28 =	vshll.u32 v28, $0xD  }
0x662: {  	v27 =	vadd.s32 $0xB5D62B03, v27;
	v28 =	vor.u32 v36, v28  }
0x663: {  	v28 =	vxor.u32 v27, v28  }
0x664: {  	v37 =	vshrl.u32 v28, $0x11;
	v38 =	vshll.u32 v28, $0xF  }
0x665: {  	v27 =	vadd.s32 v27, v28;
	v39 =	vor.u32 v37, v38  }
0x666: {  	v28 =	vxor.u32 v27, v39  }
0x667: {  	v40 =	vshrl.u32 v28, $0x6;
	v41 =	vshll.u32 v28, $0x1A  }
0x668: {  	v27 =	vadd.s32 v27, v28;
	v42 =	vor.u32 v40, v41  }
0x669: {  	v28 =	vxor.u32 v27, v42  }
0x66a: {  	v43 =	vshrl.u32 v28, $0x1A;
	v44 =	vshll.u32 v28, $0x6  }
0x66b: {  	v27 =	vadd.s32 v27, v28;
	v45 =	vor.u32 v43, v44  }
0x66c: {  	v28 =	vxor.u32 v27, v45  }
0x66d: {  	v28 =	vadd.s32 $0xADD083F7, v28  }
0x66e: {  	v27 =	vadd.s32 v28, v27;
	v46 =	vshrl.u32 v28, $0xF;
	v28 =	vshll.u32 v28, $0x11  }
0x66f: {  	v27 =	vadd.s32 $0x3D7B32D, v27;
	v28 =	vor.u32 v46, v28  }
0x670: {  	v28 =	vxor.u32 v27, v28  }
0x671: {  	v47 =	vshrl.u32 v28, $0x3;
	v48 =	vshll.u32 v28, $0x1D  }
0x672: {  	v27 =	vadd.s32 v27, v28;
	v49 =	vor.u32 v47, v48  }
0x673: {  	v28 =	vxor.u32 v27, v49  }
0x674: {  	v50 =	vshrl.u32 v28, $0x10;
	v51 =	vshll.u32 v28, $0x10  }
0x675: {  	v27 =	vadd.s32 v27, v28;
	v52 =	vor.u32 v50, v51  }
0x676: {  	v28 =	vxor.u32 v27, v52  }
0x677: {  	v53 =	vshrl.u32 v28, $0x8;
	v54 =	vshll.u32 v28, $0x18  }
0x678: {  	v27 =	vadd.s32 v27, v28;
	v55 =	vor.u32 v53, v54  }
0x679: {  	v28 =	vxor.u32 v27, v55  }
0x67a: {  	v28 =	vadd.s32 $0xB5D62B07, v28  }
0x67b: {  	v27 =	vadd.s32 v28, v27;
	v56 =	vshrl.u32 v28, $0x13;
	v28 =	vshll.u32 v28, $0xD  }
0x67c: {  	v27 =	vadd.s32 $0xADD083F4, v27;
	v28 =	vor.u32 v56, v28  }
0x67d: {  	v59 =	vmov s1;
	v28 =	vxor.u32 v27, v28  }
0x67e: {  	vm0 =	vlt.s32 v59, v24;
	v57 =	vshrl.u32 v28, $0x11;
	v58 =	vshll.u32 v28, $0xF  }
0x67f: {  	v61 =	vshll.u32 v26, $0x8;
	v27 =	vadd.s32 v27, v28;
	v29 =	vor.u32 v57, v58  }
0x680: {  	v26 =	vshll.u32 v26, $0x7;
	v62 =	vshll.u32 v25, $0x3;
	v60 =	vxor.u32 v27, v29  }
0x681: {  	v30 =	vand.u32 $0xFFFFFC00, v62;
	v29 =	vshrl.u32 v60, $0x6;
	v28 =	vshll.u32 v60, $0x1A  }
0x682: {  	v27 =	vadd.s32 v27, v60;
	v28 =	vor.u32 v29, v28;
	v29 =	vand.u32 $0xFFFFF800, v61  }
0x683: {  	v26 =	vand.u32 $0x380, v26;
	v28 =	vxor.u32 v27, v28;
	v29 =	vadd.s32 v29, v30  }
0x684: {  	v27 =	vadd.s32 v27, v28;
	v63 =	vshrl.u32 v28, $0x1A;
	v28 =	vshll.u32 v28, $0x6  }
0x685: {  	s3 =	sadd.s32 $0x1, s3;
	v25 =	vand.u32 $0x7F, v25;
	v26 =	vor.u32 v26, v29;
	v28 =	vor.u32 v63, v28  }
0x686: {  	p0 =	seq.s32 s3, $0x0;
	v25 =	vor.u32 v25, v26;
	v28 =	vxor.u32 v27, v28  }
.Ltmp23:
0x687: {  	v26 =	vadd.s32 $0xB5D62B03, v27;
	v27 =	vadd.s32 $0x3D7B332, v28;
	(pc) =	sbr.rel @!p0 .LBB2_33-.Ltmp23, $4  }
0x688: {  	v26 =	vxor.u32 v26, v27  }
0x689: {  	vm1 =	vgt.u32 v26, $0x800001FF  }
0x68a: {  	v26 =	vsel vm1, $0x3F800000, v22  }
0x68b: {  	[tilespmem:v25+s22+$0x0] =	vst.idx.msk vm0, v26  }
.LBB2_34:
0x68c: {  	[hbm4b:s14+s2] =	stream.linear.scatter [tilespmem:s22], [sflag:$0x4], $0x7000, $0x38;
	[tilespmem:$0x1F000] =	vst v63  }
0x68d: {  	_ =	swait.ge [sflag:s25], $0x7000  }
.Ltmp24:
0x68e: {  	[sflag:s25] =	ssyncset.done $0x0;
	(pc) =	sbr.rel @p2 .LBB2_37-.Ltmp24, $4  }
0x68f: {  	[sflag:s25] =	ssyncadd.s32 $0xFFFF9000  }
0x690: {  	_ =	swait.ge [sflag:s26], $0x7000  }
0x691: {  	[sflag:s26] =	ssyncset.done $0x0  }
0x692: {  	[sflag:s26] =	ssyncadd.s32 $0xFFFF9000  }
0x693: {  	s1 =	simm.s32 $0x0  }
.LBB2_36:
0x694: {  	v24 =	vadd.s32 s1, v7;
	_ =	sdelay $0x4  }
0x695: {  	v28 =	vld.idx.msk [tilespmem:v24+s20+$0x0], $0xffff  }
0x696: {  	v29 =	vld.idx.msk [tilespmem:v24+s21+$0x0], $0xffff;
	_ =	sdelay $0x3  }
0x697: {  	v44 =	vmul.u32 $0xE0, v28  }
0x698: {  	v25 =	vadd.s32 v6, v29  }
0x699: {  	v24 =	vadd.s32 v44, v25  }
0x69a: {  	v25 =	vadd.s32 $0xADD083F4, v24  }
0x69b: {  	v26 =	vshrl.u32 v25, $0x13;
	v25 =	vshll.u32 v25, $0xD  }
0x69c: {  	v24 =	vadd.s32 $0xB1A83721, v24;
	v25 =	vor.u32 v26, v25  }
0x69d: {  	v25 =	vxor.u32 v24, v25  }
0x69e: {  	v45 =	vshrl.u32 v25, $0x11;
	v27 =	vshll.u32 v25, $0xF  }
0x69f: {  	v24 =	vadd.s32 v24, v25;
	v46 =	vor.u32 v45, v27  }
0x6a0: {  	v25 =	vxor.u32 v24, v46  }
0x6a1: {  	v47 =	vshrl.u32 v25, $0x6;
	v48 =	vshll.u32 v25, $0x1A  }
0x6a2: {  	v24 =	vadd.s32 v24, v25;
	v49 =	vor.u32 v47, v48  }
0x6a3: {  	v25 =	vxor.u32 v24, v49  }
0x6a4: {  	v50 =	vshrl.u32 v25, $0x1A;
	v51 =	vshll.u32 v25, $0x6  }
0x6a5: {  	v24 =	vadd.s32 v24, v25;
	v52 =	vor.u32 v50, v51  }
0x6a6: {  	v25 =	vxor.u32 v24, v52  }
0x6a7: {  	v25 =	vadd.s32 $0xB5D62B04, v25  }
0x6a8: {  	v24 =	vadd.s32 v25, v24;
	v53 =	vshrl.u32 v25, $0xF;
	v25 =	vshll.u32 v25, $0x11  }
0x6a9: {  	v24 =	vadd.s32 $0xADD083F4, v24;
	v25 =	vor.u32 v53, v25  }
0x6aa: {  	v25 =	vxor.u32 v24, v25  }
0x6ab: {  	v54 =	vshrl.u32 v25, $0x3;
	v55 =	vshll.u32 v25, $0x1D  }
0x6ac: {  	v24 =	vadd.s32 v24, v25;
	v56 =	vor.u32 v54, v55  }
0x6ad: {  	v25 =	vxor.u32 v24, v56  }
0x6ae: {  	v57 =	vshrl.u32 v25, $0x10;
	v58 =	vshll.u32 v25, $0x10  }
0x6af: {  	v24 =	vadd.s32 v24, v25;
	v59 =	vor.u32 v57, v58  }
0x6b0: {  	v25 =	vxor.u32 v24, v59  }
0x6b1: {  	v60 =	vshrl.u32 v25, $0x8;
	v61 =	vshll.u32 v25, $0x18  }
0x6b2: {  	v24 =	vadd.s32 v24, v25;
	v62 =	vor.u32 v60, v61  }
0x6b3: {  	v25 =	vxor.u32 v24, v62  }
0x6b4: {  	v25 =	vadd.s32 $0x3D7B32F, v25  }
0x6b5: {  	v24 =	vadd.s32 v25, v24;
	v63 =	vshrl.u32 v25, $0x13;
	v25 =	vshll.u32 v25, $0xD  }
0x6b6: {  	s3 =	sadd.s32 $0x1, s1;
	v24 =	vadd.s32 $0xB5D62B03, v24;
	v25 =	vor.u32 v63, v25  }
0x6b7: {  	v33 =	vadd.s32 s3, v7;
	v25 =	vxor.u32 v24, v25  }
0x6b8: {  	v30 =	vshrl.u32 v25, $0x11;
	v31 =	vshll.u32 v25, $0xF  }
0x6b9: {  	v24 =	vadd.s32 v24, v25;
	v32 =	vor.u32 v30, v31  }
0x6ba: {  	v25 =	vxor.u32 v24, v32  }
0x6bb: {  	v34 =	vshrl.u32 v25, $0x6;
	v30 =	vshll.u32 v25, $0x1A  }
0x6bc: {  	v24 =	vadd.s32 v24, v25;
	v25 =	vld.idx.msk [tilespmem:v33+s20+$0x0], $0xffff;
	v35 =	vor.u32 v34, v30  }
0x6bd: {  	v27 =	vxor.u32 v24, v35  }
0x6be: {  	v36 =	vshrl.u32 v27, $0x1A;
	v31 =	vshll.u32 v27, $0x6;
	v27 =	vadd.s32 v24, v27;
	v24 =	vld.idx.msk [tilespmem:v33+s21+$0x0], $0xffff  }
0x6bf: {  	v30 =	vor.u32 v36, v31  }
0x6c0: {  	v37 =	vxor.u32 v27, v30  }
0x6c1: {  	v39 =	vmul.u32 $0xE0, v25;
	v26 =	vadd.s32 $0xADD083F7, v37  }
0x6c2: {  	v27 =	vadd.s32 v26, v27;
	v38 =	vshrl.u32 v26, $0xF;
	v26 =	vshll.u32 v26, $0x11  }
0x6c3: {  	v27 =	vadd.s32 $0x3D7B32D, v27;
	v26 =	vor.u32 v38, v26;
	v40 =	vadd.s32 v6, v24  }
0x6c4: {  	v54 =	vmov s1;
	v26 =	vxor.u32 v27, v26;
	v30 =	vadd.s32 v39, v40  }
0x6c5: {  	v27 =	vadd.s32 v27, v26;
	v41 =	vshrl.u32 v26, $0x3;
	v32 =	vadd.s32 $0xADD083F4, v30  }
0x6c6: {  	v26 =	vshll.u32 v26, $0x1D;
	v33 =	vshrl.u32 v32, $0x13;
	v32 =	vshll.u32 v32, $0xD  }
0x6c7: {  	v30 =	vadd.s32 $0xB1A83721, v30;
	v26 =	vor.u32 v41, v26;
	v42 =	vor.u32 v33, v32  }
0x6c8: {  	vm0 =	vlt.s32 v54, v23;
	v26 =	vxor.u32 v27, v26;
	v31 =	vxor.u32 v30, v42  }
0x6c9: {  	v43 =	vshrl.u32 v26, $0x10;
	v35 =	vshll.u32 v26, $0x10;
	v26 =	vadd.s32 v27, v26  }
0x6ca: {  	v44 =	vshrl.u32 v31, $0x11;
	v34 =	vshll.u32 v31, $0xF;
	v46 =	vor.u32 v43, v35  }
0x6cb: {  	v30 =	vadd.s32 v30, v31;
	v45 =	vor.u32 v44, v34;
	v27 =	vxor.u32 v26, v46  }
0x6cc: {  	v31 =	vxor.u32 v30, v45;
	v26 =	vadd.s32 v26, v27;
	v50 =	vshrl.u32 v27, $0x8  }
0x6cd: {  	v27 =	vshll.u32 v27, $0x18;
	v47 =	vshrl.u32 v31, $0x6;
	v48 =	vshll.u32 v31, $0x1A  }
0x6ce: {  	s8 =	sadd.s32 $0x2, s1;
	v30 =	vadd.s32 v30, v31;
	v27 =	vor.u32 v50, v27;
	v49 =	vor.u32 v47, v48  }
0x6cf: {  	v42 =	vadd.s32 s8, v7;
	v27 =	vxor.u32 v26, v27;
	v31 =	vxor.u32 v30, v49  }
0x6d0: {  	v27 =	vadd.s32 $0xB5D62B07, v27;
	v51 =	vshrl.u32 v31, $0x1A;
	v52 =	vshll.u32 v31, $0x6  }
0x6d1: {  	v30 =	vadd.s32 v30, v31;
	v26 =	vadd.s32 v27, v26;
	v53 =	vor.u32 v51, v52  }
0x6d2: {  	v55 =	vshrl.u32 v27, $0x13;
	v27 =	vshll.u32 v27, $0xD;
	v31 =	vxor.u32 v30, v53  }
0x6d3: {  	v26 =	vadd.s32 $0xADD083F4, v26;
	v27 =	vor.u32 v55, v27;
	v31 =	vadd.s32 $0xB5D62B04, v31  }
0x6d4: {  	v30 =	vadd.s32 v31, v30;
	v56 =	vshrl.u32 v31, $0xF;
	v31 =	vshll.u32 v31, $0x11  }
0x6d5: {  	v27 =	vxor.u32 v26, v27;
	v30 =	vadd.s32 $0xADD083F4, v30;
	v31 =	vor.u32 v56, v31  }
0x6d6: {  	v46 =	vand.u32 $0x7F, v29;
	v26 =	vadd.s32 v26, v27;
	v31 =	vxor.u32 v30, v31  }
0x6d7: {  	v60 =	vshrl.u32 v27, $0x11;
	v57 =	vshrl.u32 v31, $0x3;
	v58 =	vshll.u32 v31, $0x1D  }
0x6d8: {  	v27 =	vshll.u32 v27, $0xF;
	v30 =	vadd.s32 v30, v31;
	v59 =	vor.u32 v57, v58  }
0x6d9: {  	v29 =	vshll.u32 v29, $0x3;
	v27 =	vor.u32 v60, v27;
	v31 =	vxor.u32 v30, v59  }
0x6da: {  	v27 =	vxor.u32 v26, v27;
	v61 =	vshrl.u32 v31, $0x10;
	v62 =	vshll.u32 v31, $0x10  }
0x6db: {  	v26 =	vadd.s32 v26, v27;
	v30 =	vadd.s32 v30, v31;
	v63 =	vor.u32 v61, v62  }
0x6dc: {  	v36 =	vshrl.u32 v27, $0x6;
	v27 =	vshll.u32 v27, $0x1A;
	v31 =	vxor.u32 v30, v63  }
0x6dd: {  	v27 =	vor.u32 v36, v27;
	v37 =	vshrl.u32 v31, $0x8;
	v38 =	vshll.u32 v31, $0x18  }
0x6de: {  	v27 =	vxor.u32 v26, v27;
	v30 =	vadd.s32 v30, v31;
	v39 =	vor.u32 v37, v38  }
0x6df: {  	v29 =	vand.u32 $0xFFFFFC00, v29;
	v26 =	vadd.s32 v26, v27;
	v31 =	vxor.u32 v30, v39  }
0x6e0: {  	v40 =	vshrl.u32 v27, $0x1A;
	v27 =	vshll.u32 v27, $0x6;
	v31 =	vadd.s32 $0x3D7B32F, v31  }
0x6e1: {  	v30 =	vadd.s32 v31, v30;
	v41 =	vshrl.u32 v31, $0x13;
	v31 =	vshll.u32 v31, $0xD  }
0x6e2: {  	v27 =	vor.u32 v40, v27;
	v30 =	vadd.s32 $0xB5D62B03, v30;
	v31 =	vor.u32 v41, v31  }
0x6e3: {  	v27 =	vxor.u32 v26, v27;
	v26 =	vadd.s32 $0xB5D62B03, v26;
	v31 =	vxor.u32 v30, v31  }
0x6e4: {  	v27 =	vadd.s32 $0x3D7B332, v27;
	v43 =	vshrl.u32 v31, $0x11;
	v44 =	vshll.u32 v31, $0xF  }
0x6e5: {  	v26 =	vxor.u32 v26, v27;
	v27 =	vld.idx.msk [tilespmem:v42+s20+$0x0], $0xffff;
	v30 =	vadd.s32 v30, v31;
	v45 =	vor.u32 v43, v44  }
0x6e6: {  	v47 =	vshll.u32 v28, $0x8;
	vm1 =	vgt.u32 v26, $0x800001FF;
	v26 =	vld.idx.msk [tilespmem:v42+s21+$0x0], $0xffff;
	v32 =	vxor.u32 v30, v45  }
0x6e7: {  	v28 =	vshll.u32 v28, $0x7;
	v36 =	vshrl.u32 v32, $0x6;
	v37 =	vshll.u32 v32, $0x1A  }
0x6e8: {  	v34 =	vand.u32 $0xFFFFF800, v47;
	v30 =	vadd.s32 v30, v32;
	v48 =	vor.u32 v36, v37  }
0x6e9: {  	v28 =	vand.u32 $0x380, v28;
	v29 =	vadd.s32 v34, v29;
	v32 =	vxor.u32 v30, v48  }
0x6ea: {  	v52 =	vmul.u32 $0xE0, v27;
	v49 =	vshrl.u32 v32, $0x1A;
	v50 =	vshll.u32 v32, $0x6  }
0x6eb: {  	v53 =	vadd.s32 v6, v26;
	v30 =	vadd.s32 v30, v32;
	v51 =	vor.u32 v49, v50  }
0x6ec: {  	v28 =	vor.u32 v28, v29;
	v34 =	vadd.s32 v52, v53;
	v32 =	vxor.u32 v30, v51  }
0x6ed: {  	v55 =	vadd.s32 $0xADD083F4, v34;
	v34 =	vadd.s32 $0xB1A83721, v34;
	v32 =	vadd.s32 $0xADD083F7, v32  }
0x6ee: {  	v57 =	vshrl.u32 v55, $0x13;
	v54 =	vadd.s32 v32, v30;
	v30 =	vshll.u32 v55, $0xD  }
0x6ef: {  	v56 =	vshrl.u32 v32, $0xF;
	v32 =	vshll.u32 v32, $0x11;
	v30 =	vor.u32 v57, v30  }
0x6f0: {  	v29 =	vadd.s32 $0x3D7B32D, v54;
	v32 =	vor.u32 v56, v32;
	v30 =	vxor.u32 v34, v30  }
0x6f1: {  	v32 =	vxor.u32 v29, v32;
	v58 =	vshrl.u32 v30, $0x11  }
0x6f2: {  	v59 =	vshll.u32 v30, $0xF;
	v29 =	vadd.s32 v29, v32;
	v30 =	vadd.s32 v34, v30  }
0x6f3: {  	v61 =	vshrl.u32 v32, $0x3;
	v32 =	vshll.u32 v32, $0x1D;
	v60 =	vor.u32 v58, v59  }
0x6f4: {  	v33 =	vmov s3;
	v32 =	vor.u32 v61, v32;
	v34 =	vxor.u32 v30, v60  }
0x6f5: {  	v32 =	vxor.u32 v29, v32;
	v62 =	vshrl.u32 v34, $0x6;
	v63 =	vshll.u32 v34, $0x1A  }
0x6f6: {  	v29 =	vadd.s32 v29, v32;
	v41 =	vshrl.u32 v32, $0x10;
	v32 =	vshll.u32 v32, $0x10  }
0x6f7: {  	v30 =	vadd.s32 v30, v34;
	v40 =	vor.u32 v62, v63;
	v32 =	vor.u32 v41, v32  }
0x6f8: {  	v28 =	vor.u32 v46, v28;
	v34 =	vxor.u32 v30, v40;
	v45 =	vxor.u32 v29, v32  }
0x6f9: {  	v42 =	vshrl.u32 v34, $0x1A;
	v43 =	vshll.u32 v34, $0x6;
	v30 =	vadd.s32 v30, v34  }
0x6fa: {  	v48 =	vshrl.u32 v45, $0x8;
	v31 =	vshll.u32 v45, $0x18;
	v44 =	vor.u32 v42, v43  }
0x6fb: {  	v47 =	vadd.s32 v29, v45;
	v31 =	vor.u32 v48, v31;
	v46 =	vxor.u32 v30, v44  }
0x6fc: {  	s30 =	sadd.s32 $0x3, s1;
	vm2 =	vlt.s32 v33, v23;
	v31 =	vxor.u32 v47, v31;
	v32 =	vadd.s32 $0xB5D62B04, v46  }
0x6fd: {  	v52 =	vadd.s32 s30, v7;
	v31 =	vadd.s32 $0xB5D62B07, v31;
	v30 =	vadd.s32 v32, v30  }
0x6fe: {  	v49 =	vshrl.u32 v32, $0xF;
	v32 =	vshll.u32 v32, $0x11;
	v54 =	vadd.s32 v31, v47  }
0x6ff: {  	v58 =	vshrl.u32 v31, $0x13;
	v59 =	vshll.u32 v31, $0xD;
	v30 =	vadd.s32 $0xADD083F4, v30  }
0x700: {  	v32 =	vor.u32 v49, v32;
	v33 =	vadd.s32 $0xADD083F4, v54;
	v34 =	vor.u32 v58, v59  }
0x701: {  	v32 =	vxor.u32 v30, v32;
	v34 =	vxor.u32 v33, v34  }
0x702: {  	v50 =	vshrl.u32 v32, $0x3;
	v51 =	vshll.u32 v32, $0x1D;
	v30 =	vadd.s32 v30, v32  }
0x703: {  	v62 =	vshrl.u32 v34, $0x11;
	v63 =	vshll.u32 v34, $0xF;
	v53 =	vor.u32 v50, v51  }
0x704: {  	v31 =	vld.idx.msk [tilespmem:v52+s20+$0x0], $0xffff;
	v33 =	vadd.s32 v33, v34;
	v39 =	vor.u32 v62, v63;
	v32 =	vxor.u32 v30, v53  }
0x705: {  	v29 =	vmov s8;
	v34 =	vxor.u32 v33, v39;
	v55 =	vshrl.u32 v32, $0x10  }
0x706: {  	v56 =	vshll.u32 v32, $0x10;
	v32 =	vadd.s32 v30, v32;
	v33 =	vadd.s32 v33, v34  }
0x707: {  	v30 =	vld.idx.msk [tilespmem:v52+s21+$0x0], $0xffff;
	v54 =	vshrl.u32 v34, $0x6;
	v34 =	vshll.u32 v34, $0x1A;
	v57 =	vor.u32 v55, v56  }
0x708: {  	vm4 =	vlt.s32 v29, v23;
	v34 =	vor.u32 v54, v34;
	v60 =	vxor.u32 v32, v57  }
0x709: {  	v40 =	vmul.u32 $0xE0, v31;
	v34 =	vxor.u32 v33, v34;
	v61 =	vshrl.u32 v60, $0x8  }
0x70a: {  	v38 =	vshll.u32 v60, $0x18;
	v32 =	vadd.s32 v32, v60;
	v33 =	vadd.s32 v33, v34  }
0x70b: {  	v62 =	vshrl.u32 v34, $0x1A;
	v34 =	vshll.u32 v34, $0x6;
	v35 =	vor.u32 v61, v38  }
0x70c: {  	v34 =	vor.u32 v62, v34;
	v35 =	vxor.u32 v32, v35;
	v42 =	vadd.s32 v6, v30  }
0x70d: {  	v34 =	vxor.u32 v33, v34;
	v33 =	vadd.s32 $0xB5D62B03, v33;
	v35 =	vadd.s32 $0x3D7B32F, v35  }
0x70e: {  	v36 =	vadd.s32 v40, v42;
	v34 =	vadd.s32 $0x3D7B332, v34;
	v32 =	vadd.s32 v35, v32  }
0x70f: {  	v41 =	vshrl.u32 v35, $0x13;
	v35 =	vshll.u32 v35, $0xD;
	v43 =	vadd.s32 $0xADD083F4, v36  }
0x710: {  	v36 =	vadd.s32 $0xB1A83721, v36;
	v32 =	vadd.s32 $0xB5D62B03, v32;
	v35 =	vor.u32 v41, v35  }
0x711: {  	v39 =	vshrl.u32 v43, $0x13;
	v37 =	vshll.u32 v43, $0xD;
	v35 =	vxor.u32 v32, v35  }
0x712: {  	v37 =	vor.u32 v39, v37;
	v44 =	vshrl.u32 v35, $0x11;
	v45 =	vshll.u32 v35, $0xF  }
0x713: {  	v32 =	vadd.s32 v32, v35;
	v37 =	vxor.u32 v36, v37;
	v46 =	vor.u32 v44, v45  }
0x714: {  	v47 =	vshrl.u32 v37, $0x11;
	v48 =	vshll.u32 v37, $0xF;
	v35 =	vxor.u32 v32, v46  }
0x715: {  	v36 =	vadd.s32 v36, v37;
	v49 =	vor.u32 v47, v48;
	v32 =	vadd.s32 v32, v35  }
0x716: {  	v50 =	vshrl.u32 v35, $0x6;
	v35 =	vshll.u32 v35, $0x1A;
	v37 =	vxor.u32 v36, v49  }
0x717: {  	v35 =	vor.u32 v50, v35;
	v51 =	vshrl.u32 v37, $0x6;
	v52 =	vshll.u32 v37, $0x1A  }
0x718: {  	v36 =	vadd.s32 v36, v37;
	v35 =	vxor.u32 v32, v35;
	v53 =	vor.u32 v51, v52  }
0x719: {  	v33 =	vxor.u32 v33, v34;
	v32 =	vadd.s32 v32, v35;
	v37 =	vxor.u32 v36, v53  }
0x71a: {  	v56 =	vshrl.u32 v35, $0x1A;
	v35 =	vshll.u32 v35, $0x6;
	v36 =	vadd.s32 v36, v37  }
0x71b: {  	v55 =	vshrl.u32 v37, $0x1A;
	v37 =	vshll.u32 v37, $0x6;
	v35 =	vor.u32 v56, v35  }
0x71c: {  	vm3 =	vgt.u32 v33, $0x800001FF;
	v37 =	vor.u32 v55, v37;
	v35 =	vxor.u32 v32, v35  }
0x71d: {  	v49 =	vshll.u32 v25, $0x8;
	v37 =	vxor.u32 v36, v37;
	v35 =	vadd.s32 $0xADD083F7, v35  }
0x71e: {  	v37 =	vadd.s32 $0xB5D62B04, v37;
	v32 =	vadd.s32 v35, v32;
	v60 =	vshrl.u32 v35, $0xF  }
0x71f: {  	v35 =	vshll.u32 v35, $0x11;
	v57 =	vshrl.u32 v37, $0xF;
	v58 =	vshll.u32 v37, $0x11  }
0x720: {  	v36 =	vadd.s32 v37, v36;
	v35 =	vor.u32 v60, v35;
	v32 =	vadd.s32 $0x3D7B32D, v32  }
0x721: {  	v59 =	vor.u32 v57, v58;
	v36 =	vadd.s32 $0xADD083F4, v36;
	v35 =	vxor.u32 v32, v35  }
0x722: {  	v25 =	vshll.u32 v25, $0x7;
	v37 =	vxor.u32 v36, v59;
	v32 =	vadd.s32 v32, v35  }
0x723: {  	v40 =	vshrl.u32 v35, $0x3;
	v35 =	vshll.u32 v35, $0x1D;
	v36 =	vadd.s32 v36, v37  }
0x724: {  	v61 =	vshrl.u32 v37, $0x3;
	v37 =	vshll.u32 v37, $0x1D;
	v35 =	vor.u32 v40, v35  }
0x725: {  	v50 =	vshll.u32 v24, $0x3;
	v37 =	vor.u32 v61, v37;
	v42 =	vxor.u32 v32, v35  }
0x726: {  	v37 =	vxor.u32 v36, v37;
	v44 =	vshrl.u32 v42, $0x10;
	v46 =	vshll.u32 v42, $0x10  }
0x727: {  	v36 =	vadd.s32 v36, v37;
	v63 =	vshrl.u32 v37, $0x10;
	v37 =	vshll.u32 v37, $0x10  }
0x728: {  	v32 =	vadd.s32 v32, v42;
	v33 =	vor.u32 v44, v46;
	v37 =	vor.u32 v63, v37  }
0x729: {  	v25 =	vand.u32 $0x380, v25;
	v33 =	vxor.u32 v32, v33;
	v37 =	vxor.u32 v36, v37  }
0x72a: {  	v32 =	vadd.s32 v32, v33;
	v52 =	vshrl.u32 v33, $0x8;
	v33 =	vshll.u32 v33, $0x18  }
0x72b: {  	v36 =	vadd.s32 v36, v37;
	v41 =	vshrl.u32 v37, $0x8;
	v37 =	vshll.u32 v37, $0x18  }
0x72c: {  	v24 =	vand.u32 $0x7F, v24;
	v33 =	vor.u32 v52, v33;
	v37 =	vor.u32 v41, v37  }
0x72d: {  	v52 =	vshll.u32 v30, $0x3;
	v30 =	vand.u32 $0x7F, v30;
	v43 =	vxor.u32 v36, v37  }
0x72e: {  	v33 =	vxor.u32 v32, v33;
	v37 =	vand.u32 $0xFFFFF800, v49;
	v35 =	vadd.s32 $0x3D7B32F, v43  }
0x72f: {  	v36 =	vadd.s32 v35, v36;
	v45 =	vshrl.u32 v35, $0x13;
	v35 =	vshll.u32 v35, $0xD  }
0x730: {  	v33 =	vadd.s32 $0xB5D62B07, v33;
	v35 =	vor.u32 v45, v35;
	v36 =	vadd.s32 $0xB5D62B03, v36  }
0x731: {  	v32 =	vadd.s32 v33, v32;
	v54 =	vshrl.u32 v33, $0x13;
	v47 =	vxor.u32 v36, v35  }
0x732: {  	v33 =	vshll.u32 v33, $0xD;
	v48 =	vshrl.u32 v47, $0x11;
	v34 =	vshll.u32 v47, $0xF  }
0x733: {  	v43 =	vshll.u32 v27, $0x8;
	v35 =	vadd.s32 v36, v47;
	v34 =	vor.u32 v48, v34  }
0x734: {  	v27 =	vshll.u32 v27, $0x7;
	v32 =	vadd.s32 $0xADD083F4, v32;
	v34 =	vxor.u32 v35, v34  }
0x735: {  	v35 =	vadd.s32 v35, v34;
	v51 =	vshrl.u32 v34, $0x6;
	v34 =	vshll.u32 v34, $0x1A  }
0x736: {  	v33 =	vor.u32 v54, v33;
	v27 =	vand.u32 $0x380, v27;
	v34 =	vor.u32 v51, v34  }
0x737: {  	v54 =	vand.u32 $0xFFFFFC00, v52;
	v33 =	vxor.u32 v32, v33;
	v34 =	vxor.u32 v35, v34  }
0x738: {  	v35 =	vadd.s32 v35, v34;
	v53 =	vshrl.u32 v34, $0x1A;
	v34 =	vshll.u32 v34, $0x6  }
0x739: {  	v45 =	vshll.u32 v26, $0x3;
	v26 =	vand.u32 $0x7F, v26;
	v34 =	vor.u32 v53, v34  }
0x73a: {  	v32 =	vadd.s32 v32, v33;
	v59 =	vshrl.u32 v33, $0x11;
	v34 =	vxor.u32 v35, v34  }
0x73b: {  	v33 =	vshll.u32 v33, $0xF;
	v36 =	vand.u32 $0xFFFFFC00, v50;
	v34 =	vadd.s32 $0xADD083F7, v34  }
0x73c: {  	v35 =	vadd.s32 v34, v35;
	v55 =	vshrl.u32 v34, $0xF;
	v34 =	vshll.u32 v34, $0x11  }
0x73d: {  	v33 =	vor.u32 v59, v33;
	v35 =	vadd.s32 $0x3D7B32D, v35;
	v34 =	vor.u32 v55, v34  }
0x73e: {  	v36 =	vadd.s32 v37, v36;
	v63 =	vxor.u32 v32, v33;
	v34 =	vxor.u32 v35, v34  }
0x73f: {  	v25 =	vor.u32 v25, v36;
	v56 =	vshrl.u32 v34, $0x3;
	v57 =	vshll.u32 v34, $0x1D  }
0x740: {  	v40 =	vshrl.u32 v63, $0x6;
	v34 =	vadd.s32 v35, v34;
	v58 =	vor.u32 v56, v57  }
0x741: {  	v41 =	vshll.u32 v63, $0x1A;
	v24 =	vor.u32 v24, v25;
	v35 =	vxor.u32 v34, v58  }
0x742: {  	v25 =	vadd.s32 v32, v63;
	v60 =	vshrl.u32 v35, $0x10;
	v61 =	vshll.u32 v35, $0x10  }
0x743: {  	v42 =	vor.u32 v40, v41;
	v34 =	vadd.s32 v34, v35;
	v62 =	vor.u32 v60, v61  }
0x744: {  	v36 =	vand.u32 $0xFFFFFC00, v45;
	v32 =	vxor.u32 v25, v42;
	v39 =	vxor.u32 v34, v62  }
0x745: {  	v51 =	vshll.u32 v31, $0x8;
	v35 =	vshrl.u32 v39, $0x8;
	v33 =	vshll.u32 v39, $0x18  }
0x746: {  	v31 =	vshll.u32 v31, $0x7;
	v34 =	vadd.s32 v34, v39;
	v33 =	vor.u32 v35, v33  }
0x747: {  	v25 =	vadd.s32 v25, v32;
	v49 =	vshrl.u32 v32, $0x1A;
	v33 =	vxor.u32 v34, v33  }
0x748: {  	v32 =	vshll.u32 v32, $0x6;
	v31 =	vand.u32 $0x380, v31;
	v33 =	vadd.s32 $0xB5D62B07, v33  }
0x749: {  	v34 =	vadd.s32 v33, v34;
	v44 =	vshrl.u32 v33, $0x13;
	v33 =	vshll.u32 v33, $0xD  }
0x74a: {  	v53 =	vand.u32 $0xFFFFF800, v51;
	v33 =	vor.u32 v44, v33;
	v34 =	vadd.s32 $0xADD083F4, v34  }
0x74b: {  	v32 =	vor.u32 v49, v32;
	v29 =	vadd.s32 v53, v54;
	v33 =	vxor.u32 v34, v33  }
0x74c: {  	v35 =	vand.u32 $0xFFFFF800, v43;
	v46 =	vshrl.u32 v33, $0x11;
	v47 =	vshll.u32 v33, $0xF  }
0x74d: {  	v35 =	vadd.s32 v35, v36;
	v33 =	vadd.s32 v34, v33;
	v48 =	vor.u32 v46, v47  }
0x74e: {  	v29 =	vor.u32 v31, v29;
	v27 =	vor.u32 v27, v35;
	v50 =	vxor.u32 v33, v48  }
0x74f: {  	v26 =	vor.u32 v26, v27;
	v34 =	vshrl.u32 v50, $0x6;
	v27 =	vshll.u32 v50, $0x1A  }
0x750: {  	v29 =	vor.u32 v30, v29;
	v33 =	vadd.s32 v33, v50;
	v27 =	vor.u32 v34, v27  }
0x751: {  	v55 =	vsel vm1, $0x3F800000, v22;
	v56 =	vmov s30;
	v27 =	vxor.u32 v33, v27  }
0x752: {  	v33 =	vadd.s32 v33, v27;
	v57 =	vshrl.u32 v27, $0x1A;
	v27 =	vshll.u32 v27, $0x6  }
0x753: {  	s1 =	sadd.s32 $0x4, s1;
	vm13 =	vlt.s32 v56, v23;
	v58 =	vxor.u32 v25, v32;
	v27 =	vor.u32 v57, v27  }
0x754: {  	p0 =	slt.s32 s1, s0;
	v25 =	vadd.s32 $0xB5D62B03, v25;
	v30 =	vadd.s32 $0x3D7B332, v58;
	v27 =	vxor.u32 v33, v27  }
.Ltmp25:
0x755: {  	v25 =	vxor.u32 v25, v30;
	v59 =	vadd.s32 $0xB5D62B03, v33;
	v27 =	vadd.s32 $0x3D7B332, v27;
	(pc) =	sbr.rel @p0 .LBB2_36-.Ltmp25, $4  }
0x756: {  	[tilespmem:v28+s23+$0x0] =	vst.idx.msk vm0, v55;
	v60 =	vsel vm3, $0x3F800000, v22;
	vm14 =	vgt.u32 v25, $0x800001FF;
	v61 =	vxor.u32 v59, v27  }
0x757: {  	[tilespmem:v24+s23+$0x0] =	vst.idx.msk vm2, v60;
	v62 =	vsel vm14, $0x3F800000, v22;
	vm15 =	vgt.u32 v61, $0x800001FF  }
0x758: {  	[tilespmem:v26+s23+$0x0] =	vst.idx.msk vm4, v62;
	v63 =	vsel vm15, $0x3F800000, v22  }
0x759: {  	[tilespmem:v29+s23+$0x0] =	vst.idx.msk vm13, v63  }
.LBB2_37:
.Ltmp26:
0x75a: {  	(pc) =	sbr.rel @p3 .LBB2_39-.Ltmp26, $1  }
0x75b: {  	_ =	sdelay $0x3  }
.LBB2_38:
0x75c: {  	s0 =	sadd.s32 s4, s31  }
0x75d: {  	v24 =	vadd.s32 s0, v7;
	_ =	sdelay $0x4  }
0x75e: {  	v25 =	vld.idx.msk [tilespmem:v24+s20+$0x0], $0xffff  }
0x75f: {  	v24 =	vld.idx.msk [tilespmem:v24+s21+$0x0], $0xffff;
	_ =	sdelay $0x3  }
0x760: {  	v26 =	vmul.u32 $0xE0, v25  }
0x761: {  	v27 =	vadd.s32 v6, v24  }
0x762: {  	v26 =	vadd.s32 v26, v27  }
0x763: {  	v27 =	vadd.s32 $0xADD083F4, v26  }
0x764: {  	v28 =	vshrl.u32 v27, $0x13;
	v27 =	vshll.u32 v27, $0xD  }
0x765: {  	v26 =	vadd.s32 $0xB1A83721, v26;
	v27 =	vor.u32 v28, v27  }
0x766: {  	v27 =	vxor.u32 v26, v27  }
0x767: {  	v48 =	vshrl.u32 v27, $0x11;
	v29 =	vshll.u32 v27, $0xF  }
0x768: {  	v26 =	vadd.s32 v26, v27;
	v49 =	vor.u32 v48, v29  }
0x769: {  	v27 =	vxor.u32 v26, v49  }
0x76a: {  	v50 =	vshrl.u32 v27, $0x6;
	v51 =	vshll.u32 v27, $0x1A  }
0x76b: {  	v26 =	vadd.s32 v26, v27;
	v52 =	vor.u32 v50, v51  }
0x76c: {  	v27 =	vxor.u32 v26, v52  }
0x76d: {  	v53 =	vshrl.u32 v27, $0x1A;
	v54 =	vshll.u32 v27, $0x6  }
0x76e: {  	v26 =	vadd.s32 v26, v27;
	v55 =	vor.u32 v53, v54  }
0x76f: {  	v27 =	vxor.u32 v26, v55  }
0x770: {  	v27 =	vadd.s32 $0xB5D62B04, v27  }
0x771: {  	v26 =	vadd.s32 v27, v26;
	v56 =	vshrl.u32 v27, $0xF;
	v27 =	vshll.u32 v27, $0x11  }
0x772: {  	v26 =	vadd.s32 $0xADD083F4, v26;
	v27 =	vor.u32 v56, v27  }
0x773: {  	v27 =	vxor.u32 v26, v27  }
0x774: {  	v57 =	vshrl.u32 v27, $0x3;
	v58 =	vshll.u32 v27, $0x1D  }
0x775: {  	v26 =	vadd.s32 v26, v27;
	v59 =	vor.u32 v57, v58  }
0x776: {  	v27 =	vxor.u32 v26, v59  }
0x777: {  	v60 =	vshrl.u32 v27, $0x10;
	v61 =	vshll.u32 v27, $0x10  }
0x778: {  	v26 =	vadd.s32 v26, v27;
	v62 =	vor.u32 v60, v61  }
0x779: {  	v27 =	vxor.u32 v26, v62  }
0x77a: {  	v63 =	vshrl.u32 v27, $0x8;
	v32 =	vshll.u32 v27, $0x18  }
0x77b: {  	v26 =	vadd.s32 v26, v27;
	v33 =	vor.u32 v63, v32  }
0x77c: {  	v27 =	vxor.u32 v26, v33  }
0x77d: {  	v27 =	vadd.s32 $0x3D7B32F, v27  }
0x77e: {  	v26 =	vadd.s32 v27, v26;
	v34 =	vshrl.u32 v27, $0x13;
	v27 =	vshll.u32 v27, $0xD  }
0x77f: {  	v26 =	vadd.s32 $0xB5D62B03, v26;
	v27 =	vor.u32 v34, v27  }
0x780: {  	v27 =	vxor.u32 v26, v27  }
0x781: {  	v35 =	vshrl.u32 v27, $0x11;
	v36 =	vshll.u32 v27, $0xF  }
0x782: {  	v26 =	vadd.s32 v26, v27;
	v37 =	vor.u32 v35, v36  }
0x783: {  	v27 =	vxor.u32 v26, v37  }
0x784: {  	v38 =	vshrl.u32 v27, $0x6;
	v39 =	vshll.u32 v27, $0x1A  }
0x785: {  	v26 =	vadd.s32 v26, v27;
	v40 =	vor.u32 v38, v39  }
0x786: {  	v27 =	vxor.u32 v26, v40  }
0x787: {  	v41 =	vshrl.u32 v27, $0x1A;
	v42 =	vshll.u32 v27, $0x6  }
0x788: {  	v26 =	vadd.s32 v26, v27;
	v43 =	vor.u32 v41, v42  }
0x789: {  	v27 =	vxor.u32 v26, v43  }
0x78a: {  	v27 =	vadd.s32 $0xADD083F7, v27  }
0x78b: {  	v26 =	vadd.s32 v27, v26;
	v44 =	vshrl.u32 v27, $0xF;
	v27 =	vshll.u32 v27, $0x11  }
0x78c: {  	v26 =	vadd.s32 $0x3D7B32D, v26;
	v27 =	vor.u32 v44, v27  }
0x78d: {  	v27 =	vxor.u32 v26, v27  }
0x78e: {  	v45 =	vshrl.u32 v27, $0x3;
	v46 =	vshll.u32 v27, $0x1D  }
0x78f: {  	v26 =	vadd.s32 v26, v27;
	v47 =	vor.u32 v45, v46  }
0x790: {  	v27 =	vxor.u32 v26, v47  }
0x791: {  	v48 =	vshrl.u32 v27, $0x10;
	v49 =	vshll.u32 v27, $0x10  }
0x792: {  	v26 =	vadd.s32 v26, v27;
	v50 =	vor.u32 v48, v49  }
0x793: {  	v27 =	vxor.u32 v26, v50  }
0x794: {  	v51 =	vshrl.u32 v27, $0x8;
	v52 =	vshll.u32 v27, $0x18  }
0x795: {  	v26 =	vadd.s32 v26, v27;
	v53 =	vor.u32 v51, v52  }
0x796: {  	v27 =	vxor.u32 v26, v53  }
0x797: {  	v27 =	vadd.s32 $0xB5D62B07, v27  }
0x798: {  	v26 =	vadd.s32 v27, v26;
	v54 =	vshrl.u32 v27, $0x13;
	v27 =	vshll.u32 v27, $0xD  }
0x799: {  	v26 =	vadd.s32 $0xADD083F4, v26;
	v27 =	vor.u32 v54, v27  }
0x79a: {  	v57 =	vmov s0;
	v27 =	vxor.u32 v26, v27  }
0x79b: {  	vm0 =	vlt.s32 v57, v23;
	v55 =	vshrl.u32 v27, $0x11;
	v56 =	vshll.u32 v27, $0xF  }
0x79c: {  	v59 =	vshll.u32 v25, $0x8;
	v26 =	vadd.s32 v26, v27;
	v28 =	vor.u32 v55, v56  }
0x79d: {  	v25 =	vshll.u32 v25, $0x7;
	v60 =	vshll.u32 v24, $0x3;
	v58 =	vxor.u32 v26, v28  }
0x79e: {  	v29 =	vand.u32 $0xFFFFFC00, v60;
	v28 =	vshrl.u32 v58, $0x6;
	v27 =	vshll.u32 v58, $0x1A  }
0x79f: {  	v26 =	vadd.s32 v26, v58;
	v27 =	vor.u32 v28, v27;
	v28 =	vand.u32 $0xFFFFF800, v59  }
0x7a0: {  	v25 =	vand.u32 $0x380, v25;
	v27 =	vxor.u32 v26, v27;
	v28 =	vadd.s32 v28, v29  }
0x7a1: {  	v26 =	vadd.s32 v26, v27;
	v61 =	vshrl.u32 v27, $0x1A;
	v27 =	vshll.u32 v27, $0x6  }
0x7a2: {  	s4 =	sadd.s32 $0x1, s4;
	v24 =	vand.u32 $0x7F, v24;
	v25 =	vor.u32 v25, v28;
	v27 =	vor.u32 v61, v27  }
0x7a3: {  	p0 =	seq.s32 s4, $0x0;
	v24 =	vor.u32 v24, v25;
	v27 =	vxor.u32 v26, v27  }
.Ltmp27:
0x7a4: {  	v62 =	vadd.s32 $0xB5D62B03, v26;
	v63 =	vadd.s32 $0x3D7B332, v27;
	(pc) =	sbr.rel @!p0 .LBB2_38-.Ltmp27, $4  }
0x7a5: {  	v25 =	vxor.u32 v62, v63  }
0x7a6: {  	vm1 =	vgt.u32 v25, $0x800001FF  }
0x7a7: {  	v25 =	vsel vm1, $0x3F800000, v22  }
0x7a8: {  	[tilespmem:v24+s23+$0x0] =	vst.idx.msk vm0, v25  }
.Ltmp28:
0x7a9: {  	_ = 	snop;
	(pc) =	sbr.rel .LBB2_39-.Ltmp28, $1  }
0x7aa: {  	_ =	sdelay $0x3  }
.LBB2_40:
0x7ab: {  	_ =	sfence.sel $0x180000  }
0x7ac: {  	[bflag:$0x0] =	sbarrier.arrive $0xFFFF  }
0x7ad: {  	_ =	strace $0x90000047  }
0x7ae: {  	s0 =	stileid.u32;
	[bflag:$0x2] =	sbarrier.arrive $0xFFFF  }
0x7af: {  	p0 =	sne.s32 s0, $0x0;
	s0 =	rddreg [dreg:$0x3]  }
0x7b0: {  	s0 =	sadd.s32 @!p0 $0x100000, s0  }
0x7b1: {  	[sflag:s0] =	ssyncadd.tile.s32 @!p0 $0x1;
	_ =	shalt  }
.Lfunc_end2:
_tile_overlayer_lowered:
.L_overlay_start_2:
0x7b2: {  	(tag) =	ssettag $0x2  }
0x7b3: {  	s0 =	rddreg [dreg:$0x0];
	s2 =	stileid.u32  }
0x7b4: {  	s1 =	rddreg [dreg:$0x1];
	p0 =	sne.s32 s2, $0x0  }
0x7b5: {  	s3 =	rddreg [dreg:$0x2];
	[bflag:$0x3] =	sbarrier.arrive $0xFFFF;
	s2 =	simm.s32 @!p0 $0x1C06  }
0x7b6: {  	[timem:s3], [sflag:s2] =	dma.local @!p0 [hbm:s0], s1  }
0x7b7: {  	s0 =	simm.s32 @!p0 $0x6  }
0x7b8: {  	_ =	swait.ge @!p0 [sflag:s0], s1  }
0x7b9: {  	s1 =	ssub.s32 @!p0 $0x0, s1;
	[sflag:s0] =	ssyncset.done @!p0 $0x0  }
0x7ba: {  	[sflag:s0] =	ssyncadd.s32 @!p0 s1  }
0x7bb: {  	[bflag:$0x3] =	sbarrier.arrive $0xFFFF  }
0x7bc: {  	_ =	shalt  }

</sc_bundles>
